<compile_context>
chip_gen: v7x
topology: tpu7x:2x2x1
jax: 0.10.2.dev20260603
libtpu: 0.0.44.dev20260713+nightly
codegen_flags: <defaults>
</compile_context>

<pallas_src>
import functools

import jax
import jax.numpy as jnp
from jax import lax
from jax.experimental import pallas as pl
from jax.experimental.pallas import tpu as pltpu
from jax.experimental.pallas import tpu_sc as plsc

M = 8
A = 1024
K = 64
CUT2 = 49.0
NBUCKET = 32
BUCKET_SCALE = NBUCKET / 160.0

NW = 32
ROWS_PER_W = (M * A) // NW
BLK = 8
NBLK = ROWS_PER_W // BLK


def _d2_tc(pos, posT, sqc, sqr):
    def body(p_ref, pt_ref, sc_ref, sr_ref, o_ref):
        dot = jnp.dot(p_ref[0], pt_ref[0], preferred_element_type=jnp.float32)
        d2 = (sc_ref[0] + sr_ref[0]) - 2.0 * dot
        d2 = jnp.maximum(d2, 0.0)
        r = lax.broadcasted_iota(jnp.int32, (A, A), 0)
        c = lax.broadcasted_iota(jnp.int32, (A, A), 1)
        o_ref[...] = d2 + jnp.where(r == c, 1e10, 0.0).astype(jnp.float32)

    return pl.pallas_call(
        body,
        grid=(M,),
        in_specs=[
            pl.BlockSpec((1, A, 3), lambda m: (m, 0, 0)),
            pl.BlockSpec((1, 3, A), lambda m: (m, 0, 0)),
            pl.BlockSpec((1, A, 1), lambda m: (m, 0, 0)),
            pl.BlockSpec((1, 1, A), lambda m: (m, 0, 0)),
        ],
        out_specs=pl.BlockSpec((A, A), lambda m: (m, 0)),
        out_shape=jax.ShapeDtypeStruct((M * A, A), jnp.float32),
    )(pos, posT, sqc, sqr)


def _splat_i32(x):
    return jnp.full((16,), 1, jnp.int32) * x


def _scalar(v16):
    return v16[0]


def _sc_select(d2f, px, py, pz):
    mesh = plsc.VectorSubcoreMesh(core_axis_name="c", subcore_axis_name="s",
                                  num_cores=2, num_subcores=16)

    @functools.partial(
        pl.kernel,
        out_type=[
            jax.ShapeDtypeStruct((M * A * K,), jnp.int32),
            jax.ShapeDtypeStruct((M * A * K,), jnp.float32),
            jax.ShapeDtypeStruct((M * A * K * 3,), jnp.float32),
            jax.ShapeDtypeStruct((M * A * K,), jnp.int32),
        ],
        mesh=mesh,
        scratch_types=[
            pltpu.VMEM((BLK, A), jnp.float32),
            pltpu.VMEM((BLK, A), jnp.float32),
            pltpu.VMEM((A,), jnp.float32),
            pltpu.VMEM((A,), jnp.float32),
            pltpu.VMEM((A,), jnp.float32),
            pltpu.VMEM((A + 32,), jnp.float32),
            pltpu.VMEM((A + 32,), jnp.int32),
            pltpu.VMEM((16 * NBUCKET,), jnp.int32),
            pltpu.VMEM((ROWS_PER_W * K,), jnp.int32),
            pltpu.VMEM((ROWS_PER_W * K,), jnp.float32),
            pltpu.VMEM((ROWS_PER_W * K * 3,), jnp.float32),
            pltpu.VMEM((ROWS_PER_W * K,), jnp.int32),
            pltpu.VMEM((K,), jnp.float32),
            pltpu.VMEM((K,), jnp.int32),
            pltpu.SemaphoreType.DMA,
            pltpu.SemaphoreType.DMA,
        ],
        compiler_params=pltpu.CompilerParams(needs_layout_passes=False,
                                             use_tc_tiling_on_sc=True),
    )
    def k(d2_hbm, px_hbm, py_hbm, pz_hbm,
          idx_hbm, dist_hbm, rij_hbm, msk_hbm,
          inbuf0, inbuf1, xbuf, ybuf, zbuf, keyb, idxb, cnt,
          idx_s, dist_s, rij_s, msk_s, fkb, fib, sem0, sem1):
        wid = lax.axis_index("s") * 2 + lax.axis_index("c")
        m = wid // 4
        r0 = wid * ROWS_PER_W
        moff = m * A

        iota = lax.iota(jnp.int32, 16)
        iota3 = iota * 3
        ones = jnp.full((16,), 1, jnp.int32)
        zeros16 = jnp.full((16,), 0, jnp.int32)
        inff = jnp.full((16,), 3.0e38, jnp.float32)

        pltpu.sync_copy(px_hbm.at[pl.ds(moff, A)], xbuf)
        pltpu.sync_copy(py_hbm.at[pl.ds(moff, A)], ybuf)
        pltpu.sync_copy(pz_hbm.at[pl.ds(moff, A)], zbuf)

        def row_body(rb, carry):
            blk_r0, inbuf = carry
            r = blk_r0 + rb
            a_loc = r - moff
            srow = r - r0

            def zero_body(i, _):
                cnt[pl.ds(i * 16, 16)] = zeros16
                return 0
            lax.fori_loop(0, 16 * NBUCKET // 16, zero_body, 0)

            laneoff = iota * NBUCKET
            def hist_body(c, _):
                v = inbuf[rb, pl.ds(c * 16, 16)]
                b = jnp.minimum(v * BUCKET_SCALE,
                                float(NBUCKET - 1)).astype(jnp.int32)
                addr = b + laneoff
                old = plsc.load_gather(cnt, [addr])
                plsc.store_scatter(cnt, [addr], old + ones)
                return 0
            lax.fori_loop(0, A // 16, hist_body, 0)

            def scan_body(i, carry2):
                tot, bfound = carry2
                def fold(l, s):
                    return s + cnt[pl.ds(l * NBUCKET + i * 16, 16)]
                ch = lax.fori_loop(0, 16, fold, zeros16)
                cum = plsc.cumsum(ch) + _splat_i32(tot)
                cross = cum >= K
                anyc = cum[15] >= K
                ffs = _scalar(plsc.all_reduce_ffs(cross))
                cand = i * 16 + ffs
                bnew = jnp.where(anyc & (bfound >= NBUCKET),
                                 cand, bfound)
                return cum[15], bnew
            _, bsel = lax.fori_loop(0, NBUCKET // 16, scan_body,
                                    (jnp.int32(0), jnp.int32(NBUCKET)))
            bsel_v = _splat_i32(bsel)

            def comp_body(c, off):
                v = inbuf[rb, pl.ds(c * 16, 16)]
                b = jnp.minimum(v * BUCKET_SCALE,
                                float(NBUCKET - 1)).astype(jnp.int32)
                mk = b <= bsel_v
                plsc.store_compressed(keyb.at[pl.ds(off, 16)], v, mask=mk)
                iv = iota + _splat_i32(c * 16)
                plsc.store_compressed(idxb.at[pl.ds(off, 16)], iv, mask=mk)
                pc = _scalar(plsc.all_reduce_population_count(mk))
                return off + pc
            csz = lax.fori_loop(0, A // 16, comp_body, jnp.int32(0))

            c0 = csz // 16
            rem = csz - c0 * 16
            remv = _splat_i32(rem)
            tk = keyb[pl.ds(c0 * 16, 16)]
            keyb[pl.ds(c0 * 16, 16)] = jnp.where(iota >= remv, inff, tk)
            ti = idxb[pl.ds(c0 * 16, 16)]
            idxb[pl.ds(c0 * 16, 16)] = jnp.where(iota >= remv, zeros16, ti)
            nch = (csz + 15) // 16

            def merge_at(base):
              def merge_body(c, acc):
                ak0, ai0, ak1, ai1, ak2, ai2, ak3, ai3 = acc
                ck, ci = plsc.sort_key_val(keyb[pl.ds(base + c * 16, 16)],
                                           idxb[pl.ds(base + c * 16, 16)])
                outs = []
                for (akj, aij) in ((ak0, ai0), (ak1, ai1),
                                   (ak2, ai2), (ak3, ai3)):
                    rk = lax.rev(ck, (0,))
                    ri = lax.rev(ci, (0,))
                    a_le = (akj < rk) | ((akj == rk) & (aij <= ri))
                    lo_k = jnp.where(a_le, akj, rk)
                    lo_i = jnp.where(a_le, aij, ri)
                    hi_k = jnp.where(a_le, rk, akj)
                    hi_i = jnp.where(a_le, ri, aij)
                    nk, ni = plsc.sort_key_val(lo_k, lo_i)
                    ck, ci = plsc.sort_key_val(hi_k, hi_i)
                    outs.append((nk, ni))
                return (outs[0][0], outs[0][1], outs[1][0], outs[1][1],
                        outs[2][0], outs[2][1], outs[3][0], outs[3][1])
              return merge_body
            init = (inff, zeros16, inff, zeros16,
                    inff, zeros16, inff, zeros16)
            acc = lax.fori_loop(0, nch, merge_at(0), init)

            aks = (acc[0], acc[2], acc[4], acc[6])
            ais = (acc[1], acc[3], acc[5], acc[7])
            for t in range(4):
                fkb[pl.ds(t * 16, 16)] = aks[t]
                fib[pl.ds(t * 16, 16)] = ais[t]
            carry = jnp.int32(-1)
            key2 = []
            nties = jnp.int32(0)
            for t in range(4):
                pidx = jnp.maximum(iota + (16 * t - 1), 0)
                prev = plsc.load_gather(fkb, [pidx])
                newrun = aks[t] != prev
                if t == 0:
                    newrun = newrun | (iota < 1)
                nties = nties + _scalar(
                    plsc.all_reduce_population_count(~newrun))
                gp = iota + _splat_i32(16 * t)
                s = jnp.where(newrun, gp, -1)
                r0v = jnp.maximum(plsc.cummax(s), _splat_i32(carry))
                carry = r0v[15]
                key2.append(r0v * 2048 + ais[t])

            def fixup(ops):
                key2a, key2b, key2c, key2d = ops
                big = _splat_i32(1 << 30)
                b0, b1, b2, b3 = big, big, big, big
                p0 = p1 = p2 = p3 = zeros16
                for t, k2 in enumerate((key2a, key2b, key2c, key2d)):
                    gp = iota + _splat_i32(16 * t)
                    ck2, cp2 = plsc.sort_key_val(k2, gp)
                    for j in range(4):
                        bj = (b0, b1, b2, b3)[j]
                        pj = (p0, p1, p2, p3)[j]
                        rk2 = lax.rev(ck2, (0,))
                        rp2 = lax.rev(cp2, (0,))
                        a_le = bj <= rk2
                        lo_k = jnp.where(a_le, bj, rk2)
                        lo_p = jnp.where(a_le, pj, rp2)
                        hi_k = jnp.where(a_le, rk2, bj)
                        hi_p = jnp.where(a_le, rp2, pj)
                        nk2, np2 = plsc.sort_key_val(lo_k, lo_p)
                        ck2, cp2 = plsc.sort_key_val(hi_k, hi_p)
                        if j == 0:
                            b0, p0 = nk2, np2
                        elif j == 1:
                            b1, p1 = nk2, np2
                        elif j == 2:
                            b2, p2 = nk2, np2
                        else:
                            b3, p3 = nk2, np2
                    del ck2, cp2
                fin = []
                for pj in (p0, p1, p2, p3):
                    kf = plsc.load_gather(fkb, [pj])
                    vf = plsc.load_gather(fib, [pj])
                    fin.extend((kf, vf))
                return tuple(fin)

            acc = lax.cond(nties > 0, fixup, lambda ops: acc, tuple(key2))

            av = _splat_i32(a_loc)
            xa = plsc.load_gather(xbuf, [av])
            ya = plsc.load_gather(ybuf, [av])
            za = plsc.load_gather(zbuf, [av])
            obase = srow * K
            rbase = srow * K * 3
            for t in range(4):
                kt = acc[2 * t]
                it = acc[2 * t + 1]
                idx_s[pl.ds(obase + t * 16, 16)] = it + _splat_i32(moff)
                mk = kt < CUT2
                msk_s[pl.ds(obase + t * 16, 16)] = mk.astype(jnp.int32)
                kc = jnp.maximum(kt, 1e-30)
                u = plsc.bitcast(kc, jnp.int32)
                y = plsc.bitcast(_splat_i32(0x5F3759DF) -
                                 lax.shift_right_logical(u, 1), jnp.float32)
                half = kc * (-0.5)
                for _ in range(3):
                    y = y * (half * y * y + 1.5)
                d = kt * y
                dist_s[pl.ds(obase + t * 16, 16)] = jnp.where(mk, d, 0.0)
                mf = jnp.where(mk, 1.0, 0.0)
                sb = _splat_i32(rbase + t * 48) + iota3
                xg = plsc.load_gather(xbuf, [it])
                plsc.store_scatter(rij_s, [sb], (xg - xa) * mf)
                yg = plsc.load_gather(ybuf, [it])
                plsc.store_scatter(rij_s, [sb + ones], (yg - ya) * mf)
                zg = plsc.load_gather(zbuf, [it])
                plsc.store_scatter(rij_s, [sb + ones + ones], (zg - za) * mf)
            return carry

        maxr0 = M * A - BLK
        cp0 = pltpu.make_async_copy(d2_hbm.at[pl.ds(r0, BLK)], inbuf0, sem0)
        cp0.start()

        def blk2_body(h, _):
            b0r = r0 + (2 * h) * BLK
            b1r = r0 + (2 * h + 1) * BLK
            b2r = jnp.minimum(r0 + (2 * h + 2) * BLK, maxr0)
            pltpu.make_async_copy(
                d2_hbm.at[pl.ds(b0r, BLK)], inbuf0, sem0).wait()
            pltpu.make_async_copy(
                d2_hbm.at[pl.ds(b1r, BLK)], inbuf1, sem1).start()
            def rb0(rb, c):
                row_body(rb, (c[0], inbuf0))
                return c
            lax.fori_loop(0, BLK, rb0, (b0r,))
            pltpu.make_async_copy(
                d2_hbm.at[pl.ds(b1r, BLK)], inbuf1, sem1).wait()
            pltpu.make_async_copy(
                d2_hbm.at[pl.ds(b2r, BLK)], inbuf0, sem0).start()
            def rb1(rb, c):
                row_body(rb, (c[0], inbuf1))
                return c
            lax.fori_loop(0, BLK, rb1, (b1r,))
            return 0
        lax.fori_loop(0, NBLK // 2, blk2_body, 0)
        pltpu.make_async_copy(d2_hbm.at[pl.ds(maxr0, BLK)], inbuf0, sem0).wait()

        pltpu.sync_copy(idx_s, idx_hbm.at[pl.ds(r0 * K, ROWS_PER_W * K)])
        pltpu.sync_copy(dist_s, dist_hbm.at[pl.ds(r0 * K, ROWS_PER_W * K)])
        pltpu.sync_copy(rij_s, rij_hbm.at[pl.ds(r0 * K * 3, ROWS_PER_W * K * 3)])
        pltpu.sync_copy(msk_s, msk_hbm.at[pl.ds(r0 * K, ROWS_PER_W * K)])

    return k(d2f, px, py, pz)


def kernel(atom_types, positions, n_atoms, cells, pbc, n_molecules):
    pos = positions.reshape(M, A, 3)
    sq = jnp.sum(pos * pos, axis=-1)
    d2 = _d2_tc(pos, jnp.swapaxes(pos, 1, 2), sq[..., None], sq[:, None, :])

    px = pos[:, :, 0].reshape(-1)
    py = pos[:, :, 1].reshape(-1)
    pz = pos[:, :, 2].reshape(-1)
    idx_j, dist, rij, msk = _sc_select(d2, px, py, pz)

    idx_i = jnp.repeat(jnp.arange(M * A, dtype=jnp.int32), K)
    return (idx_i,
            idx_j,
            rij.reshape(M, A, K, 3),
            dist.reshape(M, A, K),
            msk.reshape(M, A, K).astype(bool))

# --- scband reference (transcript-rebuilt; emitter-appended) ---
"""Pipeline reference for scband-ipuneighbor-list-md-23330262352092 (READ-ONLY COPY).

The authoritative reference and input builder live on the scoring server;
editing this copy changes nothing except your own understanding.
"""

import jax, jax.numpy as jnp
import numpy as np

M = 8      # n_molecules (static)
A = 1024   # atoms per molecule (static)
K = 64     # max neighbors kept per atom
CUTOFF = 5.0
SHELL = 2.0
BOX = 20.0


def setup_inputs(seed: int = 0) -> dict:
    key = jax.random.key(seed)
    k1, k2 = jax.random.split(key)
    positions = jax.random.uniform(k1, (M * A, 3), dtype=jnp.float32) * BOX
    atom_types = jax.random.randint(k2, (M * A,), 1, 100, dtype=jnp.int32)
    n_atoms = jnp.full((M,), A, dtype=jnp.int32)
    cells = jnp.tile((jnp.eye(3, dtype=jnp.float32) * BOX)[None], (M, 1, 1))
    pbc = jnp.zeros((M, 3), dtype=bool)
    return {
        'atom_types': atom_types,
        'positions': positions,
        'n_atoms': n_atoms,
        'cells': cells,
        'pbc': pbc,
        'n_molecules': M,
    }


def _neighbors(pos):
    # pos: [M, A, 3]; brute-force torch-style neighbor list per molecule
    sq = jnp.sum(pos * pos, axis=-1)                      # [M, A]
    d2 = sq[:, :, None] + sq[:, None, :] - 2.0 * jnp.einsum('mad,mbd->mab', pos, pos)
    d2 = jnp.maximum(d2, 0.0)
    # exclude self-pairs
    d2 = d2 + jnp.eye(A, dtype=pos.dtype)[None] * 1e10
    negv, idx = jax.lax.top_k(-d2, K)                     # nearest K per atom
    dist = jnp.sqrt(jnp.clip(-negv, 0.0, None))           # [M, A, K]
    cutoff_full = CUTOFF + SHELL                          # NeighborListMD uses cutoff + cutoff_shell
    mask = dist < cutoff_full                             # [M, A, K]
    pos_j = jax.vmap(lambda p, i: p[i])(pos, idx)         # gather neighbor coords [M, A, K, 3]
    Rij = (pos_j - pos[:, :, None, :]) * mask[..., None].astype(pos.dtype)
    return idx, mask, Rij, dist * mask.astype(pos.dtype)


def reference(atom_types, positions, n_atoms, cells, pbc, n_molecules):
    pos = positions.reshape(M, A, 3)
    idx, mask, Rij, dist = _neighbors(pos)
    # collate: offset neighbor indices into the flat (batched) atom numbering
    mol_off = (jnp.arange(M, dtype=idx.dtype) * A)[:, None, None]
    idx_i = jnp.broadcast_to(jnp.arange(A, dtype=idx.dtype)[None, :, None], (M, A, K)) + mol_off
    idx_j = idx + mol_off
    return idx_i.reshape(-1), idx_j.reshape(-1), Rij, dist, mask

if __name__ == "__main__":
    import jax
    _d = setup_inputs()
    print(jax.jit(kernel)(*tuple(_d.values())))

</pallas_src>

<mosaic_0001>
#map = affine_map<(d0, d1) -> (0, 0)>
#map1 = affine_map<(d0, d1) -> (0)>
module attributes {stable_mosaic.version = 14 : i64} {
  func.func @k(%arg0: i32, %arg1: i32, %arg2: memref<8192x1024xf32, #tpu.memory_space<hbm>>, %arg3: memref<8192xf32, #tpu.memory_space<hbm>>, %arg4: memref<8192xf32, #tpu.memory_space<hbm>>, %arg5: memref<8192xf32, #tpu.memory_space<hbm>>, %arg6: memref<524288xi32, #tpu.memory_space<hbm>>, %arg7: memref<524288xf32, #tpu.memory_space<hbm>>, %arg8: memref<1572864xf32, #tpu.memory_space<hbm>>, %arg9: memref<524288xi32, #tpu.memory_space<hbm>>, %arg10: memref<8x1024xf32, #tpu.memory_space<vmem>>, %arg11: memref<8x1024xf32, #tpu.memory_space<vmem>>, %arg12: memref<1024xf32, #tpu.memory_space<vmem>>, %arg13: memref<1024xf32, #tpu.memory_space<vmem>>, %arg14: memref<1024xf32, #tpu.memory_space<vmem>>, %arg15: memref<1056xf32, #tpu.memory_space<vmem>>, %arg16: memref<1056xi32, #tpu.memory_space<vmem>>, %arg17: memref<512xi32, #tpu.memory_space<vmem>>, %arg18: memref<16384xi32, #tpu.memory_space<vmem>>, %arg19: memref<16384xf32, #tpu.memory_space<vmem>>, %arg20: memref<49152xf32, #tpu.memory_space<vmem>>, %arg21: memref<16384xi32, #tpu.memory_space<vmem>>, %arg22: memref<64xf32, #tpu.memory_space<vmem>>, %arg23: memref<64xi32, #tpu.memory_space<vmem>>, %arg24: memref<!tpu.dma_semaphore, #tpu.memory_space<semaphore_mem>>, %arg25: memref<!tpu.dma_semaphore, #tpu.memory_space<semaphore_mem>>) attributes {dimension_semantics = [#tpu.dimension_semantics<core_parallel>, #tpu.dimension_semantics<subcore_parallel>], iteration_bounds = array<i64: 2, 16>, scalar_prefetch = 0 : i64, scratch_operands = 16 : i64, tpu.core_type = #tpu.core_type<sc_vector_subcore>, window_params = [{transform_indices = #map}, {transform_indices = #map1}, {transform_indices = #map1}, {transform_indices = #map1}, {transform_indices = #map1}, {transform_indices = #map1}, {transform_indices = #map1}, {transform_indices = #map1}]} {
    %mul3A = arith.constant 2 : i32
    %mul3A_0 = arith.muli %arg1, %mul3A : i32
    %add3A = arith.addi %mul3A_0, %arg0 : i32
    %jit3A = arith.constant 4 : i32
    %div3A = arith.divsi %add3A, %jit3A : i32
    %sign3A = arith.constant 0 : i32
    %sign3A_1 = arith.cmpi sgt, %add3A, %sign3A : i32
    %sign3A_2 = arith.extui %sign3A_1 : i1 to i32
    %sign3A_3 = arith.constant 0 : i32
    %sign3A_4 = arith.cmpi slt, %add3A, %sign3A_3 : i32
    %sign3A_5 = arith.extui %sign3A_4 : i1 to i32
    %sign3A_6 = arith.subi %sign3A_2, %sign3A_5 : i32
    %sign3A_7 = arith.constant 0 : i32
    %sign3A_8 = arith.cmpi sgt, %jit3A, %sign3A_7 : i32
    %sign3A_9 = arith.extui %sign3A_8 : i1 to i32
    %sign3A_10 = arith.constant 0 : i32
    %sign3A_11 = arith.cmpi slt, %jit3A, %sign3A_10 : i32
    %sign3A_12 = arith.extui %sign3A_11 : i1 to i32
    %sign3A_13 = arith.subi %sign3A_9, %sign3A_12 : i32
    %ne3A = arith.cmpi ne, %sign3A_6, %sign3A_13 : i32
    %rem3A = arith.remsi %add3A, %jit3A : i32
    %ne3A_14 = arith.constant 0 : i32
    %ne3A_15 = arith.cmpi ne, %rem3A, %ne3A_14 : i32
    %and3A = arith.andi %ne3A, %ne3A_15 : i1
    %sub3A = arith.constant 1 : i32
    %sub3A_16 = arith.subi %div3A, %sub3A : i32
    %select_n3A = arith.select %and3A, %sub3A_16, %div3A : i32
    %mul3A_17 = arith.constant 256 : i32
    %mul3A_18 = arith.muli %add3A, %mul3A_17 : i32
    %mul3A_19 = arith.constant 1024 : i32
    %mul3A_20 = arith.muli %select_n3A, %mul3A_19 : i32
    %iota3A = tpu.iota {dimensions = array<i32: 0>} : vector<16xi32>
    %mul3A_21 = arith.constant 3 : i32
    %mul3A_22 = vector.broadcast %mul3A_21 : i32 to vector<16xi32>
    %mul3A_23 = arith.muli %iota3A, %mul3A_22 : vector<16xi32>
    %broadcast_in_dim3A = arith.constant 1 : i32
    %broadcast_in_dim3A_24 = vector.broadcast %broadcast_in_dim3A : i32 to vector<16xi32>
    %broadcast_in_dim3A_25 = arith.constant 0 : i32
    %broadcast_in_dim3A_26 = vector.broadcast %broadcast_in_dim3A_25 : i32 to vector<16xi32>
    %broadcast_in_dim3A_27 = arith.constant 3.000000e+38 : f32
    %broadcast_in_dim3A_28 = vector.broadcast %broadcast_in_dim3A_27 : f32 to vector<16xf32>
    "tpu.region"() ({
      %run_scoped3A = tpu.sem_alloc : memref<!tpu.dma_semaphore, #tpu.memory_space<semaphore_mem>>
      %dma_start3A_53 = tpu.memref_slice %arg3[%mul3A_20] : memref<8192xf32, #tpu.memory_space<hbm>> -> memref<1024xf32, #tpu.memory_space<hbm>>
      %dma_start3A_54 = tpu.memref_slice %arg3[%mul3A_20] : memref<8192xf32, #tpu.memory_space<hbm>> -> memref<1024xf32, #tpu.memory_space<hbm>>
      tpu.enqueue_dma source(%dma_start3A_54 : memref<1024xf32, #tpu.memory_space<hbm>>) target(%arg12 : memref<1024xf32, #tpu.memory_space<vmem>>) target_semaphore(%run_scoped3A : memref<!tpu.dma_semaphore, #tpu.memory_space<semaphore_mem>>)
      %dma_wait3A_55 = tpu.memref_slice %arg3[%mul3A_20] : memref<8192xf32, #tpu.memory_space<hbm>> -> memref<1024xf32, #tpu.memory_space<hbm>>
      %dma_wait3A_56 = tpu.memref_slice %arg3[%mul3A_20] : memref<8192xf32, #tpu.memory_space<hbm>> -> memref<1024xf32, #tpu.memory_space<hbm>>
      tpu.wait_dma2 semaphore(%run_scoped3A : memref<!tpu.dma_semaphore, #tpu.memory_space<semaphore_mem>>) src(%dma_wait3A_56 : memref<1024xf32, #tpu.memory_space<hbm>>) dst(%arg12 : memref<1024xf32, #tpu.memory_space<vmem>>)
      tpu.yield
    }) : () -> ()
    "tpu.region"() ({
      %run_scoped3A = tpu.sem_alloc : memref<!tpu.dma_semaphore, #tpu.memory_space<semaphore_mem>>
      %dma_start3A_53 = tpu.memref_slice %arg4[%mul3A_20] : memref<8192xf32, #tpu.memory_space<hbm>> -> memref<1024xf32, #tpu.memory_space<hbm>>
      %dma_start3A_54 = tpu.memref_slice %arg4[%mul3A_20] : memref<8192xf32, #tpu.memory_space<hbm>> -> memref<1024xf32, #tpu.memory_space<hbm>>
      tpu.enqueue_dma source(%dma_start3A_54 : memref<1024xf32, #tpu.memory_space<hbm>>) target(%arg13 : memref<1024xf32, #tpu.memory_space<vmem>>) target_semaphore(%run_scoped3A : memref<!tpu.dma_semaphore, #tpu.memory_space<semaphore_mem>>)
      %dma_wait3A_55 = tpu.memref_slice %arg4[%mul3A_20] : memref<8192xf32, #tpu.memory_space<hbm>> -> memref<1024xf32, #tpu.memory_space<hbm>>
      %dma_wait3A_56 = tpu.memref_slice %arg4[%mul3A_20] : memref<8192xf32, #tpu.memory_space<hbm>> -> memref<1024xf32, #tpu.memory_space<hbm>>
      tpu.wait_dma2 semaphore(%run_scoped3A : memref<!tpu.dma_semaphore, #tpu.memory_space<semaphore_mem>>) src(%dma_wait3A_56 : memref<1024xf32, #tpu.memory_space<hbm>>) dst(%arg13 : memref<1024xf32, #tpu.memory_space<vmem>>)
      tpu.yield
    }) : () -> ()
    "tpu.region"() ({
      %run_scoped3A = tpu.sem_alloc : memref<!tpu.dma_semaphore, #tpu.memory_space<semaphore_mem>>
      %dma_start3A_53 = tpu.memref_slice %arg5[%mul3A_20] : memref<8192xf32, #tpu.memory_space<hbm>> -> memref<1024xf32, #tpu.memory_space<hbm>>
      %dma_start3A_54 = tpu.memref_slice %arg5[%mul3A_20] : memref<8192xf32, #tpu.memory_space<hbm>> -> memref<1024xf32, #tpu.memory_space<hbm>>
      tpu.enqueue_dma source(%dma_start3A_54 : memref<1024xf32, #tpu.memory_space<hbm>>) target(%arg14 : memref<1024xf32, #tpu.memory_space<vmem>>) target_semaphore(%run_scoped3A : memref<!tpu.dma_semaphore, #tpu.memory_space<semaphore_mem>>)
      %dma_wait3A_55 = tpu.memref_slice %arg5[%mul3A_20] : memref<8192xf32, #tpu.memory_space<hbm>> -> memref<1024xf32, #tpu.memory_space<hbm>>
      %dma_wait3A_56 = tpu.memref_slice %arg5[%mul3A_20] : memref<8192xf32, #tpu.memory_space<hbm>> -> memref<1024xf32, #tpu.memory_space<hbm>>
      tpu.wait_dma2 semaphore(%run_scoped3A : memref<!tpu.dma_semaphore, #tpu.memory_space<semaphore_mem>>) src(%dma_wait3A_56 : memref<1024xf32, #tpu.memory_space<hbm>>) dst(%arg14 : memref<1024xf32, #tpu.memory_space<vmem>>)
      tpu.yield
    }) : () -> ()
    %dma_start3A = arith.constant 0 : i32
    %dma_start3A_29 = tpu.memref_slice %arg2[%mul3A_18, %dma_start3A] : memref<8192x1024xf32, #tpu.memory_space<hbm>> -> memref<8x1024xf32, #tpu.memory_space<hbm>>
    %dma_start3A_30 = arith.constant 0 : i32
    %dma_start3A_31 = tpu.memref_slice %arg2[%mul3A_18, %dma_start3A_30] : memref<8192x1024xf32, #tpu.memory_space<hbm>> -> memref<8x1024xf32, #tpu.memory_space<hbm>>
    tpu.enqueue_dma source(%dma_start3A_31 : memref<8x1024xf32, #tpu.memory_space<hbm>>) target(%arg10 : memref<8x1024xf32, #tpu.memory_space<vmem>>) target_semaphore(%arg24 : memref<!tpu.dma_semaphore, #tpu.memory_space<semaphore_mem>>)
    %scan3A = arith.constant 0 : i32
    %scan3A_32 = arith.constant 0 : i32
    %scan3A_33 = arith.constant 16 : i32
    %scan3A_34 = arith.addi %scan3A_32, %scan3A_33 : i32
    %scan3A_35 = arith.constant 1 : i32
    %scan3A_36 = scf.for %scan3A_53 = %scan3A_32 to %scan3A_34 step %scan3A_35 iter_args(%scan3A_54 = %scan3A) -> (i32)  : i32 {
      %mul3A_55 = arith.constant 2 : i32
      %mul3A_56 = arith.muli %mul3A_55, %scan3A_53 : i32
      %mul3A_57 = arith.constant 8 : i32
      %mul3A_58 = arith.muli %mul3A_56, %mul3A_57 : i32
      %add3A_59 = arith.addi %mul3A_18, %mul3A_58 : i32
      %mul3A_60 = arith.constant 2 : i32
      %mul3A_61 = arith.muli %mul3A_60, %scan3A_53 : i32
      %add3A_62 = arith.constant 1 : i32
      %add3A_63 = arith.addi %mul3A_61, %add3A_62 : i32
      %mul3A_64 = arith.constant 8 : i32
      %mul3A_65 = arith.muli %add3A_63, %mul3A_64 : i32
      %add3A_66 = arith.addi %mul3A_18, %mul3A_65 : i32
      %mul3A_67 = arith.constant 2 : i32
      %mul3A_68 = arith.muli %mul3A_67, %scan3A_53 : i32
      %add3A_69 = arith.constant 2 : i32
      %add3A_70 = arith.addi %mul3A_68, %add3A_69 : i32
      %mul3A_71 = arith.constant 8 : i32
      %mul3A_72 = arith.muli %add3A_70, %mul3A_71 : i32
      %add3A_73 = arith.addi %mul3A_18, %mul3A_72 : i32
      %min3A = arith.constant 8184 : i32
      %min3A_74 = arith.minsi %add3A_73, %min3A : i32
      %dma_wait3A_75 = arith.constant 0 : i32
      %dma_wait3A_76 = tpu.memref_slice %arg2[%add3A_59, %dma_wait3A_75] : memref<8192x1024xf32, #tpu.memory_space<hbm>> -> memref<8x1024xf32, #tpu.memory_space<hbm>>
      %dma_wait3A_77 = arith.constant 0 : i32
      %dma_wait3A_78 = tpu.memref_slice %arg2[%add3A_59, %dma_wait3A_77] : memref<8192x1024xf32, #tpu.memory_space<hbm>> -> memref<8x1024xf32, #tpu.memory_space<hbm>>
      tpu.wait_dma2 semaphore(%arg24 : memref<!tpu.dma_semaphore, #tpu.memory_space<semaphore_mem>>) src(%dma_wait3A_78 : memref<8x1024xf32, #tpu.memory_space<hbm>>) dst(%arg10 : memref<8x1024xf32, #tpu.memory_space<vmem>>)
      %dma_start3A_79 = arith.constant 0 : i32
      %dma_start3A_80 = tpu.memref_slice %arg2[%add3A_66, %dma_start3A_79] : memref<8192x1024xf32, #tpu.memory_space<hbm>> -> memref<8x1024xf32, #tpu.memory_space<hbm>>
      %dma_start3A_81 = arith.constant 0 : i32
      %dma_start3A_82 = tpu.memref_slice %arg2[%add3A_66, %dma_start3A_81] : memref<8192x1024xf32, #tpu.memory_space<hbm>> -> memref<8x1024xf32, #tpu.memory_space<hbm>>
      tpu.enqueue_dma source(%dma_start3A_82 : memref<8x1024xf32, #tpu.memory_space<hbm>>) target(%arg11 : memref<8x1024xf32, #tpu.memory_space<vmem>>) target_semaphore(%arg25 : memref<!tpu.dma_semaphore, #tpu.memory_space<semaphore_mem>>)
      %scan3A_83 = arith.constant 0 : i32
      %scan3A_84 = arith.constant 8 : i32
      %scan3A_85 = arith.addi %scan3A_83, %scan3A_84 : i32
      %scan3A_86 = arith.constant 1 : i32
      scf.for %scan3A_102 = %scan3A_83 to %scan3A_85 step %scan3A_86  : i32 {
        %add3A_103 = arith.addi %add3A_59, %scan3A_102 : i32
        %sub3A_104 = arith.subi %add3A_103, %mul3A_20 : i32
        %sub3A_105 = arith.subi %add3A_103, %mul3A_18 : i32
        %scan3A_106 = arith.constant 0 : i32
        %scan3A_107 = arith.constant 0 : i32
        %scan3A_108 = arith.constant 32 : i32
        %scan3A_109 = arith.addi %scan3A_107, %scan3A_108 : i32
        %scan3A_110 = arith.constant 1 : i32
        %scan3A_111 = scf.for %scan3A_753 = %scan3A_107 to %scan3A_109 step %scan3A_110 iter_args(%scan3A_754 = %scan3A_106) -> (i32)  : i32 {
          %mul3A_755 = arith.constant 16 : i32
          %mul3A_756 = arith.muli %scan3A_753, %mul3A_755 : i32
          %swap3A_757 = arith.index_cast %mul3A_756 : i32 to index
          %swap3A_758 = tpu.vector_load %arg17[%swap3A_757] {strides = array<i32>} : memref<512xi32, #tpu.memory_space<vmem>>, vector<16xi32>,
          tpu.vector_store %arg17[%swap3A_757], %broadcast_in_dim3A_26 {strides = array<i32>} : memref<512xi32, #tpu.memory_space<vmem>>, vector<16xi32>,
          %scan3A_759 = arith.constant 0 : i32
          scf.yield %scan3A_759 : i32
        }
        %scan3A_112 = arith.constant 32 : i32
        %mul3A_113 = arith.constant 32 : i32
        %mul3A_114 = vector.broadcast %mul3A_113 : i32 to vector<16xi32>
        %mul3A_115 = arith.muli %iota3A, %mul3A_114 : vector<16xi32>
        %scan3A_116 = arith.constant 0 : i32
        %scan3A_117 = arith.constant 0 : i32
        %scan3A_118 = arith.constant 64 : i32
        %scan3A_119 = arith.addi %scan3A_117, %scan3A_118 : i32
        %scan3A_120 = arith.constant 1 : i32
        %scan3A_121 = scf.for %scan3A_753 = %scan3A_117 to %scan3A_119 step %scan3A_120 iter_args(%scan3A_754 = %scan3A_116) -> (i32)  : i32 {
          %mul3A_755 = arith.constant 16 : i32
          %mul3A_756 = arith.muli %scan3A_753, %mul3A_755 : i32
          %get3A_757 = arith.index_cast %scan3A_102 : i32 to index
          %get3A_758 = arith.index_cast %mul3A_756 : i32 to index
          %get3A_759 = tpu.vector_load %arg10[%get3A_757, %get3A_758] {strides = array<i32>} : memref<8x1024xf32, #tpu.memory_space<vmem>>, vector<16xf32>,
          %mul3A_760 = arith.constant 2.000000e-01 : f32
          %mul3A_761 = vector.broadcast %mul3A_760 : f32 to vector<16xf32>
          %mul3A_762 = arith.mulf %get3A_759, %mul3A_761 : vector<16xf32>
          %min3A_763 = arith.constant 3.100000e+01 : f32
          %min3A_764 = vector.broadcast %min3A_763 : f32 to vector<16xf32>
          %min3A_765 = arith.minimumf %mul3A_762, %min3A_764 : vector<16xf32>
          %convert_element_type3A_766 = arith.fptosi %min3A_765 : vector<16xf32> to vector<16xi32>
          %add3A_767 = arith.addi %convert_element_type3A_766, %mul3A_115 : vector<16xi32>
          %gather3A_768 = tpu.vector_load_idx %arg17[%add3A_767] : memref<512xi32, #tpu.memory_space<vmem>>[vector<16xi32>], vector<16xi32>,
          %add3A_769 = arith.addi %gather3A_768, %broadcast_in_dim3A_24 : vector<16xi32>
          tpu.vector_store_idx %arg17[%add3A_767], %add3A_769 : memref<512xi32, #tpu.memory_space<vmem>>[vector<16xi32>], vector<16xi32>,
          %scan3A_770 = arith.constant 0 : i32
          scf.yield %scan3A_770 : i32
        }
        %scan3A_122 = arith.constant 64 : i32
        %scan3A_123 = arith.constant 0 : i32
        %scan3A_124 = arith.constant 32 : i32
        %scan3A_125 = arith.constant 0 : i32
        %scan3A_126 = arith.constant 2 : i32
        %scan3A_127 = arith.addi %scan3A_125, %scan3A_126 : i32
        %scan3A_128 = arith.constant 1 : i32
        %scan3A_129:2 = scf.for %scan3A_753 = %scan3A_125 to %scan3A_127 step %scan3A_128 iter_args(%scan3A_754 = %scan3A_123, %scan3A_755 = %scan3A_124) -> (i32, i32)  : i32 {
          %scan3A_756 = arith.constant 0 : i32
          %scan3A_757 = arith.constant 16 : i32
          %scan3A_758 = arith.addi %scan3A_756, %scan3A_757 : i32
          %scan3A_759 = arith.constant 1 : i32
          %scan3A_760 = scf.for %scan3A_787 = %scan3A_756 to %scan3A_758 step %scan3A_759 iter_args(%scan3A_788 = %broadcast_in_dim3A_26) -> (vector<16xi32>)  : i32 {
            %mul3A_789 = arith.constant 32 : i32
            %mul3A_790 = arith.muli %scan3A_787, %mul3A_789 : i32
            %mul3A_791 = arith.constant 16 : i32
            %mul3A_792 = arith.muli %scan3A_753, %mul3A_791 : i32
            %add3A_793 = arith.addi %mul3A_790, %mul3A_792 : i32
            %get3A_794 = arith.index_cast %add3A_793 : i32 to index
            %get3A_795 = tpu.vector_load %arg17[%get3A_794] {strides = array<i32>} : memref<512xi32, #tpu.memory_space<vmem>>, vector<16xi32>,
            %add3A_796 = arith.addi %scan3A_788, %get3A_795 : vector<16xi32>
            scf.yield %add3A_796 : vector<16xi32>
          }
          %scan3A_761 = arith.constant 16 : i32
          %broadcast_in_dim3A_762 = arith.constant true
          %broadcast_in_dim3A_763 = vector.broadcast %broadcast_in_dim3A_762 : i1 to vector<16xi1>
          %masked_cumsum3A = tpu.scan <sum>, %scan3A_760 masked %broadcast_in_dim3A_763 : vector<16xi32>, vector<16xi1> -> vector<16xi32>
          %broadcast_in_dim3A_764 = arith.constant 1 : i32
          %broadcast_in_dim3A_765 = vector.broadcast %broadcast_in_dim3A_764 : i32 to vector<16xi32>
          %mul3A_766 = vector.broadcast %scan3A_754 : i32 to vector<16xi32>
          %mul3A_767 = arith.muli %broadcast_in_dim3A_765, %mul3A_766 : vector<16xi32>
          %add3A_768 = arith.addi %masked_cumsum3A, %mul3A_767 : vector<16xi32>
          %ge3A_769 = arith.constant 64 : i32
          %ge3A_770 = vector.broadcast %ge3A_769 : i32 to vector<16xi32>
          %ge3A_771 = arith.cmpi sge, %add3A_768, %ge3A_770 : vector<16xi32>
          %slice3A_772 = vector.extract_strided_slice %add3A_768 {offsets = [15], sizes = [1], strides = [1]} : vector<16xi32> to vector<1xi32>
          %squeeze3A_773 = vector.extract %slice3A_772[0] : i32 from vector<1xi32>
          %ge3A_774 = arith.constant 64 : i32
          %ge3A_775 = arith.cmpi sge, %squeeze3A_773, %ge3A_774 : i32
          %all_reduce_ffs3A = tpu.all_reduce %ge3A_771 {dim = 0 : i64, kind = #tpu.reduction_kind<find_first_set>} : vector<16xi1> -> vector<16xi32>
          %slice3A_776 = vector.extract_strided_slice %all_reduce_ffs3A {offsets = [0], sizes = [1], strides = [1]} : vector<16xi32> to vector<1xi32>
          %squeeze3A_777 = vector.extract %slice3A_776[0] : i32 from vector<1xi32>
          %mul3A_778 = arith.constant 16 : i32
          %mul3A_779 = arith.muli %scan3A_753, %mul3A_778 : i32
          %add3A_780 = arith.addi %mul3A_779, %squeeze3A_777 : i32
          %ge3A_781 = arith.constant 32 : i32
          %ge3A_782 = arith.cmpi sge, %scan3A_755, %ge3A_781 : i32
          %and3A_783 = arith.andi %ge3A_775, %ge3A_782 : i1
          %select_n3A_784 = arith.select %and3A_783, %add3A_780, %scan3A_755 : i32
          %slice3A_785 = vector.extract_strided_slice %add3A_768 {offsets = [15], sizes = [1], strides = [1]} : vector<16xi32> to vector<1xi32>
          %squeeze3A_786 = vector.extract %slice3A_785[0] : i32 from vector<1xi32>
          scf.yield %squeeze3A_786, %select_n3A_784 : i32, i32
        }
        %scan3A_130 = arith.constant 2 : i32
        %broadcast_in_dim3A_131 = arith.constant 1 : i32
        %broadcast_in_dim3A_132 = vector.broadcast %broadcast_in_dim3A_131 : i32 to vector<16xi32>
        %mul3A_133 = vector.broadcast %scan3A_129#1 : i32 to vector<16xi32>
        %mul3A_134 = arith.muli %broadcast_in_dim3A_132, %mul3A_133 : vector<16xi32>
        %scan3A_135 = arith.constant 0 : i32
        %scan3A_136 = arith.constant 0 : i32
        %scan3A_137 = arith.constant 64 : i32
        %scan3A_138 = arith.addi %scan3A_136, %scan3A_137 : i32
        %scan3A_139 = arith.constant 1 : i32
        %scan3A_140 = scf.for %scan3A_753 = %scan3A_136 to %scan3A_138 step %scan3A_139 iter_args(%scan3A_754 = %scan3A_135) -> (i32)  : i32 {
          %mul3A_755 = arith.constant 16 : i32
          %mul3A_756 = arith.muli %scan3A_753, %mul3A_755 : i32
          %get3A_757 = arith.index_cast %scan3A_102 : i32 to index
          %get3A_758 = arith.index_cast %mul3A_756 : i32 to index
          %get3A_759 = tpu.vector_load %arg10[%get3A_757, %get3A_758] {strides = array<i32>} : memref<8x1024xf32, #tpu.memory_space<vmem>>, vector<16xf32>,
          %mul3A_760 = arith.constant 2.000000e-01 : f32
          %mul3A_761 = vector.broadcast %mul3A_760 : f32 to vector<16xf32>
          %mul3A_762 = arith.mulf %get3A_759, %mul3A_761 : vector<16xf32>
          %min3A_763 = arith.constant 3.100000e+01 : f32
          %min3A_764 = vector.broadcast %min3A_763 : f32 to vector<16xf32>
          %min3A_765 = arith.minimumf %mul3A_762, %min3A_764 : vector<16xf32>
          %convert_element_type3A_766 = arith.fptosi %min3A_765 : vector<16xf32> to vector<16xi32>
          %le3A = arith.cmpi sle, %convert_element_type3A_766, %mul3A_134 : vector<16xi32>
          %swap3A_767 = arith.index_cast %scan3A_754 : i32 to index
          %swap3A_768 = tpu.vector_load %arg15[%swap3A_767] masked %le3A {strides = array<i32>} : memref<1056xf32, #tpu.memory_space<vmem>>, vector<16xf32>, vector<16xi1>
          tpu.vector_store %arg15[%swap3A_767], %get3A_759 masked %le3A {strides = array<i32>} : memref<1056xf32, #tpu.memory_space<vmem>>, vector<16xf32>, vector<16xi1>
          %mul3A_769 = arith.constant 16 : i32
          %mul3A_770 = arith.muli %scan3A_753, %mul3A_769 : i32
          %broadcast_in_dim3A_771 = arith.constant 1 : i32
          %broadcast_in_dim3A_772 = vector.broadcast %broadcast_in_dim3A_771 : i32 to vector<16xi32>
          %mul3A_773 = vector.broadcast %mul3A_770 : i32 to vector<16xi32>
          %mul3A_774 = arith.muli %broadcast_in_dim3A_772, %mul3A_773 : vector<16xi32>
          %add3A_775 = arith.addi %iota3A, %mul3A_774 : vector<16xi32>
          %swap3A_776 = arith.index_cast %scan3A_754 : i32 to index
          %swap3A_777 = tpu.vector_load %arg16[%swap3A_776] masked %le3A {strides = array<i32>} : memref<1056xi32, #tpu.memory_space<vmem>>, vector<16xi32>, vector<16xi1>
          tpu.vector_store %arg16[%swap3A_776], %add3A_775 masked %le3A {strides = array<i32>} : memref<1056xi32, #tpu.memory_space<vmem>>, vector<16xi32>, vector<16xi1>
          %all_reduce_population_count3A_778 = tpu.all_reduce %le3A {dim = 0 : i64, kind = #tpu.reduction_kind<sum>} : vector<16xi1> -> vector<16xi32>
          %slice3A_779 = vector.extract_strided_slice %all_reduce_population_count3A_778 {offsets = [0], sizes = [1], strides = [1]} : vector<16xi32> to vector<1xi32>
          %squeeze3A_780 = vector.extract %slice3A_779[0] : i32 from vector<1xi32>
          %add3A_781 = arith.addi %scan3A_754, %squeeze3A_780 : i32
          scf.yield %add3A_781 : i32
        }
        %scan3A_141 = arith.constant 64 : i32
        %jit3A_142 = arith.constant 16 : i32
        %div3A_143 = arith.divsi %scan3A_140, %jit3A_142 : i32
        %sign3A_144 = arith.constant 0 : i32
        %sign3A_145 = arith.cmpi sgt, %scan3A_140, %sign3A_144 : i32
        %sign3A_146 = arith.extui %sign3A_145 : i1 to i32
        %sign3A_147 = arith.constant 0 : i32
        %sign3A_148 = arith.cmpi slt, %scan3A_140, %sign3A_147 : i32
        %sign3A_149 = arith.extui %sign3A_148 : i1 to i32
        %sign3A_150 = arith.subi %sign3A_146, %sign3A_149 : i32
        %sign3A_151 = arith.constant 0 : i32
        %sign3A_152 = arith.cmpi sgt, %jit3A_142, %sign3A_151 : i32
        %sign3A_153 = arith.extui %sign3A_152 : i1 to i32
        %sign3A_154 = arith.constant 0 : i32
        %sign3A_155 = arith.cmpi slt, %jit3A_142, %sign3A_154 : i32
        %sign3A_156 = arith.extui %sign3A_155 : i1 to i32
        %sign3A_157 = arith.subi %sign3A_153, %sign3A_156 : i32
        %ne3A_158 = arith.cmpi ne, %sign3A_150, %sign3A_157 : i32
        %rem3A_159 = arith.remsi %scan3A_140, %jit3A_142 : i32
        %ne3A_160 = arith.constant 0 : i32
        %ne3A_161 = arith.cmpi ne, %rem3A_159, %ne3A_160 : i32
        %and3A_162 = arith.andi %ne3A_158, %ne3A_161 : i1
        %sub3A_163 = arith.constant 1 : i32
        %sub3A_164 = arith.subi %div3A_143, %sub3A_163 : i32
        %select_n3A_165 = arith.select %and3A_162, %sub3A_164, %div3A_143 : i32
        %mul3A_166 = arith.constant 16 : i32
        %mul3A_167 = arith.muli %select_n3A_165, %mul3A_166 : i32
        %sub3A_168 = arith.subi %scan3A_140, %mul3A_167 : i32
        %broadcast_in_dim3A_169 = arith.constant 1 : i32
        %broadcast_in_dim3A_170 = vector.broadcast %broadcast_in_dim3A_169 : i32 to vector<16xi32>
        %mul3A_171 = vector.broadcast %sub3A_168 : i32 to vector<16xi32>
        %mul3A_172 = arith.muli %broadcast_in_dim3A_170, %mul3A_171 : vector<16xi32>
        %mul3A_173 = arith.constant 16 : i32
        %mul3A_174 = arith.muli %select_n3A_165, %mul3A_173 : i32
        %get3A = arith.index_cast %mul3A_174 : i32 to index
        %get3A_175 = tpu.vector_load %arg15[%get3A] {strides = array<i32>} : memref<1056xf32, #tpu.memory_space<vmem>>, vector<16xf32>,
        %ge3A = arith.cmpi sge, %iota3A, %mul3A_172 : vector<16xi32>
        %select_n3A_176 = arith.select %ge3A, %broadcast_in_dim3A_28, %get3A_175 : vector<16xi1>, vector<16xf32>
        %mul3A_177 = arith.constant 16 : i32
        %mul3A_178 = arith.muli %select_n3A_165, %mul3A_177 : i32
        %swap3A = arith.index_cast %mul3A_178 : i32 to index
        %swap3A_179 = tpu.vector_load %arg15[%swap3A] {strides = array<i32>} : memref<1056xf32, #tpu.memory_space<vmem>>, vector<16xf32>,
        tpu.vector_store %arg15[%swap3A], %select_n3A_176 {strides = array<i32>} : memref<1056xf32, #tpu.memory_space<vmem>>, vector<16xf32>,
        %mul3A_180 = arith.constant 16 : i32
        %mul3A_181 = arith.muli %select_n3A_165, %mul3A_180 : i32
        %get3A_182 = arith.index_cast %mul3A_181 : i32 to index
        %get3A_183 = tpu.vector_load %arg16[%get3A_182] {strides = array<i32>} : memref<1056xi32, #tpu.memory_space<vmem>>, vector<16xi32>,
        %ge3A_184 = arith.cmpi sge, %iota3A, %mul3A_172 : vector<16xi32>
        %select_n3A_185 = arith.select %ge3A_184, %broadcast_in_dim3A_26, %get3A_183 : vector<16xi1>, vector<16xi32>
        %mul3A_186 = arith.constant 16 : i32
        %mul3A_187 = arith.muli %select_n3A_165, %mul3A_186 : i32
        %swap3A_188 = arith.index_cast %mul3A_187 : i32 to index
        %swap3A_189 = tpu.vector_load %arg16[%swap3A_188] {strides = array<i32>} : memref<1056xi32, #tpu.memory_space<vmem>>, vector<16xi32>,
        tpu.vector_store %arg16[%swap3A_188], %select_n3A_185 {strides = array<i32>} : memref<1056xi32, #tpu.memory_space<vmem>>, vector<16xi32>,
        %add3A_190 = arith.constant 15 : i32
        %add3A_191 = arith.addi %scan3A_140, %add3A_190 : i32
        %jit3A_192 = arith.constant 16 : i32
        %div3A_193 = arith.divsi %add3A_191, %jit3A_192 : i32
        %sign3A_194 = arith.constant 0 : i32
        %sign3A_195 = arith.cmpi sgt, %add3A_191, %sign3A_194 : i32
        %sign3A_196 = arith.extui %sign3A_195 : i1 to i32
        %sign3A_197 = arith.constant 0 : i32
        %sign3A_198 = arith.cmpi slt, %add3A_191, %sign3A_197 : i32
        %sign3A_199 = arith.extui %sign3A_198 : i1 to i32
        %sign3A_200 = arith.subi %sign3A_196, %sign3A_199 : i32
        %sign3A_201 = arith.constant 0 : i32
        %sign3A_202 = arith.cmpi sgt, %jit3A_192, %sign3A_201 : i32
        %sign3A_203 = arith.extui %sign3A_202 : i1 to i32
        %sign3A_204 = arith.constant 0 : i32
        %sign3A_205 = arith.cmpi slt, %jit3A_192, %sign3A_204 : i32
        %sign3A_206 = arith.extui %sign3A_205 : i1 to i32
        %sign3A_207 = arith.subi %sign3A_203, %sign3A_206 : i32
        %ne3A_208 = arith.cmpi ne, %sign3A_200, %sign3A_207 : i32
        %rem3A_209 = arith.remsi %add3A_191, %jit3A_192 : i32
        %ne3A_210 = arith.constant 0 : i32
        %ne3A_211 = arith.cmpi ne, %rem3A_209, %ne3A_210 : i32
        %and3A_212 = arith.andi %ne3A_208, %ne3A_211 : i1
        %sub3A_213 = arith.constant 1 : i32
        %sub3A_214 = arith.subi %div3A_193, %sub3A_213 : i32
        %select_n3A_215 = arith.select %and3A_212, %sub3A_214, %div3A_193 : i32
        %while3A = arith.constant 0 : i32
        %while3A_216 = arith.subi %select_n3A_215, %while3A : i32
        %while3A_217 = arith.addi %while3A, %while3A_216 : i32
        %while3A_218 = arith.constant 1 : i32
        %while3A_219 = arith.divsi %while3A_216, %while3A_218 : i32
        %while3A_220 = arith.muli %while3A_219, %while3A_218 : i32
        %while3A_221 = arith.addi %while3A, %while3A_220 : i32
        %while3A_222 = arith.constant 1 : i32
        %while3A_223:8 = scf.for %while3A_753 = %while3A to %while3A_221 step %while3A_222 iter_args(%while3A_754 = %broadcast_in_dim3A_28, %while3A_755 = %broadcast_in_dim3A_26, %while3A_756 = %broadcast_in_dim3A_28, %while3A_757 = %broadcast_in_dim3A_26, %while3A_758 = %broadcast_in_dim3A_28, %while3A_759 = %broadcast_in_dim3A_26, %while3A_760 = %broadcast_in_dim3A_28, %while3A_761 = %broadcast_in_dim3A_26) -> (vector<16xf32>, vector<16xi32>, vector<16xf32>, vector<16xi32>, vector<16xf32>, vector<16xi32>, vector<16xf32>, vector<16xi32>)  : i32 {
          %mul3A_762 = arith.constant 16 : i32
          %mul3A_763 = arith.muli %while3A_753, %mul3A_762 : i32
          %add3A_764 = arith.constant 0 : i32
          %add3A_765 = arith.addi %add3A_764, %mul3A_763 : i32
          %get3A_766 = arith.index_cast %add3A_765 : i32 to index
          %get3A_767 = tpu.vector_load %arg15[%get3A_766] {strides = array<i32>} : memref<1056xf32, #tpu.memory_space<vmem>>, vector<16xf32>,
          %mul3A_768 = arith.constant 16 : i32
          %mul3A_769 = arith.muli %while3A_753, %mul3A_768 : i32
          %add3A_770 = arith.constant 0 : i32
          %add3A_771 = arith.addi %add3A_770, %mul3A_769 : i32
          %get3A_772 = arith.index_cast %add3A_771 : i32 to index
          %get3A_773 = tpu.vector_load %arg16[%get3A_772] {strides = array<i32>} : memref<1056xi32, #tpu.memory_space<vmem>>, vector<16xi32>,
          %masked_sort3A = arith.constant dense<true> : vector<16xi1>
          %masked_sort3A_774, %masked_sort3A_775, %masked_sort3A_776 = tpu.sort %get3A_767, %get3A_773 masked %masked_sort3A : (vector<16xf32>, vector<16xi32>, vector<16xi1>) -> (vector<16xi1>, vector<16xf32>, vector<16xi32>)
          %rev3A = arith.constant 15 : i32
          %rev3A_777 = vector.broadcast %rev3A : i32 to vector<16xi32>
          %rev3A_778 = tpu.iota {dimensions = array<i32: 0>} : vector<16xi32>
          %rev3A_779 = arith.subi %rev3A_777, %rev3A_778 : vector<16xi32>
          %rev3A_780 = tpu.dynamic_gather %masked_sort3A_775[%rev3A_779] in [0] : vector<16xf32>, vector<16xi32> -> vector<16xf32>
          %rev3A_781 = arith.constant 15 : i32
          %rev3A_782 = vector.broadcast %rev3A_781 : i32 to vector<16xi32>
          %rev3A_783 = tpu.iota {dimensions = array<i32: 0>} : vector<16xi32>
          %rev3A_784 = arith.subi %rev3A_782, %rev3A_783 : vector<16xi32>
          %rev3A_785 = tpu.dynamic_gather %masked_sort3A_776[%rev3A_784] in [0] : vector<16xi32>, vector<16xi32> -> vector<16xi32>
          %lt3A_786 = arith.cmpf olt, %while3A_754, %rev3A_780 : vector<16xf32>
          %eq3A = arith.cmpf oeq, %while3A_754, %rev3A_780 : vector<16xf32>
          %le3A = arith.cmpi sle, %while3A_755, %rev3A_785 : vector<16xi32>
          %and3A_787 = arith.andi %eq3A, %le3A : vector<16xi1>
          %or3A_788 = arith.ori %lt3A_786, %and3A_787 : vector<16xi1>
          %select_n3A_789 = arith.select %or3A_788, %while3A_754, %rev3A_780 : vector<16xi1>, vector<16xf32>
          %select_n3A_790 = arith.select %or3A_788, %while3A_755, %rev3A_785 : vector<16xi1>, vector<16xi32>
          %select_n3A_791 = arith.select %or3A_788, %rev3A_780, %while3A_754 : vector<16xi1>, vector<16xf32>
          %select_n3A_792 = arith.select %or3A_788, %rev3A_785, %while3A_755 : vector<16xi1>, vector<16xi32>
          %masked_sort3A_793 = arith.constant dense<true> : vector<16xi1>
          %masked_sort3A_794, %masked_sort3A_795, %masked_sort3A_796 = tpu.sort %select_n3A_789, %select_n3A_790 masked %masked_sort3A_793 : (vector<16xf32>, vector<16xi32>, vector<16xi1>) -> (vector<16xi1>, vector<16xf32>, vector<16xi32>)
          %masked_sort3A_797 = arith.constant dense<true> : vector<16xi1>
          %masked_sort3A_798, %masked_sort3A_799, %masked_sort3A_800 = tpu.sort %select_n3A_791, %select_n3A_792 masked %masked_sort3A_797 : (vector<16xf32>, vector<16xi32>, vector<16xi1>) -> (vector<16xi1>, vector<16xf32>, vector<16xi32>)
          %rev3A_801 = arith.constant 15 : i32
          %rev3A_802 = vector.broadcast %rev3A_801 : i32 to vector<16xi32>
          %rev3A_803 = tpu.iota {dimensions = array<i32: 0>} : vector<16xi32>
          %rev3A_804 = arith.subi %rev3A_802, %rev3A_803 : vector<16xi32>
          %rev3A_805 = tpu.dynamic_gather %masked_sort3A_799[%rev3A_804] in [0] : vector<16xf32>, vector<16xi32> -> vector<16xf32>
          %rev3A_806 = arith.constant 15 : i32
          %rev3A_807 = vector.broadcast %rev3A_806 : i32 to vector<16xi32>
          %rev3A_808 = tpu.iota {dimensions = array<i32: 0>} : vector<16xi32>
          %rev3A_809 = arith.subi %rev3A_807, %rev3A_808 : vector<16xi32>
          %rev3A_810 = tpu.dynamic_gather %masked_sort3A_800[%rev3A_809] in [0] : vector<16xi32>, vector<16xi32> -> vector<16xi32>
          %lt3A_811 = arith.cmpf olt, %while3A_756, %rev3A_805 : vector<16xf32>
          %eq3A_812 = arith.cmpf oeq, %while3A_756, %rev3A_805 : vector<16xf32>
          %le3A_813 = arith.cmpi sle, %while3A_757, %rev3A_810 : vector<16xi32>
          %and3A_814 = arith.andi %eq3A_812, %le3A_813 : vector<16xi1>
          %or3A_815 = arith.ori %lt3A_811, %and3A_814 : vector<16xi1>
          %select_n3A_816 = arith.select %or3A_815, %while3A_756, %rev3A_805 : vector<16xi1>, vector<16xf32>
          %select_n3A_817 = arith.select %or3A_815, %while3A_757, %rev3A_810 : vector<16xi1>, vector<16xi32>
          %select_n3A_818 = arith.select %or3A_815, %rev3A_805, %while3A_756 : vector<16xi1>, vector<16xf32>
          %select_n3A_819 = arith.select %or3A_815, %rev3A_810, %while3A_757 : vector<16xi1>, vector<16xi32>
          %masked_sort3A_820 = arith.constant dense<true> : vector<16xi1>
          %masked_sort3A_821, %masked_sort3A_822, %masked_sort3A_823 = tpu.sort %select_n3A_816, %select_n3A_817 masked %masked_sort3A_820 : (vector<16xf32>, vector<16xi32>, vector<16xi1>) -> (vector<16xi1>, vector<16xf32>, vector<16xi32>)
          %masked_sort3A_824 = arith.constant dense<true> : vector<16xi1>
          %masked_sort3A_825, %masked_sort3A_826, %masked_sort3A_827 = tpu.sort %select_n3A_818, %select_n3A_819 masked %masked_sort3A_824 : (vector<16xf32>, vector<16xi32>, vector<16xi1>) -> (vector<16xi1>, vector<16xf32>, vector<16xi32>)
          %rev3A_828 = arith.constant 15 : i32
          %rev3A_829 = vector.broadcast %rev3A_828 : i32 to vector<16xi32>
          %rev3A_830 = tpu.iota {dimensions = array<i32: 0>} : vector<16xi32>
          %rev3A_831 = arith.subi %rev3A_829, %rev3A_830 : vector<16xi32>
          %rev3A_832 = tpu.dynamic_gather %masked_sort3A_826[%rev3A_831] in [0] : vector<16xf32>, vector<16xi32> -> vector<16xf32>
          %rev3A_833 = arith.constant 15 : i32
          %rev3A_834 = vector.broadcast %rev3A_833 : i32 to vector<16xi32>
          %rev3A_835 = tpu.iota {dimensions = array<i32: 0>} : vector<16xi32>
          %rev3A_836 = arith.subi %rev3A_834, %rev3A_835 : vector<16xi32>
          %rev3A_837 = tpu.dynamic_gather %masked_sort3A_827[%rev3A_836] in [0] : vector<16xi32>, vector<16xi32> -> vector<16xi32>
          %lt3A_838 = arith.cmpf olt, %while3A_758, %rev3A_832 : vector<16xf32>
          %eq3A_839 = arith.cmpf oeq, %while3A_758, %rev3A_832 : vector<16xf32>
          %le3A_840 = arith.cmpi sle, %while3A_759, %rev3A_837 : vector<16xi32>
          %and3A_841 = arith.andi %eq3A_839, %le3A_840 : vector<16xi1>
          %or3A_842 = arith.ori %lt3A_838, %and3A_841 : vector<16xi1>
          %select_n3A_843 = arith.select %or3A_842, %while3A_758, %rev3A_832 : vector<16xi1>, vector<16xf32>
          %select_n3A_844 = arith.select %or3A_842, %while3A_759, %rev3A_837 : vector<16xi1>, vector<16xi32>
          %select_n3A_845 = arith.select %or3A_842, %rev3A_832, %while3A_758 : vector<16xi1>, vector<16xf32>
          %select_n3A_846 = arith.select %or3A_842, %rev3A_837, %while3A_759 : vector<16xi1>, vector<16xi32>
          %masked_sort3A_847 = arith.constant dense<true> : vector<16xi1>
          %masked_sort3A_848, %masked_sort3A_849, %masked_sort3A_850 = tpu.sort %select_n3A_843, %select_n3A_844 masked %masked_sort3A_847 : (vector<16xf32>, vector<16xi32>, vector<16xi1>) -> (vector<16xi1>, vector<16xf32>, vector<16xi32>)
          %masked_sort3A_851 = arith.constant dense<true> : vector<16xi1>
          %masked_sort3A_852, %masked_sort3A_853, %masked_sort3A_854 = tpu.sort %select_n3A_845, %select_n3A_846 masked %masked_sort3A_851 : (vector<16xf32>, vector<16xi32>, vector<16xi1>) -> (vector<16xi1>, vector<16xf32>, vector<16xi32>)
          %rev3A_855 = arith.constant 15 : i32
          %rev3A_856 = vector.broadcast %rev3A_855 : i32 to vector<16xi32>
          %rev3A_857 = tpu.iota {dimensions = array<i32: 0>} : vector<16xi32>
          %rev3A_858 = arith.subi %rev3A_856, %rev3A_857 : vector<16xi32>
          %rev3A_859 = tpu.dynamic_gather %masked_sort3A_853[%rev3A_858] in [0] : vector<16xf32>, vector<16xi32> -> vector<16xf32>
          %rev3A_860 = arith.constant 15 : i32
          %rev3A_861 = vector.broadcast %rev3A_860 : i32 to vector<16xi32>
          %rev3A_862 = tpu.iota {dimensions = array<i32: 0>} : vector<16xi32>
          %rev3A_863 = arith.subi %rev3A_861, %rev3A_862 : vector<16xi32>
          %rev3A_864 = tpu.dynamic_gather %masked_sort3A_854[%rev3A_863] in [0] : vector<16xi32>, vector<16xi32> -> vector<16xi32>
          %lt3A_865 = arith.cmpf olt, %while3A_760, %rev3A_859 : vector<16xf32>
          %eq3A_866 = arith.cmpf oeq, %while3A_760, %rev3A_859 : vector<16xf32>
          %le3A_867 = arith.cmpi sle, %while3A_761, %rev3A_864 : vector<16xi32>
          %and3A_868 = arith.andi %eq3A_866, %le3A_867 : vector<16xi1>
          %or3A_869 = arith.ori %lt3A_865, %and3A_868 : vector<16xi1>
          %select_n3A_870 = arith.select %or3A_869, %while3A_760, %rev3A_859 : vector<16xi1>, vector<16xf32>
          %select_n3A_871 = arith.select %or3A_869, %while3A_761, %rev3A_864 : vector<16xi1>, vector<16xi32>
          %select_n3A_872 = arith.select %or3A_869, %rev3A_859, %while3A_760 : vector<16xi1>, vector<16xf32>
          %select_n3A_873 = arith.select %or3A_869, %rev3A_864, %while3A_761 : vector<16xi1>, vector<16xi32>
          %masked_sort3A_874 = arith.constant dense<true> : vector<16xi1>
          %masked_sort3A_875, %masked_sort3A_876, %masked_sort3A_877 = tpu.sort %select_n3A_870, %select_n3A_871 masked %masked_sort3A_874 : (vector<16xf32>, vector<16xi32>, vector<16xi1>) -> (vector<16xi1>, vector<16xf32>, vector<16xi32>)
          %masked_sort3A_878 = arith.constant dense<true> : vector<16xi1>
          %masked_sort3A_879, %masked_sort3A_880, %masked_sort3A_881 = tpu.sort %select_n3A_872, %select_n3A_873 masked %masked_sort3A_878 : (vector<16xf32>, vector<16xi32>, vector<16xi1>) -> (vector<16xi1>, vector<16xf32>, vector<16xi32>)
          scf.yield %masked_sort3A_795, %masked_sort3A_796, %masked_sort3A_822, %masked_sort3A_823, %masked_sort3A_849, %masked_sort3A_850, %masked_sort3A_876, %masked_sort3A_877 : vector<16xf32>, vector<16xi32>, vector<16xf32>, vector<16xi32>, vector<16xf32>, vector<16xi32>, vector<16xf32>, vector<16xi32>
        }
        %while3A_224 = arith.constant 1 : i32
        %while3A_225:8 = scf.for %while3A_753 = %while3A_221 to %while3A_217 step %while3A_224 iter_args(%while3A_754 = %while3A_223#0, %while3A_755 = %while3A_223#1, %while3A_756 = %while3A_223#2, %while3A_757 = %while3A_223#3, %while3A_758 = %while3A_223#4, %while3A_759 = %while3A_223#5, %while3A_760 = %while3A_223#6, %while3A_761 = %while3A_223#7) -> (vector<16xf32>, vector<16xi32>, vector<16xf32>, vector<16xi32>, vector<16xf32>, vector<16xi32>, vector<16xf32>, vector<16xi32>)  : i32 {
          %mul3A_762 = arith.constant 16 : i32
          %mul3A_763 = arith.muli %while3A_753, %mul3A_762 : i32
          %add3A_764 = arith.constant 0 : i32
          %add3A_765 = arith.addi %add3A_764, %mul3A_763 : i32
          %get3A_766 = arith.index_cast %add3A_765 : i32 to index
          %get3A_767 = tpu.vector_load %arg15[%get3A_766] {strides = array<i32>} : memref<1056xf32, #tpu.memory_space<vmem>>, vector<16xf32>,
          %mul3A_768 = arith.constant 16 : i32
          %mul3A_769 = arith.muli %while3A_753, %mul3A_768 : i32
          %add3A_770 = arith.constant 0 : i32
          %add3A_771 = arith.addi %add3A_770, %mul3A_769 : i32
          %get3A_772 = arith.index_cast %add3A_771 : i32 to index
          %get3A_773 = tpu.vector_load %arg16[%get3A_772] {strides = array<i32>} : memref<1056xi32, #tpu.memory_space<vmem>>, vector<16xi32>,
          %masked_sort3A = arith.constant dense<true> : vector<16xi1>
          %masked_sort3A_774, %masked_sort3A_775, %masked_sort3A_776 = tpu.sort %get3A_767, %get3A_773 masked %masked_sort3A : (vector<16xf32>, vector<16xi32>, vector<16xi1>) -> (vector<16xi1>, vector<16xf32>, vector<16xi32>)
          %rev3A = arith.constant 15 : i32
          %rev3A_777 = vector.broadcast %rev3A : i32 to vector<16xi32>
          %rev3A_778 = tpu.iota {dimensions = array<i32: 0>} : vector<16xi32>
          %rev3A_779 = arith.subi %rev3A_777, %rev3A_778 : vector<16xi32>
          %rev3A_780 = tpu.dynamic_gather %masked_sort3A_775[%rev3A_779] in [0] : vector<16xf32>, vector<16xi32> -> vector<16xf32>
          %rev3A_781 = arith.constant 15 : i32
          %rev3A_782 = vector.broadcast %rev3A_781 : i32 to vector<16xi32>
          %rev3A_783 = tpu.iota {dimensions = array<i32: 0>} : vector<16xi32>
          %rev3A_784 = arith.subi %rev3A_782, %rev3A_783 : vector<16xi32>
          %rev3A_785 = tpu.dynamic_gather %masked_sort3A_776[%rev3A_784] in [0] : vector<16xi32>, vector<16xi32> -> vector<16xi32>
          %lt3A_786 = arith.cmpf olt, %while3A_754, %rev3A_780 : vector<16xf32>
          %eq3A = arith.cmpf oeq, %while3A_754, %rev3A_780 : vector<16xf32>
          %le3A = arith.cmpi sle, %while3A_755, %rev3A_785 : vector<16xi32>
          %and3A_787 = arith.andi %eq3A, %le3A : vector<16xi1>
          %or3A_788 = arith.ori %lt3A_786, %and3A_787 : vector<16xi1>
          %select_n3A_789 = arith.select %or3A_788, %while3A_754, %rev3A_780 : vector<16xi1>, vector<16xf32>
          %select_n3A_790 = arith.select %or3A_788, %while3A_755, %rev3A_785 : vector<16xi1>, vector<16xi32>
          %select_n3A_791 = arith.select %or3A_788, %rev3A_780, %while3A_754 : vector<16xi1>, vector<16xf32>
          %select_n3A_792 = arith.select %or3A_788, %rev3A_785, %while3A_755 : vector<16xi1>, vector<16xi32>
          %masked_sort3A_793 = arith.constant dense<true> : vector<16xi1>
          %masked_sort3A_794, %masked_sort3A_795, %masked_sort3A_796 = tpu.sort %select_n3A_789, %select_n3A_790 masked %masked_sort3A_793 : (vector<16xf32>, vector<16xi32>, vector<16xi1>) -> (vector<16xi1>, vector<16xf32>, vector<16xi32>)
          %masked_sort3A_797 = arith.constant dense<true> : vector<16xi1>
          %masked_sort3A_798, %masked_sort3A_799, %masked_sort3A_800 = tpu.sort %select_n3A_791, %select_n3A_792 masked %masked_sort3A_797 : (vector<16xf32>, vector<16xi32>, vector<16xi1>) -> (vector<16xi1>, vector<16xf32>, vector<16xi32>)
          %rev3A_801 = arith.constant 15 : i32
          %rev3A_802 = vector.broadcast %rev3A_801 : i32 to vector<16xi32>
          %rev3A_803 = tpu.iota {dimensions = array<i32: 0>} : vector<16xi32>
          %rev3A_804 = arith.subi %rev3A_802, %rev3A_803 : vector<16xi32>
          %rev3A_805 = tpu.dynamic_gather %masked_sort3A_799[%rev3A_804] in [0] : vector<16xf32>, vector<16xi32> -> vector<16xf32>
          %rev3A_806 = arith.constant 15 : i32
          %rev3A_807 = vector.broadcast %rev3A_806 : i32 to vector<16xi32>
          %rev3A_808 = tpu.iota {dimensions = array<i32: 0>} : vector<16xi32>
          %rev3A_809 = arith.subi %rev3A_807, %rev3A_808 : vector<16xi32>
          %rev3A_810 = tpu.dynamic_gather %masked_sort3A_800[%rev3A_809] in [0] : vector<16xi32>, vector<16xi32> -> vector<16xi32>
          %lt3A_811 = arith.cmpf olt, %while3A_756, %rev3A_805 : vector<16xf32>
          %eq3A_812 = arith.cmpf oeq, %while3A_756, %rev3A_805 : vector<16xf32>
          %le3A_813 = arith.cmpi sle, %while3A_757, %rev3A_810 : vector<16xi32>
          %and3A_814 = arith.andi %eq3A_812, %le3A_813 : vector<16xi1>
          %or3A_815 = arith.ori %lt3A_811, %and3A_814 : vector<16xi1>
          %select_n3A_816 = arith.select %or3A_815, %while3A_756, %rev3A_805 : vector<16xi1>, vector<16xf32>
          %select_n3A_817 = arith.select %or3A_815, %while3A_757, %rev3A_810 : vector<16xi1>, vector<16xi32>
          %select_n3A_818 = arith.select %or3A_815, %rev3A_805, %while3A_756 : vector<16xi1>, vector<16xf32>
          %select_n3A_819 = arith.select %or3A_815, %rev3A_810, %while3A_757 : vector<16xi1>, vector<16xi32>
          %masked_sort3A_820 = arith.constant dense<true> : vector<16xi1>
          %masked_sort3A_821, %masked_sort3A_822, %masked_sort3A_823 = tpu.sort %select_n3A_816, %select_n3A_817 masked %masked_sort3A_820 : (vector<16xf32>, vector<16xi32>, vector<16xi1>) -> (vector<16xi1>, vector<16xf32>, vector<16xi32>)
          %masked_sort3A_824 = arith.constant dense<true> : vector<16xi1>
          %masked_sort3A_825, %masked_sort3A_826, %masked_sort3A_827 = tpu.sort %select_n3A_818, %select_n3A_819 masked %masked_sort3A_824 : (vector<16xf32>, vector<16xi32>, vector<16xi1>) -> (vector<16xi1>, vector<16xf32>, vector<16xi32>)
          %rev3A_828 = arith.constant 15 : i32
          %rev3A_829 = vector.broadcast %rev3A_828 : i32 to vector<16xi32>
          %rev3A_830 = tpu.iota {dimensions = array<i32: 0>} : vector<16xi32>
          %rev3A_831 = arith.subi %rev3A_829, %rev3A_830 : vector<16xi32>
          %rev3A_832 = tpu.dynamic_gather %masked_sort3A_826[%rev3A_831] in [0] : vector<16xf32>, vector<16xi32> -> vector<16xf32>
          %rev3A_833 = arith.constant 15 : i32
          %rev3A_834 = vector.broadcast %rev3A_833 : i32 to vector<16xi32>
          %rev3A_835 = tpu.iota {dimensions = array<i32: 0>} : vector<16xi32>
          %rev3A_836 = arith.subi %rev3A_834, %rev3A_835 : vector<16xi32>
          %rev3A_837 = tpu.dynamic_gather %masked_sort3A_827[%rev3A_836] in [0] : vector<16xi32>, vector<16xi32> -> vector<16xi32>
          %lt3A_838 = arith.cmpf olt, %while3A_758, %rev3A_832 : vector<16xf32>
          %eq3A_839 = arith.cmpf oeq, %while3A_758, %rev3A_832 : vector<16xf32>
          %le3A_840 = arith.cmpi sle, %while3A_759, %rev3A_837 : vector<16xi32>
          %and3A_841 = arith.andi %eq3A_839, %le3A_840 : vector<16xi1>
          %or3A_842 = arith.ori %lt3A_838, %and3A_841 : vector<16xi1>
          %select_n3A_843 = arith.select %or3A_842, %while3A_758, %rev3A_832 : vector<16xi1>, vector<16xf32>
          %select_n3A_844 = arith.select %or3A_842, %while3A_759, %rev3A_837 : vector<16xi1>, vector<16xi32>
          %select_n3A_845 = arith.select %or3A_842, %rev3A_832, %while3A_758 : vector<16xi1>, vector<16xf32>
          %select_n3A_846 = arith.select %or3A_842, %rev3A_837, %while3A_759 : vector<16xi1>, vector<16xi32>
          %masked_sort3A_847 = arith.constant dense<true> : vector<16xi1>
          %masked_sort3A_848, %masked_sort3A_849, %masked_sort3A_850 = tpu.sort %select_n3A_843, %select_n3A_844 masked %masked_sort3A_847 : (vector<16xf32>, vector<16xi32>, vector<16xi1>) -> (vector<16xi1>, vector<16xf32>, vector<16xi32>)
          %masked_sort3A_851 = arith.constant dense<true> : vector<16xi1>
          %masked_sort3A_852, %masked_sort3A_853, %masked_sort3A_854 = tpu.sort %select_n3A_845, %select_n3A_846 masked %masked_sort3A_851 : (vector<16xf32>, vector<16xi32>, vector<16xi1>) -> (vector<16xi1>, vector<16xf32>, vector<16xi32>)
          %rev3A_855 = arith.constant 15 : i32
          %rev3A_856 = vector.broadcast %rev3A_855 : i32 to vector<16xi32>
          %rev3A_857 = tpu.iota {dimensions = array<i32: 0>} : vector<16xi32>
          %rev3A_858 = arith.subi %rev3A_856, %rev3A_857 : vector<16xi32>
          %rev3A_859 = tpu.dynamic_gather %masked_sort3A_853[%rev3A_858] in [0] : vector<16xf32>, vector<16xi32> -> vector<16xf32>
          %rev3A_860 = arith.constant 15 : i32
          %rev3A_861 = vector.broadcast %rev3A_860 : i32 to vector<16xi32>
          %rev3A_862 = tpu.iota {dimensions = array<i32: 0>} : vector<16xi32>
          %rev3A_863 = arith.subi %rev3A_861, %rev3A_862 : vector<16xi32>
          %rev3A_864 = tpu.dynamic_gather %masked_sort3A_854[%rev3A_863] in [0] : vector<16xi32>, vector<16xi32> -> vector<16xi32>
          %lt3A_865 = arith.cmpf olt, %while3A_760, %rev3A_859 : vector<16xf32>
          %eq3A_866 = arith.cmpf oeq, %while3A_760, %rev3A_859 : vector<16xf32>
          %le3A_867 = arith.cmpi sle, %while3A_761, %rev3A_864 : vector<16xi32>
          %and3A_868 = arith.andi %eq3A_866, %le3A_867 : vector<16xi1>
          %or3A_869 = arith.ori %lt3A_865, %and3A_868 : vector<16xi1>
          %select_n3A_870 = arith.select %or3A_869, %while3A_760, %rev3A_859 : vector<16xi1>, vector<16xf32>
          %select_n3A_871 = arith.select %or3A_869, %while3A_761, %rev3A_864 : vector<16xi1>, vector<16xi32>
          %select_n3A_872 = arith.select %or3A_869, %rev3A_859, %while3A_760 : vector<16xi1>, vector<16xf32>
          %select_n3A_873 = arith.select %or3A_869, %rev3A_864, %while3A_761 : vector<16xi1>, vector<16xi32>
          %masked_sort3A_874 = arith.constant dense<true> : vector<16xi1>
          %masked_sort3A_875, %masked_sort3A_876, %masked_sort3A_877 = tpu.sort %select_n3A_870, %select_n3A_871 masked %masked_sort3A_874 : (vector<16xf32>, vector<16xi32>, vector<16xi1>) -> (vector<16xi1>, vector<16xf32>, vector<16xi32>)
          %masked_sort3A_878 = arith.constant dense<true> : vector<16xi1>
          %masked_sort3A_879, %masked_sort3A_880, %masked_sort3A_881 = tpu.sort %select_n3A_872, %select_n3A_873 masked %masked_sort3A_878 : (vector<16xf32>, vector<16xi32>, vector<16xi1>) -> (vector<16xi1>, vector<16xf32>, vector<16xi32>)
          scf.yield %masked_sort3A_795, %masked_sort3A_796, %masked_sort3A_822, %masked_sort3A_823, %masked_sort3A_849, %masked_sort3A_850, %masked_sort3A_876, %masked_sort3A_877 : vector<16xf32>, vector<16xi32>, vector<16xf32>, vector<16xi32>, vector<16xf32>, vector<16xi32>, vector<16xf32>, vector<16xi32>
        }
        %swap3A_226 = arith.constant 0 : index
        %swap3A_227 = tpu.vector_load %arg22[%swap3A_226] {strides = array<i32>} : memref<64xf32, #tpu.memory_space<vmem>>, vector<16xf32>,
        tpu.vector_store %arg22[%swap3A_226], %while3A_225#0 {strides = array<i32>} : memref<64xf32, #tpu.memory_space<vmem>>, vector<16xf32>,
        %swap3A_228 = arith.constant 0 : index
        %swap3A_229 = tpu.vector_load %arg23[%swap3A_228] {strides = array<i32>} : memref<64xi32, #tpu.memory_space<vmem>>, vector<16xi32>,
        tpu.vector_store %arg23[%swap3A_228], %while3A_225#1 {strides = array<i32>} : memref<64xi32, #tpu.memory_space<vmem>>, vector<16xi32>,
        %swap3A_230 = arith.constant 16 : index
        %swap3A_231 = tpu.vector_load %arg22[%swap3A_230] {strides = array<i32>} : memref<64xf32, #tpu.memory_space<vmem>>, vector<16xf32>,
        tpu.vector_store %arg22[%swap3A_230], %while3A_225#2 {strides = array<i32>} : memref<64xf32, #tpu.memory_space<vmem>>, vector<16xf32>,
        %swap3A_232 = arith.constant 16 : index
        %swap3A_233 = tpu.vector_load %arg23[%swap3A_232] {strides = array<i32>} : memref<64xi32, #tpu.memory_space<vmem>>, vector<16xi32>,
        tpu.vector_store %arg23[%swap3A_232], %while3A_225#3 {strides = array<i32>} : memref<64xi32, #tpu.memory_space<vmem>>, vector<16xi32>,
        %swap3A_234 = arith.constant 32 : index
        %swap3A_235 = tpu.vector_load %arg22[%swap3A_234] {strides = array<i32>} : memref<64xf32, #tpu.memory_space<vmem>>, vector<16xf32>,
        tpu.vector_store %arg22[%swap3A_234], %while3A_225#4 {strides = array<i32>} : memref<64xf32, #tpu.memory_space<vmem>>, vector<16xf32>,
        %swap3A_236 = arith.constant 32 : index
        %swap3A_237 = tpu.vector_load %arg23[%swap3A_236] {strides = array<i32>} : memref<64xi32, #tpu.memory_space<vmem>>, vector<16xi32>,
        tpu.vector_store %arg23[%swap3A_236], %while3A_225#5 {strides = array<i32>} : memref<64xi32, #tpu.memory_space<vmem>>, vector<16xi32>,
        %swap3A_238 = arith.constant 48 : index
        %swap3A_239 = tpu.vector_load %arg22[%swap3A_238] {strides = array<i32>} : memref<64xf32, #tpu.memory_space<vmem>>, vector<16xf32>,
        tpu.vector_store %arg22[%swap3A_238], %while3A_225#6 {strides = array<i32>} : memref<64xf32, #tpu.memory_space<vmem>>, vector<16xf32>,
        %swap3A_240 = arith.constant 48 : index
        %swap3A_241 = tpu.vector_load %arg23[%swap3A_240] {strides = array<i32>} : memref<64xi32, #tpu.memory_space<vmem>>, vector<16xi32>,
        tpu.vector_store %arg23[%swap3A_240], %while3A_225#7 {strides = array<i32>} : memref<64xi32, #tpu.memory_space<vmem>>, vector<16xi32>,
        %add3A_242 = arith.constant -1 : i32
        %add3A_243 = vector.broadcast %add3A_242 : i32 to vector<16xi32>
        %add3A_244 = arith.addi %iota3A, %add3A_243 : vector<16xi32>
        %max3A = arith.constant 0 : i32
        %max3A_245 = vector.broadcast %max3A : i32 to vector<16xi32>
        %max3A_246 = arith.maxsi %add3A_244, %max3A_245 : vector<16xi32>
        %gather3A = tpu.vector_load_idx %arg22[%max3A_246] : memref<64xf32, #tpu.memory_space<vmem>>[vector<16xi32>], vector<16xf32>,
        %ne3A_247 = arith.cmpf one, %while3A_225#0, %gather3A : vector<16xf32>
        %lt3A = arith.constant 1 : i32
        %lt3A_248 = vector.broadcast %lt3A : i32 to vector<16xi32>
        %lt3A_249 = arith.cmpi slt, %iota3A, %lt3A_248 : vector<16xi32>
        %or3A = arith.ori %ne3A_247, %lt3A_249 : vector<16xi1>
        %not3A = arith.constant dense<true> : vector<16xi1>
        %not3A_250 = arith.xori %or3A, %not3A : vector<16xi1>
        %all_reduce_population_count3A = tpu.all_reduce %not3A_250 {dim = 0 : i64, kind = #tpu.reduction_kind<sum>} : vector<16xi1> -> vector<16xi32>
        %slice3A = vector.extract_strided_slice %all_reduce_population_count3A {offsets = [0], sizes = [1], strides = [1]} : vector<16xi32> to vector<1xi32>
        %squeeze3A = vector.extract %slice3A[0] : i32 from vector<1xi32>
        %add3A_251 = arith.constant 0 : i32
        %add3A_252 = arith.addi %add3A_251, %squeeze3A : i32
        %broadcast_in_dim3A_253 = arith.constant 1 : i32
        %broadcast_in_dim3A_254 = vector.broadcast %broadcast_in_dim3A_253 : i32 to vector<16xi32>
        %mul3A_255 = arith.constant 0 : i32
        %mul3A_256 = vector.broadcast %mul3A_255 : i32 to vector<16xi32>
        %mul3A_257 = arith.muli %broadcast_in_dim3A_254, %mul3A_256 : vector<16xi32>
        %add3A_258 = arith.addi %iota3A, %mul3A_257 : vector<16xi32>
        %jit3A_259 = arith.constant -1 : i32
        %broadcast_in_dim3A_260 = vector.broadcast %jit3A_259 : i32 to vector<16xi32>
        %select_n3A_261 = arith.select %or3A, %add3A_258, %broadcast_in_dim3A_260 : vector<16xi1>, vector<16xi32>
        %broadcast_in_dim3A_262 = arith.constant true
        %broadcast_in_dim3A_263 = vector.broadcast %broadcast_in_dim3A_262 : i1 to vector<16xi1>
        %masked_cummax3A = arith.constant -2147483648 : i32
        %masked_cummax3A_264 = vector.broadcast %masked_cummax3A : i32 to vector<16xi32>
        %masked_cummax3A_265 = arith.xori %select_n3A_261, %masked_cummax3A_264 : vector<16xi32>
        %masked_cummax3A_266 = tpu.scan <max>, %masked_cummax3A_265 masked %broadcast_in_dim3A_263 : vector<16xi32>, vector<16xi1> -> vector<16xi32>
        %masked_cummax3A_267 = arith.xori %masked_cummax3A_266, %masked_cummax3A_264 : vector<16xi32>
        %broadcast_in_dim3A_268 = arith.constant 1 : i32
        %broadcast_in_dim3A_269 = vector.broadcast %broadcast_in_dim3A_268 : i32 to vector<16xi32>
        %mul3A_270 = arith.constant -1 : i32
        %mul3A_271 = vector.broadcast %mul3A_270 : i32 to vector<16xi32>
        %mul3A_272 = arith.muli %broadcast_in_dim3A_269, %mul3A_271 : vector<16xi32>
        %max3A_273 = arith.maxsi %masked_cummax3A_267, %mul3A_272 : vector<16xi32>
        %slice3A_274 = vector.extract_strided_slice %max3A_273 {offsets = [15], sizes = [1], strides = [1]} : vector<16xi32> to vector<1xi32>
        %squeeze3A_275 = vector.extract %slice3A_274[0] : i32 from vector<1xi32>
        %mul3A_276 = arith.constant 2048 : i32
        %mul3A_277 = vector.broadcast %mul3A_276 : i32 to vector<16xi32>
        %mul3A_278 = arith.muli %max3A_273, %mul3A_277 : vector<16xi32>
        %add3A_279 = arith.addi %mul3A_278, %while3A_225#1 : vector<16xi32>
        %add3A_280 = arith.constant 15 : i32
        %add3A_281 = vector.broadcast %add3A_280 : i32 to vector<16xi32>
        %add3A_282 = arith.addi %iota3A, %add3A_281 : vector<16xi32>
        %max3A_283 = arith.constant 0 : i32
        %max3A_284 = vector.broadcast %max3A_283 : i32 to vector<16xi32>
        %max3A_285 = arith.maxsi %add3A_282, %max3A_284 : vector<16xi32>
        %gather3A_286 = tpu.vector_load_idx %arg22[%max3A_285] : memref<64xf32, #tpu.memory_space<vmem>>[vector<16xi32>], vector<16xf32>,
        %ne3A_287 = arith.cmpf one, %while3A_225#2, %gather3A_286 : vector<16xf32>
        %not3A_288 = arith.constant dense<true> : vector<16xi1>
        %not3A_289 = arith.xori %ne3A_287, %not3A_288 : vector<16xi1>
        %all_reduce_population_count3A_290 = tpu.all_reduce %not3A_289 {dim = 0 : i64, kind = #tpu.reduction_kind<sum>} : vector<16xi1> -> vector<16xi32>
        %slice3A_291 = vector.extract_strided_slice %all_reduce_population_count3A_290 {offsets = [0], sizes = [1], strides = [1]} : vector<16xi32> to vector<1xi32>
        %squeeze3A_292 = vector.extract %slice3A_291[0] : i32 from vector<1xi32>
        %add3A_293 = arith.addi %add3A_252, %squeeze3A_292 : i32
        %broadcast_in_dim3A_294 = arith.constant 1 : i32
        %broadcast_in_dim3A_295 = vector.broadcast %broadcast_in_dim3A_294 : i32 to vector<16xi32>
        %mul3A_296 = arith.constant 16 : i32
        %mul3A_297 = vector.broadcast %mul3A_296 : i32 to vector<16xi32>
        %mul3A_298 = arith.muli %broadcast_in_dim3A_295, %mul3A_297 : vector<16xi32>
        %add3A_299 = arith.addi %iota3A, %mul3A_298 : vector<16xi32>
        %jit3A_300 = arith.constant -1 : i32
        %broadcast_in_dim3A_301 = vector.broadcast %jit3A_300 : i32 to vector<16xi32>
        %select_n3A_302 = arith.select %ne3A_287, %add3A_299, %broadcast_in_dim3A_301 : vector<16xi1>, vector<16xi32>
        %broadcast_in_dim3A_303 = arith.constant true
        %broadcast_in_dim3A_304 = vector.broadcast %broadcast_in_dim3A_303 : i1 to vector<16xi1>
        %masked_cummax3A_305 = arith.constant -2147483648 : i32
        %masked_cummax3A_306 = vector.broadcast %masked_cummax3A_305 : i32 to vector<16xi32>
        %masked_cummax3A_307 = arith.xori %select_n3A_302, %masked_cummax3A_306 : vector<16xi32>
        %masked_cummax3A_308 = tpu.scan <max>, %masked_cummax3A_307 masked %broadcast_in_dim3A_304 : vector<16xi32>, vector<16xi1> -> vector<16xi32>
        %masked_cummax3A_309 = arith.xori %masked_cummax3A_308, %masked_cummax3A_306 : vector<16xi32>
        %broadcast_in_dim3A_310 = arith.constant 1 : i32
        %broadcast_in_dim3A_311 = vector.broadcast %broadcast_in_dim3A_310 : i32 to vector<16xi32>
        %mul3A_312 = vector.broadcast %squeeze3A_275 : i32 to vector<16xi32>
        %mul3A_313 = arith.muli %broadcast_in_dim3A_311, %mul3A_312 : vector<16xi32>
        %max3A_314 = arith.maxsi %masked_cummax3A_309, %mul3A_313 : vector<16xi32>
        %slice3A_315 = vector.extract_strided_slice %max3A_314 {offsets = [15], sizes = [1], strides = [1]} : vector<16xi32> to vector<1xi32>
        %squeeze3A_316 = vector.extract %slice3A_315[0] : i32 from vector<1xi32>
        %mul3A_317 = arith.constant 2048 : i32
        %mul3A_318 = vector.broadcast %mul3A_317 : i32 to vector<16xi32>
        %mul3A_319 = arith.muli %max3A_314, %mul3A_318 : vector<16xi32>
        %add3A_320 = arith.addi %mul3A_319, %while3A_225#3 : vector<16xi32>
        %add3A_321 = arith.constant 31 : i32
        %add3A_322 = vector.broadcast %add3A_321 : i32 to vector<16xi32>
        %add3A_323 = arith.addi %iota3A, %add3A_322 : vector<16xi32>
        %max3A_324 = arith.constant 0 : i32
        %max3A_325 = vector.broadcast %max3A_324 : i32 to vector<16xi32>
        %max3A_326 = arith.maxsi %add3A_323, %max3A_325 : vector<16xi32>
        %gather3A_327 = tpu.vector_load_idx %arg22[%max3A_326] : memref<64xf32, #tpu.memory_space<vmem>>[vector<16xi32>], vector<16xf32>,
        %ne3A_328 = arith.cmpf one, %while3A_225#4, %gather3A_327 : vector<16xf32>
        %not3A_329 = arith.constant dense<true> : vector<16xi1>
        %not3A_330 = arith.xori %ne3A_328, %not3A_329 : vector<16xi1>
        %all_reduce_population_count3A_331 = tpu.all_reduce %not3A_330 {dim = 0 : i64, kind = #tpu.reduction_kind<sum>} : vector<16xi1> -> vector<16xi32>
        %slice3A_332 = vector.extract_strided_slice %all_reduce_population_count3A_331 {offsets = [0], sizes = [1], strides = [1]} : vector<16xi32> to vector<1xi32>
        %squeeze3A_333 = vector.extract %slice3A_332[0] : i32 from vector<1xi32>
        %add3A_334 = arith.addi %add3A_293, %squeeze3A_333 : i32
        %broadcast_in_dim3A_335 = arith.constant 1 : i32
        %broadcast_in_dim3A_336 = vector.broadcast %broadcast_in_dim3A_335 : i32 to vector<16xi32>
        %mul3A_337 = arith.constant 32 : i32
        %mul3A_338 = vector.broadcast %mul3A_337 : i32 to vector<16xi32>
        %mul3A_339 = arith.muli %broadcast_in_dim3A_336, %mul3A_338 : vector<16xi32>
        %add3A_340 = arith.addi %iota3A, %mul3A_339 : vector<16xi32>
        %jit3A_341 = arith.constant -1 : i32
        %broadcast_in_dim3A_342 = vector.broadcast %jit3A_341 : i32 to vector<16xi32>
        %select_n3A_343 = arith.select %ne3A_328, %add3A_340, %broadcast_in_dim3A_342 : vector<16xi1>, vector<16xi32>
        %broadcast_in_dim3A_344 = arith.constant true
        %broadcast_in_dim3A_345 = vector.broadcast %broadcast_in_dim3A_344 : i1 to vector<16xi1>
        %masked_cummax3A_346 = arith.constant -2147483648 : i32
        %masked_cummax3A_347 = vector.broadcast %masked_cummax3A_346 : i32 to vector<16xi32>
        %masked_cummax3A_348 = arith.xori %select_n3A_343, %masked_cummax3A_347 : vector<16xi32>
        %masked_cummax3A_349 = tpu.scan <max>, %masked_cummax3A_348 masked %broadcast_in_dim3A_345 : vector<16xi32>, vector<16xi1> -> vector<16xi32>
        %masked_cummax3A_350 = arith.xori %masked_cummax3A_349, %masked_cummax3A_347 : vector<16xi32>
        %broadcast_in_dim3A_351 = arith.constant 1 : i32
        %broadcast_in_dim3A_352 = vector.broadcast %broadcast_in_dim3A_351 : i32 to vector<16xi32>
        %mul3A_353 = vector.broadcast %squeeze3A_316 : i32 to vector<16xi32>
        %mul3A_354 = arith.muli %broadcast_in_dim3A_352, %mul3A_353 : vector<16xi32>
        %max3A_355 = arith.maxsi %masked_cummax3A_350, %mul3A_354 : vector<16xi32>
        %slice3A_356 = vector.extract_strided_slice %max3A_355 {offsets = [15], sizes = [1], strides = [1]} : vector<16xi32> to vector<1xi32>
        %squeeze3A_357 = vector.extract %slice3A_356[0] : i32 from vector<1xi32>
        %mul3A_358 = arith.constant 2048 : i32
        %mul3A_359 = vector.broadcast %mul3A_358 : i32 to vector<16xi32>
        %mul3A_360 = arith.muli %max3A_355, %mul3A_359 : vector<16xi32>
        %add3A_361 = arith.addi %mul3A_360, %while3A_225#5 : vector<16xi32>
        %add3A_362 = arith.constant 47 : i32
        %add3A_363 = vector.broadcast %add3A_362 : i32 to vector<16xi32>
        %add3A_364 = arith.addi %iota3A, %add3A_363 : vector<16xi32>
        %max3A_365 = arith.constant 0 : i32
        %max3A_366 = vector.broadcast %max3A_365 : i32 to vector<16xi32>
        %max3A_367 = arith.maxsi %add3A_364, %max3A_366 : vector<16xi32>
        %gather3A_368 = tpu.vector_load_idx %arg22[%max3A_367] : memref<64xf32, #tpu.memory_space<vmem>>[vector<16xi32>], vector<16xf32>,
        %ne3A_369 = arith.cmpf one, %while3A_225#6, %gather3A_368 : vector<16xf32>
        %not3A_370 = arith.constant dense<true> : vector<16xi1>
        %not3A_371 = arith.xori %ne3A_369, %not3A_370 : vector<16xi1>
        %all_reduce_population_count3A_372 = tpu.all_reduce %not3A_371 {dim = 0 : i64, kind = #tpu.reduction_kind<sum>} : vector<16xi1> -> vector<16xi32>
        %slice3A_373 = vector.extract_strided_slice %all_reduce_population_count3A_372 {offsets = [0], sizes = [1], strides = [1]} : vector<16xi32> to vector<1xi32>
        %squeeze3A_374 = vector.extract %slice3A_373[0] : i32 from vector<1xi32>
        %add3A_375 = arith.addi %add3A_334, %squeeze3A_374 : i32
        %broadcast_in_dim3A_376 = arith.constant 1 : i32
        %broadcast_in_dim3A_377 = vector.broadcast %broadcast_in_dim3A_376 : i32 to vector<16xi32>
        %mul3A_378 = arith.constant 48 : i32
        %mul3A_379 = vector.broadcast %mul3A_378 : i32 to vector<16xi32>
        %mul3A_380 = arith.muli %broadcast_in_dim3A_377, %mul3A_379 : vector<16xi32>
        %add3A_381 = arith.addi %iota3A, %mul3A_380 : vector<16xi32>
        %jit3A_382 = arith.constant -1 : i32
        %broadcast_in_dim3A_383 = vector.broadcast %jit3A_382 : i32 to vector<16xi32>
        %select_n3A_384 = arith.select %ne3A_369, %add3A_381, %broadcast_in_dim3A_383 : vector<16xi1>, vector<16xi32>
        %broadcast_in_dim3A_385 = arith.constant true
        %broadcast_in_dim3A_386 = vector.broadcast %broadcast_in_dim3A_385 : i1 to vector<16xi1>
        %masked_cummax3A_387 = arith.constant -2147483648 : i32
        %masked_cummax3A_388 = vector.broadcast %masked_cummax3A_387 : i32 to vector<16xi32>
        %masked_cummax3A_389 = arith.xori %select_n3A_384, %masked_cummax3A_388 : vector<16xi32>
        %masked_cummax3A_390 = tpu.scan <max>, %masked_cummax3A_389 masked %broadcast_in_dim3A_386 : vector<16xi32>, vector<16xi1> -> vector<16xi32>
        %masked_cummax3A_391 = arith.xori %masked_cummax3A_390, %masked_cummax3A_388 : vector<16xi32>
        %broadcast_in_dim3A_392 = arith.constant 1 : i32
        %broadcast_in_dim3A_393 = vector.broadcast %broadcast_in_dim3A_392 : i32 to vector<16xi32>
        %mul3A_394 = vector.broadcast %squeeze3A_357 : i32 to vector<16xi32>
        %mul3A_395 = arith.muli %broadcast_in_dim3A_393, %mul3A_394 : vector<16xi32>
        %max3A_396 = arith.maxsi %masked_cummax3A_391, %mul3A_395 : vector<16xi32>
        %slice3A_397 = vector.extract_strided_slice %max3A_396 {offsets = [15], sizes = [1], strides = [1]} : vector<16xi32> to vector<1xi32>
        %squeeze3A_398 = vector.extract %slice3A_397[0] : i32 from vector<1xi32>
        %mul3A_399 = arith.constant 2048 : i32
        %mul3A_400 = vector.broadcast %mul3A_399 : i32 to vector<16xi32>
        %mul3A_401 = arith.muli %max3A_396, %mul3A_400 : vector<16xi32>
        %add3A_402 = arith.addi %mul3A_401, %while3A_225#7 : vector<16xi32>
        %gt3A = arith.constant 0 : i32
        %gt3A_403 = arith.cmpi sgt, %add3A_375, %gt3A : i32
        %convert_element_type3A = arith.extui %gt3A_403 : i1 to i32
        %cond3A = arith.constant 0 : i32
        %cond3A_404 = arith.cmpi ne, %convert_element_type3A, %cond3A : i32
        %cond3A_405:8 = scf.if %cond3A_404 -> (vector<16xf32>, vector<16xi32>, vector<16xf32>, vector<16xi32>, vector<16xf32>, vector<16xi32>, vector<16xf32>, vector<16xi32>) {
          %broadcast_in_dim3A_753 = arith.constant 1 : i32
          %broadcast_in_dim3A_754 = vector.broadcast %broadcast_in_dim3A_753 : i32 to vector<16xi32>
          %mul3A_755 = arith.constant 1073741824 : i32
          %mul3A_756 = vector.broadcast %mul3A_755 : i32 to vector<16xi32>
          %mul3A_757 = arith.muli %broadcast_in_dim3A_754, %mul3A_756 : vector<16xi32>
          %broadcast_in_dim3A_758 = arith.constant 1 : i32
          %broadcast_in_dim3A_759 = vector.broadcast %broadcast_in_dim3A_758 : i32 to vector<16xi32>
          %mul3A_760 = arith.constant 0 : i32
          %mul3A_761 = vector.broadcast %mul3A_760 : i32 to vector<16xi32>
          %mul3A_762 = arith.muli %broadcast_in_dim3A_759, %mul3A_761 : vector<16xi32>
          %add3A_763 = arith.addi %iota3A, %mul3A_762 : vector<16xi32>
          %masked_sort3A = arith.constant dense<true> : vector<16xi1>
          %masked_sort3A_764 = arith.constant -2147483648 : i32
          %masked_sort3A_765 = vector.broadcast %masked_sort3A_764 : i32 to vector<16xi32>
          %masked_sort3A_766 = arith.xori %add3A_279, %masked_sort3A_765 : vector<16xi32>
          %masked_sort3A_767, %masked_sort3A_768, %masked_sort3A_769 = tpu.sort %masked_sort3A_766, %add3A_763 masked %masked_sort3A : (vector<16xi32>, vector<16xi32>, vector<16xi1>) -> (vector<16xi1>, vector<16xi32>, vector<16xi32>)
          %masked_sort3A_770 = arith.xori %masked_sort3A_768, %masked_sort3A_765 : vector<16xi32>
          %rev3A = arith.constant 15 : i32
          %rev3A_771 = vector.broadcast %rev3A : i32 to vector<16xi32>
          %rev3A_772 = tpu.iota {dimensions = array<i32: 0>} : vector<16xi32>
          %rev3A_773 = arith.subi %rev3A_771, %rev3A_772 : vector<16xi32>
          %rev3A_774 = tpu.dynamic_gather %masked_sort3A_770[%rev3A_773] in [0] : vector<16xi32>, vector<16xi32> -> vector<16xi32>
          %rev3A_775 = arith.constant 15 : i32
          %rev3A_776 = vector.broadcast %rev3A_775 : i32 to vector<16xi32>
          %rev3A_777 = tpu.iota {dimensions = array<i32: 0>} : vector<16xi32>
          %rev3A_778 = arith.subi %rev3A_776, %rev3A_777 : vector<16xi32>
          %rev3A_779 = tpu.dynamic_gather %masked_sort3A_769[%rev3A_778] in [0] : vector<16xi32>, vector<16xi32> -> vector<16xi32>
          %le3A = arith.cmpi sle, %mul3A_757, %rev3A_774 : vector<16xi32>
          %select_n3A_780 = arith.select %le3A, %mul3A_757, %rev3A_774 : vector<16xi1>, vector<16xi32>
          %select_n3A_781 = arith.select %le3A, %broadcast_in_dim3A_26, %rev3A_779 : vector<16xi1>, vector<16xi32>
          %select_n3A_782 = arith.select %le3A, %rev3A_774, %mul3A_757 : vector<16xi1>, vector<16xi32>
          %select_n3A_783 = arith.select %le3A, %rev3A_779, %broadcast_in_dim3A_26 : vector<16xi1>, vector<16xi32>
          %masked_sort3A_784 = arith.constant dense<true> : vector<16xi1>
          %masked_sort3A_785 = arith.constant -2147483648 : i32
          %masked_sort3A_786 = vector.broadcast %masked_sort3A_785 : i32 to vector<16xi32>
          %masked_sort3A_787 = arith.xori %select_n3A_780, %masked_sort3A_786 : vector<16xi32>
          %masked_sort3A_788, %masked_sort3A_789, %masked_sort3A_790 = tpu.sort %masked_sort3A_787, %select_n3A_781 masked %masked_sort3A_784 : (vector<16xi32>, vector<16xi32>, vector<16xi1>) -> (vector<16xi1>, vector<16xi32>, vector<16xi32>)
          %masked_sort3A_791 = arith.xori %masked_sort3A_789, %masked_sort3A_786 : vector<16xi32>
          %masked_sort3A_792 = arith.constant dense<true> : vector<16xi1>
          %masked_sort3A_793 = arith.constant -2147483648 : i32
          %masked_sort3A_794 = vector.broadcast %masked_sort3A_793 : i32 to vector<16xi32>
          %masked_sort3A_795 = arith.xori %select_n3A_782, %masked_sort3A_794 : vector<16xi32>
          %masked_sort3A_796, %masked_sort3A_797, %masked_sort3A_798 = tpu.sort %masked_sort3A_795, %select_n3A_783 masked %masked_sort3A_792 : (vector<16xi32>, vector<16xi32>, vector<16xi1>) -> (vector<16xi1>, vector<16xi32>, vector<16xi32>)
          %masked_sort3A_799 = arith.xori %masked_sort3A_797, %masked_sort3A_794 : vector<16xi32>
          %rev3A_800 = arith.constant 15 : i32
          %rev3A_801 = vector.broadcast %rev3A_800 : i32 to vector<16xi32>
          %rev3A_802 = tpu.iota {dimensions = array<i32: 0>} : vector<16xi32>
          %rev3A_803 = arith.subi %rev3A_801, %rev3A_802 : vector<16xi32>
          %rev3A_804 = tpu.dynamic_gather %masked_sort3A_799[%rev3A_803] in [0] : vector<16xi32>, vector<16xi32> -> vector<16xi32>
          %rev3A_805 = arith.constant 15 : i32
          %rev3A_806 = vector.broadcast %rev3A_805 : i32 to vector<16xi32>
          %rev3A_807 = tpu.iota {dimensions = array<i32: 0>} : vector<16xi32>
          %rev3A_808 = arith.subi %rev3A_806, %rev3A_807 : vector<16xi32>
          %rev3A_809 = tpu.dynamic_gather %masked_sort3A_798[%rev3A_808] in [0] : vector<16xi32>, vector<16xi32> -> vector<16xi32>
          %le3A_810 = arith.cmpi sle, %mul3A_757, %rev3A_804 : vector<16xi32>
          %select_n3A_811 = arith.select %le3A_810, %mul3A_757, %rev3A_804 : vector<16xi1>, vector<16xi32>
          %select_n3A_812 = arith.select %le3A_810, %broadcast_in_dim3A_26, %rev3A_809 : vector<16xi1>, vector<16xi32>
          %select_n3A_813 = arith.select %le3A_810, %rev3A_804, %mul3A_757 : vector<16xi1>, vector<16xi32>
          %select_n3A_814 = arith.select %le3A_810, %rev3A_809, %broadcast_in_dim3A_26 : vector<16xi1>, vector<16xi32>
          %masked_sort3A_815 = arith.constant dense<true> : vector<16xi1>
          %masked_sort3A_816 = arith.constant -2147483648 : i32
          %masked_sort3A_817 = vector.broadcast %masked_sort3A_816 : i32 to vector<16xi32>
          %masked_sort3A_818 = arith.xori %select_n3A_811, %masked_sort3A_817 : vector<16xi32>
          %masked_sort3A_819, %masked_sort3A_820, %masked_sort3A_821 = tpu.sort %masked_sort3A_818, %select_n3A_812 masked %masked_sort3A_815 : (vector<16xi32>, vector<16xi32>, vector<16xi1>) -> (vector<16xi1>, vector<16xi32>, vector<16xi32>)
          %masked_sort3A_822 = arith.xori %masked_sort3A_820, %masked_sort3A_817 : vector<16xi32>
          %masked_sort3A_823 = arith.constant dense<true> : vector<16xi1>
          %masked_sort3A_824 = arith.constant -2147483648 : i32
          %masked_sort3A_825 = vector.broadcast %masked_sort3A_824 : i32 to vector<16xi32>
          %masked_sort3A_826 = arith.xori %select_n3A_813, %masked_sort3A_825 : vector<16xi32>
          %masked_sort3A_827, %masked_sort3A_828, %masked_sort3A_829 = tpu.sort %masked_sort3A_826, %select_n3A_814 masked %masked_sort3A_823 : (vector<16xi32>, vector<16xi32>, vector<16xi1>) -> (vector<16xi1>, vector<16xi32>, vector<16xi32>)
          %masked_sort3A_830 = arith.xori %masked_sort3A_828, %masked_sort3A_825 : vector<16xi32>
          %rev3A_831 = arith.constant 15 : i32
          %rev3A_832 = vector.broadcast %rev3A_831 : i32 to vector<16xi32>
          %rev3A_833 = tpu.iota {dimensions = array<i32: 0>} : vector<16xi32>
          %rev3A_834 = arith.subi %rev3A_832, %rev3A_833 : vector<16xi32>
          %rev3A_835 = tpu.dynamic_gather %masked_sort3A_830[%rev3A_834] in [0] : vector<16xi32>, vector<16xi32> -> vector<16xi32>
          %rev3A_836 = arith.constant 15 : i32
          %rev3A_837 = vector.broadcast %rev3A_836 : i32 to vector<16xi32>
          %rev3A_838 = tpu.iota {dimensions = array<i32: 0>} : vector<16xi32>
          %rev3A_839 = arith.subi %rev3A_837, %rev3A_838 : vector<16xi32>
          %rev3A_840 = tpu.dynamic_gather %masked_sort3A_829[%rev3A_839] in [0] : vector<16xi32>, vector<16xi32> -> vector<16xi32>
          %le3A_841 = arith.cmpi sle, %mul3A_757, %rev3A_835 : vector<16xi32>
          %select_n3A_842 = arith.select %le3A_841, %mul3A_757, %rev3A_835 : vector<16xi1>, vector<16xi32>
          %select_n3A_843 = arith.select %le3A_841, %broadcast_in_dim3A_26, %rev3A_840 : vector<16xi1>, vector<16xi32>
          %select_n3A_844 = arith.select %le3A_841, %rev3A_835, %mul3A_757 : vector<16xi1>, vector<16xi32>
          %select_n3A_845 = arith.select %le3A_841, %rev3A_840, %broadcast_in_dim3A_26 : vector<16xi1>, vector<16xi32>
          %masked_sort3A_846 = arith.constant dense<true> : vector<16xi1>
          %masked_sort3A_847 = arith.constant -2147483648 : i32
          %masked_sort3A_848 = vector.broadcast %masked_sort3A_847 : i32 to vector<16xi32>
          %masked_sort3A_849 = arith.xori %select_n3A_842, %masked_sort3A_848 : vector<16xi32>
          %masked_sort3A_850, %masked_sort3A_851, %masked_sort3A_852 = tpu.sort %masked_sort3A_849, %select_n3A_843 masked %masked_sort3A_846 : (vector<16xi32>, vector<16xi32>, vector<16xi1>) -> (vector<16xi1>, vector<16xi32>, vector<16xi32>)
          %masked_sort3A_853 = arith.xori %masked_sort3A_851, %masked_sort3A_848 : vector<16xi32>
          %masked_sort3A_854 = arith.constant dense<true> : vector<16xi1>
          %masked_sort3A_855 = arith.constant -2147483648 : i32
          %masked_sort3A_856 = vector.broadcast %masked_sort3A_855 : i32 to vector<16xi32>
          %masked_sort3A_857 = arith.xori %select_n3A_844, %masked_sort3A_856 : vector<16xi32>
          %masked_sort3A_858, %masked_sort3A_859, %masked_sort3A_860 = tpu.sort %masked_sort3A_857, %select_n3A_845 masked %masked_sort3A_854 : (vector<16xi32>, vector<16xi32>, vector<16xi1>) -> (vector<16xi1>, vector<16xi32>, vector<16xi32>)
          %masked_sort3A_861 = arith.xori %masked_sort3A_859, %masked_sort3A_856 : vector<16xi32>
          %rev3A_862 = arith.constant 15 : i32
          %rev3A_863 = vector.broadcast %rev3A_862 : i32 to vector<16xi32>
          %rev3A_864 = tpu.iota {dimensions = array<i32: 0>} : vector<16xi32>
          %rev3A_865 = arith.subi %rev3A_863, %rev3A_864 : vector<16xi32>
          %rev3A_866 = tpu.dynamic_gather %masked_sort3A_861[%rev3A_865] in [0] : vector<16xi32>, vector<16xi32> -> vector<16xi32>
          %rev3A_867 = arith.constant 15 : i32
          %rev3A_868 = vector.broadcast %rev3A_867 : i32 to vector<16xi32>
          %rev3A_869 = tpu.iota {dimensions = array<i32: 0>} : vector<16xi32>
          %rev3A_870 = arith.subi %rev3A_868, %rev3A_869 : vector<16xi32>
          %rev3A_871 = tpu.dynamic_gather %masked_sort3A_860[%rev3A_870] in [0] : vector<16xi32>, vector<16xi32> -> vector<16xi32>
          %le3A_872 = arith.cmpi sle, %mul3A_757, %rev3A_866 : vector<16xi32>
          %select_n3A_873 = arith.select %le3A_872, %mul3A_757, %rev3A_866 : vector<16xi1>, vector<16xi32>
          %select_n3A_874 = arith.select %le3A_872, %broadcast_in_dim3A_26, %rev3A_871 : vector<16xi1>, vector<16xi32>
          %select_n3A_875 = arith.select %le3A_872, %rev3A_866, %mul3A_757 : vector<16xi1>, vector<16xi32>
          %select_n3A_876 = arith.select %le3A_872, %rev3A_871, %broadcast_in_dim3A_26 : vector<16xi1>, vector<16xi32>
          %masked_sort3A_877 = arith.constant dense<true> : vector<16xi1>
          %masked_sort3A_878 = arith.constant -2147483648 : i32
          %masked_sort3A_879 = vector.broadcast %masked_sort3A_878 : i32 to vector<16xi32>
          %masked_sort3A_880 = arith.xori %select_n3A_873, %masked_sort3A_879 : vector<16xi32>
          %masked_sort3A_881, %masked_sort3A_882, %masked_sort3A_883 = tpu.sort %masked_sort3A_880, %select_n3A_874 masked %masked_sort3A_877 : (vector<16xi32>, vector<16xi32>, vector<16xi1>) -> (vector<16xi1>, vector<16xi32>, vector<16xi32>)
          %masked_sort3A_884 = arith.xori %masked_sort3A_882, %masked_sort3A_879 : vector<16xi32>
          %masked_sort3A_885 = arith.constant dense<true> : vector<16xi1>
          %masked_sort3A_886 = arith.constant -2147483648 : i32
          %masked_sort3A_887 = vector.broadcast %masked_sort3A_886 : i32 to vector<16xi32>
          %masked_sort3A_888 = arith.xori %select_n3A_875, %masked_sort3A_887 : vector<16xi32>
          %masked_sort3A_889, %masked_sort3A_890, %masked_sort3A_891 = tpu.sort %masked_sort3A_888, %select_n3A_876 masked %masked_sort3A_885 : (vector<16xi32>, vector<16xi32>, vector<16xi1>) -> (vector<16xi1>, vector<16xi32>, vector<16xi32>)
          %masked_sort3A_892 = arith.xori %masked_sort3A_890, %masked_sort3A_887 : vector<16xi32>
          %broadcast_in_dim3A_893 = arith.constant 1 : i32
          %broadcast_in_dim3A_894 = vector.broadcast %broadcast_in_dim3A_893 : i32 to vector<16xi32>
          %mul3A_895 = arith.constant 16 : i32
          %mul3A_896 = vector.broadcast %mul3A_895 : i32 to vector<16xi32>
          %mul3A_897 = arith.muli %broadcast_in_dim3A_894, %mul3A_896 : vector<16xi32>
          %add3A_898 = arith.addi %iota3A, %mul3A_897 : vector<16xi32>
          %masked_sort3A_899 = arith.constant dense<true> : vector<16xi1>
          %masked_sort3A_900 = arith.constant -2147483648 : i32
          %masked_sort3A_901 = vector.broadcast %masked_sort3A_900 : i32 to vector<16xi32>
          %masked_sort3A_902 = arith.xori %add3A_320, %masked_sort3A_901 : vector<16xi32>
          %masked_sort3A_903, %masked_sort3A_904, %masked_sort3A_905 = tpu.sort %masked_sort3A_902, %add3A_898 masked %masked_sort3A_899 : (vector<16xi32>, vector<16xi32>, vector<16xi1>) -> (vector<16xi1>, vector<16xi32>, vector<16xi32>)
          %masked_sort3A_906 = arith.xori %masked_sort3A_904, %masked_sort3A_901 : vector<16xi32>
          %rev3A_907 = arith.constant 15 : i32
          %rev3A_908 = vector.broadcast %rev3A_907 : i32 to vector<16xi32>
          %rev3A_909 = tpu.iota {dimensions = array<i32: 0>} : vector<16xi32>
          %rev3A_910 = arith.subi %rev3A_908, %rev3A_909 : vector<16xi32>
          %rev3A_911 = tpu.dynamic_gather %masked_sort3A_906[%rev3A_910] in [0] : vector<16xi32>, vector<16xi32> -> vector<16xi32>
          %rev3A_912 = arith.constant 15 : i32
          %rev3A_913 = vector.broadcast %rev3A_912 : i32 to vector<16xi32>
          %rev3A_914 = tpu.iota {dimensions = array<i32: 0>} : vector<16xi32>
          %rev3A_915 = arith.subi %rev3A_913, %rev3A_914 : vector<16xi32>
          %rev3A_916 = tpu.dynamic_gather %masked_sort3A_905[%rev3A_915] in [0] : vector<16xi32>, vector<16xi32> -> vector<16xi32>
          %le3A_917 = arith.cmpi sle, %masked_sort3A_791, %rev3A_911 : vector<16xi32>
          %select_n3A_918 = arith.select %le3A_917, %masked_sort3A_791, %rev3A_911 : vector<16xi1>, vector<16xi32>
          %select_n3A_919 = arith.select %le3A_917, %masked_sort3A_790, %rev3A_916 : vector<16xi1>, vector<16xi32>
          %select_n3A_920 = arith.select %le3A_917, %rev3A_911, %masked_sort3A_791 : vector<16xi1>, vector<16xi32>
          %select_n3A_921 = arith.select %le3A_917, %rev3A_916, %masked_sort3A_790 : vector<16xi1>, vector<16xi32>
          %masked_sort3A_922 = arith.constant dense<true> : vector<16xi1>
          %masked_sort3A_923 = arith.constant -2147483648 : i32
          %masked_sort3A_924 = vector.broadcast %masked_sort3A_923 : i32 to vector<16xi32>
          %masked_sort3A_925 = arith.xori %select_n3A_918, %masked_sort3A_924 : vector<16xi32>
          %masked_sort3A_926, %masked_sort3A_927, %masked_sort3A_928 = tpu.sort %masked_sort3A_925, %select_n3A_919 masked %masked_sort3A_922 : (vector<16xi32>, vector<16xi32>, vector<16xi1>) -> (vector<16xi1>, vector<16xi32>, vector<16xi32>)
          %masked_sort3A_929 = arith.xori %masked_sort3A_927, %masked_sort3A_924 : vector<16xi32>
          %masked_sort3A_930 = arith.constant dense<true> : vector<16xi1>
          %masked_sort3A_931 = arith.constant -2147483648 : i32
          %masked_sort3A_932 = vector.broadcast %masked_sort3A_931 : i32 to vector<16xi32>
          %masked_sort3A_933 = arith.xori %select_n3A_920, %masked_sort3A_932 : vector<16xi32>
          %masked_sort3A_934, %masked_sort3A_935, %masked_sort3A_936 = tpu.sort %masked_sort3A_933, %select_n3A_921 masked %masked_sort3A_930 : (vector<16xi32>, vector<16xi32>, vector<16xi1>) -> (vector<16xi1>, vector<16xi32>, vector<16xi32>)
          %masked_sort3A_937 = arith.xori %masked_sort3A_935, %masked_sort3A_932 : vector<16xi32>
          %rev3A_938 = arith.constant 15 : i32
          %rev3A_939 = vector.broadcast %rev3A_938 : i32 to vector<16xi32>
          %rev3A_940 = tpu.iota {dimensions = array<i32: 0>} : vector<16xi32>
          %rev3A_941 = arith.subi %rev3A_939, %rev3A_940 : vector<16xi32>
          %rev3A_942 = tpu.dynamic_gather %masked_sort3A_937[%rev3A_941] in [0] : vector<16xi32>, vector<16xi32> -> vector<16xi32>
          %rev3A_943 = arith.constant 15 : i32
          %rev3A_944 = vector.broadcast %rev3A_943 : i32 to vector<16xi32>
          %rev3A_945 = tpu.iota {dimensions = array<i32: 0>} : vector<16xi32>
          %rev3A_946 = arith.subi %rev3A_944, %rev3A_945 : vector<16xi32>
          %rev3A_947 = tpu.dynamic_gather %masked_sort3A_936[%rev3A_946] in [0] : vector<16xi32>, vector<16xi32> -> vector<16xi32>
          %le3A_948 = arith.cmpi sle, %masked_sort3A_822, %rev3A_942 : vector<16xi32>
          %select_n3A_949 = arith.select %le3A_948, %masked_sort3A_822, %rev3A_942 : vector<16xi1>, vector<16xi32>
          %select_n3A_950 = arith.select %le3A_948, %masked_sort3A_821, %rev3A_947 : vector<16xi1>, vector<16xi32>
          %select_n3A_951 = arith.select %le3A_948, %rev3A_942, %masked_sort3A_822 : vector<16xi1>, vector<16xi32>
          %select_n3A_952 = arith.select %le3A_948, %rev3A_947, %masked_sort3A_821 : vector<16xi1>, vector<16xi32>
          %masked_sort3A_953 = arith.constant dense<true> : vector<16xi1>
          %masked_sort3A_954 = arith.constant -2147483648 : i32
          %masked_sort3A_955 = vector.broadcast %masked_sort3A_954 : i32 to vector<16xi32>
          %masked_sort3A_956 = arith.xori %select_n3A_949, %masked_sort3A_955 : vector<16xi32>
          %masked_sort3A_957, %masked_sort3A_958, %masked_sort3A_959 = tpu.sort %masked_sort3A_956, %select_n3A_950 masked %masked_sort3A_953 : (vector<16xi32>, vector<16xi32>, vector<16xi1>) -> (vector<16xi1>, vector<16xi32>, vector<16xi32>)
          %masked_sort3A_960 = arith.xori %masked_sort3A_958, %masked_sort3A_955 : vector<16xi32>
          %masked_sort3A_961 = arith.constant dense<true> : vector<16xi1>
          %masked_sort3A_962 = arith.constant -2147483648 : i32
          %masked_sort3A_963 = vector.broadcast %masked_sort3A_962 : i32 to vector<16xi32>
          %masked_sort3A_964 = arith.xori %select_n3A_951, %masked_sort3A_963 : vector<16xi32>
          %masked_sort3A_965, %masked_sort3A_966, %masked_sort3A_967 = tpu.sort %masked_sort3A_964, %select_n3A_952 masked %masked_sort3A_961 : (vector<16xi32>, vector<16xi32>, vector<16xi1>) -> (vector<16xi1>, vector<16xi32>, vector<16xi32>)
          %masked_sort3A_968 = arith.xori %masked_sort3A_966, %masked_sort3A_963 : vector<16xi32>
          %rev3A_969 = arith.constant 15 : i32
          %rev3A_970 = vector.broadcast %rev3A_969 : i32 to vector<16xi32>
          %rev3A_971 = tpu.iota {dimensions = array<i32: 0>} : vector<16xi32>
          %rev3A_972 = arith.subi %rev3A_970, %rev3A_971 : vector<16xi32>
          %rev3A_973 = tpu.dynamic_gather %masked_sort3A_968[%rev3A_972] in [0] : vector<16xi32>, vector<16xi32> -> vector<16xi32>
          %rev3A_974 = arith.constant 15 : i32
          %rev3A_975 = vector.broadcast %rev3A_974 : i32 to vector<16xi32>
          %rev3A_976 = tpu.iota {dimensions = array<i32: 0>} : vector<16xi32>
          %rev3A_977 = arith.subi %rev3A_975, %rev3A_976 : vector<16xi32>
          %rev3A_978 = tpu.dynamic_gather %masked_sort3A_967[%rev3A_977] in [0] : vector<16xi32>, vector<16xi32> -> vector<16xi32>
          %le3A_979 = arith.cmpi sle, %masked_sort3A_853, %rev3A_973 : vector<16xi32>
          %select_n3A_980 = arith.select %le3A_979, %masked_sort3A_853, %rev3A_973 : vector<16xi1>, vector<16xi32>
          %select_n3A_981 = arith.select %le3A_979, %masked_sort3A_852, %rev3A_978 : vector<16xi1>, vector<16xi32>
          %select_n3A_982 = arith.select %le3A_979, %rev3A_973, %masked_sort3A_853 : vector<16xi1>, vector<16xi32>
          %select_n3A_983 = arith.select %le3A_979, %rev3A_978, %masked_sort3A_852 : vector<16xi1>, vector<16xi32>
          %masked_sort3A_984 = arith.constant dense<true> : vector<16xi1>
          %masked_sort3A_985 = arith.constant -2147483648 : i32
          %masked_sort3A_986 = vector.broadcast %masked_sort3A_985 : i32 to vector<16xi32>
          %masked_sort3A_987 = arith.xori %select_n3A_980, %masked_sort3A_986 : vector<16xi32>
          %masked_sort3A_988, %masked_sort3A_989, %masked_sort3A_990 = tpu.sort %masked_sort3A_987, %select_n3A_981 masked %masked_sort3A_984 : (vector<16xi32>, vector<16xi32>, vector<16xi1>) -> (vector<16xi1>, vector<16xi32>, vector<16xi32>)
          %masked_sort3A_991 = arith.xori %masked_sort3A_989, %masked_sort3A_986 : vector<16xi32>
          %masked_sort3A_992 = arith.constant dense<true> : vector<16xi1>
          %masked_sort3A_993 = arith.constant -2147483648 : i32
          %masked_sort3A_994 = vector.broadcast %masked_sort3A_993 : i32 to vector<16xi32>
          %masked_sort3A_995 = arith.xori %select_n3A_982, %masked_sort3A_994 : vector<16xi32>
          %masked_sort3A_996, %masked_sort3A_997, %masked_sort3A_998 = tpu.sort %masked_sort3A_995, %select_n3A_983 masked %masked_sort3A_992 : (vector<16xi32>, vector<16xi32>, vector<16xi1>) -> (vector<16xi1>, vector<16xi32>, vector<16xi32>)
          %masked_sort3A_999 = arith.xori %masked_sort3A_997, %masked_sort3A_994 : vector<16xi32>
          %rev3A_1000 = arith.constant 15 : i32
          %rev3A_1001 = vector.broadcast %rev3A_1000 : i32 to vector<16xi32>
          %rev3A_1002 = tpu.iota {dimensions = array<i32: 0>} : vector<16xi32>
          %rev3A_1003 = arith.subi %rev3A_1001, %rev3A_1002 : vector<16xi32>
          %rev3A_1004 = tpu.dynamic_gather %masked_sort3A_999[%rev3A_1003] in [0] : vector<16xi32>, vector<16xi32> -> vector<16xi32>
          %rev3A_1005 = arith.constant 15 : i32
          %rev3A_1006 = vector.broadcast %rev3A_1005 : i32 to vector<16xi32>
          %rev3A_1007 = tpu.iota {dimensions = array<i32: 0>} : vector<16xi32>
          %rev3A_1008 = arith.subi %rev3A_1006, %rev3A_1007 : vector<16xi32>
          %rev3A_1009 = tpu.dynamic_gather %masked_sort3A_998[%rev3A_1008] in [0] : vector<16xi32>, vector<16xi32> -> vector<16xi32>
          %le3A_1010 = arith.cmpi sle, %masked_sort3A_884, %rev3A_1004 : vector<16xi32>
          %select_n3A_1011 = arith.select %le3A_1010, %masked_sort3A_884, %rev3A_1004 : vector<16xi1>, vector<16xi32>
          %select_n3A_1012 = arith.select %le3A_1010, %masked_sort3A_883, %rev3A_1009 : vector<16xi1>, vector<16xi32>
          %select_n3A_1013 = arith.select %le3A_1010, %rev3A_1004, %masked_sort3A_884 : vector<16xi1>, vector<16xi32>
          %select_n3A_1014 = arith.select %le3A_1010, %rev3A_1009, %masked_sort3A_883 : vector<16xi1>, vector<16xi32>
          %masked_sort3A_1015 = arith.constant dense<true> : vector<16xi1>
          %masked_sort3A_1016 = arith.constant -2147483648 : i32
          %masked_sort3A_1017 = vector.broadcast %masked_sort3A_1016 : i32 to vector<16xi32>
          %masked_sort3A_1018 = arith.xori %select_n3A_1011, %masked_sort3A_1017 : vector<16xi32>
          %masked_sort3A_1019, %masked_sort3A_1020, %masked_sort3A_1021 = tpu.sort %masked_sort3A_1018, %select_n3A_1012 masked %masked_sort3A_1015 : (vector<16xi32>, vector<16xi32>, vector<16xi1>) -> (vector<16xi1>, vector<16xi32>, vector<16xi32>)
          %masked_sort3A_1022 = arith.xori %masked_sort3A_1020, %masked_sort3A_1017 : vector<16xi32>
          %masked_sort3A_1023 = arith.constant dense<true> : vector<16xi1>
          %masked_sort3A_1024 = arith.constant -2147483648 : i32
          %masked_sort3A_1025 = vector.broadcast %masked_sort3A_1024 : i32 to vector<16xi32>
          %masked_sort3A_1026 = arith.xori %select_n3A_1013, %masked_sort3A_1025 : vector<16xi32>
          %masked_sort3A_1027, %masked_sort3A_1028, %masked_sort3A_1029 = tpu.sort %masked_sort3A_1026, %select_n3A_1014 masked %masked_sort3A_1023 : (vector<16xi32>, vector<16xi32>, vector<16xi1>) -> (vector<16xi1>, vector<16xi32>, vector<16xi32>)
          %masked_sort3A_1030 = arith.xori %masked_sort3A_1028, %masked_sort3A_1025 : vector<16xi32>
          %broadcast_in_dim3A_1031 = arith.constant 1 : i32
          %broadcast_in_dim3A_1032 = vector.broadcast %broadcast_in_dim3A_1031 : i32 to vector<16xi32>
          %mul3A_1033 = arith.constant 32 : i32
          %mul3A_1034 = vector.broadcast %mul3A_1033 : i32 to vector<16xi32>
          %mul3A_1035 = arith.muli %broadcast_in_dim3A_1032, %mul3A_1034 : vector<16xi32>
          %add3A_1036 = arith.addi %iota3A, %mul3A_1035 : vector<16xi32>
          %masked_sort3A_1037 = arith.constant dense<true> : vector<16xi1>
          %masked_sort3A_1038 = arith.constant -2147483648 : i32
          %masked_sort3A_1039 = vector.broadcast %masked_sort3A_1038 : i32 to vector<16xi32>
          %masked_sort3A_1040 = arith.xori %add3A_361, %masked_sort3A_1039 : vector<16xi32>
          %masked_sort3A_1041, %masked_sort3A_1042, %masked_sort3A_1043 = tpu.sort %masked_sort3A_1040, %add3A_1036 masked %masked_sort3A_1037 : (vector<16xi32>, vector<16xi32>, vector<16xi1>) -> (vector<16xi1>, vector<16xi32>, vector<16xi32>)
          %masked_sort3A_1044 = arith.xori %masked_sort3A_1042, %masked_sort3A_1039 : vector<16xi32>
          %rev3A_1045 = arith.constant 15 : i32
          %rev3A_1046 = vector.broadcast %rev3A_1045 : i32 to vector<16xi32>
          %rev3A_1047 = tpu.iota {dimensions = array<i32: 0>} : vector<16xi32>
          %rev3A_1048 = arith.subi %rev3A_1046, %rev3A_1047 : vector<16xi32>
          %rev3A_1049 = tpu.dynamic_gather %masked_sort3A_1044[%rev3A_1048] in [0] : vector<16xi32>, vector<16xi32> -> vector<16xi32>
          %rev3A_1050 = arith.constant 15 : i32
          %rev3A_1051 = vector.broadcast %rev3A_1050 : i32 to vector<16xi32>
          %rev3A_1052 = tpu.iota {dimensions = array<i32: 0>} : vector<16xi32>
          %rev3A_1053 = arith.subi %rev3A_1051, %rev3A_1052 : vector<16xi32>
          %rev3A_1054 = tpu.dynamic_gather %masked_sort3A_1043[%rev3A_1053] in [0] : vector<16xi32>, vector<16xi32> -> vector<16xi32>
          %le3A_1055 = arith.cmpi sle, %masked_sort3A_929, %rev3A_1049 : vector<16xi32>
          %select_n3A_1056 = arith.select %le3A_1055, %masked_sort3A_929, %rev3A_1049 : vector<16xi1>, vector<16xi32>
          %select_n3A_1057 = arith.select %le3A_1055, %masked_sort3A_928, %rev3A_1054 : vector<16xi1>, vector<16xi32>
          %select_n3A_1058 = arith.select %le3A_1055, %rev3A_1049, %masked_sort3A_929 : vector<16xi1>, vector<16xi32>
          %select_n3A_1059 = arith.select %le3A_1055, %rev3A_1054, %masked_sort3A_928 : vector<16xi1>, vector<16xi32>
          %masked_sort3A_1060 = arith.constant dense<true> : vector<16xi1>
          %masked_sort3A_1061 = arith.constant -2147483648 : i32
          %masked_sort3A_1062 = vector.broadcast %masked_sort3A_1061 : i32 to vector<16xi32>
          %masked_sort3A_1063 = arith.xori %select_n3A_1056, %masked_sort3A_1062 : vector<16xi32>
          %masked_sort3A_1064, %masked_sort3A_1065, %masked_sort3A_1066 = tpu.sort %masked_sort3A_1063, %select_n3A_1057 masked %masked_sort3A_1060 : (vector<16xi32>, vector<16xi32>, vector<16xi1>) -> (vector<16xi1>, vector<16xi32>, vector<16xi32>)
          %masked_sort3A_1067 = arith.xori %masked_sort3A_1065, %masked_sort3A_1062 : vector<16xi32>
          %masked_sort3A_1068 = arith.constant dense<true> : vector<16xi1>
          %masked_sort3A_1069 = arith.constant -2147483648 : i32
          %masked_sort3A_1070 = vector.broadcast %masked_sort3A_1069 : i32 to vector<16xi32>
          %masked_sort3A_1071 = arith.xori %select_n3A_1058, %masked_sort3A_1070 : vector<16xi32>
          %masked_sort3A_1072, %masked_sort3A_1073, %masked_sort3A_1074 = tpu.sort %masked_sort3A_1071, %select_n3A_1059 masked %masked_sort3A_1068 : (vector<16xi32>, vector<16xi32>, vector<16xi1>) -> (vector<16xi1>, vector<16xi32>, vector<16xi32>)
          %masked_sort3A_1075 = arith.xori %masked_sort3A_1073, %masked_sort3A_1070 : vector<16xi32>
          %rev3A_1076 = arith.constant 15 : i32
          %rev3A_1077 = vector.broadcast %rev3A_1076 : i32 to vector<16xi32>
          %rev3A_1078 = tpu.iota {dimensions = array<i32: 0>} : vector<16xi32>
          %rev3A_1079 = arith.subi %rev3A_1077, %rev3A_1078 : vector<16xi32>
          %rev3A_1080 = tpu.dynamic_gather %masked_sort3A_1075[%rev3A_1079] in [0] : vector<16xi32>, vector<16xi32> -> vector<16xi32>
          %rev3A_1081 = arith.constant 15 : i32
          %rev3A_1082 = vector.broadcast %rev3A_1081 : i32 to vector<16xi32>
          %rev3A_1083 = tpu.iota {dimensions = array<i32: 0>} : vector<16xi32>
          %rev3A_1084 = arith.subi %rev3A_1082, %rev3A_1083 : vector<16xi32>
          %rev3A_1085 = tpu.dynamic_gather %masked_sort3A_1074[%rev3A_1084] in [0] : vector<16xi32>, vector<16xi32> -> vector<16xi32>
          %le3A_1086 = arith.cmpi sle, %masked_sort3A_960, %rev3A_1080 : vector<16xi32>
          %select_n3A_1087 = arith.select %le3A_1086, %masked_sort3A_960, %rev3A_1080 : vector<16xi1>, vector<16xi32>
          %select_n3A_1088 = arith.select %le3A_1086, %masked_sort3A_959, %rev3A_1085 : vector<16xi1>, vector<16xi32>
          %select_n3A_1089 = arith.select %le3A_1086, %rev3A_1080, %masked_sort3A_960 : vector<16xi1>, vector<16xi32>
          %select_n3A_1090 = arith.select %le3A_1086, %rev3A_1085, %masked_sort3A_959 : vector<16xi1>, vector<16xi32>
          %masked_sort3A_1091 = arith.constant dense<true> : vector<16xi1>
          %masked_sort3A_1092 = arith.constant -2147483648 : i32
          %masked_sort3A_1093 = vector.broadcast %masked_sort3A_1092 : i32 to vector<16xi32>
          %masked_sort3A_1094 = arith.xori %select_n3A_1087, %masked_sort3A_1093 : vector<16xi32>
          %masked_sort3A_1095, %masked_sort3A_1096, %masked_sort3A_1097 = tpu.sort %masked_sort3A_1094, %select_n3A_1088 masked %masked_sort3A_1091 : (vector<16xi32>, vector<16xi32>, vector<16xi1>) -> (vector<16xi1>, vector<16xi32>, vector<16xi32>)
          %masked_sort3A_1098 = arith.xori %masked_sort3A_1096, %masked_sort3A_1093 : vector<16xi32>
          %masked_sort3A_1099 = arith.constant dense<true> : vector<16xi1>
          %masked_sort3A_1100 = arith.constant -2147483648 : i32
          %masked_sort3A_1101 = vector.broadcast %masked_sort3A_1100 : i32 to vector<16xi32>
          %masked_sort3A_1102 = arith.xori %select_n3A_1089, %masked_sort3A_1101 : vector<16xi32>
          %masked_sort3A_1103, %masked_sort3A_1104, %masked_sort3A_1105 = tpu.sort %masked_sort3A_1102, %select_n3A_1090 masked %masked_sort3A_1099 : (vector<16xi32>, vector<16xi32>, vector<16xi1>) -> (vector<16xi1>, vector<16xi32>, vector<16xi32>)
          %masked_sort3A_1106 = arith.xori %masked_sort3A_1104, %masked_sort3A_1101 : vector<16xi32>
          %rev3A_1107 = arith.constant 15 : i32
          %rev3A_1108 = vector.broadcast %rev3A_1107 : i32 to vector<16xi32>
          %rev3A_1109 = tpu.iota {dimensions = array<i32: 0>} : vector<16xi32>
          %rev3A_1110 = arith.subi %rev3A_1108, %rev3A_1109 : vector<16xi32>
          %rev3A_1111 = tpu.dynamic_gather %masked_sort3A_1106[%rev3A_1110] in [0] : vector<16xi32>, vector<16xi32> -> vector<16xi32>
          %rev3A_1112 = arith.constant 15 : i32
          %rev3A_1113 = vector.broadcast %rev3A_1112 : i32 to vector<16xi32>
          %rev3A_1114 = tpu.iota {dimensions = array<i32: 0>} : vector<16xi32>
          %rev3A_1115 = arith.subi %rev3A_1113, %rev3A_1114 : vector<16xi32>
          %rev3A_1116 = tpu.dynamic_gather %masked_sort3A_1105[%rev3A_1115] in [0] : vector<16xi32>, vector<16xi32> -> vector<16xi32>
          %le3A_1117 = arith.cmpi sle, %masked_sort3A_991, %rev3A_1111 : vector<16xi32>
          %select_n3A_1118 = arith.select %le3A_1117, %masked_sort3A_991, %rev3A_1111 : vector<16xi1>, vector<16xi32>
          %select_n3A_1119 = arith.select %le3A_1117, %masked_sort3A_990, %rev3A_1116 : vector<16xi1>, vector<16xi32>
          %select_n3A_1120 = arith.select %le3A_1117, %rev3A_1111, %masked_sort3A_991 : vector<16xi1>, vector<16xi32>
          %select_n3A_1121 = arith.select %le3A_1117, %rev3A_1116, %masked_sort3A_990 : vector<16xi1>, vector<16xi32>
          %masked_sort3A_1122 = arith.constant dense<true> : vector<16xi1>
          %masked_sort3A_1123 = arith.constant -2147483648 : i32
          %masked_sort3A_1124 = vector.broadcast %masked_sort3A_1123 : i32 to vector<16xi32>
          %masked_sort3A_1125 = arith.xori %select_n3A_1118, %masked_sort3A_1124 : vector<16xi32>
          %masked_sort3A_1126, %masked_sort3A_1127, %masked_sort3A_1128 = tpu.sort %masked_sort3A_1125, %select_n3A_1119 masked %masked_sort3A_1122 : (vector<16xi32>, vector<16xi32>, vector<16xi1>) -> (vector<16xi1>, vector<16xi32>, vector<16xi32>)
          %masked_sort3A_1129 = arith.xori %masked_sort3A_1127, %masked_sort3A_1124 : vector<16xi32>
          %masked_sort3A_1130 = arith.constant dense<true> : vector<16xi1>
          %masked_sort3A_1131 = arith.constant -2147483648 : i32
          %masked_sort3A_1132 = vector.broadcast %masked_sort3A_1131 : i32 to vector<16xi32>
          %masked_sort3A_1133 = arith.xori %select_n3A_1120, %masked_sort3A_1132 : vector<16xi32>
          %masked_sort3A_1134, %masked_sort3A_1135, %masked_sort3A_1136 = tpu.sort %masked_sort3A_1133, %select_n3A_1121 masked %masked_sort3A_1130 : (vector<16xi32>, vector<16xi32>, vector<16xi1>) -> (vector<16xi1>, vector<16xi32>, vector<16xi32>)
          %masked_sort3A_1137 = arith.xori %masked_sort3A_1135, %masked_sort3A_1132 : vector<16xi32>
          %rev3A_1138 = arith.constant 15 : i32
          %rev3A_1139 = vector.broadcast %rev3A_1138 : i32 to vector<16xi32>
          %rev3A_1140 = tpu.iota {dimensions = array<i32: 0>} : vector<16xi32>
          %rev3A_1141 = arith.subi %rev3A_1139, %rev3A_1140 : vector<16xi32>
          %rev3A_1142 = tpu.dynamic_gather %masked_sort3A_1137[%rev3A_1141] in [0] : vector<16xi32>, vector<16xi32> -> vector<16xi32>
          %rev3A_1143 = arith.constant 15 : i32
          %rev3A_1144 = vector.broadcast %rev3A_1143 : i32 to vector<16xi32>
          %rev3A_1145 = tpu.iota {dimensions = array<i32: 0>} : vector<16xi32>
          %rev3A_1146 = arith.subi %rev3A_1144, %rev3A_1145 : vector<16xi32>
          %rev3A_1147 = tpu.dynamic_gather %masked_sort3A_1136[%rev3A_1146] in [0] : vector<16xi32>, vector<16xi32> -> vector<16xi32>
          %le3A_1148 = arith.cmpi sle, %masked_sort3A_1022, %rev3A_1142 : vector<16xi32>
          %select_n3A_1149 = arith.select %le3A_1148, %masked_sort3A_1022, %rev3A_1142 : vector<16xi1>, vector<16xi32>
          %select_n3A_1150 = arith.select %le3A_1148, %masked_sort3A_1021, %rev3A_1147 : vector<16xi1>, vector<16xi32>
          %select_n3A_1151 = arith.select %le3A_1148, %rev3A_1142, %masked_sort3A_1022 : vector<16xi1>, vector<16xi32>
          %select_n3A_1152 = arith.select %le3A_1148, %rev3A_1147, %masked_sort3A_1021 : vector<16xi1>, vector<16xi32>
          %masked_sort3A_1153 = arith.constant dense<true> : vector<16xi1>
          %masked_sort3A_1154 = arith.constant -2147483648 : i32
          %masked_sort3A_1155 = vector.broadcast %masked_sort3A_1154 : i32 to vector<16xi32>
          %masked_sort3A_1156 = arith.xori %select_n3A_1149, %masked_sort3A_1155 : vector<16xi32>
          %masked_sort3A_1157, %masked_sort3A_1158, %masked_sort3A_1159 = tpu.sort %masked_sort3A_1156, %select_n3A_1150 masked %masked_sort3A_1153 : (vector<16xi32>, vector<16xi32>, vector<16xi1>) -> (vector<16xi1>, vector<16xi32>, vector<16xi32>)
          %masked_sort3A_1160 = arith.xori %masked_sort3A_1158, %masked_sort3A_1155 : vector<16xi32>
          %masked_sort3A_1161 = arith.constant dense<true> : vector<16xi1>
          %masked_sort3A_1162 = arith.constant -2147483648 : i32
          %masked_sort3A_1163 = vector.broadcast %masked_sort3A_1162 : i32 to vector<16xi32>
          %masked_sort3A_1164 = arith.xori %select_n3A_1151, %masked_sort3A_1163 : vector<16xi32>
          %masked_sort3A_1165, %masked_sort3A_1166, %masked_sort3A_1167 = tpu.sort %masked_sort3A_1164, %select_n3A_1152 masked %masked_sort3A_1161 : (vector<16xi32>, vector<16xi32>, vector<16xi1>) -> (vector<16xi1>, vector<16xi32>, vector<16xi32>)
          %masked_sort3A_1168 = arith.xori %masked_sort3A_1166, %masked_sort3A_1163 : vector<16xi32>
          %broadcast_in_dim3A_1169 = arith.constant 1 : i32
          %broadcast_in_dim3A_1170 = vector.broadcast %broadcast_in_dim3A_1169 : i32 to vector<16xi32>
          %mul3A_1171 = arith.constant 48 : i32
          %mul3A_1172 = vector.broadcast %mul3A_1171 : i32 to vector<16xi32>
          %mul3A_1173 = arith.muli %broadcast_in_dim3A_1170, %mul3A_1172 : vector<16xi32>
          %add3A_1174 = arith.addi %iota3A, %mul3A_1173 : vector<16xi32>
          %masked_sort3A_1175 = arith.constant dense<true> : vector<16xi1>
          %masked_sort3A_1176 = arith.constant -2147483648 : i32
          %masked_sort3A_1177 = vector.broadcast %masked_sort3A_1176 : i32 to vector<16xi32>
          %masked_sort3A_1178 = arith.xori %add3A_402, %masked_sort3A_1177 : vector<16xi32>
          %masked_sort3A_1179, %masked_sort3A_1180, %masked_sort3A_1181 = tpu.sort %masked_sort3A_1178, %add3A_1174 masked %masked_sort3A_1175 : (vector<16xi32>, vector<16xi32>, vector<16xi1>) -> (vector<16xi1>, vector<16xi32>, vector<16xi32>)
          %masked_sort3A_1182 = arith.xori %masked_sort3A_1180, %masked_sort3A_1177 : vector<16xi32>
          %rev3A_1183 = arith.constant 15 : i32
          %rev3A_1184 = vector.broadcast %rev3A_1183 : i32 to vector<16xi32>
          %rev3A_1185 = tpu.iota {dimensions = array<i32: 0>} : vector<16xi32>
          %rev3A_1186 = arith.subi %rev3A_1184, %rev3A_1185 : vector<16xi32>
          %rev3A_1187 = tpu.dynamic_gather %masked_sort3A_1182[%rev3A_1186] in [0] : vector<16xi32>, vector<16xi32> -> vector<16xi32>
          %rev3A_1188 = arith.constant 15 : i32
          %rev3A_1189 = vector.broadcast %rev3A_1188 : i32 to vector<16xi32>
          %rev3A_1190 = tpu.iota {dimensions = array<i32: 0>} : vector<16xi32>
          %rev3A_1191 = arith.subi %rev3A_1189, %rev3A_1190 : vector<16xi32>
          %rev3A_1192 = tpu.dynamic_gather %masked_sort3A_1181[%rev3A_1191] in [0] : vector<16xi32>, vector<16xi32> -> vector<16xi32>
          %le3A_1193 = arith.cmpi sle, %masked_sort3A_1067, %rev3A_1187 : vector<16xi32>
          %select_n3A_1194 = arith.select %le3A_1193, %masked_sort3A_1067, %rev3A_1187 : vector<16xi1>, vector<16xi32>
          %select_n3A_1195 = arith.select %le3A_1193, %masked_sort3A_1066, %rev3A_1192 : vector<16xi1>, vector<16xi32>
          %select_n3A_1196 = arith.select %le3A_1193, %rev3A_1187, %masked_sort3A_1067 : vector<16xi1>, vector<16xi32>
          %select_n3A_1197 = arith.select %le3A_1193, %rev3A_1192, %masked_sort3A_1066 : vector<16xi1>, vector<16xi32>
          %masked_sort3A_1198 = arith.constant dense<true> : vector<16xi1>
          %masked_sort3A_1199 = arith.constant -2147483648 : i32
          %masked_sort3A_1200 = vector.broadcast %masked_sort3A_1199 : i32 to vector<16xi32>
          %masked_sort3A_1201 = arith.xori %select_n3A_1194, %masked_sort3A_1200 : vector<16xi32>
          %masked_sort3A_1202, %masked_sort3A_1203, %masked_sort3A_1204 = tpu.sort %masked_sort3A_1201, %select_n3A_1195 masked %masked_sort3A_1198 : (vector<16xi32>, vector<16xi32>, vector<16xi1>) -> (vector<16xi1>, vector<16xi32>, vector<16xi32>)
          %masked_sort3A_1205 = arith.xori %masked_sort3A_1203, %masked_sort3A_1200 : vector<16xi32>
          %masked_sort3A_1206 = arith.constant dense<true> : vector<16xi1>
          %masked_sort3A_1207 = arith.constant -2147483648 : i32
          %masked_sort3A_1208 = vector.broadcast %masked_sort3A_1207 : i32 to vector<16xi32>
          %masked_sort3A_1209 = arith.xori %select_n3A_1196, %masked_sort3A_1208 : vector<16xi32>
          %masked_sort3A_1210, %masked_sort3A_1211, %masked_sort3A_1212 = tpu.sort %masked_sort3A_1209, %select_n3A_1197 masked %masked_sort3A_1206 : (vector<16xi32>, vector<16xi32>, vector<16xi1>) -> (vector<16xi1>, vector<16xi32>, vector<16xi32>)
          %masked_sort3A_1213 = arith.xori %masked_sort3A_1211, %masked_sort3A_1208 : vector<16xi32>
          %rev3A_1214 = arith.constant 15 : i32
          %rev3A_1215 = vector.broadcast %rev3A_1214 : i32 to vector<16xi32>
          %rev3A_1216 = tpu.iota {dimensions = array<i32: 0>} : vector<16xi32>
          %rev3A_1217 = arith.subi %rev3A_1215, %rev3A_1216 : vector<16xi32>
          %rev3A_1218 = tpu.dynamic_gather %masked_sort3A_1213[%rev3A_1217] in [0] : vector<16xi32>, vector<16xi32> -> vector<16xi32>
          %rev3A_1219 = arith.constant 15 : i32
          %rev3A_1220 = vector.broadcast %rev3A_1219 : i32 to vector<16xi32>
          %rev3A_1221 = tpu.iota {dimensions = array<i32: 0>} : vector<16xi32>
          %rev3A_1222 = arith.subi %rev3A_1220, %rev3A_1221 : vector<16xi32>
          %rev3A_1223 = tpu.dynamic_gather %masked_sort3A_1212[%rev3A_1222] in [0] : vector<16xi32>, vector<16xi32> -> vector<16xi32>
          %le3A_1224 = arith.cmpi sle, %masked_sort3A_1098, %rev3A_1218 : vector<16xi32>
          %select_n3A_1225 = arith.select %le3A_1224, %masked_sort3A_1098, %rev3A_1218 : vector<16xi1>, vector<16xi32>
          %select_n3A_1226 = arith.select %le3A_1224, %masked_sort3A_1097, %rev3A_1223 : vector<16xi1>, vector<16xi32>
          %select_n3A_1227 = arith.select %le3A_1224, %rev3A_1218, %masked_sort3A_1098 : vector<16xi1>, vector<16xi32>
          %select_n3A_1228 = arith.select %le3A_1224, %rev3A_1223, %masked_sort3A_1097 : vector<16xi1>, vector<16xi32>
          %masked_sort3A_1229 = arith.constant dense<true> : vector<16xi1>
          %masked_sort3A_1230 = arith.constant -2147483648 : i32
          %masked_sort3A_1231 = vector.broadcast %masked_sort3A_1230 : i32 to vector<16xi32>
          %masked_sort3A_1232 = arith.xori %select_n3A_1225, %masked_sort3A_1231 : vector<16xi32>
          %masked_sort3A_1233, %masked_sort3A_1234, %masked_sort3A_1235 = tpu.sort %masked_sort3A_1232, %select_n3A_1226 masked %masked_sort3A_1229 : (vector<16xi32>, vector<16xi32>, vector<16xi1>) -> (vector<16xi1>, vector<16xi32>, vector<16xi32>)
          %masked_sort3A_1236 = arith.xori %masked_sort3A_1234, %masked_sort3A_1231 : vector<16xi32>
          %masked_sort3A_1237 = arith.constant dense<true> : vector<16xi1>
          %masked_sort3A_1238 = arith.constant -2147483648 : i32
          %masked_sort3A_1239 = vector.broadcast %masked_sort3A_1238 : i32 to vector<16xi32>
          %masked_sort3A_1240 = arith.xori %select_n3A_1227, %masked_sort3A_1239 : vector<16xi32>
          %masked_sort3A_1241, %masked_sort3A_1242, %masked_sort3A_1243 = tpu.sort %masked_sort3A_1240, %select_n3A_1228 masked %masked_sort3A_1237 : (vector<16xi32>, vector<16xi32>, vector<16xi1>) -> (vector<16xi1>, vector<16xi32>, vector<16xi32>)
          %masked_sort3A_1244 = arith.xori %masked_sort3A_1242, %masked_sort3A_1239 : vector<16xi32>
          %rev3A_1245 = arith.constant 15 : i32
          %rev3A_1246 = vector.broadcast %rev3A_1245 : i32 to vector<16xi32>
          %rev3A_1247 = tpu.iota {dimensions = array<i32: 0>} : vector<16xi32>
          %rev3A_1248 = arith.subi %rev3A_1246, %rev3A_1247 : vector<16xi32>
          %rev3A_1249 = tpu.dynamic_gather %masked_sort3A_1244[%rev3A_1248] in [0] : vector<16xi32>, vector<16xi32> -> vector<16xi32>
          %rev3A_1250 = arith.constant 15 : i32
          %rev3A_1251 = vector.broadcast %rev3A_1250 : i32 to vector<16xi32>
          %rev3A_1252 = tpu.iota {dimensions = array<i32: 0>} : vector<16xi32>
          %rev3A_1253 = arith.subi %rev3A_1251, %rev3A_1252 : vector<16xi32>
          %rev3A_1254 = tpu.dynamic_gather %masked_sort3A_1243[%rev3A_1253] in [0] : vector<16xi32>, vector<16xi32> -> vector<16xi32>
          %le3A_1255 = arith.cmpi sle, %masked_sort3A_1129, %rev3A_1249 : vector<16xi32>
          %select_n3A_1256 = arith.select %le3A_1255, %masked_sort3A_1129, %rev3A_1249 : vector<16xi1>, vector<16xi32>
          %select_n3A_1257 = arith.select %le3A_1255, %masked_sort3A_1128, %rev3A_1254 : vector<16xi1>, vector<16xi32>
          %select_n3A_1258 = arith.select %le3A_1255, %rev3A_1249, %masked_sort3A_1129 : vector<16xi1>, vector<16xi32>
          %select_n3A_1259 = arith.select %le3A_1255, %rev3A_1254, %masked_sort3A_1128 : vector<16xi1>, vector<16xi32>
          %masked_sort3A_1260 = arith.constant dense<true> : vector<16xi1>
          %masked_sort3A_1261 = arith.constant -2147483648 : i32
          %masked_sort3A_1262 = vector.broadcast %masked_sort3A_1261 : i32 to vector<16xi32>
          %masked_sort3A_1263 = arith.xori %select_n3A_1256, %masked_sort3A_1262 : vector<16xi32>
          %masked_sort3A_1264, %masked_sort3A_1265, %masked_sort3A_1266 = tpu.sort %masked_sort3A_1263, %select_n3A_1257 masked %masked_sort3A_1260 : (vector<16xi32>, vector<16xi32>, vector<16xi1>) -> (vector<16xi1>, vector<16xi32>, vector<16xi32>)
          %masked_sort3A_1267 = arith.xori %masked_sort3A_1265, %masked_sort3A_1262 : vector<16xi32>
          %masked_sort3A_1268 = arith.constant dense<true> : vector<16xi1>
          %masked_sort3A_1269 = arith.constant -2147483648 : i32
          %masked_sort3A_1270 = vector.broadcast %masked_sort3A_1269 : i32 to vector<16xi32>
          %masked_sort3A_1271 = arith.xori %select_n3A_1258, %masked_sort3A_1270 : vector<16xi32>
          %masked_sort3A_1272, %masked_sort3A_1273, %masked_sort3A_1274 = tpu.sort %masked_sort3A_1271, %select_n3A_1259 masked %masked_sort3A_1268 : (vector<16xi32>, vector<16xi32>, vector<16xi1>) -> (vector<16xi1>, vector<16xi32>, vector<16xi32>)
          %masked_sort3A_1275 = arith.xori %masked_sort3A_1273, %masked_sort3A_1270 : vector<16xi32>
          %rev3A_1276 = arith.constant 15 : i32
          %rev3A_1277 = vector.broadcast %rev3A_1276 : i32 to vector<16xi32>
          %rev3A_1278 = tpu.iota {dimensions = array<i32: 0>} : vector<16xi32>
          %rev3A_1279 = arith.subi %rev3A_1277, %rev3A_1278 : vector<16xi32>
          %rev3A_1280 = tpu.dynamic_gather %masked_sort3A_1275[%rev3A_1279] in [0] : vector<16xi32>, vector<16xi32> -> vector<16xi32>
          %rev3A_1281 = arith.constant 15 : i32
          %rev3A_1282 = vector.broadcast %rev3A_1281 : i32 to vector<16xi32>
          %rev3A_1283 = tpu.iota {dimensions = array<i32: 0>} : vector<16xi32>
          %rev3A_1284 = arith.subi %rev3A_1282, %rev3A_1283 : vector<16xi32>
          %rev3A_1285 = tpu.dynamic_gather %masked_sort3A_1274[%rev3A_1284] in [0] : vector<16xi32>, vector<16xi32> -> vector<16xi32>
          %le3A_1286 = arith.cmpi sle, %masked_sort3A_1160, %rev3A_1280 : vector<16xi32>
          %select_n3A_1287 = arith.select %le3A_1286, %masked_sort3A_1160, %rev3A_1280 : vector<16xi1>, vector<16xi32>
          %select_n3A_1288 = arith.select %le3A_1286, %masked_sort3A_1159, %rev3A_1285 : vector<16xi1>, vector<16xi32>
          %select_n3A_1289 = arith.select %le3A_1286, %rev3A_1280, %masked_sort3A_1160 : vector<16xi1>, vector<16xi32>
          %select_n3A_1290 = arith.select %le3A_1286, %rev3A_1285, %masked_sort3A_1159 : vector<16xi1>, vector<16xi32>
          %masked_sort3A_1291 = arith.constant dense<true> : vector<16xi1>
          %masked_sort3A_1292 = arith.constant -2147483648 : i32
          %masked_sort3A_1293 = vector.broadcast %masked_sort3A_1292 : i32 to vector<16xi32>
          %masked_sort3A_1294 = arith.xori %select_n3A_1287, %masked_sort3A_1293 : vector<16xi32>
          %masked_sort3A_1295, %masked_sort3A_1296, %masked_sort3A_1297 = tpu.sort %masked_sort3A_1294, %select_n3A_1288 masked %masked_sort3A_1291 : (vector<16xi32>, vector<16xi32>, vector<16xi1>) -> (vector<16xi1>, vector<16xi32>, vector<16xi32>)
          %masked_sort3A_1298 = arith.xori %masked_sort3A_1296, %masked_sort3A_1293 : vector<16xi32>
          %masked_sort3A_1299 = arith.constant dense<true> : vector<16xi1>
          %masked_sort3A_1300 = arith.constant -2147483648 : i32
          %masked_sort3A_1301 = vector.broadcast %masked_sort3A_1300 : i32 to vector<16xi32>
          %masked_sort3A_1302 = arith.xori %select_n3A_1289, %masked_sort3A_1301 : vector<16xi32>
          %masked_sort3A_1303, %masked_sort3A_1304, %masked_sort3A_1305 = tpu.sort %masked_sort3A_1302, %select_n3A_1290 masked %masked_sort3A_1299 : (vector<16xi32>, vector<16xi32>, vector<16xi1>) -> (vector<16xi1>, vector<16xi32>, vector<16xi32>)
          %masked_sort3A_1306 = arith.xori %masked_sort3A_1304, %masked_sort3A_1301 : vector<16xi32>
          %gather3A_1307 = tpu.vector_load_idx %arg22[%masked_sort3A_1204] : memref<64xf32, #tpu.memory_space<vmem>>[vector<16xi32>], vector<16xf32>,
          %gather3A_1308 = tpu.vector_load_idx %arg23[%masked_sort3A_1204] : memref<64xi32, #tpu.memory_space<vmem>>[vector<16xi32>], vector<16xi32>,
          %gather3A_1309 = tpu.vector_load_idx %arg22[%masked_sort3A_1235] : memref<64xf32, #tpu.memory_space<vmem>>[vector<16xi32>], vector<16xf32>,
          %gather3A_1310 = tpu.vector_load_idx %arg23[%masked_sort3A_1235] : memref<64xi32, #tpu.memory_space<vmem>>[vector<16xi32>], vector<16xi32>,
          %gather3A_1311 = tpu.vector_load_idx %arg22[%masked_sort3A_1266] : memref<64xf32, #tpu.memory_space<vmem>>[vector<16xi32>], vector<16xf32>,
          %gather3A_1312 = tpu.vector_load_idx %arg23[%masked_sort3A_1266] : memref<64xi32, #tpu.memory_space<vmem>>[vector<16xi32>], vector<16xi32>,
          %gather3A_1313 = tpu.vector_load_idx %arg22[%masked_sort3A_1297] : memref<64xf32, #tpu.memory_space<vmem>>[vector<16xi32>], vector<16xf32>,
          %gather3A_1314 = tpu.vector_load_idx %arg23[%masked_sort3A_1297] : memref<64xi32, #tpu.memory_space<vmem>>[vector<16xi32>], vector<16xi32>,
          scf.yield %gather3A_1307, %gather3A_1308, %gather3A_1309, %gather3A_1310, %gather3A_1311, %gather3A_1312, %gather3A_1313, %gather3A_1314 : vector<16xf32>, vector<16xi32>, vector<16xf32>, vector<16xi32>, vector<16xf32>, vector<16xi32>, vector<16xf32>, vector<16xi32>
        } else {
          scf.yield %while3A_225#0, %while3A_225#1, %while3A_225#2, %while3A_225#3, %while3A_225#4, %while3A_225#5, %while3A_225#6, %while3A_225#7 : vector<16xf32>, vector<16xi32>, vector<16xf32>, vector<16xi32>, vector<16xf32>, vector<16xi32>, vector<16xf32>, vector<16xi32>
        }
        %broadcast_in_dim3A_406 = arith.constant 1 : i32
        %broadcast_in_dim3A_407 = vector.broadcast %broadcast_in_dim3A_406 : i32 to vector<16xi32>
        %mul3A_408 = vector.broadcast %sub3A_104 : i32 to vector<16xi32>
        %mul3A_409 = arith.muli %broadcast_in_dim3A_407, %mul3A_408 : vector<16xi32>
        %gather3A_410 = tpu.vector_load_idx %arg12[%mul3A_409] : memref<1024xf32, #tpu.memory_space<vmem>>[vector<16xi32>], vector<16xf32>,
        %gather3A_411 = tpu.vector_load_idx %arg13[%mul3A_409] : memref<1024xf32, #tpu.memory_space<vmem>>[vector<16xi32>], vector<16xf32>,
        %gather3A_412 = tpu.vector_load_idx %arg14[%mul3A_409] : memref<1024xf32, #tpu.memory_space<vmem>>[vector<16xi32>], vector<16xf32>,
        %mul3A_413 = arith.constant 64 : i32
        %mul3A_414 = arith.muli %sub3A_105, %mul3A_413 : i32
        %mul3A_415 = arith.constant 64 : i32
        %mul3A_416 = arith.muli %sub3A_105, %mul3A_415 : i32
        %mul3A_417 = arith.constant 3 : i32
        %mul3A_418 = arith.muli %mul3A_416, %mul3A_417 : i32
        %broadcast_in_dim3A_419 = arith.constant 1 : i32
        %broadcast_in_dim3A_420 = vector.broadcast %broadcast_in_dim3A_419 : i32 to vector<16xi32>
        %mul3A_421 = vector.broadcast %mul3A_20 : i32 to vector<16xi32>
        %mul3A_422 = arith.muli %broadcast_in_dim3A_420, %mul3A_421 : vector<16xi32>
        %add3A_423 = arith.addi %cond3A_405#1, %mul3A_422 : vector<16xi32>
        %add3A_424 = arith.constant 0 : i32
        %add3A_425 = arith.addi %mul3A_414, %add3A_424 : i32
        %swap3A_426 = arith.index_cast %add3A_425 : i32 to index
        %swap3A_427 = tpu.vector_load %arg18[%swap3A_426] {strides = array<i32>} : memref<16384xi32, #tpu.memory_space<vmem>>, vector<16xi32>,
        tpu.vector_store %arg18[%swap3A_426], %add3A_423 {strides = array<i32>} : memref<16384xi32, #tpu.memory_space<vmem>>, vector<16xi32>,
        %lt3A_428 = arith.constant 4.900000e+01 : f32
        %lt3A_429 = vector.broadcast %lt3A_428 : f32 to vector<16xf32>
        %lt3A_430 = arith.cmpf olt, %cond3A_405#0, %lt3A_429 : vector<16xf32>
        %convert_element_type3A_431 = arith.extui %lt3A_430 : vector<16xi1> to vector<16xi32>
        %add3A_432 = arith.constant 0 : i32
        %add3A_433 = arith.addi %mul3A_414, %add3A_432 : i32
        %swap3A_434 = arith.index_cast %add3A_433 : i32 to index
        %swap3A_435 = tpu.vector_load %arg21[%swap3A_434] {strides = array<i32>} : memref<16384xi32, #tpu.memory_space<vmem>>, vector<16xi32>,
        tpu.vector_store %arg21[%swap3A_434], %convert_element_type3A_431 {strides = array<i32>} : memref<16384xi32, #tpu.memory_space<vmem>>, vector<16xi32>,
        %max3A_436 = arith.constant 1.000000e-30 : f32
        %max3A_437 = vector.broadcast %max3A_436 : f32 to vector<16xf32>
        %max3A_438 = arith.maximumf %cond3A_405#0, %max3A_437 : vector<16xf32>
        %bitcast3A = vector.bitcast %max3A_438 : vector<16xf32> to vector<16xi32>
        %broadcast_in_dim3A_439 = arith.constant 1 : i32
        %broadcast_in_dim3A_440 = vector.broadcast %broadcast_in_dim3A_439 : i32 to vector<16xi32>
        %mul3A_441 = arith.constant 1597463007 : i32
        %mul3A_442 = vector.broadcast %mul3A_441 : i32 to vector<16xi32>
        %mul3A_443 = arith.muli %broadcast_in_dim3A_440, %mul3A_442 : vector<16xi32>
        %shift_right_logical3A = arith.constant 1 : i32
        %shift_right_logical3A_444 = vector.broadcast %shift_right_logical3A : i32 to vector<16xi32>
        %shift_right_logical3A_445 = arith.shrui %bitcast3A, %shift_right_logical3A_444 : vector<16xi32>
        %sub3A_446 = arith.subi %mul3A_443, %shift_right_logical3A_445 : vector<16xi32>
        %bitcast3A_447 = vector.bitcast %sub3A_446 : vector<16xi32> to vector<16xf32>
        %mul3A_448 = arith.constant -5.000000e-01 : f32
        %mul3A_449 = vector.broadcast %mul3A_448 : f32 to vector<16xf32>
        %mul3A_450 = arith.mulf %max3A_438, %mul3A_449 : vector<16xf32>
        %mul3A_451 = arith.mulf %mul3A_450, %bitcast3A_447 : vector<16xf32>
        %mul3A_452 = arith.mulf %mul3A_451, %bitcast3A_447 : vector<16xf32>
        %add3A_453 = arith.constant 1.500000e+00 : f32
        %add3A_454 = vector.broadcast %add3A_453 : f32 to vector<16xf32>
        %add3A_455 = arith.addf %mul3A_452, %add3A_454 : vector<16xf32>
        %mul3A_456 = arith.mulf %bitcast3A_447, %add3A_455 : vector<16xf32>
        %mul3A_457 = arith.mulf %mul3A_450, %mul3A_456 : vector<16xf32>
        %mul3A_458 = arith.mulf %mul3A_457, %mul3A_456 : vector<16xf32>
        %add3A_459 = arith.constant 1.500000e+00 : f32
        %add3A_460 = vector.broadcast %add3A_459 : f32 to vector<16xf32>
        %add3A_461 = arith.addf %mul3A_458, %add3A_460 : vector<16xf32>
        %mul3A_462 = arith.mulf %mul3A_456, %add3A_461 : vector<16xf32>
        %mul3A_463 = arith.mulf %mul3A_450, %mul3A_462 : vector<16xf32>
        %mul3A_464 = arith.mulf %mul3A_463, %mul3A_462 : vector<16xf32>
        %add3A_465 = arith.constant 1.500000e+00 : f32
        %add3A_466 = vector.broadcast %add3A_465 : f32 to vector<16xf32>
        %add3A_467 = arith.addf %mul3A_464, %add3A_466 : vector<16xf32>
        %mul3A_468 = arith.mulf %mul3A_462, %add3A_467 : vector<16xf32>
        %mul3A_469 = arith.mulf %cond3A_405#0, %mul3A_468 : vector<16xf32>
        %jit3A_470 = arith.constant 0.000000e+00 : f32
        %broadcast_in_dim3A_471 = vector.broadcast %jit3A_470 : f32 to vector<16xf32>
        %select_n3A_472 = arith.select %lt3A_430, %mul3A_469, %broadcast_in_dim3A_471 : vector<16xi1>, vector<16xf32>
        %add3A_473 = arith.constant 0 : i32
        %add3A_474 = arith.addi %mul3A_414, %add3A_473 : i32
        %swap3A_475 = arith.index_cast %add3A_474 : i32 to index
        %swap3A_476 = tpu.vector_load %arg19[%swap3A_475] {strides = array<i32>} : memref<16384xf32, #tpu.memory_space<vmem>>, vector<16xf32>,
        tpu.vector_store %arg19[%swap3A_475], %select_n3A_472 {strides = array<i32>} : memref<16384xf32, #tpu.memory_space<vmem>>, vector<16xf32>,
        %jit3A_477 = arith.constant 1.000000e+00 : f32
        %jit3A_478 = arith.constant 0.000000e+00 : f32
        %broadcast_in_dim3A_479 = vector.broadcast %jit3A_477 : f32 to vector<16xf32>
        %broadcast_in_dim3A_480 = vector.broadcast %jit3A_478 : f32 to vector<16xf32>
        %select_n3A_481 = arith.select %lt3A_430, %broadcast_in_dim3A_479, %broadcast_in_dim3A_480 : vector<16xi1>, vector<16xf32>
        %add3A_482 = arith.constant 0 : i32
        %add3A_483 = arith.addi %mul3A_418, %add3A_482 : i32
        %broadcast_in_dim3A_484 = arith.constant 1 : i32
        %broadcast_in_dim3A_485 = vector.broadcast %broadcast_in_dim3A_484 : i32 to vector<16xi32>
        %mul3A_486 = vector.broadcast %add3A_483 : i32 to vector<16xi32>
        %mul3A_487 = arith.muli %broadcast_in_dim3A_485, %mul3A_486 : vector<16xi32>
        %add3A_488 = arith.addi %mul3A_487, %mul3A_23 : vector<16xi32>
        %gather3A_489 = tpu.vector_load_idx %arg12[%cond3A_405#1] : memref<1024xf32, #tpu.memory_space<vmem>>[vector<16xi32>], vector<16xf32>,
        %sub3A_490 = arith.subf %gather3A_489, %gather3A_410 : vector<16xf32>
        %mul3A_491 = arith.mulf %sub3A_490, %select_n3A_481 : vector<16xf32>
        tpu.vector_store_idx %arg20[%add3A_488], %mul3A_491 : memref<49152xf32, #tpu.memory_space<vmem>>[vector<16xi32>], vector<16xf32>,
        %gather3A_492 = tpu.vector_load_idx %arg13[%cond3A_405#1] : memref<1024xf32, #tpu.memory_space<vmem>>[vector<16xi32>], vector<16xf32>,
        %add3A_493 = arith.addi %add3A_488, %broadcast_in_dim3A_24 : vector<16xi32>
        %sub3A_494 = arith.subf %gather3A_492, %gather3A_411 : vector<16xf32>
        %mul3A_495 = arith.mulf %sub3A_494, %select_n3A_481 : vector<16xf32>
        tpu.vector_store_idx %arg20[%add3A_493], %mul3A_495 : memref<49152xf32, #tpu.memory_space<vmem>>[vector<16xi32>], vector<16xf32>,
        %gather3A_496 = tpu.vector_load_idx %arg14[%cond3A_405#1] : memref<1024xf32, #tpu.memory_space<vmem>>[vector<16xi32>], vector<16xf32>,
        %add3A_497 = arith.addi %add3A_488, %broadcast_in_dim3A_24 : vector<16xi32>
        %add3A_498 = arith.addi %add3A_497, %broadcast_in_dim3A_24 : vector<16xi32>
        %sub3A_499 = arith.subf %gather3A_496, %gather3A_412 : vector<16xf32>
        %mul3A_500 = arith.mulf %sub3A_499, %select_n3A_481 : vector<16xf32>
        tpu.vector_store_idx %arg20[%add3A_498], %mul3A_500 : memref<49152xf32, #tpu.memory_space<vmem>>[vector<16xi32>], vector<16xf32>,
        %broadcast_in_dim3A_501 = arith.constant 1 : i32
        %broadcast_in_dim3A_502 = vector.broadcast %broadcast_in_dim3A_501 : i32 to vector<16xi32>
        %mul3A_503 = vector.broadcast %mul3A_20 : i32 to vector<16xi32>
        %mul3A_504 = arith.muli %broadcast_in_dim3A_502, %mul3A_503 : vector<16xi32>
        %add3A_505 = arith.addi %cond3A_405#3, %mul3A_504 : vector<16xi32>
        %add3A_506 = arith.constant 16 : i32
        %add3A_507 = arith.addi %mul3A_414, %add3A_506 : i32
        %swap3A_508 = arith.index_cast %add3A_507 : i32 to index
        %swap3A_509 = tpu.vector_load %arg18[%swap3A_508] {strides = array<i32>} : memref<16384xi32, #tpu.memory_space<vmem>>, vector<16xi32>,
        tpu.vector_store %arg18[%swap3A_508], %add3A_505 {strides = array<i32>} : memref<16384xi32, #tpu.memory_space<vmem>>, vector<16xi32>,
        %lt3A_510 = arith.constant 4.900000e+01 : f32
        %lt3A_511 = vector.broadcast %lt3A_510 : f32 to vector<16xf32>
        %lt3A_512 = arith.cmpf olt, %cond3A_405#2, %lt3A_511 : vector<16xf32>
        %convert_element_type3A_513 = arith.extui %lt3A_512 : vector<16xi1> to vector<16xi32>
        %add3A_514 = arith.constant 16 : i32
        %add3A_515 = arith.addi %mul3A_414, %add3A_514 : i32
        %swap3A_516 = arith.index_cast %add3A_515 : i32 to index
        %swap3A_517 = tpu.vector_load %arg21[%swap3A_516] {strides = array<i32>} : memref<16384xi32, #tpu.memory_space<vmem>>, vector<16xi32>,
        tpu.vector_store %arg21[%swap3A_516], %convert_element_type3A_513 {strides = array<i32>} : memref<16384xi32, #tpu.memory_space<vmem>>, vector<16xi32>,
        %max3A_518 = arith.constant 1.000000e-30 : f32
        %max3A_519 = vector.broadcast %max3A_518 : f32 to vector<16xf32>
        %max3A_520 = arith.maximumf %cond3A_405#2, %max3A_519 : vector<16xf32>
        %bitcast3A_521 = vector.bitcast %max3A_520 : vector<16xf32> to vector<16xi32>
        %broadcast_in_dim3A_522 = arith.constant 1 : i32
        %broadcast_in_dim3A_523 = vector.broadcast %broadcast_in_dim3A_522 : i32 to vector<16xi32>
        %mul3A_524 = arith.constant 1597463007 : i32
        %mul3A_525 = vector.broadcast %mul3A_524 : i32 to vector<16xi32>
        %mul3A_526 = arith.muli %broadcast_in_dim3A_523, %mul3A_525 : vector<16xi32>
        %shift_right_logical3A_527 = arith.constant 1 : i32
        %shift_right_logical3A_528 = vector.broadcast %shift_right_logical3A_527 : i32 to vector<16xi32>
        %shift_right_logical3A_529 = arith.shrui %bitcast3A_521, %shift_right_logical3A_528 : vector<16xi32>
        %sub3A_530 = arith.subi %mul3A_526, %shift_right_logical3A_529 : vector<16xi32>
        %bitcast3A_531 = vector.bitcast %sub3A_530 : vector<16xi32> to vector<16xf32>
        %mul3A_532 = arith.constant -5.000000e-01 : f32
        %mul3A_533 = vector.broadcast %mul3A_532 : f32 to vector<16xf32>
        %mul3A_534 = arith.mulf %max3A_520, %mul3A_533 : vector<16xf32>
        %mul3A_535 = arith.mulf %mul3A_534, %bitcast3A_531 : vector<16xf32>
        %mul3A_536 = arith.mulf %mul3A_535, %bitcast3A_531 : vector<16xf32>
        %add3A_537 = arith.constant 1.500000e+00 : f32
        %add3A_538 = vector.broadcast %add3A_537 : f32 to vector<16xf32>
        %add3A_539 = arith.addf %mul3A_536, %add3A_538 : vector<16xf32>
        %mul3A_540 = arith.mulf %bitcast3A_531, %add3A_539 : vector<16xf32>
        %mul3A_541 = arith.mulf %mul3A_534, %mul3A_540 : vector<16xf32>
        %mul3A_542 = arith.mulf %mul3A_541, %mul3A_540 : vector<16xf32>
        %add3A_543 = arith.constant 1.500000e+00 : f32
        %add3A_544 = vector.broadcast %add3A_543 : f32 to vector<16xf32>
        %add3A_545 = arith.addf %mul3A_542, %add3A_544 : vector<16xf32>
        %mul3A_546 = arith.mulf %mul3A_540, %add3A_545 : vector<16xf32>
        %mul3A_547 = arith.mulf %mul3A_534, %mul3A_546 : vector<16xf32>
        %mul3A_548 = arith.mulf %mul3A_547, %mul3A_546 : vector<16xf32>
        %add3A_549 = arith.constant 1.500000e+00 : f32
        %add3A_550 = vector.broadcast %add3A_549 : f32 to vector<16xf32>
        %add3A_551 = arith.addf %mul3A_548, %add3A_550 : vector<16xf32>
        %mul3A_552 = arith.mulf %mul3A_546, %add3A_551 : vector<16xf32>
        %mul3A_553 = arith.mulf %cond3A_405#2, %mul3A_552 : vector<16xf32>
        %jit3A_554 = arith.constant 0.000000e+00 : f32
        %broadcast_in_dim3A_555 = vector.broadcast %jit3A_554 : f32 to vector<16xf32>
        %select_n3A_556 = arith.select %lt3A_512, %mul3A_553, %broadcast_in_dim3A_555 : vector<16xi1>, vector<16xf32>
        %add3A_557 = arith.constant 16 : i32
        %add3A_558 = arith.addi %mul3A_414, %add3A_557 : i32
        %swap3A_559 = arith.index_cast %add3A_558 : i32 to index
        %swap3A_560 = tpu.vector_load %arg19[%swap3A_559] {strides = array<i32>} : memref<16384xf32, #tpu.memory_space<vmem>>, vector<16xf32>,
        tpu.vector_store %arg19[%swap3A_559], %select_n3A_556 {strides = array<i32>} : memref<16384xf32, #tpu.memory_space<vmem>>, vector<16xf32>,
        %jit3A_561 = arith.constant 1.000000e+00 : f32
        %jit3A_562 = arith.constant 0.000000e+00 : f32
        %broadcast_in_dim3A_563 = vector.broadcast %jit3A_561 : f32 to vector<16xf32>
        %broadcast_in_dim3A_564 = vector.broadcast %jit3A_562 : f32 to vector<16xf32>
        %select_n3A_565 = arith.select %lt3A_512, %broadcast_in_dim3A_563, %broadcast_in_dim3A_564 : vector<16xi1>, vector<16xf32>
        %add3A_566 = arith.constant 48 : i32
        %add3A_567 = arith.addi %mul3A_418, %add3A_566 : i32
        %broadcast_in_dim3A_568 = arith.constant 1 : i32
        %broadcast_in_dim3A_569 = vector.broadcast %broadcast_in_dim3A_568 : i32 to vector<16xi32>
        %mul3A_570 = vector.broadcast %add3A_567 : i32 to vector<16xi32>
        %mul3A_571 = arith.muli %broadcast_in_dim3A_569, %mul3A_570 : vector<16xi32>
        %add3A_572 = arith.addi %mul3A_571, %mul3A_23 : vector<16xi32>
        %gather3A_573 = tpu.vector_load_idx %arg12[%cond3A_405#3] : memref<1024xf32, #tpu.memory_space<vmem>>[vector<16xi32>], vector<16xf32>,
        %sub3A_574 = arith.subf %gather3A_573, %gather3A_410 : vector<16xf32>
        %mul3A_575 = arith.mulf %sub3A_574, %select_n3A_565 : vector<16xf32>
        tpu.vector_store_idx %arg20[%add3A_572], %mul3A_575 : memref<49152xf32, #tpu.memory_space<vmem>>[vector<16xi32>], vector<16xf32>,
        %gather3A_576 = tpu.vector_load_idx %arg13[%cond3A_405#3] : memref<1024xf32, #tpu.memory_space<vmem>>[vector<16xi32>], vector<16xf32>,
        %add3A_577 = arith.addi %add3A_572, %broadcast_in_dim3A_24 : vector<16xi32>
        %sub3A_578 = arith.subf %gather3A_576, %gather3A_411 : vector<16xf32>
        %mul3A_579 = arith.mulf %sub3A_578, %select_n3A_565 : vector<16xf32>
        tpu.vector_store_idx %arg20[%add3A_577], %mul3A_579 : memref<49152xf32, #tpu.memory_space<vmem>>[vector<16xi32>], vector<16xf32>,
        %gather3A_580 = tpu.vector_load_idx %arg14[%cond3A_405#3] : memref<1024xf32, #tpu.memory_space<vmem>>[vector<16xi32>], vector<16xf32>,
        %add3A_581 = arith.addi %add3A_572, %broadcast_in_dim3A_24 : vector<16xi32>
        %add3A_582 = arith.addi %add3A_581, %broadcast_in_dim3A_24 : vector<16xi32>
        %sub3A_583 = arith.subf %gather3A_580, %gather3A_412 : vector<16xf32>
        %mul3A_584 = arith.mulf %sub3A_583, %select_n3A_565 : vector<16xf32>
        tpu.vector_store_idx %arg20[%add3A_582], %mul3A_584 : memref<49152xf32, #tpu.memory_space<vmem>>[vector<16xi32>], vector<16xf32>,
        %broadcast_in_dim3A_585 = arith.constant 1 : i32
        %broadcast_in_dim3A_586 = vector.broadcast %broadcast_in_dim3A_585 : i32 to vector<16xi32>
        %mul3A_587 = vector.broadcast %mul3A_20 : i32 to vector<16xi32>
        %mul3A_588 = arith.muli %broadcast_in_dim3A_586, %mul3A_587 : vector<16xi32>
        %add3A_589 = arith.addi %cond3A_405#5, %mul3A_588 : vector<16xi32>
        %add3A_590 = arith.constant 32 : i32
        %add3A_591 = arith.addi %mul3A_414, %add3A_590 : i32
        %swap3A_592 = arith.index_cast %add3A_591 : i32 to index
        %swap3A_593 = tpu.vector_load %arg18[%swap3A_592] {strides = array<i32>} : memref<16384xi32, #tpu.memory_space<vmem>>, vector<16xi32>,
        tpu.vector_store %arg18[%swap3A_592], %add3A_589 {strides = array<i32>} : memref<16384xi32, #tpu.memory_space<vmem>>, vector<16xi32>,
        %lt3A_594 = arith.constant 4.900000e+01 : f32
        %lt3A_595 = vector.broadcast %lt3A_594 : f32 to vector<16xf32>
        %lt3A_596 = arith.cmpf olt, %cond3A_405#4, %lt3A_595 : vector<16xf32>
        %convert_element_type3A_597 = arith.extui %lt3A_596 : vector<16xi1> to vector<16xi32>
        %add3A_598 = arith.constant 32 : i32
        %add3A_599 = arith.addi %mul3A_414, %add3A_598 : i32
        %swap3A_600 = arith.index_cast %add3A_599 : i32 to index
        %swap3A_601 = tpu.vector_load %arg21[%swap3A_600] {strides = array<i32>} : memref<16384xi32, #tpu.memory_space<vmem>>, vector<16xi32>,
        tpu.vector_store %arg21[%swap3A_600], %convert_element_type3A_597 {strides = array<i32>} : memref<16384xi32, #tpu.memory_space<vmem>>, vector<16xi32>,
        %max3A_602 = arith.constant 1.000000e-30 : f32
        %max3A_603 = vector.broadcast %max3A_602 : f32 to vector<16xf32>
        %max3A_604 = arith.maximumf %cond3A_405#4, %max3A_603 : vector<16xf32>
        %bitcast3A_605 = vector.bitcast %max3A_604 : vector<16xf32> to vector<16xi32>
        %broadcast_in_dim3A_606 = arith.constant 1 : i32
        %broadcast_in_dim3A_607 = vector.broadcast %broadcast_in_dim3A_606 : i32 to vector<16xi32>
        %mul3A_608 = arith.constant 1597463007 : i32
        %mul3A_609 = vector.broadcast %mul3A_608 : i32 to vector<16xi32>
        %mul3A_610 = arith.muli %broadcast_in_dim3A_607, %mul3A_609 : vector<16xi32>
        %shift_right_logical3A_611 = arith.constant 1 : i32
        %shift_right_logical3A_612 = vector.broadcast %shift_right_logical3A_611 : i32 to vector<16xi32>
        %shift_right_logical3A_613 = arith.shrui %bitcast3A_605, %shift_right_logical3A_612 : vector<16xi32>
        %sub3A_614 = arith.subi %mul3A_610, %shift_right_logical3A_613 : vector<16xi32>
        %bitcast3A_615 = vector.bitcast %sub3A_614 : vector<16xi32> to vector<16xf32>
        %mul3A_616 = arith.constant -5.000000e-01 : f32
        %mul3A_617 = vector.broadcast %mul3A_616 : f32 to vector<16xf32>
        %mul3A_618 = arith.mulf %max3A_604, %mul3A_617 : vector<16xf32>
        %mul3A_619 = arith.mulf %mul3A_618, %bitcast3A_615 : vector<16xf32>
        %mul3A_620 = arith.mulf %mul3A_619, %bitcast3A_615 : vector<16xf32>
        %add3A_621 = arith.constant 1.500000e+00 : f32
        %add3A_622 = vector.broadcast %add3A_621 : f32 to vector<16xf32>
        %add3A_623 = arith.addf %mul3A_620, %add3A_622 : vector<16xf32>
        %mul3A_624 = arith.mulf %bitcast3A_615, %add3A_623 : vector<16xf32>
        %mul3A_625 = arith.mulf %mul3A_618, %mul3A_624 : vector<16xf32>
        %mul3A_626 = arith.mulf %mul3A_625, %mul3A_624 : vector<16xf32>
        %add3A_627 = arith.constant 1.500000e+00 : f32
        %add3A_628 = vector.broadcast %add3A_627 : f32 to vector<16xf32>
        %add3A_629 = arith.addf %mul3A_626, %add3A_628 : vector<16xf32>
        %mul3A_630 = arith.mulf %mul3A_624, %add3A_629 : vector<16xf32>
        %mul3A_631 = arith.mulf %mul3A_618, %mul3A_630 : vector<16xf32>
        %mul3A_632 = arith.mulf %mul3A_631, %mul3A_630 : vector<16xf32>
        %add3A_633 = arith.constant 1.500000e+00 : f32
        %add3A_634 = vector.broadcast %add3A_633 : f32 to vector<16xf32>
        %add3A_635 = arith.addf %mul3A_632, %add3A_634 : vector<16xf32>
        %mul3A_636 = arith.mulf %mul3A_630, %add3A_635 : vector<16xf32>
        %mul3A_637 = arith.mulf %cond3A_405#4, %mul3A_636 : vector<16xf32>
        %jit3A_638 = arith.constant 0.000000e+00 : f32
        %broadcast_in_dim3A_639 = vector.broadcast %jit3A_638 : f32 to vector<16xf32>
        %select_n3A_640 = arith.select %lt3A_596, %mul3A_637, %broadcast_in_dim3A_639 : vector<16xi1>, vector<16xf32>
        %add3A_641 = arith.constant 32 : i32
        %add3A_642 = arith.addi %mul3A_414, %add3A_641 : i32
        %swap3A_643 = arith.index_cast %add3A_642 : i32 to index
        %swap3A_644 = tpu.vector_load %arg19[%swap3A_643] {strides = array<i32>} : memref<16384xf32, #tpu.memory_space<vmem>>, vector<16xf32>,
        tpu.vector_store %arg19[%swap3A_643], %select_n3A_640 {strides = array<i32>} : memref<16384xf32, #tpu.memory_space<vmem>>, vector<16xf32>,
        %jit3A_645 = arith.constant 1.000000e+00 : f32
        %jit3A_646 = arith.constant 0.000000e+00 : f32
        %broadcast_in_dim3A_647 = vector.broadcast %jit3A_645 : f32 to vector<16xf32>
        %broadcast_in_dim3A_648 = vector.broadcast %jit3A_646 : f32 to vector<16xf32>
        %select_n3A_649 = arith.select %lt3A_596, %broadcast_in_dim3A_647, %broadcast_in_dim3A_648 : vector<16xi1>, vector<16xf32>
        %add3A_650 = arith.constant 96 : i32
        %add3A_651 = arith.addi %mul3A_418, %add3A_650 : i32
        %broadcast_in_dim3A_652 = arith.constant 1 : i32
        %broadcast_in_dim3A_653 = vector.broadcast %broadcast_in_dim3A_652 : i32 to vector<16xi32>
        %mul3A_654 = vector.broadcast %add3A_651 : i32 to vector<16xi32>
        %mul3A_655 = arith.muli %broadcast_in_dim3A_653, %mul3A_654 : vector<16xi32>
        %add3A_656 = arith.addi %mul3A_655, %mul3A_23 : vector<16xi32>
        %gather3A_657 = tpu.vector_load_idx %arg12[%cond3A_405#5] : memref<1024xf32, #tpu.memory_space<vmem>>[vector<16xi32>], vector<16xf32>,
        %sub3A_658 = arith.subf %gather3A_657, %gather3A_410 : vector<16xf32>
        %mul3A_659 = arith.mulf %sub3A_658, %select_n3A_649 : vector<16xf32>
        tpu.vector_store_idx %arg20[%add3A_656], %mul3A_659 : memref<49152xf32, #tpu.memory_space<vmem>>[vector<16xi32>], vector<16xf32>,
        %gather3A_660 = tpu.vector_load_idx %arg13[%cond3A_405#5] : memref<1024xf32, #tpu.memory_space<vmem>>[vector<16xi32>], vector<16xf32>,
        %add3A_661 = arith.addi %add3A_656, %broadcast_in_dim3A_24 : vector<16xi32>
        %sub3A_662 = arith.subf %gather3A_660, %gather3A_411 : vector<16xf32>
        %mul3A_663 = arith.mulf %sub3A_662, %select_n3A_649 : vector<16xf32>
        tpu.vector_store_idx %arg20[%add3A_661], %mul3A_663 : memref<49152xf32, #tpu.memory_space<vmem>>[vector<16xi32>], vector<16xf32>,
        %gather3A_664 = tpu.vector_load_idx %arg14[%cond3A_405#5] : memref<1024xf32, #tpu.memory_space<vmem>>[vector<16xi32>], vector<16xf32>,
        %add3A_665 = arith.addi %add3A_656, %broadcast_in_dim3A_24 : vector<16xi32>
        %add3A_666 = arith.addi %add3A_665, %broadcast_in_dim3A_24 : vector<16xi32>
        %sub3A_667 = arith.subf %gather3A_664, %gather3A_412 : vector<16xf32>
        %mul3A_668 = arith.mulf %sub3A_667, %select_n3A_649 : vector<16xf32>
        tpu.vector_store_idx %arg20[%add3A_666], %mul3A_668 : memref<49152xf32, #tpu.memory_space<vmem>>[vector<16xi32>], vector<16xf32>,
        %broadcast_in_dim3A_669 = arith.constant 1 : i32
        %broadcast_in_dim3A_670 = vector.broadcast %broadcast_in_dim3A_669 : i32 to vector<16xi32>
        %mul3A_671 = vector.broadcast %mul3A_20 : i32 to vector<16xi32>
        %mul3A_672 = arith.muli %broadcast_in_dim3A_670, %mul3A_671 : vector<16xi32>
        %add3A_673 = arith.addi %cond3A_405#7, %mul3A_672 : vector<16xi32>
        %add3A_674 = arith.constant 48 : i32
        %add3A_675 = arith.addi %mul3A_414, %add3A_674 : i32
        %swap3A_676 = arith.index_cast %add3A_675 : i32 to index
        %swap3A_677 = tpu.vector_load %arg18[%swap3A_676] {strides = array<i32>} : memref<16384xi32, #tpu.memory_space<vmem>>, vector<16xi32>,
        tpu.vector_store %arg18[%swap3A_676], %add3A_673 {strides = array<i32>} : memref<16384xi32, #tpu.memory_space<vmem>>, vector<16xi32>,
        %lt3A_678 = arith.constant 4.900000e+01 : f32
        %lt3A_679 = vector.broadcast %lt3A_678 : f32 to vector<16xf32>
        %lt3A_680 = arith.cmpf olt, %cond3A_405#6, %lt3A_679 : vector<16xf32>
        %convert_element_type3A_681 = arith.extui %lt3A_680 : vector<16xi1> to vector<16xi32>
        %add3A_682 = arith.constant 48 : i32
        %add3A_683 = arith.addi %mul3A_414, %add3A_682 : i32
        %swap3A_684 = arith.index_cast %add3A_683 : i32 to index
        %swap3A_685 = tpu.vector_load %arg21[%swap3A_684] {strides = array<i32>} : memref<16384xi32, #tpu.memory_space<vmem>>, vector<16xi32>,
        tpu.vector_store %arg21[%swap3A_684], %convert_element_type3A_681 {strides = array<i32>} : memref<16384xi32, #tpu.memory_space<vmem>>, vector<16xi32>,
        %max3A_686 = arith.constant 1.000000e-30 : f32
        %max3A_687 = vector.broadcast %max3A_686 : f32 to vector<16xf32>
        %max3A_688 = arith.maximumf %cond3A_405#6, %max3A_687 : vector<16xf32>
        %bitcast3A_689 = vector.bitcast %max3A_688 : vector<16xf32> to vector<16xi32>
        %broadcast_in_dim3A_690 = arith.constant 1 : i32
        %broadcast_in_dim3A_691 = vector.broadcast %broadcast_in_dim3A_690 : i32 to vector<16xi32>
        %mul3A_692 = arith.constant 1597463007 : i32
        %mul3A_693 = vector.broadcast %mul3A_692 : i32 to vector<16xi32>
        %mul3A_694 = arith.muli %broadcast_in_dim3A_691, %mul3A_693 : vector<16xi32>
        %shift_right_logical3A_695 = arith.constant 1 : i32
        %shift_right_logical3A_696 = vector.broadcast %shift_right_logical3A_695 : i32 to vector<16xi32>
        %shift_right_logical3A_697 = arith.shrui %bitcast3A_689, %shift_right_logical3A_696 : vector<16xi32>
        %sub3A_698 = arith.subi %mul3A_694, %shift_right_logical3A_697 : vector<16xi32>
        %bitcast3A_699 = vector.bitcast %sub3A_698 : vector<16xi32> to vector<16xf32>
        %mul3A_700 = arith.constant -5.000000e-01 : f32
        %mul3A_701 = vector.broadcast %mul3A_700 : f32 to vector<16xf32>
        %mul3A_702 = arith.mulf %max3A_688, %mul3A_701 : vector<16xf32>
        %mul3A_703 = arith.mulf %mul3A_702, %bitcast3A_699 : vector<16xf32>
        %mul3A_704 = arith.mulf %mul3A_703, %bitcast3A_699 : vector<16xf32>
        %add3A_705 = arith.constant 1.500000e+00 : f32
        %add3A_706 = vector.broadcast %add3A_705 : f32 to vector<16xf32>
        %add3A_707 = arith.addf %mul3A_704, %add3A_706 : vector<16xf32>
        %mul3A_708 = arith.mulf %bitcast3A_699, %add3A_707 : vector<16xf32>
        %mul3A_709 = arith.mulf %mul3A_702, %mul3A_708 : vector<16xf32>
        %mul3A_710 = arith.mulf %mul3A_709, %mul3A_708 : vector<16xf32>
        %add3A_711 = arith.constant 1.500000e+00 : f32
        %add3A_712 = vector.broadcast %add3A_711 : f32 to vector<16xf32>
        %add3A_713 = arith.addf %mul3A_710, %add3A_712 : vector<16xf32>
        %mul3A_714 = arith.mulf %mul3A_708, %add3A_713 : vector<16xf32>
        %mul3A_715 = arith.mulf %mul3A_702, %mul3A_714 : vector<16xf32>
        %mul3A_716 = arith.mulf %mul3A_715, %mul3A_714 : vector<16xf32>
        %add3A_717 = arith.constant 1.500000e+00 : f32
        %add3A_718 = vector.broadcast %add3A_717 : f32 to vector<16xf32>
        %add3A_719 = arith.addf %mul3A_716, %add3A_718 : vector<16xf32>
        %mul3A_720 = arith.mulf %mul3A_714, %add3A_719 : vector<16xf32>
        %mul3A_721 = arith.mulf %cond3A_405#6, %mul3A_720 : vector<16xf32>
        %jit3A_722 = arith.constant 0.000000e+00 : f32
        %broadcast_in_dim3A_723 = vector.broadcast %jit3A_722 : f32 to vector<16xf32>
        %select_n3A_724 = arith.select %lt3A_680, %mul3A_721, %broadcast_in_dim3A_723 : vector<16xi1>, vector<16xf32>
        %add3A_725 = arith.constant 48 : i32
        %add3A_726 = arith.addi %mul3A_414, %add3A_725 : i32
        %swap3A_727 = arith.index_cast %add3A_726 : i32 to index
        %swap3A_728 = tpu.vector_load %arg19[%swap3A_727] {strides = array<i32>} : memref<16384xf32, #tpu.memory_space<vmem>>, vector<16xf32>,
        tpu.vector_store %arg19[%swap3A_727], %select_n3A_724 {strides = array<i32>} : memref<16384xf32, #tpu.memory_space<vmem>>, vector<16xf32>,
        %jit3A_729 = arith.constant 1.000000e+00 : f32
        %jit3A_730 = arith.constant 0.000000e+00 : f32
        %broadcast_in_dim3A_731 = vector.broadcast %jit3A_729 : f32 to vector<16xf32>
        %broadcast_in_dim3A_732 = vector.broadcast %jit3A_730 : f32 to vector<16xf32>
        %select_n3A_733 = arith.select %lt3A_680, %broadcast_in_dim3A_731, %broadcast_in_dim3A_732 : vector<16xi1>, vector<16xf32>
        %add3A_734 = arith.constant 144 : i32
        %add3A_735 = arith.addi %mul3A_418, %add3A_734 : i32
        %broadcast_in_dim3A_736 = arith.constant 1 : i32
        %broadcast_in_dim3A_737 = vector.broadcast %broadcast_in_dim3A_736 : i32 to vector<16xi32>
        %mul3A_738 = vector.broadcast %add3A_735 : i32 to vector<16xi32>
        %mul3A_739 = arith.muli %broadcast_in_dim3A_737, %mul3A_738 : vector<16xi32>
        %add3A_740 = arith.addi %mul3A_739, %mul3A_23 : vector<16xi32>
        %gather3A_741 = tpu.vector_load_idx %arg12[%cond3A_405#7] : memref<1024xf32, #tpu.memory_space<vmem>>[vector<16xi32>], vector<16xf32>,
        %sub3A_742 = arith.subf %gather3A_741, %gather3A_410 : vector<16xf32>
        %mul3A_743 = arith.mulf %sub3A_742, %select_n3A_733 : vector<16xf32>
        tpu.vector_store_idx %arg20[%add3A_740], %mul3A_743 : memref<49152xf32, #tpu.memory_space<vmem>>[vector<16xi32>], vector<16xf32>,
        %gather3A_744 = tpu.vector_load_idx %arg13[%cond3A_405#7] : memref<1024xf32, #tpu.memory_space<vmem>>[vector<16xi32>], vector<16xf32>,
        %add3A_745 = arith.addi %add3A_740, %broadcast_in_dim3A_24 : vector<16xi32>
        %sub3A_746 = arith.subf %gather3A_744, %gather3A_411 : vector<16xf32>
        %mul3A_747 = arith.mulf %sub3A_746, %select_n3A_733 : vector<16xf32>
        tpu.vector_store_idx %arg20[%add3A_745], %mul3A_747 : memref<49152xf32, #tpu.memory_space<vmem>>[vector<16xi32>], vector<16xf32>,
        %gather3A_748 = tpu.vector_load_idx %arg14[%cond3A_405#7] : memref<1024xf32, #tpu.memory_space<vmem>>[vector<16xi32>], vector<16xf32>,
        %add3A_749 = arith.addi %add3A_740, %broadcast_in_dim3A_24 : vector<16xi32>
        %add3A_750 = arith.addi %add3A_749, %broadcast_in_dim3A_24 : vector<16xi32>
        %sub3A_751 = arith.subf %gather3A_748, %gather3A_412 : vector<16xf32>
        %mul3A_752 = arith.mulf %sub3A_751, %select_n3A_733 : vector<16xf32>
        tpu.vector_store_idx %arg20[%add3A_750], %mul3A_752 : memref<49152xf32, #tpu.memory_space<vmem>>[vector<16xi32>], vector<16xf32>,
      }
      %scan3A_87 = arith.constant 8 : i32
      %dma_wait3A_88 = arith.constant 0 : i32
      %dma_wait3A_89 = tpu.memref_slice %arg2[%add3A_66, %dma_wait3A_88] : memref<8192x1024xf32, #tpu.memory_space<hbm>> -> memref<8x1024xf32, #tpu.memory_space<hbm>>
      %dma_wait3A_90 = arith.constant 0 : i32
      %dma_wait3A_91 = tpu.memref_slice %arg2[%add3A_66, %dma_wait3A_90] : memref<8192x1024xf32, #tpu.memory_space<hbm>> -> memref<8x1024xf32, #tpu.memory_space<hbm>>
      tpu.wait_dma2 semaphore(%arg25 : memref<!tpu.dma_semaphore, #tpu.memory_space<semaphore_mem>>) src(%dma_wait3A_91 : memref<8x1024xf32, #tpu.memory_space<hbm>>) dst(%arg11 : memref<8x1024xf32, #tpu.memory_space<vmem>>)
      %dma_start3A_92 = arith.constant 0 : i32
      %dma_start3A_93 = tpu.memref_slice %arg2[%min3A_74, %dma_start3A_92] : memref<8192x1024xf32, #tpu.memory_space<hbm>> -> memref<8x1024xf32, #tpu.memory_space<hbm>>
      %dma_start3A_94 = arith.constant 0 : i32
      %dma_start3A_95 = tpu.memref_slice %arg2[%min3A_74, %dma_start3A_94] : memref<8192x1024xf32, #tpu.memory_space<hbm>> -> memref<8x1024xf32, #tpu.memory_space<hbm>>
      tpu.enqueue_dma source(%dma_start3A_95 : memref<8x1024xf32, #tpu.memory_space<hbm>>) target(%arg10 : memref<8x1024xf32, #tpu.memory_space<vmem>>) target_semaphore(%arg24 : memref<!tpu.dma_semaphore, #tpu.memory_space<semaphore_mem>>)
      %scan3A_96 = arith.constant 0 : i32
      %scan3A_97 = arith.constant 8 : i32
      %scan3A_98 = arith.addi %scan3A_96, %scan3A_97 : i32
      %scan3A_99 = arith.constant 1 : i32
      scf.for %scan3A_102 = %scan3A_96 to %scan3A_98 step %scan3A_99  : i32 {
        %add3A_103 = arith.addi %add3A_66, %scan3A_102 : i32
        %sub3A_104 = arith.subi %add3A_103, %mul3A_20 : i32
        %sub3A_105 = arith.subi %add3A_103, %mul3A_18 : i32
        %scan3A_106 = arith.constant 0 : i32
        %scan3A_107 = arith.constant 0 : i32
        %scan3A_108 = arith.constant 32 : i32
        %scan3A_109 = arith.addi %scan3A_107, %scan3A_108 : i32
        %scan3A_110 = arith.constant 1 : i32
        %scan3A_111 = scf.for %scan3A_753 = %scan3A_107 to %scan3A_109 step %scan3A_110 iter_args(%scan3A_754 = %scan3A_106) -> (i32)  : i32 {
          %mul3A_755 = arith.constant 16 : i32
          %mul3A_756 = arith.muli %scan3A_753, %mul3A_755 : i32
          %swap3A_757 = arith.index_cast %mul3A_756 : i32 to index
          %swap3A_758 = tpu.vector_load %arg17[%swap3A_757] {strides = array<i32>} : memref<512xi32, #tpu.memory_space<vmem>>, vector<16xi32>,
          tpu.vector_store %arg17[%swap3A_757], %broadcast_in_dim3A_26 {strides = array<i32>} : memref<512xi32, #tpu.memory_space<vmem>>, vector<16xi32>,
          %scan3A_759 = arith.constant 0 : i32
          scf.yield %scan3A_759 : i32
        }
        %scan3A_112 = arith.constant 32 : i32
        %mul3A_113 = arith.constant 32 : i32
        %mul3A_114 = vector.broadcast %mul3A_113 : i32 to vector<16xi32>
        %mul3A_115 = arith.muli %iota3A, %mul3A_114 : vector<16xi32>
        %scan3A_116 = arith.constant 0 : i32
        %scan3A_117 = arith.constant 0 : i32
        %scan3A_118 = arith.constant 64 : i32
        %scan3A_119 = arith.addi %scan3A_117, %scan3A_118 : i32
        %scan3A_120 = arith.constant 1 : i32
        %scan3A_121 = scf.for %scan3A_753 = %scan3A_117 to %scan3A_119 step %scan3A_120 iter_args(%scan3A_754 = %scan3A_116) -> (i32)  : i32 {
          %mul3A_755 = arith.constant 16 : i32
          %mul3A_756 = arith.muli %scan3A_753, %mul3A_755 : i32
          %get3A_757 = arith.index_cast %scan3A_102 : i32 to index
          %get3A_758 = arith.index_cast %mul3A_756 : i32 to index
          %get3A_759 = tpu.vector_load %arg11[%get3A_757, %get3A_758] {strides = array<i32>} : memref<8x1024xf32, #tpu.memory_space<vmem>>, vector<16xf32>,
          %mul3A_760 = arith.constant 2.000000e-01 : f32
          %mul3A_761 = vector.broadcast %mul3A_760 : f32 to vector<16xf32>
          %mul3A_762 = arith.mulf %get3A_759, %mul3A_761 : vector<16xf32>
          %min3A_763 = arith.constant 3.100000e+01 : f32
          %min3A_764 = vector.broadcast %min3A_763 : f32 to vector<16xf32>
          %min3A_765 = arith.minimumf %mul3A_762, %min3A_764 : vector<16xf32>
          %convert_element_type3A_766 = arith.fptosi %min3A_765 : vector<16xf32> to vector<16xi32>
          %add3A_767 = arith.addi %convert_element_type3A_766, %mul3A_115 : vector<16xi32>
          %gather3A_768 = tpu.vector_load_idx %arg17[%add3A_767] : memref<512xi32, #tpu.memory_space<vmem>>[vector<16xi32>], vector<16xi32>,
          %add3A_769 = arith.addi %gather3A_768, %broadcast_in_dim3A_24 : vector<16xi32>
          tpu.vector_store_idx %arg17[%add3A_767], %add3A_769 : memref<512xi32, #tpu.memory_space<vmem>>[vector<16xi32>], vector<16xi32>,
          %scan3A_770 = arith.constant 0 : i32
          scf.yield %scan3A_770 : i32
        }
        %scan3A_122 = arith.constant 64 : i32
        %scan3A_123 = arith.constant 0 : i32
        %scan3A_124 = arith.constant 32 : i32
        %scan3A_125 = arith.constant 0 : i32
        %scan3A_126 = arith.constant 2 : i32
        %scan3A_127 = arith.addi %scan3A_125, %scan3A_126 : i32
        %scan3A_128 = arith.constant 1 : i32
        %scan3A_129:2 = scf.for %scan3A_753 = %scan3A_125 to %scan3A_127 step %scan3A_128 iter_args(%scan3A_754 = %scan3A_123, %scan3A_755 = %scan3A_124) -> (i32, i32)  : i32 {
          %scan3A_756 = arith.constant 0 : i32
          %scan3A_757 = arith.constant 16 : i32
          %scan3A_758 = arith.addi %scan3A_756, %scan3A_757 : i32
          %scan3A_759 = arith.constant 1 : i32
          %scan3A_760 = scf.for %scan3A_787 = %scan3A_756 to %scan3A_758 step %scan3A_759 iter_args(%scan3A_788 = %broadcast_in_dim3A_26) -> (vector<16xi32>)  : i32 {
            %mul3A_789 = arith.constant 32 : i32
            %mul3A_790 = arith.muli %scan3A_787, %mul3A_789 : i32
            %mul3A_791 = arith.constant 16 : i32
            %mul3A_792 = arith.muli %scan3A_753, %mul3A_791 : i32
            %add3A_793 = arith.addi %mul3A_790, %mul3A_792 : i32
            %get3A_794 = arith.index_cast %add3A_793 : i32 to index
            %get3A_795 = tpu.vector_load %arg17[%get3A_794] {strides = array<i32>} : memref<512xi32, #tpu.memory_space<vmem>>, vector<16xi32>,
            %add3A_796 = arith.addi %scan3A_788, %get3A_795 : vector<16xi32>
            scf.yield %add3A_796 : vector<16xi32>
          }
          %scan3A_761 = arith.constant 16 : i32
          %broadcast_in_dim3A_762 = arith.constant true
          %broadcast_in_dim3A_763 = vector.broadcast %broadcast_in_dim3A_762 : i1 to vector<16xi1>
          %masked_cumsum3A = tpu.scan <sum>, %scan3A_760 masked %broadcast_in_dim3A_763 : vector<16xi32>, vector<16xi1> -> vector<16xi32>
          %broadcast_in_dim3A_764 = arith.constant 1 : i32
          %broadcast_in_dim3A_765 = vector.broadcast %broadcast_in_dim3A_764 : i32 to vector<16xi32>
          %mul3A_766 = vector.broadcast %scan3A_754 : i32 to vector<16xi32>
          %mul3A_767 = arith.muli %broadcast_in_dim3A_765, %mul3A_766 : vector<16xi32>
          %add3A_768 = arith.addi %masked_cumsum3A, %mul3A_767 : vector<16xi32>
          %ge3A_769 = arith.constant 64 : i32
          %ge3A_770 = vector.broadcast %ge3A_769 : i32 to vector<16xi32>
          %ge3A_771 = arith.cmpi sge, %add3A_768, %ge3A_770 : vector<16xi32>
          %slice3A_772 = vector.extract_strided_slice %add3A_768 {offsets = [15], sizes = [1], strides = [1]} : vector<16xi32> to vector<1xi32>
          %squeeze3A_773 = vector.extract %slice3A_772[0] : i32 from vector<1xi32>
          %ge3A_774 = arith.constant 64 : i32
          %ge3A_775 = arith.cmpi sge, %squeeze3A_773, %ge3A_774 : i32
          %all_reduce_ffs3A = tpu.all_reduce %ge3A_771 {dim = 0 : i64, kind = #tpu.reduction_kind<find_first_set>} : vector<16xi1> -> vector<16xi32>
          %slice3A_776 = vector.extract_strided_slice %all_reduce_ffs3A {offsets = [0], sizes = [1], strides = [1]} : vector<16xi32> to vector<1xi32>
          %squeeze3A_777 = vector.extract %slice3A_776[0] : i32 from vector<1xi32>
          %mul3A_778 = arith.constant 16 : i32
          %mul3A_779 = arith.muli %scan3A_753, %mul3A_778 : i32
          %add3A_780 = arith.addi %mul3A_779, %squeeze3A_777 : i32
          %ge3A_781 = arith.constant 32 : i32
          %ge3A_782 = arith.cmpi sge, %scan3A_755, %ge3A_781 : i32
          %and3A_783 = arith.andi %ge3A_775, %ge3A_782 : i1
          %select_n3A_784 = arith.select %and3A_783, %add3A_780, %scan3A_755 : i32
          %slice3A_785 = vector.extract_strided_slice %add3A_768 {offsets = [15], sizes = [1], strides = [1]} : vector<16xi32> to vector<1xi32>
          %squeeze3A_786 = vector.extract %slice3A_785[0] : i32 from vector<1xi32>
          scf.yield %squeeze3A_786, %select_n3A_784 : i32, i32
        }
        %scan3A_130 = arith.constant 2 : i32
        %broadcast_in_dim3A_131 = arith.constant 1 : i32
        %broadcast_in_dim3A_132 = vector.broadcast %broadcast_in_dim3A_131 : i32 to vector<16xi32>
        %mul3A_133 = vector.broadcast %scan3A_129#1 : i32 to vector<16xi32>
        %mul3A_134 = arith.muli %broadcast_in_dim3A_132, %mul3A_133 : vector<16xi32>
        %scan3A_135 = arith.constant 0 : i32
        %scan3A_136 = arith.constant 0 : i32
        %scan3A_137 = arith.constant 64 : i32
        %scan3A_138 = arith.addi %scan3A_136, %scan3A_137 : i32
        %scan3A_139 = arith.constant 1 : i32
        %scan3A_140 = scf.for %scan3A_753 = %scan3A_136 to %scan3A_138 step %scan3A_139 iter_args(%scan3A_754 = %scan3A_135) -> (i32)  : i32 {
          %mul3A_755 = arith.constant 16 : i32
          %mul3A_756 = arith.muli %scan3A_753, %mul3A_755 : i32
          %get3A_757 = arith.index_cast %scan3A_102 : i32 to index
          %get3A_758 = arith.index_cast %mul3A_756 : i32 to index
          %get3A_759 = tpu.vector_load %arg11[%get3A_757, %get3A_758] {strides = array<i32>} : memref<8x1024xf32, #tpu.memory_space<vmem>>, vector<16xf32>,
          %mul3A_760 = arith.constant 2.000000e-01 : f32
          %mul3A_761 = vector.broadcast %mul3A_760 : f32 to vector<16xf32>
          %mul3A_762 = arith.mulf %get3A_759, %mul3A_761 : vector<16xf32>
          %min3A_763 = arith.constant 3.100000e+01 : f32
          %min3A_764 = vector.broadcast %min3A_763 : f32 to vector<16xf32>
          %min3A_765 = arith.minimumf %mul3A_762, %min3A_764 : vector<16xf32>
          %convert_element_type3A_766 = arith.fptosi %min3A_765 : vector<16xf32> to vector<16xi32>
          %le3A = arith.cmpi sle, %convert_element_type3A_766, %mul3A_134 : vector<16xi32>
          %swap3A_767 = arith.index_cast %scan3A_754 : i32 to index
          %swap3A_768 = tpu.vector_load %arg15[%swap3A_767] masked %le3A {strides = array<i32>} : memref<1056xf32, #tpu.memory_space<vmem>>, vector<16xf32>, vector<16xi1>
          tpu.vector_store %arg15[%swap3A_767], %get3A_759 masked %le3A {strides = array<i32>} : memref<1056xf32, #tpu.memory_space<vmem>>, vector<16xf32>, vector<16xi1>
          %mul3A_769 = arith.constant 16 : i32
          %mul3A_770 = arith.muli %scan3A_753, %mul3A_769 : i32
          %broadcast_in_dim3A_771 = arith.constant 1 : i32
          %broadcast_in_dim3A_772 = vector.broadcast %broadcast_in_dim3A_771 : i32 to vector<16xi32>
          %mul3A_773 = vector.broadcast %mul3A_770 : i32 to vector<16xi32>
          %mul3A_774 = arith.muli %broadcast_in_dim3A_772, %mul3A_773 : vector<16xi32>
          %add3A_775 = arith.addi %iota3A, %mul3A_774 : vector<16xi32>
          %swap3A_776 = arith.index_cast %scan3A_754 : i32 to index
          %swap3A_777 = tpu.vector_load %arg16[%swap3A_776] masked %le3A {strides = array<i32>} : memref<1056xi32, #tpu.memory_space<vmem>>, vector<16xi32>, vector<16xi1>
          tpu.vector_store %arg16[%swap3A_776], %add3A_775 masked %le3A {strides = array<i32>} : memref<1056xi32, #tpu.memory_space<vmem>>, vector<16xi32>, vector<16xi1>
          %all_reduce_population_count3A_778 = tpu.all_reduce %le3A {dim = 0 : i64, kind = #tpu.reduction_kind<sum>} : vector<16xi1> -> vector<16xi32>
          %slice3A_779 = vector.extract_strided_slice %all_reduce_population_count3A_778 {offsets = [0], sizes = [1], strides = [1]} : vector<16xi32> to vector<1xi32>
          %squeeze3A_780 = vector.extract %slice3A_779[0] : i32 from vector<1xi32>
          %add3A_781 = arith.addi %scan3A_754, %squeeze3A_780 : i32
          scf.yield %add3A_781 : i32
        }
        %scan3A_141 = arith.constant 64 : i32
        %jit3A_142 = arith.constant 16 : i32
        %div3A_143 = arith.divsi %scan3A_140, %jit3A_142 : i32
        %sign3A_144 = arith.constant 0 : i32
        %sign3A_145 = arith.cmpi sgt, %scan3A_140, %sign3A_144 : i32
        %sign3A_146 = arith.extui %sign3A_145 : i1 to i32
        %sign3A_147 = arith.constant 0 : i32
        %sign3A_148 = arith.cmpi slt, %scan3A_140, %sign3A_147 : i32
        %sign3A_149 = arith.extui %sign3A_148 : i1 to i32
        %sign3A_150 = arith.subi %sign3A_146, %sign3A_149 : i32
        %sign3A_151 = arith.constant 0 : i32
        %sign3A_152 = arith.cmpi sgt, %jit3A_142, %sign3A_151 : i32
        %sign3A_153 = arith.extui %sign3A_152 : i1 to i32
        %sign3A_154 = arith.constant 0 : i32
        %sign3A_155 = arith.cmpi slt, %jit3A_142, %sign3A_154 : i32
        %sign3A_156 = arith.extui %sign3A_155 : i1 to i32
        %sign3A_157 = arith.subi %sign3A_153, %sign3A_156 : i32
        %ne3A_158 = arith.cmpi ne, %sign3A_150, %sign3A_157 : i32
        %rem3A_159 = arith.remsi %scan3A_140, %jit3A_142 : i32
        %ne3A_160 = arith.constant 0 : i32
        %ne3A_161 = arith.cmpi ne, %rem3A_159, %ne3A_160 : i32
        %and3A_162 = arith.andi %ne3A_158, %ne3A_161 : i1
        %sub3A_163 = arith.constant 1 : i32
        %sub3A_164 = arith.subi %div3A_143, %sub3A_163 : i32
        %select_n3A_165 = arith.select %and3A_162, %sub3A_164, %div3A_143 : i32
        %mul3A_166 = arith.constant 16 : i32
        %mul3A_167 = arith.muli %select_n3A_165, %mul3A_166 : i32
        %sub3A_168 = arith.subi %scan3A_140, %mul3A_167 : i32
        %broadcast_in_dim3A_169 = arith.constant 1 : i32
        %broadcast_in_dim3A_170 = vector.broadcast %broadcast_in_dim3A_169 : i32 to vector<16xi32>
        %mul3A_171 = vector.broadcast %sub3A_168 : i32 to vector<16xi32>
        %mul3A_172 = arith.muli %broadcast_in_dim3A_170, %mul3A_171 : vector<16xi32>
        %mul3A_173 = arith.constant 16 : i32
        %mul3A_174 = arith.muli %select_n3A_165, %mul3A_173 : i32
        %get3A = arith.index_cast %mul3A_174 : i32 to index
        %get3A_175 = tpu.vector_load %arg15[%get3A] {strides = array<i32>} : memref<1056xf32, #tpu.memory_space<vmem>>, vector<16xf32>,
        %ge3A = arith.cmpi sge, %iota3A, %mul3A_172 : vector<16xi32>
        %select_n3A_176 = arith.select %ge3A, %broadcast_in_dim3A_28, %get3A_175 : vector<16xi1>, vector<16xf32>
        %mul3A_177 = arith.constant 16 : i32
        %mul3A_178 = arith.muli %select_n3A_165, %mul3A_177 : i32
        %swap3A = arith.index_cast %mul3A_178 : i32 to index
        %swap3A_179 = tpu.vector_load %arg15[%swap3A] {strides = array<i32>} : memref<1056xf32, #tpu.memory_space<vmem>>, vector<16xf32>,
        tpu.vector_store %arg15[%swap3A], %select_n3A_176 {strides = array<i32>} : memref<1056xf32, #tpu.memory_space<vmem>>, vector<16xf32>,
        %mul3A_180 = arith.constant 16 : i32
        %mul3A_181 = arith.muli %select_n3A_165, %mul3A_180 : i32
        %get3A_182 = arith.index_cast %mul3A_181 : i32 to index
        %get3A_183 = tpu.vector_load %arg16[%get3A_182] {strides = array<i32>} : memref<1056xi32, #tpu.memory_space<vmem>>, vector<16xi32>,
        %ge3A_184 = arith.cmpi sge, %iota3A, %mul3A_172 : vector<16xi32>
        %select_n3A_185 = arith.select %ge3A_184, %broadcast_in_dim3A_26, %get3A_183 : vector<16xi1>, vector<16xi32>
        %mul3A_186 = arith.constant 16 : i32
        %mul3A_187 = arith.muli %select_n3A_165, %mul3A_186 : i32
        %swap3A_188 = arith.index_cast %mul3A_187 : i32 to index
        %swap3A_189 = tpu.vector_load %arg16[%swap3A_188] {strides = array<i32>} : memref<1056xi32, #tpu.memory_space<vmem>>, vector<16xi32>,
        tpu.vector_store %arg16[%swap3A_188], %select_n3A_185 {strides = array<i32>} : memref<1056xi32, #tpu.memory_space<vmem>>, vector<16xi32>,
        %add3A_190 = arith.constant 15 : i32
        %add3A_191 = arith.addi %scan3A_140, %add3A_190 : i32
        %jit3A_192 = arith.constant 16 : i32
        %div3A_193 = arith.divsi %add3A_191, %jit3A_192 : i32
        %sign3A_194 = arith.constant 0 : i32
        %sign3A_195 = arith.cmpi sgt, %add3A_191, %sign3A_194 : i32
        %sign3A_196 = arith.extui %sign3A_195 : i1 to i32
        %sign3A_197 = arith.constant 0 : i32
        %sign3A_198 = arith.cmpi slt, %add3A_191, %sign3A_197 : i32
        %sign3A_199 = arith.extui %sign3A_198 : i1 to i32
        %sign3A_200 = arith.subi %sign3A_196, %sign3A_199 : i32
        %sign3A_201 = arith.constant 0 : i32
        %sign3A_202 = arith.cmpi sgt, %jit3A_192, %sign3A_201 : i32
        %sign3A_203 = arith.extui %sign3A_202 : i1 to i32
        %sign3A_204 = arith.constant 0 : i32
        %sign3A_205 = arith.cmpi slt, %jit3A_192, %sign3A_204 : i32
        %sign3A_206 = arith.extui %sign3A_205 : i1 to i32
        %sign3A_207 = arith.subi %sign3A_203, %sign3A_206 : i32
        %ne3A_208 = arith.cmpi ne, %sign3A_200, %sign3A_207 : i32
        %rem3A_209 = arith.remsi %add3A_191, %jit3A_192 : i32
        %ne3A_210 = arith.constant 0 : i32
        %ne3A_211 = arith.cmpi ne, %rem3A_209, %ne3A_210 : i32
        %and3A_212 = arith.andi %ne3A_208, %ne3A_211 : i1
        %sub3A_213 = arith.constant 1 : i32
        %sub3A_214 = arith.subi %div3A_193, %sub3A_213 : i32
        %select_n3A_215 = arith.select %and3A_212, %sub3A_214, %div3A_193 : i32
        %while3A = arith.constant 0 : i32
        %while3A_216 = arith.subi %select_n3A_215, %while3A : i32
        %while3A_217 = arith.addi %while3A, %while3A_216 : i32
        %while3A_218 = arith.constant 1 : i32
        %while3A_219 = arith.divsi %while3A_216, %while3A_218 : i32
        %while3A_220 = arith.muli %while3A_219, %while3A_218 : i32
        %while3A_221 = arith.addi %while3A, %while3A_220 : i32
        %while3A_222 = arith.constant 1 : i32
        %while3A_223:8 = scf.for %while3A_753 = %while3A to %while3A_221 step %while3A_222 iter_args(%while3A_754 = %broadcast_in_dim3A_28, %while3A_755 = %broadcast_in_dim3A_26, %while3A_756 = %broadcast_in_dim3A_28, %while3A_757 = %broadcast_in_dim3A_26, %while3A_758 = %broadcast_in_dim3A_28, %while3A_759 = %broadcast_in_dim3A_26, %while3A_760 = %broadcast_in_dim3A_28, %while3A_761 = %broadcast_in_dim3A_26) -> (vector<16xf32>, vector<16xi32>, vector<16xf32>, vector<16xi32>, vector<16xf32>, vector<16xi32>, vector<16xf32>, vector<16xi32>)  : i32 {
          %mul3A_762 = arith.constant 16 : i32
          %mul3A_763 = arith.muli %while3A_753, %mul3A_762 : i32
          %add3A_764 = arith.constant 0 : i32
          %add3A_765 = arith.addi %add3A_764, %mul3A_763 : i32
          %get3A_766 = arith.index_cast %add3A_765 : i32 to index
          %get3A_767 = tpu.vector_load %arg15[%get3A_766] {strides = array<i32>} : memref<1056xf32, #tpu.memory_space<vmem>>, vector<16xf32>,
          %mul3A_768 = arith.constant 16 : i32
          %mul3A_769 = arith.muli %while3A_753, %mul3A_768 : i32
          %add3A_770 = arith.constant 0 : i32
          %add3A_771 = arith.addi %add3A_770, %mul3A_769 : i32
          %get3A_772 = arith.index_cast %add3A_771 : i32 to index
          %get3A_773 = tpu.vector_load %arg16[%get3A_772] {strides = array<i32>} : memref<1056xi32, #tpu.memory_space<vmem>>, vector<16xi32>,
          %masked_sort3A = arith.constant dense<true> : vector<16xi1>
          %masked_sort3A_774, %masked_sort3A_775, %masked_sort3A_776 = tpu.sort %get3A_767, %get3A_773 masked %masked_sort3A : (vector<16xf32>, vector<16xi32>, vector<16xi1>) -> (vector<16xi1>, vector<16xf32>, vector<16xi32>)
          %rev3A = arith.constant 15 : i32
          %rev3A_777 = vector.broadcast %rev3A : i32 to vector<16xi32>
          %rev3A_778 = tpu.iota {dimensions = array<i32: 0>} : vector<16xi32>
          %rev3A_779 = arith.subi %rev3A_777, %rev3A_778 : vector<16xi32>
          %rev3A_780 = tpu.dynamic_gather %masked_sort3A_775[%rev3A_779] in [0] : vector<16xf32>, vector<16xi32> -> vector<16xf32>
          %rev3A_781 = arith.constant 15 : i32
          %rev3A_782 = vector.broadcast %rev3A_781 : i32 to vector<16xi32>
          %rev3A_783 = tpu.iota {dimensions = array<i32: 0>} : vector<16xi32>
          %rev3A_784 = arith.subi %rev3A_782, %rev3A_783 : vector<16xi32>
          %rev3A_785 = tpu.dynamic_gather %masked_sort3A_776[%rev3A_784] in [0] : vector<16xi32>, vector<16xi32> -> vector<16xi32>
          %lt3A_786 = arith.cmpf olt, %while3A_754, %rev3A_780 : vector<16xf32>
          %eq3A = arith.cmpf oeq, %while3A_754, %rev3A_780 : vector<16xf32>
          %le3A = arith.cmpi sle, %while3A_755, %rev3A_785 : vector<16xi32>
          %and3A_787 = arith.andi %eq3A, %le3A : vector<16xi1>
          %or3A_788 = arith.ori %lt3A_786, %and3A_787 : vector<16xi1>
          %select_n3A_789 = arith.select %or3A_788, %while3A_754, %rev3A_780 : vector<16xi1>, vector<16xf32>
          %select_n3A_790 = arith.select %or3A_788, %while3A_755, %rev3A_785 : vector<16xi1>, vector<16xi32>
          %select_n3A_791 = arith.select %or3A_788, %rev3A_780, %while3A_754 : vector<16xi1>, vector<16xf32>
          %select_n3A_792 = arith.select %or3A_788, %rev3A_785, %while3A_755 : vector<16xi1>, vector<16xi32>
          %masked_sort3A_793 = arith.constant dense<true> : vector<16xi1>
          %masked_sort3A_794, %masked_sort3A_795, %masked_sort3A_796 = tpu.sort %select_n3A_789, %select_n3A_790 masked %masked_sort3A_793 : (vector<16xf32>, vector<16xi32>, vector<16xi1>) -> (vector<16xi1>, vector<16xf32>, vector<16xi32>)
          %masked_sort3A_797 = arith.constant dense<true> : vector<16xi1>
          %masked_sort3A_798, %masked_sort3A_799, %masked_sort3A_800 = tpu.sort %select_n3A_791, %select_n3A_792 masked %masked_sort3A_797 : (vector<16xf32>, vector<16xi32>, vector<16xi1>) -> (vector<16xi1>, vector<16xf32>, vector<16xi32>)
          %rev3A_801 = arith.constant 15 : i32
          %rev3A_802 = vector.broadcast %rev3A_801 : i32 to vector<16xi32>
          %rev3A_803 = tpu.iota {dimensions = array<i32: 0>} : vector<16xi32>
          %rev3A_804 = arith.subi %rev3A_802, %rev3A_803 : vector<16xi32>
          %rev3A_805 = tpu.dynamic_gather %masked_sort3A_799[%rev3A_804] in [0] : vector<16xf32>, vector<16xi32> -> vector<16xf32>
          %rev3A_806 = arith.constant 15 : i32
          %rev3A_807 = vector.broadcast %rev3A_806 : i32 to vector<16xi32>
          %rev3A_808 = tpu.iota {dimensions = array<i32: 0>} : vector<16xi32>
          %rev3A_809 = arith.subi %rev3A_807, %rev3A_808 : vector<16xi32>
          %rev3A_810 = tpu.dynamic_gather %masked_sort3A_800[%rev3A_809] in [0] : vector<16xi32>, vector<16xi32> -> vector<16xi32>
          %lt3A_811 = arith.cmpf olt, %while3A_756, %rev3A_805 : vector<16xf32>
          %eq3A_812 = arith.cmpf oeq, %while3A_756, %rev3A_805 : vector<16xf32>
          %le3A_813 = arith.cmpi sle, %while3A_757, %rev3A_810 : vector<16xi32>
          %and3A_814 = arith.andi %eq3A_812, %le3A_813 : vector<16xi1>
          %or3A_815 = arith.ori %lt3A_811, %and3A_814 : vector<16xi1>
          %select_n3A_816 = arith.select %or3A_815, %while3A_756, %rev3A_805 : vector<16xi1>, vector<16xf32>
          %select_n3A_817 = arith.select %or3A_815, %while3A_757, %rev3A_810 : vector<16xi1>, vector<16xi32>
          %select_n3A_818 = arith.select %or3A_815, %rev3A_805, %while3A_756 : vector<16xi1>, vector<16xf32>
          %select_n3A_819 = arith.select %or3A_815, %rev3A_810, %while3A_757 : vector<16xi1>, vector<16xi32>
          %masked_sort3A_820 = arith.constant dense<true> : vector<16xi1>
          %masked_sort3A_821, %masked_sort3A_822, %masked_sort3A_823 = tpu.sort %select_n3A_816, %select_n3A_817 masked %masked_sort3A_820 : (vector<16xf32>, vector<16xi32>, vector<16xi1>) -> (vector<16xi1>, vector<16xf32>, vector<16xi32>)
          %masked_sort3A_824 = arith.constant dense<true> : vector<16xi1>
          %masked_sort3A_825, %masked_sort3A_826, %masked_sort3A_827 = tpu.sort %select_n3A_818, %select_n3A_819 masked %masked_sort3A_824 : (vector<16xf32>, vector<16xi32>, vector<16xi1>) -> (vector<16xi1>, vector<16xf32>, vector<16xi32>)
          %rev3A_828 = arith.constant 15 : i32
          %rev3A_829 = vector.broadcast %rev3A_828 : i32 to vector<16xi32>
          %rev3A_830 = tpu.iota {dimensions = array<i32: 0>} : vector<16xi32>
          %rev3A_831 = arith.subi %rev3A_829, %rev3A_830 : vector<16xi32>
          %rev3A_832 = tpu.dynamic_gather %masked_sort3A_826[%rev3A_831] in [0] : vector<16xf32>, vector<16xi32> -> vector<16xf32>
          %rev3A_833 = arith.constant 15 : i32
          %rev3A_834 = vector.broadcast %rev3A_833 : i32 to vector<16xi32>
          %rev3A_835 = tpu.iota {dimensions = array<i32: 0>} : vector<16xi32>
          %rev3A_836 = arith.subi %rev3A_834, %rev3A_835 : vector<16xi32>
          %rev3A_837 = tpu.dynamic_gather %masked_sort3A_827[%rev3A_836] in [0] : vector<16xi32>, vector<16xi32> -> vector<16xi32>
          %lt3A_838 = arith.cmpf olt, %while3A_758, %rev3A_832 : vector<16xf32>
          %eq3A_839 = arith.cmpf oeq, %while3A_758, %rev3A_832 : vector<16xf32>
          %le3A_840 = arith.cmpi sle, %while3A_759, %rev3A_837 : vector<16xi32>
          %and3A_841 = arith.andi %eq3A_839, %le3A_840 : vector<16xi1>
          %or3A_842 = arith.ori %lt3A_838, %and3A_841 : vector<16xi1>
          %select_n3A_843 = arith.select %or3A_842, %while3A_758, %rev3A_832 : vector<16xi1>, vector<16xf32>
          %select_n3A_844 = arith.select %or3A_842, %while3A_759, %rev3A_837 : vector<16xi1>, vector<16xi32>
          %select_n3A_845 = arith.select %or3A_842, %rev3A_832, %while3A_758 : vector<16xi1>, vector<16xf32>
          %select_n3A_846 = arith.select %or3A_842, %rev3A_837, %while3A_759 : vector<16xi1>, vector<16xi32>
          %masked_sort3A_847 = arith.constant dense<true> : vector<16xi1>
          %masked_sort3A_848, %masked_sort3A_849, %masked_sort3A_850 = tpu.sort %select_n3A_843, %select_n3A_844 masked %masked_sort3A_847 : (vector<16xf32>, vector<16xi32>, vector<16xi1>) -> (vector<16xi1>, vector<16xf32>, vector<16xi32>)
          %masked_sort3A_851 = arith.constant dense<true> : vector<16xi1>
          %masked_sort3A_852, %masked_sort3A_853, %masked_sort3A_854 = tpu.sort %select_n3A_845, %select_n3A_846 masked %masked_sort3A_851 : (vector<16xf32>, vector<16xi32>, vector<16xi1>) -> (vector<16xi1>, vector<16xf32>, vector<16xi32>)
          %rev3A_855 = arith.constant 15 : i32
          %rev3A_856 = vector.broadcast %rev3A_855 : i32 to vector<16xi32>
          %rev3A_857 = tpu.iota {dimensions = array<i32: 0>} : vector<16xi32>
          %rev3A_858 = arith.subi %rev3A_856, %rev3A_857 : vector<16xi32>
          %rev3A_859 = tpu.dynamic_gather %masked_sort3A_853[%rev3A_858] in [0] : vector<16xf32>, vector<16xi32> -> vector<16xf32>
          %rev3A_860 = arith.constant 15 : i32
          %rev3A_861 = vector.broadcast %rev3A_860 : i32 to vector<16xi32>
          %rev3A_862 = tpu.iota {dimensions = array<i32: 0>} : vector<16xi32>
          %rev3A_863 = arith.subi %rev3A_861, %rev3A_862 : vector<16xi32>
          %rev3A_864 = tpu.dynamic_gather %masked_sort3A_854[%rev3A_863] in [0] : vector<16xi32>, vector<16xi32> -> vector<16xi32>
          %lt3A_865 = arith.cmpf olt, %while3A_760, %rev3A_859 : vector<16xf32>
          %eq3A_866 = arith.cmpf oeq, %while3A_760, %rev3A_859 : vector<16xf32>
          %le3A_867 = arith.cmpi sle, %while3A_761, %rev3A_864 : vector<16xi32>
          %and3A_868 = arith.andi %eq3A_866, %le3A_867 : vector<16xi1>
          %or3A_869 = arith.ori %lt3A_865, %and3A_868 : vector<16xi1>
          %select_n3A_870 = arith.select %or3A_869, %while3A_760, %rev3A_859 : vector<16xi1>, vector<16xf32>
          %select_n3A_871 = arith.select %or3A_869, %while3A_761, %rev3A_864 : vector<16xi1>, vector<16xi32>
          %select_n3A_872 = arith.select %or3A_869, %rev3A_859, %while3A_760 : vector<16xi1>, vector<16xf32>
          %select_n3A_873 = arith.select %or3A_869, %rev3A_864, %while3A_761 : vector<16xi1>, vector<16xi32>
          %masked_sort3A_874 = arith.constant dense<true> : vector<16xi1>
          %masked_sort3A_875, %masked_sort3A_876, %masked_sort3A_877 = tpu.sort %select_n3A_870, %select_n3A_871 masked %masked_sort3A_874 : (vector<16xf32>, vector<16xi32>, vector<16xi1>) -> (vector<16xi1>, vector<16xf32>, vector<16xi32>)
          %masked_sort3A_878 = arith.constant dense<true> : vector<16xi1>
          %masked_sort3A_879, %masked_sort3A_880, %masked_sort3A_881 = tpu.sort %select_n3A_872, %select_n3A_873 masked %masked_sort3A_878 : (vector<16xf32>, vector<16xi32>, vector<16xi1>) -> (vector<16xi1>, vector<16xf32>, vector<16xi32>)
          scf.yield %masked_sort3A_795, %masked_sort3A_796, %masked_sort3A_822, %masked_sort3A_823, %masked_sort3A_849, %masked_sort3A_850, %masked_sort3A_876, %masked_sort3A_877 : vector<16xf32>, vector<16xi32>, vector<16xf32>, vector<16xi32>, vector<16xf32>, vector<16xi32>, vector<16xf32>, vector<16xi32>
        }
        %while3A_224 = arith.constant 1 : i32
        %while3A_225:8 = scf.for %while3A_753 = %while3A_221 to %while3A_217 step %while3A_224 iter_args(%while3A_754 = %while3A_223#0, %while3A_755 = %while3A_223#1, %while3A_756 = %while3A_223#2, %while3A_757 = %while3A_223#3, %while3A_758 = %while3A_223#4, %while3A_759 = %while3A_223#5, %while3A_760 = %while3A_223#6, %while3A_761 = %while3A_223#7) -> (vector<16xf32>, vector<16xi32>, vector<16xf32>, vector<16xi32>, vector<16xf32>, vector<16xi32>, vector<16xf32>, vector<16xi32>)  : i32 {
          %mul3A_762 = arith.constant 16 : i32
          %mul3A_763 = arith.muli %while3A_753, %mul3A_762 : i32
          %add3A_764 = arith.constant 0 : i32
          %add3A_765 = arith.addi %add3A_764, %mul3A_763 : i32
          %get3A_766 = arith.index_cast %add3A_765 : i32 to index
          %get3A_767 = tpu.vector_load %arg15[%get3A_766] {strides = array<i32>} : memref<1056xf32, #tpu.memory_space<vmem>>, vector<16xf32>,
          %mul3A_768 = arith.constant 16 : i32
          %mul3A_769 = arith.muli %while3A_753, %mul3A_768 : i32
          %add3A_770 = arith.constant 0 : i32
          %add3A_771 = arith.addi %add3A_770, %mul3A_769 : i32
          %get3A_772 = arith.index_cast %add3A_771 : i32 to index
          %get3A_773 = tpu.vector_load %arg16[%get3A_772] {strides = array<i32>} : memref<1056xi32, #tpu.memory_space<vmem>>, vector<16xi32>,
          %masked_sort3A = arith.constant dense<true> : vector<16xi1>
          %masked_sort3A_774, %masked_sort3A_775, %masked_sort3A_776 = tpu.sort %get3A_767, %get3A_773 masked %masked_sort3A : (vector<16xf32>, vector<16xi32>, vector<16xi1>) -> (vector<16xi1>, vector<16xf32>, vector<16xi32>)
          %rev3A = arith.constant 15 : i32
          %rev3A_777 = vector.broadcast %rev3A : i32 to vector<16xi32>
          %rev3A_778 = tpu.iota {dimensions = array<i32: 0>} : vector<16xi32>
          %rev3A_779 = arith.subi %rev3A_777, %rev3A_778 : vector<16xi32>
          %rev3A_780 = tpu.dynamic_gather %masked_sort3A_775[%rev3A_779] in [0] : vector<16xf32>, vector<16xi32> -> vector<16xf32>
          %rev3A_781 = arith.constant 15 : i32
          %rev3A_782 = vector.broadcast %rev3A_781 : i32 to vector<16xi32>
          %rev3A_783 = tpu.iota {dimensions = array<i32: 0>} : vector<16xi32>
          %rev3A_784 = arith.subi %rev3A_782, %rev3A_783 : vector<16xi32>
          %rev3A_785 = tpu.dynamic_gather %masked_sort3A_776[%rev3A_784] in [0] : vector<16xi32>, vector<16xi32> -> vector<16xi32>
          %lt3A_786 = arith.cmpf olt, %while3A_754, %rev3A_780 : vector<16xf32>
          %eq3A = arith.cmpf oeq, %while3A_754, %rev3A_780 : vector<16xf32>
          %le3A = arith.cmpi sle, %while3A_755, %rev3A_785 : vector<16xi32>
          %and3A_787 = arith.andi %eq3A, %le3A : vector<16xi1>
          %or3A_788 = arith.ori %lt3A_786, %and3A_787 : vector<16xi1>
          %select_n3A_789 = arith.select %or3A_788, %while3A_754, %rev3A_780 : vector<16xi1>, vector<16xf32>
          %select_n3A_790 = arith.select %or3A_788, %while3A_755, %rev3A_785 : vector<16xi1>, vector<16xi32>
          %select_n3A_791 = arith.select %or3A_788, %rev3A_780, %while3A_754 : vector<16xi1>, vector<16xf32>
          %select_n3A_792 = arith.select %or3A_788, %rev3A_785, %while3A_755 : vector<16xi1>, vector<16xi32>
          %masked_sort3A_793 = arith.constant dense<true> : vector<16xi1>
          %masked_sort3A_794, %masked_sort3A_795, %masked_sort3A_796 = tpu.sort %select_n3A_789, %select_n3A_790 masked %masked_sort3A_793 : (vector<16xf32>, vector<16xi32>, vector<16xi1>) -> (vector<16xi1>, vector<16xf32>, vector<16xi32>)
          %masked_sort3A_797 = arith.constant dense<true> : vector<16xi1>
          %masked_sort3A_798, %masked_sort3A_799, %masked_sort3A_800 = tpu.sort %select_n3A_791, %select_n3A_792 masked %masked_sort3A_797 : (vector<16xf32>, vector<16xi32>, vector<16xi1>) -> (vector<16xi1>, vector<16xf32>, vector<16xi32>)
          %rev3A_801 = arith.constant 15 : i32
          %rev3A_802 = vector.broadcast %rev3A_801 : i32 to vector<16xi32>
          %rev3A_803 = tpu.iota {dimensions = array<i32: 0>} : vector<16xi32>
          %rev3A_804 = arith.subi %rev3A_802, %rev3A_803 : vector<16xi32>
          %rev3A_805 = tpu.dynamic_gather %masked_sort3A_799[%rev3A_804] in [0] : vector<16xf32>, vector<16xi32> -> vector<16xf32>
          %rev3A_806 = arith.constant 15 : i32
          %rev3A_807 = vector.broadcast %rev3A_806 : i32 to vector<16xi32>
          %rev3A_808 = tpu.iota {dimensions = array<i32: 0>} : vector<16xi32>
          %rev3A_809 = arith.subi %rev3A_807, %rev3A_808 : vector<16xi32>
          %rev3A_810 = tpu.dynamic_gather %masked_sort3A_800[%rev3A_809] in [0] : vector<16xi32>, vector<16xi32> -> vector<16xi32>
          %lt3A_811 = arith.cmpf olt, %while3A_756, %rev3A_805 : vector<16xf32>
          %eq3A_812 = arith.cmpf oeq, %while3A_756, %rev3A_805 : vector<16xf32>
          %le3A_813 = arith.cmpi sle, %while3A_757, %rev3A_810 : vector<16xi32>
          %and3A_814 = arith.andi %eq3A_812, %le3A_813 : vector<16xi1>
          %or3A_815 = arith.ori %lt3A_811, %and3A_814 : vector<16xi1>
          %select_n3A_816 = arith.select %or3A_815, %while3A_756, %rev3A_805 : vector<16xi1>, vector<16xf32>
          %select_n3A_817 = arith.select %or3A_815, %while3A_757, %rev3A_810 : vector<16xi1>, vector<16xi32>
          %select_n3A_818 = arith.select %or3A_815, %rev3A_805, %while3A_756 : vector<16xi1>, vector<16xf32>
          %select_n3A_819 = arith.select %or3A_815, %rev3A_810, %while3A_757 : vector<16xi1>, vector<16xi32>
          %masked_sort3A_820 = arith.constant dense<true> : vector<16xi1>
          %masked_sort3A_821, %masked_sort3A_822, %masked_sort3A_823 = tpu.sort %select_n3A_816, %select_n3A_817 masked %masked_sort3A_820 : (vector<16xf32>, vector<16xi32>, vector<16xi1>) -> (vector<16xi1>, vector<16xf32>, vector<16xi32>)
          %masked_sort3A_824 = arith.constant dense<true> : vector<16xi1>
          %masked_sort3A_825, %masked_sort3A_826, %masked_sort3A_827 = tpu.sort %select_n3A_818, %select_n3A_819 masked %masked_sort3A_824 : (vector<16xf32>, vector<16xi32>, vector<16xi1>) -> (vector<16xi1>, vector<16xf32>, vector<16xi32>)
          %rev3A_828 = arith.constant 15 : i32
          %rev3A_829 = vector.broadcast %rev3A_828 : i32 to vector<16xi32>
          %rev3A_830 = tpu.iota {dimensions = array<i32: 0>} : vector<16xi32>
          %rev3A_831 = arith.subi %rev3A_829, %rev3A_830 : vector<16xi32>
          %rev3A_832 = tpu.dynamic_gather %masked_sort3A_826[%rev3A_831] in [0] : vector<16xf32>, vector<16xi32> -> vector<16xf32>
          %rev3A_833 = arith.constant 15 : i32
          %rev3A_834 = vector.broadcast %rev3A_833 : i32 to vector<16xi32>
          %rev3A_835 = tpu.iota {dimensions = array<i32: 0>} : vector<16xi32>
          %rev3A_836 = arith.subi %rev3A_834, %rev3A_835 : vector<16xi32>
          %rev3A_837 = tpu.dynamic_gather %masked_sort3A_827[%rev3A_836] in [0] : vector<16xi32>, vector<16xi32> -> vector<16xi32>
          %lt3A_838 = arith.cmpf olt, %while3A_758, %rev3A_832 : vector<16xf32>
          %eq3A_839 = arith.cmpf oeq, %while3A_758, %rev3A_832 : vector<16xf32>
          %le3A_840 = arith.cmpi sle, %while3A_759, %rev3A_837 : vector<16xi32>
          %and3A_841 = arith.andi %eq3A_839, %le3A_840 : vector<16xi1>
          %or3A_842 = arith.ori %lt3A_838, %and3A_841 : vector<16xi1>
          %select_n3A_843 = arith.select %or3A_842, %while3A_758, %rev3A_832 : vector<16xi1>, vector<16xf32>
          %select_n3A_844 = arith.select %or3A_842, %while3A_759, %rev3A_837 : vector<16xi1>, vector<16xi32>
          %select_n3A_845 = arith.select %or3A_842, %rev3A_832, %while3A_758 : vector<16xi1>, vector<16xf32>
          %select_n3A_846 = arith.select %or3A_842, %rev3A_837, %while3A_759 : vector<16xi1>, vector<16xi32>
          %masked_sort3A_847 = arith.constant dense<true> : vector<16xi1>
          %masked_sort3A_848, %masked_sort3A_849, %masked_sort3A_850 = tpu.sort %select_n3A_843, %select_n3A_844 masked %masked_sort3A_847 : (vector<16xf32>, vector<16xi32>, vector<16xi1>) -> (vector<16xi1>, vector<16xf32>, vector<16xi32>)
          %masked_sort3A_851 = arith.constant dense<true> : vector<16xi1>
          %masked_sort3A_852, %masked_sort3A_853, %masked_sort3A_854 = tpu.sort %select_n3A_845, %select_n3A_846 masked %masked_sort3A_851 : (vector<16xf32>, vector<16xi32>, vector<16xi1>) -> (vector<16xi1>, vector<16xf32>, vector<16xi32>)
          %rev3A_855 = arith.constant 15 : i32
          %rev3A_856 = vector.broadcast %rev3A_855 : i32 to vector<16xi32>
          %rev3A_857 = tpu.iota {dimensions = array<i32: 0>} : vector<16xi32>
          %rev3A_858 = arith.subi %rev3A_856, %rev3A_857 : vector<16xi32>
          %rev3A_859 = tpu.dynamic_gather %masked_sort3A_853[%rev3A_858] in [0] : vector<16xf32>, vector<16xi32> -> vector<16xf32>
          %rev3A_860 = arith.constant 15 : i32
          %rev3A_861 = vector.broadcast %rev3A_860 : i32 to vector<16xi32>
          %rev3A_862 = tpu.iota {dimensions = array<i32: 0>} : vector<16xi32>
          %rev3A_863 = arith.subi %rev3A_861, %rev3A_862 : vector<16xi32>
          %rev3A_864 = tpu.dynamic_gather %masked_sort3A_854[%rev3A_863] in [0] : vector<16xi32>, vector<16xi32> -> vector<16xi32>
          %lt3A_865 = arith.cmpf olt, %while3A_760, %rev3A_859 : vector<16xf32>
          %eq3A_866 = arith.cmpf oeq, %while3A_760, %rev3A_859 : vector<16xf32>
          %le3A_867 = arith.cmpi sle, %while3A_761, %rev3A_864 : vector<16xi32>
          %and3A_868 = arith.andi %eq3A_866, %le3A_867 : vector<16xi1>
          %or3A_869 = arith.ori %lt3A_865, %and3A_868 : vector<16xi1>
          %select_n3A_870 = arith.select %or3A_869, %while3A_760, %rev3A_859 : vector<16xi1>, vector<16xf32>
          %select_n3A_871 = arith.select %or3A_869, %while3A_761, %rev3A_864 : vector<16xi1>, vector<16xi32>
          %select_n3A_872 = arith.select %or3A_869, %rev3A_859, %while3A_760 : vector<16xi1>, vector<16xf32>
          %select_n3A_873 = arith.select %or3A_869, %rev3A_864, %while3A_761 : vector<16xi1>, vector<16xi32>
          %masked_sort3A_874 = arith.constant dense<true> : vector<16xi1>
          %masked_sort3A_875, %masked_sort3A_876, %masked_sort3A_877 = tpu.sort %select_n3A_870, %select_n3A_871 masked %masked_sort3A_874 : (vector<16xf32>, vector<16xi32>, vector<16xi1>) -> (vector<16xi1>, vector<16xf32>, vector<16xi32>)
          %masked_sort3A_878 = arith.constant dense<true> : vector<16xi1>
          %masked_sort3A_879, %masked_sort3A_880, %masked_sort3A_881 = tpu.sort %select_n3A_872, %select_n3A_873 masked %masked_sort3A_878 : (vector<16xf32>, vector<16xi32>, vector<16xi1>) -> (vector<16xi1>, vector<16xf32>, vector<16xi32>)
          scf.yield %masked_sort3A_795, %masked_sort3A_796, %masked_sort3A_822, %masked_sort3A_823, %masked_sort3A_849, %masked_sort3A_850, %masked_sort3A_876, %masked_sort3A_877 : vector<16xf32>, vector<16xi32>, vector<16xf32>, vector<16xi32>, vector<16xf32>, vector<16xi32>, vector<16xf32>, vector<16xi32>
        }
        %swap3A_226 = arith.constant 0 : index
        %swap3A_227 = tpu.vector_load %arg22[%swap3A_226] {strides = array<i32>} : memref<64xf32, #tpu.memory_space<vmem>>, vector<16xf32>,
        tpu.vector_store %arg22[%swap3A_226], %while3A_225#0 {strides = array<i32>} : memref<64xf32, #tpu.memory_space<vmem>>, vector<16xf32>,
        %swap3A_228 = arith.constant 0 : index
        %swap3A_229 = tpu.vector_load %arg23[%swap3A_228] {strides = array<i32>} : memref<64xi32, #tpu.memory_space<vmem>>, vector<16xi32>,
        tpu.vector_store %arg23[%swap3A_228], %while3A_225#1 {strides = array<i32>} : memref<64xi32, #tpu.memory_space<vmem>>, vector<16xi32>,
        %swap3A_230 = arith.constant 16 : index
        %swap3A_231 = tpu.vector_load %arg22[%swap3A_230] {strides = array<i32>} : memref<64xf32, #tpu.memory_space<vmem>>, vector<16xf32>,
        tpu.vector_store %arg22[%swap3A_230], %while3A_225#2 {strides = array<i32>} : memref<64xf32, #tpu.memory_space<vmem>>, vector<16xf32>,
        %swap3A_232 = arith.constant 16 : index
        %swap3A_233 = tpu.vector_load %arg23[%swap3A_232] {strides = array<i32>} : memref<64xi32, #tpu.memory_space<vmem>>, vector<16xi32>,
        tpu.vector_store %arg23[%swap3A_232], %while3A_225#3 {strides = array<i32>} : memref<64xi32, #tpu.memory_space<vmem>>, vector<16xi32>,
        %swap3A_234 = arith.constant 32 : index
        %swap3A_235 = tpu.vector_load %arg22[%swap3A_234] {strides = array<i32>} : memref<64xf32, #tpu.memory_space<vmem>>, vector<16xf32>,
        tpu.vector_store %arg22[%swap3A_234], %while3A_225#4 {strides = array<i32>} : memref<64xf32, #tpu.memory_space<vmem>>, vector<16xf32>,
        %swap3A_236 = arith.constant 32 : index
        %swap3A_237 = tpu.vector_load %arg23[%swap3A_236] {strides = array<i32>} : memref<64xi32, #tpu.memory_space<vmem>>, vector<16xi32>,
        tpu.vector_store %arg23[%swap3A_236], %while3A_225#5 {strides = array<i32>} : memref<64xi32, #tpu.memory_space<vmem>>, vector<16xi32>,
        %swap3A_238 = arith.constant 48 : index
        %swap3A_239 = tpu.vector_load %arg22[%swap3A_238] {strides = array<i32>} : memref<64xf32, #tpu.memory_space<vmem>>, vector<16xf32>,
        tpu.vector_store %arg22[%swap3A_238], %while3A_225#6 {strides = array<i32>} : memref<64xf32, #tpu.memory_space<vmem>>, vector<16xf32>,
        %swap3A_240 = arith.constant 48 : index
        %swap3A_241 = tpu.vector_load %arg23[%swap3A_240] {strides = array<i32>} : memref<64xi32, #tpu.memory_space<vmem>>, vector<16xi32>,
        tpu.vector_store %arg23[%swap3A_240], %while3A_225#7 {strides = array<i32>} : memref<64xi32, #tpu.memory_space<vmem>>, vector<16xi32>,
        %add3A_242 = arith.constant -1 : i32
        %add3A_243 = vector.broadcast %add3A_242 : i32 to vector<16xi32>
        %add3A_244 = arith.addi %iota3A, %add3A_243 : vector<16xi32>
        %max3A = arith.constant 0 : i32
        %max3A_245 = vector.broadcast %max3A : i32 to vector<16xi32>
        %max3A_246 = arith.maxsi %add3A_244, %max3A_245 : vector<16xi32>
        %gather3A = tpu.vector_load_idx %arg22[%max3A_246] : memref<64xf32, #tpu.memory_space<vmem>>[vector<16xi32>], vector<16xf32>,
        %ne3A_247 = arith.cmpf one, %while3A_225#0, %gather3A : vector<16xf32>
        %lt3A = arith.constant 1 : i32
        %lt3A_248 = vector.broadcast %lt3A : i32 to vector<16xi32>
        %lt3A_249 = arith.cmpi slt, %iota3A, %lt3A_248 : vector<16xi32>
        %or3A = arith.ori %ne3A_247, %lt3A_249 : vector<16xi1>
        %not3A = arith.constant dense<true> : vector<16xi1>
        %not3A_250 = arith.xori %or3A, %not3A : vector<16xi1>
        %all_reduce_population_count3A = tpu.all_reduce %not3A_250 {dim = 0 : i64, kind = #tpu.reduction_kind<sum>} : vector<16xi1> -> vector<16xi32>
        %slice3A = vector.extract_strided_slice %all_reduce_population_count3A {offsets = [0], sizes = [1], strides = [1]} : vector<16xi32> to vector<1xi32>
        %squeeze3A = vector.extract %slice3A[0] : i32 from vector<1xi32>
        %add3A_251 = arith.constant 0 : i32
        %add3A_252 = arith.addi %add3A_251, %squeeze3A : i32
        %broadcast_in_dim3A_253 = arith.constant 1 : i32
        %broadcast_in_dim3A_254 = vector.broadcast %broadcast_in_dim3A_253 : i32 to vector<16xi32>
        %mul3A_255 = arith.constant 0 : i32
        %mul3A_256 = vector.broadcast %mul3A_255 : i32 to vector<16xi32>
        %mul3A_257 = arith.muli %broadcast_in_dim3A_254, %mul3A_256 : vector<16xi32>
        %add3A_258 = arith.addi %iota3A, %mul3A_257 : vector<16xi32>
        %jit3A_259 = arith.constant -1 : i32
        %broadcast_in_dim3A_260 = vector.broadcast %jit3A_259 : i32 to vector<16xi32>
        %select_n3A_261 = arith.select %or3A, %add3A_258, %broadcast_in_dim3A_260 : vector<16xi1>, vector<16xi32>
        %broadcast_in_dim3A_262 = arith.constant true
        %broadcast_in_dim3A_263 = vector.broadcast %broadcast_in_dim3A_262 : i1 to vector<16xi1>
        %masked_cummax3A = arith.constant -2147483648 : i32
        %masked_cummax3A_264 = vector.broadcast %masked_cummax3A : i32 to vector<16xi32>
        %masked_cummax3A_265 = arith.xori %select_n3A_261, %masked_cummax3A_264 : vector<16xi32>
        %masked_cummax3A_266 = tpu.scan <max>, %masked_cummax3A_265 masked %broadcast_in_dim3A_263 : vector<16xi32>, vector<16xi1> -> vector<16xi32>
        %masked_cummax3A_267 = arith.xori %masked_cummax3A_266, %masked_cummax3A_264 : vector<16xi32>
        %broadcast_in_dim3A_268 = arith.constant 1 : i32
        %broadcast_in_dim3A_269 = vector.broadcast %broadcast_in_dim3A_268 : i32 to vector<16xi32>
        %mul3A_270 = arith.constant -1 : i32
        %mul3A_271 = vector.broadcast %mul3A_270 : i32 to vector<16xi32>
        %mul3A_272 = arith.muli %broadcast_in_dim3A_269, %mul3A_271 : vector<16xi32>
        %max3A_273 = arith.maxsi %masked_cummax3A_267, %mul3A_272 : vector<16xi32>
        %slice3A_274 = vector.extract_strided_slice %max3A_273 {offsets = [15], sizes = [1], strides = [1]} : vector<16xi32> to vector<1xi32>
        %squeeze3A_275 = vector.extract %slice3A_274[0] : i32 from vector<1xi32>
        %mul3A_276 = arith.constant 2048 : i32
        %mul3A_277 = vector.broadcast %mul3A_276 : i32 to vector<16xi32>
        %mul3A_278 = arith.muli %max3A_273, %mul3A_277 : vector<16xi32>
        %add3A_279 = arith.addi %mul3A_278, %while3A_225#1 : vector<16xi32>
        %add3A_280 = arith.constant 15 : i32
        %add3A_281 = vector.broadcast %add3A_280 : i32 to vector<16xi32>
        %add3A_282 = arith.addi %iota3A, %add3A_281 : vector<16xi32>
        %max3A_283 = arith.constant 0 : i32
        %max3A_284 = vector.broadcast %max3A_283 : i32 to vector<16xi32>
        %max3A_285 = arith.maxsi %add3A_282, %max3A_284 : vector<16xi32>
        %gather3A_286 = tpu.vector_load_idx %arg22[%max3A_285] : memref<64xf32, #tpu.memory_space<vmem>>[vector<16xi32>], vector<16xf32>,
        %ne3A_287 = arith.cmpf one, %while3A_225#2, %gather3A_286 : vector<16xf32>
        %not3A_288 = arith.constant dense<true> : vector<16xi1>
        %not3A_289 = arith.xori %ne3A_287, %not3A_288 : vector<16xi1>
        %all_reduce_population_count3A_290 = tpu.all_reduce %not3A_289 {dim = 0 : i64, kind = #tpu.reduction_kind<sum>} : vector<16xi1> -> vector<16xi32>
        %slice3A_291 = vector.extract_strided_slice %all_reduce_population_count3A_290 {offsets = [0], sizes = [1], strides = [1]} : vector<16xi32> to vector<1xi32>
        %squeeze3A_292 = vector.extract %slice3A_291[0] : i32 from vector<1xi32>
        %add3A_293 = arith.addi %add3A_252, %squeeze3A_292 : i32
        %broadcast_in_dim3A_294 = arith.constant 1 : i32
        %broadcast_in_dim3A_295 = vector.broadcast %broadcast_in_dim3A_294 : i32 to vector<16xi32>
        %mul3A_296 = arith.constant 16 : i32
        %mul3A_297 = vector.broadcast %mul3A_296 : i32 to vector<16xi32>
        %mul3A_298 = arith.muli %broadcast_in_dim3A_295, %mul3A_297 : vector<16xi32>
        %add3A_299 = arith.addi %iota3A, %mul3A_298 : vector<16xi32>
        %jit3A_300 = arith.constant -1 : i32
        %broadcast_in_dim3A_301 = vector.broadcast %jit3A_300 : i32 to vector<16xi32>
        %select_n3A_302 = arith.select %ne3A_287, %add3A_299, %broadcast_in_dim3A_301 : vector<16xi1>, vector<16xi32>
        %broadcast_in_dim3A_303 = arith.constant true
        %broadcast_in_dim3A_304 = vector.broadcast %broadcast_in_dim3A_303 : i1 to vector<16xi1>
        %masked_cummax3A_305 = arith.constant -2147483648 : i32
        %masked_cummax3A_306 = vector.broadcast %masked_cummax3A_305 : i32 to vector<16xi32>
        %masked_cummax3A_307 = arith.xori %select_n3A_302, %masked_cummax3A_306 : vector<16xi32>
        %masked_cummax3A_308 = tpu.scan <max>, %masked_cummax3A_307 masked %broadcast_in_dim3A_304 : vector<16xi32>, vector<16xi1> -> vector<16xi32>
        %masked_cummax3A_309 = arith.xori %masked_cummax3A_308, %masked_cummax3A_306 : vector<16xi32>
        %broadcast_in_dim3A_310 = arith.constant 1 : i32
        %broadcast_in_dim3A_311 = vector.broadcast %broadcast_in_dim3A_310 : i32 to vector<16xi32>
        %mul3A_312 = vector.broadcast %squeeze3A_275 : i32 to vector<16xi32>
        %mul3A_313 = arith.muli %broadcast_in_dim3A_311, %mul3A_312 : vector<16xi32>
        %max3A_314 = arith.maxsi %masked_cummax3A_309, %mul3A_313 : vector<16xi32>
        %slice3A_315 = vector.extract_strided_slice %max3A_314 {offsets = [15], sizes = [1], strides = [1]} : vector<16xi32> to vector<1xi32>
        %squeeze3A_316 = vector.extract %slice3A_315[0] : i32 from vector<1xi32>
        %mul3A_317 = arith.constant 2048 : i32
        %mul3A_318 = vector.broadcast %mul3A_317 : i32 to vector<16xi32>
        %mul3A_319 = arith.muli %max3A_314, %mul3A_318 : vector<16xi32>
        %add3A_320 = arith.addi %mul3A_319, %while3A_225#3 : vector<16xi32>
        %add3A_321 = arith.constant 31 : i32
        %add3A_322 = vector.broadcast %add3A_321 : i32 to vector<16xi32>
        %add3A_323 = arith.addi %iota3A, %add3A_322 : vector<16xi32>
        %max3A_324 = arith.constant 0 : i32
        %max3A_325 = vector.broadcast %max3A_324 : i32 to vector<16xi32>
        %max3A_326 = arith.maxsi %add3A_323, %max3A_325 : vector<16xi32>
        %gather3A_327 = tpu.vector_load_idx %arg22[%max3A_326] : memref<64xf32, #tpu.memory_space<vmem>>[vector<16xi32>], vector<16xf32>,
        %ne3A_328 = arith.cmpf one, %while3A_225#4, %gather3A_327 : vector<16xf32>
        %not3A_329 = arith.constant dense<true> : vector<16xi1>
        %not3A_330 = arith.xori %ne3A_328, %not3A_329 : vector<16xi1>
        %all_reduce_population_count3A_331 = tpu.all_reduce %not3A_330 {dim = 0 : i64, kind = #tpu.reduction_kind<sum>} : vector<16xi1> -> vector<16xi32>
        %slice3A_332 = vector.extract_strided_slice %all_reduce_population_count3A_331 {offsets = [0], sizes = [1], strides = [1]} : vector<16xi32> to vector<1xi32>
        %squeeze3A_333 = vector.extract %slice3A_332[0] : i32 from vector<1xi32>
        %add3A_334 = arith.addi %add3A_293, %squeeze3A_333 : i32
        %broadcast_in_dim3A_335 = arith.constant 1 : i32
        %broadcast_in_dim3A_336 = vector.broadcast %broadcast_in_dim3A_335 : i32 to vector<16xi32>
        %mul3A_337 = arith.constant 32 : i32
        %mul3A_338 = vector.broadcast %mul3A_337 : i32 to vector<16xi32>
        %mul3A_339 = arith.muli %broadcast_in_dim3A_336, %mul3A_338 : vector<16xi32>
        %add3A_340 = arith.addi %iota3A, %mul3A_339 : vector<16xi32>
        %jit3A_341 = arith.constant -1 : i32
        %broadcast_in_dim3A_342 = vector.broadcast %jit3A_341 : i32 to vector<16xi32>
        %select_n3A_343 = arith.select %ne3A_328, %add3A_340, %broadcast_in_dim3A_342 : vector<16xi1>, vector<16xi32>
        %broadcast_in_dim3A_344 = arith.constant true
        %broadcast_in_dim3A_345 = vector.broadcast %broadcast_in_dim3A_344 : i1 to vector<16xi1>
        %masked_cummax3A_346 = arith.constant -2147483648 : i32
        %masked_cummax3A_347 = vector.broadcast %masked_cummax3A_346 : i32 to vector<16xi32>
        %masked_cummax3A_348 = arith.xori %select_n3A_343, %masked_cummax3A_347 : vector<16xi32>
        %masked_cummax3A_349 = tpu.scan <max>, %masked_cummax3A_348 masked %broadcast_in_dim3A_345 : vector<16xi32>, vector<16xi1> -> vector<16xi32>
        %masked_cummax3A_350 = arith.xori %masked_cummax3A_349, %masked_cummax3A_347 : vector<16xi32>
        %broadcast_in_dim3A_351 = arith.constant 1 : i32
        %broadcast_in_dim3A_352 = vector.broadcast %broadcast_in_dim3A_351 : i32 to vector<16xi32>
        %mul3A_353 = vector.broadcast %squeeze3A_316 : i32 to vector<16xi32>
        %mul3A_354 = arith.muli %broadcast_in_dim3A_352, %mul3A_353 : vector<16xi32>
        %max3A_355 = arith.maxsi %masked_cummax3A_350, %mul3A_354 : vector<16xi32>
        %slice3A_356 = vector.extract_strided_slice %max3A_355 {offsets = [15], sizes = [1], strides = [1]} : vector<16xi32> to vector<1xi32>
        %squeeze3A_357 = vector.extract %slice3A_356[0] : i32 from vector<1xi32>
        %mul3A_358 = arith.constant 2048 : i32
        %mul3A_359 = vector.broadcast %mul3A_358 : i32 to vector<16xi32>
        %mul3A_360 = arith.muli %max3A_355, %mul3A_359 : vector<16xi32>
        %add3A_361 = arith.addi %mul3A_360, %while3A_225#5 : vector<16xi32>
        %add3A_362 = arith.constant 47 : i32
        %add3A_363 = vector.broadcast %add3A_362 : i32 to vector<16xi32>
        %add3A_364 = arith.addi %iota3A, %add3A_363 : vector<16xi32>
        %max3A_365 = arith.constant 0 : i32
        %max3A_366 = vector.broadcast %max3A_365 : i32 to vector<16xi32>
        %max3A_367 = arith.maxsi %add3A_364, %max3A_366 : vector<16xi32>
        %gather3A_368 = tpu.vector_load_idx %arg22[%max3A_367] : memref<64xf32, #tpu.memory_space<vmem>>[vector<16xi32>], vector<16xf32>,
        %ne3A_369 = arith.cmpf one, %while3A_225#6, %gather3A_368 : vector<16xf32>
        %not3A_370 = arith.constant dense<true> : vector<16xi1>
        %not3A_371 = arith.xori %ne3A_369, %not3A_370 : vector<16xi1>
        %all_reduce_population_count3A_372 = tpu.all_reduce %not3A_371 {dim = 0 : i64, kind = #tpu.reduction_kind<sum>} : vector<16xi1> -> vector<16xi32>
        %slice3A_373 = vector.extract_strided_slice %all_reduce_population_count3A_372 {offsets = [0], sizes = [1], strides = [1]} : vector<16xi32> to vector<1xi32>
        %squeeze3A_374 = vector.extract %slice3A_373[0] : i32 from vector<1xi32>
        %add3A_375 = arith.addi %add3A_334, %squeeze3A_374 : i32
        %broadcast_in_dim3A_376 = arith.constant 1 : i32
        %broadcast_in_dim3A_377 = vector.broadcast %broadcast_in_dim3A_376 : i32 to vector<16xi32>
        %mul3A_378 = arith.constant 48 : i32
        %mul3A_379 = vector.broadcast %mul3A_378 : i32 to vector<16xi32>
        %mul3A_380 = arith.muli %broadcast_in_dim3A_377, %mul3A_379 : vector<16xi32>
        %add3A_381 = arith.addi %iota3A, %mul3A_380 : vector<16xi32>
        %jit3A_382 = arith.constant -1 : i32
        %broadcast_in_dim3A_383 = vector.broadcast %jit3A_382 : i32 to vector<16xi32>
        %select_n3A_384 = arith.select %ne3A_369, %add3A_381, %broadcast_in_dim3A_383 : vector<16xi1>, vector<16xi32>
        %broadcast_in_dim3A_385 = arith.constant true
        %broadcast_in_dim3A_386 = vector.broadcast %broadcast_in_dim3A_385 : i1 to vector<16xi1>
        %masked_cummax3A_387 = arith.constant -2147483648 : i32
        %masked_cummax3A_388 = vector.broadcast %masked_cummax3A_387 : i32 to vector<16xi32>
        %masked_cummax3A_389 = arith.xori %select_n3A_384, %masked_cummax3A_388 : vector<16xi32>
        %masked_cummax3A_390 = tpu.scan <max>, %masked_cummax3A_389 masked %broadcast_in_dim3A_386 : vector<16xi32>, vector<16xi1> -> vector<16xi32>
        %masked_cummax3A_391 = arith.xori %masked_cummax3A_390, %masked_cummax3A_388 : vector<16xi32>
        %broadcast_in_dim3A_392 = arith.constant 1 : i32
        %broadcast_in_dim3A_393 = vector.broadcast %broadcast_in_dim3A_392 : i32 to vector<16xi32>
        %mul3A_394 = vector.broadcast %squeeze3A_357 : i32 to vector<16xi32>
        %mul3A_395 = arith.muli %broadcast_in_dim3A_393, %mul3A_394 : vector<16xi32>
        %max3A_396 = arith.maxsi %masked_cummax3A_391, %mul3A_395 : vector<16xi32>
        %slice3A_397 = vector.extract_strided_slice %max3A_396 {offsets = [15], sizes = [1], strides = [1]} : vector<16xi32> to vector<1xi32>
        %squeeze3A_398 = vector.extract %slice3A_397[0] : i32 from vector<1xi32>
        %mul3A_399 = arith.constant 2048 : i32
        %mul3A_400 = vector.broadcast %mul3A_399 : i32 to vector<16xi32>
        %mul3A_401 = arith.muli %max3A_396, %mul3A_400 : vector<16xi32>
        %add3A_402 = arith.addi %mul3A_401, %while3A_225#7 : vector<16xi32>
        %gt3A = arith.constant 0 : i32
        %gt3A_403 = arith.cmpi sgt, %add3A_375, %gt3A : i32
        %convert_element_type3A = arith.extui %gt3A_403 : i1 to i32
        %cond3A = arith.constant 0 : i32
        %cond3A_404 = arith.cmpi ne, %convert_element_type3A, %cond3A : i32
        %cond3A_405:8 = scf.if %cond3A_404 -> (vector<16xf32>, vector<16xi32>, vector<16xf32>, vector<16xi32>, vector<16xf32>, vector<16xi32>, vector<16xf32>, vector<16xi32>) {
          %broadcast_in_dim3A_753 = arith.constant 1 : i32
          %broadcast_in_dim3A_754 = vector.broadcast %broadcast_in_dim3A_753 : i32 to vector<16xi32>
          %mul3A_755 = arith.constant 1073741824 : i32
          %mul3A_756 = vector.broadcast %mul3A_755 : i32 to vector<16xi32>
          %mul3A_757 = arith.muli %broadcast_in_dim3A_754, %mul3A_756 : vector<16xi32>
          %broadcast_in_dim3A_758 = arith.constant 1 : i32
          %broadcast_in_dim3A_759 = vector.broadcast %broadcast_in_dim3A_758 : i32 to vector<16xi32>
          %mul3A_760 = arith.constant 0 : i32
          %mul3A_761 = vector.broadcast %mul3A_760 : i32 to vector<16xi32>
          %mul3A_762 = arith.muli %broadcast_in_dim3A_759, %mul3A_761 : vector<16xi32>
          %add3A_763 = arith.addi %iota3A, %mul3A_762 : vector<16xi32>
          %masked_sort3A = arith.constant dense<true> : vector<16xi1>
          %masked_sort3A_764 = arith.constant -2147483648 : i32
          %masked_sort3A_765 = vector.broadcast %masked_sort3A_764 : i32 to vector<16xi32>
          %masked_sort3A_766 = arith.xori %add3A_279, %masked_sort3A_765 : vector<16xi32>
          %masked_sort3A_767, %masked_sort3A_768, %masked_sort3A_769 = tpu.sort %masked_sort3A_766, %add3A_763 masked %masked_sort3A : (vector<16xi32>, vector<16xi32>, vector<16xi1>) -> (vector<16xi1>, vector<16xi32>, vector<16xi32>)
          %masked_sort3A_770 = arith.xori %masked_sort3A_768, %masked_sort3A_765 : vector<16xi32>
          %rev3A = arith.constant 15 : i32
          %rev3A_771 = vector.broadcast %rev3A : i32 to vector<16xi32>
          %rev3A_772 = tpu.iota {dimensions = array<i32: 0>} : vector<16xi32>
          %rev3A_773 = arith.subi %rev3A_771, %rev3A_772 : vector<16xi32>
          %rev3A_774 = tpu.dynamic_gather %masked_sort3A_770[%rev3A_773] in [0] : vector<16xi32>, vector<16xi32> -> vector<16xi32>
          %rev3A_775 = arith.constant 15 : i32
          %rev3A_776 = vector.broadcast %rev3A_775 : i32 to vector<16xi32>
          %rev3A_777 = tpu.iota {dimensions = array<i32: 0>} : vector<16xi32>
          %rev3A_778 = arith.subi %rev3A_776, %rev3A_777 : vector<16xi32>
          %rev3A_779 = tpu.dynamic_gather %masked_sort3A_769[%rev3A_778] in [0] : vector<16xi32>, vector<16xi32> -> vector<16xi32>
          %le3A = arith.cmpi sle, %mul3A_757, %rev3A_774 : vector<16xi32>
          %select_n3A_780 = arith.select %le3A, %mul3A_757, %rev3A_774 : vector<16xi1>, vector<16xi32>
          %select_n3A_781 = arith.select %le3A, %broadcast_in_dim3A_26, %rev3A_779 : vector<16xi1>, vector<16xi32>
          %select_n3A_782 = arith.select %le3A, %rev3A_774, %mul3A_757 : vector<16xi1>, vector<16xi32>
          %select_n3A_783 = arith.select %le3A, %rev3A_779, %broadcast_in_dim3A_26 : vector<16xi1>, vector<16xi32>
          %masked_sort3A_784 = arith.constant dense<true> : vector<16xi1>
          %masked_sort3A_785 = arith.constant -2147483648 : i32
          %masked_sort3A_786 = vector.broadcast %masked_sort3A_785 : i32 to vector<16xi32>
          %masked_sort3A_787 = arith.xori %select_n3A_780, %masked_sort3A_786 : vector<16xi32>
          %masked_sort3A_788, %masked_sort3A_789, %masked_sort3A_790 = tpu.sort %masked_sort3A_787, %select_n3A_781 masked %masked_sort3A_784 : (vector<16xi32>, vector<16xi32>, vector<16xi1>) -> (vector<16xi1>, vector<16xi32>, vector<16xi32>)
          %masked_sort3A_791 = arith.xori %masked_sort3A_789, %masked_sort3A_786 : vector<16xi32>
          %masked_sort3A_792 = arith.constant dense<true> : vector<16xi1>
          %masked_sort3A_793 = arith.constant -2147483648 : i32
          %masked_sort3A_794 = vector.broadcast %masked_sort3A_793 : i32 to vector<16xi32>
          %masked_sort3A_795 = arith.xori %select_n3A_782, %masked_sort3A_794 : vector<16xi32>
          %masked_sort3A_796, %masked_sort3A_797, %masked_sort3A_798 = tpu.sort %masked_sort3A_795, %select_n3A_783 masked %masked_sort3A_792 : (vector<16xi32>, vector<16xi32>, vector<16xi1>) -> (vector<16xi1>, vector<16xi32>, vector<16xi32>)
          %masked_sort3A_799 = arith.xori %masked_sort3A_797, %masked_sort3A_794 : vector<16xi32>
          %rev3A_800 = arith.constant 15 : i32
          %rev3A_801 = vector.broadcast %rev3A_800 : i32 to vector<16xi32>
          %rev3A_802 = tpu.iota {dimensions = array<i32: 0>} : vector<16xi32>
          %rev3A_803 = arith.subi %rev3A_801, %rev3A_802 : vector<16xi32>
          %rev3A_804 = tpu.dynamic_gather %masked_sort3A_799[%rev3A_803] in [0] : vector<16xi32>, vector<16xi32> -> vector<16xi32>
          %rev3A_805 = arith.constant 15 : i32
          %rev3A_806 = vector.broadcast %rev3A_805 : i32 to vector<16xi32>
          %rev3A_807 = tpu.iota {dimensions = array<i32: 0>} : vector<16xi32>
          %rev3A_808 = arith.subi %rev3A_806, %rev3A_807 : vector<16xi32>
          %rev3A_809 = tpu.dynamic_gather %masked_sort3A_798[%rev3A_808] in [0] : vector<16xi32>, vector<16xi32> -> vector<16xi32>
          %le3A_810 = arith.cmpi sle, %mul3A_757, %rev3A_804 : vector<16xi32>
          %select_n3A_811 = arith.select %le3A_810, %mul3A_757, %rev3A_804 : vector<16xi1>, vector<16xi32>
          %select_n3A_812 = arith.select %le3A_810, %broadcast_in_dim3A_26, %rev3A_809 : vector<16xi1>, vector<16xi32>
          %select_n3A_813 = arith.select %le3A_810, %rev3A_804, %mul3A_757 : vector<16xi1>, vector<16xi32>
          %select_n3A_814 = arith.select %le3A_810, %rev3A_809, %broadcast_in_dim3A_26 : vector<16xi1>, vector<16xi32>
          %masked_sort3A_815 = arith.constant dense<true> : vector<16xi1>
          %masked_sort3A_816 = arith.constant -2147483648 : i32
          %masked_sort3A_817 = vector.broadcast %masked_sort3A_816 : i32 to vector<16xi32>
          %masked_sort3A_818 = arith.xori %select_n3A_811, %masked_sort3A_817 : vector<16xi32>
          %masked_sort3A_819, %masked_sort3A_820, %masked_sort3A_821 = tpu.sort %masked_sort3A_818, %select_n3A_812 masked %masked_sort3A_815 : (vector<16xi32>, vector<16xi32>, vector<16xi1>) -> (vector<16xi1>, vector<16xi32>, vector<16xi32>)
          %masked_sort3A_822 = arith.xori %masked_sort3A_820, %masked_sort3A_817 : vector<16xi32>
          %masked_sort3A_823 = arith.constant dense<true> : vector<16xi1>
          %masked_sort3A_824 = arith.constant -2147483648 : i32
          %masked_sort3A_825 = vector.broadcast %masked_sort3A_824 : i32 to vector<16xi32>
          %masked_sort3A_826 = arith.xori %select_n3A_813, %masked_sort3A_825 : vector<16xi32>
          %masked_sort3A_827, %masked_sort3A_828, %masked_sort3A_829 = tpu.sort %masked_sort3A_826, %select_n3A_814 masked %masked_sort3A_823 : (vector<16xi32>, vector<16xi32>, vector<16xi1>) -> (vector<16xi1>, vector<16xi32>, vector<16xi32>)
          %masked_sort3A_830 = arith.xori %masked_sort3A_828, %masked_sort3A_825 : vector<16xi32>
          %rev3A_831 = arith.constant 15 : i32
          %rev3A_832 = vector.broadcast %rev3A_831 : i32 to vector<16xi32>
          %rev3A_833 = tpu.iota {dimensions = array<i32: 0>} : vector<16xi32>
          %rev3A_834 = arith.subi %rev3A_832, %rev3A_833 : vector<16xi32>
          %rev3A_835 = tpu.dynamic_gather %masked_sort3A_830[%rev3A_834] in [0] : vector<16xi32>, vector<16xi32> -> vector<16xi32>
          %rev3A_836 = arith.constant 15 : i32
          %rev3A_837 = vector.broadcast %rev3A_836 : i32 to vector<16xi32>
          %rev3A_838 = tpu.iota {dimensions = array<i32: 0>} : vector<16xi32>
          %rev3A_839 = arith.subi %rev3A_837, %rev3A_838 : vector<16xi32>
          %rev3A_840 = tpu.dynamic_gather %masked_sort3A_829[%rev3A_839] in [0] : vector<16xi32>, vector<16xi32> -> vector<16xi32>
          %le3A_841 = arith.cmpi sle, %mul3A_757, %rev3A_835 : vector<16xi32>
          %select_n3A_842 = arith.select %le3A_841, %mul3A_757, %rev3A_835 : vector<16xi1>, vector<16xi32>
          %select_n3A_843 = arith.select %le3A_841, %broadcast_in_dim3A_26, %rev3A_840 : vector<16xi1>, vector<16xi32>
          %select_n3A_844 = arith.select %le3A_841, %rev3A_835, %mul3A_757 : vector<16xi1>, vector<16xi32>
          %select_n3A_845 = arith.select %le3A_841, %rev3A_840, %broadcast_in_dim3A_26 : vector<16xi1>, vector<16xi32>
          %masked_sort3A_846 = arith.constant dense<true> : vector<16xi1>
          %masked_sort3A_847 = arith.constant -2147483648 : i32
          %masked_sort3A_848 = vector.broadcast %masked_sort3A_847 : i32 to vector<16xi32>
          %masked_sort3A_849 = arith.xori %select_n3A_842, %masked_sort3A_848 : vector<16xi32>
          %masked_sort3A_850, %masked_sort3A_851, %masked_sort3A_852 = tpu.sort %masked_sort3A_849, %select_n3A_843 masked %masked_sort3A_846 : (vector<16xi32>, vector<16xi32>, vector<16xi1>) -> (vector<16xi1>, vector<16xi32>, vector<16xi32>)
          %masked_sort3A_853 = arith.xori %masked_sort3A_851, %masked_sort3A_848 : vector<16xi32>
          %masked_sort3A_854 = arith.constant dense<true> : vector<16xi1>
          %masked_sort3A_855 = arith.constant -2147483648 : i32
          %masked_sort3A_856 = vector.broadcast %masked_sort3A_855 : i32 to vector<16xi32>
          %masked_sort3A_857 = arith.xori %select_n3A_844, %masked_sort3A_856 : vector<16xi32>
          %masked_sort3A_858, %masked_sort3A_859, %masked_sort3A_860 = tpu.sort %masked_sort3A_857, %select_n3A_845 masked %masked_sort3A_854 : (vector<16xi32>, vector<16xi32>, vector<16xi1>) -> (vector<16xi1>, vector<16xi32>, vector<16xi32>)
          %masked_sort3A_861 = arith.xori %masked_sort3A_859, %masked_sort3A_856 : vector<16xi32>
          %rev3A_862 = arith.constant 15 : i32
          %rev3A_863 = vector.broadcast %rev3A_862 : i32 to vector<16xi32>
          %rev3A_864 = tpu.iota {dimensions = array<i32: 0>} : vector<16xi32>
          %rev3A_865 = arith.subi %rev3A_863, %rev3A_864 : vector<16xi32>
          %rev3A_866 = tpu.dynamic_gather %masked_sort3A_861[%rev3A_865] in [0] : vector<16xi32>, vector<16xi32> -> vector<16xi32>
          %rev3A_867 = arith.constant 15 : i32
          %rev3A_868 = vector.broadcast %rev3A_867 : i32 to vector<16xi32>
          %rev3A_869 = tpu.iota {dimensions = array<i32: 0>} : vector<16xi32>
          %rev3A_870 = arith.subi %rev3A_868, %rev3A_869 : vector<16xi32>
          %rev3A_871 = tpu.dynamic_gather %masked_sort3A_860[%rev3A_870] in [0] : vector<16xi32>, vector<16xi32> -> vector<16xi32>
          %le3A_872 = arith.cmpi sle, %mul3A_757, %rev3A_866 : vector<16xi32>
          %select_n3A_873 = arith.select %le3A_872, %mul3A_757, %rev3A_866 : vector<16xi1>, vector<16xi32>
          %select_n3A_874 = arith.select %le3A_872, %broadcast_in_dim3A_26, %rev3A_871 : vector<16xi1>, vector<16xi32>
          %select_n3A_875 = arith.select %le3A_872, %rev3A_866, %mul3A_757 : vector<16xi1>, vector<16xi32>
          %select_n3A_876 = arith.select %le3A_872, %rev3A_871, %broadcast_in_dim3A_26 : vector<16xi1>, vector<16xi32>
          %masked_sort3A_877 = arith.constant dense<true> : vector<16xi1>
          %masked_sort3A_878 = arith.constant -2147483648 : i32
          %masked_sort3A_879 = vector.broadcast %masked_sort3A_878 : i32 to vector<16xi32>
          %masked_sort3A_880 = arith.xori %select_n3A_873, %masked_sort3A_879 : vector<16xi32>
          %masked_sort3A_881, %masked_sort3A_882, %masked_sort3A_883 = tpu.sort %masked_sort3A_880, %select_n3A_874 masked %masked_sort3A_877 : (vector<16xi32>, vector<16xi32>, vector<16xi1>) -> (vector<16xi1>, vector<16xi32>, vector<16xi32>)
          %masked_sort3A_884 = arith.xori %masked_sort3A_882, %masked_sort3A_879 : vector<16xi32>
          %masked_sort3A_885 = arith.constant dense<true> : vector<16xi1>
          %masked_sort3A_886 = arith.constant -2147483648 : i32
          %masked_sort3A_887 = vector.broadcast %masked_sort3A_886 : i32 to vector<16xi32>
          %masked_sort3A_888 = arith.xori %select_n3A_875, %masked_sort3A_887 : vector<16xi32>
          %masked_sort3A_889, %masked_sort3A_890, %masked_sort3A_891 = tpu.sort %masked_sort3A_888, %select_n3A_876 masked %masked_sort3A_885 : (vector<16xi32>, vector<16xi32>, vector<16xi1>) -> (vector<16xi1>, vector<16xi32>, vector<16xi32>)
          %masked_sort3A_892 = arith.xori %masked_sort3A_890, %masked_sort3A_887 : vector<16xi32>
          %broadcast_in_dim3A_893 = arith.constant 1 : i32
          %broadcast_in_dim3A_894 = vector.broadcast %broadcast_in_dim3A_893 : i32 to vector<16xi32>
          %mul3A_895 = arith.constant 16 : i32
          %mul3A_896 = vector.broadcast %mul3A_895 : i32 to vector<16xi32>
          %mul3A_897 = arith.muli %broadcast_in_dim3A_894, %mul3A_896 : vector<16xi32>
          %add3A_898 = arith.addi %iota3A, %mul3A_897 : vector<16xi32>
          %masked_sort3A_899 = arith.constant dense<true> : vector<16xi1>
          %masked_sort3A_900 = arith.constant -2147483648 : i32
          %masked_sort3A_901 = vector.broadcast %masked_sort3A_900 : i32 to vector<16xi32>
          %masked_sort3A_902 = arith.xori %add3A_320, %masked_sort3A_901 : vector<16xi32>
          %masked_sort3A_903, %masked_sort3A_904, %masked_sort3A_905 = tpu.sort %masked_sort3A_902, %add3A_898 masked %masked_sort3A_899 : (vector<16xi32>, vector<16xi32>, vector<16xi1>) -> (vector<16xi1>, vector<16xi32>, vector<16xi32>)
          %masked_sort3A_906 = arith.xori %masked_sort3A_904, %masked_sort3A_901 : vector<16xi32>
          %rev3A_907 = arith.constant 15 : i32
          %rev3A_908 = vector.broadcast %rev3A_907 : i32 to vector<16xi32>
          %rev3A_909 = tpu.iota {dimensions = array<i32: 0>} : vector<16xi32>
          %rev3A_910 = arith.subi %rev3A_908, %rev3A_909 : vector<16xi32>
          %rev3A_911 = tpu.dynamic_gather %masked_sort3A_906[%rev3A_910] in [0] : vector<16xi32>, vector<16xi32> -> vector<16xi32>
          %rev3A_912 = arith.constant 15 : i32
          %rev3A_913 = vector.broadcast %rev3A_912 : i32 to vector<16xi32>
          %rev3A_914 = tpu.iota {dimensions = array<i32: 0>} : vector<16xi32>
          %rev3A_915 = arith.subi %rev3A_913, %rev3A_914 : vector<16xi32>
          %rev3A_916 = tpu.dynamic_gather %masked_sort3A_905[%rev3A_915] in [0] : vector<16xi32>, vector<16xi32> -> vector<16xi32>
          %le3A_917 = arith.cmpi sle, %masked_sort3A_791, %rev3A_911 : vector<16xi32>
          %select_n3A_918 = arith.select %le3A_917, %masked_sort3A_791, %rev3A_911 : vector<16xi1>, vector<16xi32>
          %select_n3A_919 = arith.select %le3A_917, %masked_sort3A_790, %rev3A_916 : vector<16xi1>, vector<16xi32>
          %select_n3A_920 = arith.select %le3A_917, %rev3A_911, %masked_sort3A_791 : vector<16xi1>, vector<16xi32>
          %select_n3A_921 = arith.select %le3A_917, %rev3A_916, %masked_sort3A_790 : vector<16xi1>, vector<16xi32>
          %masked_sort3A_922 = arith.constant dense<true> : vector<16xi1>
          %masked_sort3A_923 = arith.constant -2147483648 : i32
          %masked_sort3A_924 = vector.broadcast %masked_sort3A_923 : i32 to vector<16xi32>
          %masked_sort3A_925 = arith.xori %select_n3A_918, %masked_sort3A_924 : vector<16xi32>
          %masked_sort3A_926, %masked_sort3A_927, %masked_sort3A_928 = tpu.sort %masked_sort3A_925, %select_n3A_919 masked %masked_sort3A_922 : (vector<16xi32>, vector<16xi32>, vector<16xi1>) -> (vector<16xi1>, vector<16xi32>, vector<16xi32>)
          %masked_sort3A_929 = arith.xori %masked_sort3A_927, %masked_sort3A_924 : vector<16xi32>
          %masked_sort3A_930 = arith.constant dense<true> : vector<16xi1>
          %masked_sort3A_931 = arith.constant -2147483648 : i32
          %masked_sort3A_932 = vector.broadcast %masked_sort3A_931 : i32 to vector<16xi32>
          %masked_sort3A_933 = arith.xori %select_n3A_920, %masked_sort3A_932 : vector<16xi32>
          %masked_sort3A_934, %masked_sort3A_935, %masked_sort3A_936 = tpu.sort %masked_sort3A_933, %select_n3A_921 masked %masked_sort3A_930 : (vector<16xi32>, vector<16xi32>, vector<16xi1>) -> (vector<16xi1>, vector<16xi32>, vector<16xi32>)
          %masked_sort3A_937 = arith.xori %masked_sort3A_935, %masked_sort3A_932 : vector<16xi32>
          %rev3A_938 = arith.constant 15 : i32
          %rev3A_939 = vector.broadcast %rev3A_938 : i32 to vector<16xi32>
          %rev3A_940 = tpu.iota {dimensions = array<i32: 0>} : vector<16xi32>
          %rev3A_941 = arith.subi %rev3A_939, %rev3A_940 : vector<16xi32>
          %rev3A_942 = tpu.dynamic_gather %masked_sort3A_937[%rev3A_941] in [0] : vector<16xi32>, vector<16xi32> -> vector<16xi32>
          %rev3A_943 = arith.constant 15 : i32
          %rev3A_944 = vector.broadcast %rev3A_943 : i32 to vector<16xi32>
          %rev3A_945 = tpu.iota {dimensions = array<i32: 0>} : vector<16xi32>
          %rev3A_946 = arith.subi %rev3A_944, %rev3A_945 : vector<16xi32>
          %rev3A_947 = tpu.dynamic_gather %masked_sort3A_936[%rev3A_946] in [0] : vector<16xi32>, vector<16xi32> -> vector<16xi32>
          %le3A_948 = arith.cmpi sle, %masked_sort3A_822, %rev3A_942 : vector<16xi32>
          %select_n3A_949 = arith.select %le3A_948, %masked_sort3A_822, %rev3A_942 : vector<16xi1>, vector<16xi32>
          %select_n3A_950 = arith.select %le3A_948, %masked_sort3A_821, %rev3A_947 : vector<16xi1>, vector<16xi32>
          %select_n3A_951 = arith.select %le3A_948, %rev3A_942, %masked_sort3A_822 : vector<16xi1>, vector<16xi32>
          %select_n3A_952 = arith.select %le3A_948, %rev3A_947, %masked_sort3A_821 : vector<16xi1>, vector<16xi32>
          %masked_sort3A_953 = arith.constant dense<true> : vector<16xi1>
          %masked_sort3A_954 = arith.constant -2147483648 : i32
          %masked_sort3A_955 = vector.broadcast %masked_sort3A_954 : i32 to vector<16xi32>
          %masked_sort3A_956 = arith.xori %select_n3A_949, %masked_sort3A_955 : vector<16xi32>
          %masked_sort3A_957, %masked_sort3A_958, %masked_sort3A_959 = tpu.sort %masked_sort3A_956, %select_n3A_950 masked %masked_sort3A_953 : (vector<16xi32>, vector<16xi32>, vector<16xi1>) -> (vector<16xi1>, vector<16xi32>, vector<16xi32>)
          %masked_sort3A_960 = arith.xori %masked_sort3A_958, %masked_sort3A_955 : vector<16xi32>
          %masked_sort3A_961 = arith.constant dense<true> : vector<16xi1>
          %masked_sort3A_962 = arith.constant -2147483648 : i32
          %masked_sort3A_963 = vector.broadcast %masked_sort3A_962 : i32 to vector<16xi32>
          %masked_sort3A_964 = arith.xori %select_n3A_951, %masked_sort3A_963 : vector<16xi32>
          %masked_sort3A_965, %masked_sort3A_966, %masked_sort3A_967 = tpu.sort %masked_sort3A_964, %select_n3A_952 masked %masked_sort3A_961 : (vector<16xi32>, vector<16xi32>, vector<16xi1>) -> (vector<16xi1>, vector<16xi32>, vector<16xi32>)
          %masked_sort3A_968 = arith.xori %masked_sort3A_966, %masked_sort3A_963 : vector<16xi32>
          %rev3A_969 = arith.constant 15 : i32
          %rev3A_970 = vector.broadcast %rev3A_969 : i32 to vector<16xi32>
          %rev3A_971 = tpu.iota {dimensions = array<i32: 0>} : vector<16xi32>
          %rev3A_972 = arith.subi %rev3A_970, %rev3A_971 : vector<16xi32>
          %rev3A_973 = tpu.dynamic_gather %masked_sort3A_968[%rev3A_972] in [0] : vector<16xi32>, vector<16xi32> -> vector<16xi32>
          %rev3A_974 = arith.constant 15 : i32
          %rev3A_975 = vector.broadcast %rev3A_974 : i32 to vector<16xi32>
          %rev3A_976 = tpu.iota {dimensions = array<i32: 0>} : vector<16xi32>
          %rev3A_977 = arith.subi %rev3A_975, %rev3A_976 : vector<16xi32>
          %rev3A_978 = tpu.dynamic_gather %masked_sort3A_967[%rev3A_977] in [0] : vector<16xi32>, vector<16xi32> -> vector<16xi32>
          %le3A_979 = arith.cmpi sle, %masked_sort3A_853, %rev3A_973 : vector<16xi32>
          %select_n3A_980 = arith.select %le3A_979, %masked_sort3A_853, %rev3A_973 : vector<16xi1>, vector<16xi32>
          %select_n3A_981 = arith.select %le3A_979, %masked_sort3A_852, %rev3A_978 : vector<16xi1>, vector<16xi32>
          %select_n3A_982 = arith.select %le3A_979, %rev3A_973, %masked_sort3A_853 : vector<16xi1>, vector<16xi32>
          %select_n3A_983 = arith.select %le3A_979, %rev3A_978, %masked_sort3A_852 : vector<16xi1>, vector<16xi32>
          %masked_sort3A_984 = arith.constant dense<true> : vector<16xi1>
          %masked_sort3A_985 = arith.constant -2147483648 : i32
          %masked_sort3A_986 = vector.broadcast %masked_sort3A_985 : i32 to vector<16xi32>
          %masked_sort3A_987 = arith.xori %select_n3A_980, %masked_sort3A_986 : vector<16xi32>
          %masked_sort3A_988, %masked_sort3A_989, %masked_sort3A_990 = tpu.sort %masked_sort3A_987, %select_n3A_981 masked %masked_sort3A_984 : (vector<16xi32>, vector<16xi32>, vector<16xi1>) -> (vector<16xi1>, vector<16xi32>, vector<16xi32>)
          %masked_sort3A_991 = arith.xori %masked_sort3A_989, %masked_sort3A_986 : vector<16xi32>
          %masked_sort3A_992 = arith.constant dense<true> : vector<16xi1>
          %masked_sort3A_993 = arith.constant -2147483648 : i32
          %masked_sort3A_994 = vector.broadcast %masked_sort3A_993 : i32 to vector<16xi32>
          %masked_sort3A_995 = arith.xori %select_n3A_982, %masked_sort3A_994 : vector<16xi32>
          %masked_sort3A_996, %masked_sort3A_997, %masked_sort3A_998 = tpu.sort %masked_sort3A_995, %select_n3A_983 masked %masked_sort3A_992 : (vector<16xi32>, vector<16xi32>, vector<16xi1>) -> (vector<16xi1>, vector<16xi32>, vector<16xi32>)
          %masked_sort3A_999 = arith.xori %masked_sort3A_997, %masked_sort3A_994 : vector<16xi32>
          %rev3A_1000 = arith.constant 15 : i32
          %rev3A_1001 = vector.broadcast %rev3A_1000 : i32 to vector<16xi32>
          %rev3A_1002 = tpu.iota {dimensions = array<i32: 0>} : vector<16xi32>
          %rev3A_1003 = arith.subi %rev3A_1001, %rev3A_1002 : vector<16xi32>
          %rev3A_1004 = tpu.dynamic_gather %masked_sort3A_999[%rev3A_1003] in [0] : vector<16xi32>, vector<16xi32> -> vector<16xi32>
          %rev3A_1005 = arith.constant 15 : i32
          %rev3A_1006 = vector.broadcast %rev3A_1005 : i32 to vector<16xi32>
          %rev3A_1007 = tpu.iota {dimensions = array<i32: 0>} : vector<16xi32>
          %rev3A_1008 = arith.subi %rev3A_1006, %rev3A_1007 : vector<16xi32>
          %rev3A_1009 = tpu.dynamic_gather %masked_sort3A_998[%rev3A_1008] in [0] : vector<16xi32>, vector<16xi32> -> vector<16xi32>
          %le3A_1010 = arith.cmpi sle, %masked_sort3A_884, %rev3A_1004 : vector<16xi32>
          %select_n3A_1011 = arith.select %le3A_1010, %masked_sort3A_884, %rev3A_1004 : vector<16xi1>, vector<16xi32>
          %select_n3A_1012 = arith.select %le3A_1010, %masked_sort3A_883, %rev3A_1009 : vector<16xi1>, vector<16xi32>
          %select_n3A_1013 = arith.select %le3A_1010, %rev3A_1004, %masked_sort3A_884 : vector<16xi1>, vector<16xi32>
          %select_n3A_1014 = arith.select %le3A_1010, %rev3A_1009, %masked_sort3A_883 : vector<16xi1>, vector<16xi32>
          %masked_sort3A_1015 = arith.constant dense<true> : vector<16xi1>
          %masked_sort3A_1016 = arith.constant -2147483648 : i32
          %masked_sort3A_1017 = vector.broadcast %masked_sort3A_1016 : i32 to vector<16xi32>
          %masked_sort3A_1018 = arith.xori %select_n3A_1011, %masked_sort3A_1017 : vector<16xi32>
          %masked_sort3A_1019, %masked_sort3A_1020, %masked_sort3A_1021 = tpu.sort %masked_sort3A_1018, %select_n3A_1012 masked %masked_sort3A_1015 : (vector<16xi32>, vector<16xi32>, vector<16xi1>) -> (vector<16xi1>, vector<16xi32>, vector<16xi32>)
          %masked_sort3A_1022 = arith.xori %masked_sort3A_1020, %masked_sort3A_1017 : vector<16xi32>
          %masked_sort3A_1023 = arith.constant dense<true> : vector<16xi1>
          %masked_sort3A_1024 = arith.constant -2147483648 : i32
          %masked_sort3A_1025 = vector.broadcast %masked_sort3A_1024 : i32 to vector<16xi32>
          %masked_sort3A_1026 = arith.xori %select_n3A_1013, %masked_sort3A_1025 : vector<16xi32>
          %masked_sort3A_1027, %masked_sort3A_1028, %masked_sort3A_1029 = tpu.sort %masked_sort3A_1026, %select_n3A_1014 masked %masked_sort3A_1023 : (vector<16xi32>, vector<16xi32>, vector<16xi1>) -> (vector<16xi1>, vector<16xi32>, vector<16xi32>)
          %masked_sort3A_1030 = arith.xori %masked_sort3A_1028, %masked_sort3A_1025 : vector<16xi32>
          %broadcast_in_dim3A_1031 = arith.constant 1 : i32
          %broadcast_in_dim3A_1032 = vector.broadcast %broadcast_in_dim3A_1031 : i32 to vector<16xi32>
          %mul3A_1033 = arith.constant 32 : i32
          %mul3A_1034 = vector.broadcast %mul3A_1033 : i32 to vector<16xi32>
          %mul3A_1035 = arith.muli %broadcast_in_dim3A_1032, %mul3A_1034 : vector<16xi32>
          %add3A_1036 = arith.addi %iota3A, %mul3A_1035 : vector<16xi32>
          %masked_sort3A_1037 = arith.constant dense<true> : vector<16xi1>
          %masked_sort3A_1038 = arith.constant -2147483648 : i32
          %masked_sort3A_1039 = vector.broadcast %masked_sort3A_1038 : i32 to vector<16xi32>
          %masked_sort3A_1040 = arith.xori %add3A_361, %masked_sort3A_1039 : vector<16xi32>
          %masked_sort3A_1041, %masked_sort3A_1042, %masked_sort3A_1043 = tpu.sort %masked_sort3A_1040, %add3A_1036 masked %masked_sort3A_1037 : (vector<16xi32>, vector<16xi32>, vector<16xi1>) -> (vector<16xi1>, vector<16xi32>, vector<16xi32>)
          %masked_sort3A_1044 = arith.xori %masked_sort3A_1042, %masked_sort3A_1039 : vector<16xi32>
          %rev3A_1045 = arith.constant 15 : i32
          %rev3A_1046 = vector.broadcast %rev3A_1045 : i32 to vector<16xi32>
          %rev3A_1047 = tpu.iota {dimensions = array<i32: 0>} : vector<16xi32>
          %rev3A_1048 = arith.subi %rev3A_1046, %rev3A_1047 : vector<16xi32>
          %rev3A_1049 = tpu.dynamic_gather %masked_sort3A_1044[%rev3A_1048] in [0] : vector<16xi32>, vector<16xi32> -> vector<16xi32>
          %rev3A_1050 = arith.constant 15 : i32
          %rev3A_1051 = vector.broadcast %rev3A_1050 : i32 to vector<16xi32>
          %rev3A_1052 = tpu.iota {dimensions = array<i32: 0>} : vector<16xi32>
          %rev3A_1053 = arith.subi %rev3A_1051, %rev3A_1052 : vector<16xi32>
          %rev3A_1054 = tpu.dynamic_gather %masked_sort3A_1043[%rev3A_1053] in [0] : vector<16xi32>, vector<16xi32> -> vector<16xi32>
          %le3A_1055 = arith.cmpi sle, %masked_sort3A_929, %rev3A_1049 : vector<16xi32>
          %select_n3A_1056 = arith.select %le3A_1055, %masked_sort3A_929, %rev3A_1049 : vector<16xi1>, vector<16xi32>
          %select_n3A_1057 = arith.select %le3A_1055, %masked_sort3A_928, %rev3A_1054 : vector<16xi1>, vector<16xi32>
          %select_n3A_1058 = arith.select %le3A_1055, %rev3A_1049, %masked_sort3A_929 : vector<16xi1>, vector<16xi32>
          %select_n3A_1059 = arith.select %le3A_1055, %rev3A_1054, %masked_sort3A_928 : vector<16xi1>, vector<16xi32>
          %masked_sort3A_1060 = arith.constant dense<true> : vector<16xi1>
          %masked_sort3A_1061 = arith.constant -2147483648 : i32
          %masked_sort3A_1062 = vector.broadcast %masked_sort3A_1061 : i32 to vector<16xi32>
          %masked_sort3A_1063 = arith.xori %select_n3A_1056, %masked_sort3A_1062 : vector<16xi32>
          %masked_sort3A_1064, %masked_sort3A_1065, %masked_sort3A_1066 = tpu.sort %masked_sort3A_1063, %select_n3A_1057 masked %masked_sort3A_1060 : (vector<16xi32>, vector<16xi32>, vector<16xi1>) -> (vector<16xi1>, vector<16xi32>, vector<16xi32>)
          %masked_sort3A_1067 = arith.xori %masked_sort3A_1065, %masked_sort3A_1062 : vector<16xi32>
          %masked_sort3A_1068 = arith.constant dense<true> : vector<16xi1>
          %masked_sort3A_1069 = arith.constant -2147483648 : i32
          %masked_sort3A_1070 = vector.broadcast %masked_sort3A_1069 : i32 to vector<16xi32>
          %masked_sort3A_1071 = arith.xori %select_n3A_1058, %masked_sort3A_1070 : vector<16xi32>
          %masked_sort3A_1072, %masked_sort3A_1073, %masked_sort3A_1074 = tpu.sort %masked_sort3A_1071, %select_n3A_1059 masked %masked_sort3A_1068 : (vector<16xi32>, vector<16xi32>, vector<16xi1>) -> (vector<16xi1>, vector<16xi32>, vector<16xi32>)
          %masked_sort3A_1075 = arith.xori %masked_sort3A_1073, %masked_sort3A_1070 : vector<16xi32>
          %rev3A_1076 = arith.constant 15 : i32
          %rev3A_1077 = vector.broadcast %rev3A_1076 : i32 to vector<16xi32>
          %rev3A_1078 = tpu.iota {dimensions = array<i32: 0>} : vector<16xi32>
          %rev3A_1079 = arith.subi %rev3A_1077, %rev3A_1078 : vector<16xi32>
          %rev3A_1080 = tpu.dynamic_gather %masked_sort3A_1075[%rev3A_1079] in [0] : vector<16xi32>, vector<16xi32> -> vector<16xi32>
          %rev3A_1081 = arith.constant 15 : i32
          %rev3A_1082 = vector.broadcast %rev3A_1081 : i32 to vector<16xi32>
          %rev3A_1083 = tpu.iota {dimensions = array<i32: 0>} : vector<16xi32>
          %rev3A_1084 = arith.subi %rev3A_1082, %rev3A_1083 : vector<16xi32>
          %rev3A_1085 = tpu.dynamic_gather %masked_sort3A_1074[%rev3A_1084] in [0] : vector<16xi32>, vector<16xi32> -> vector<16xi32>
          %le3A_1086 = arith.cmpi sle, %masked_sort3A_960, %rev3A_1080 : vector<16xi32>
          %select_n3A_1087 = arith.select %le3A_1086, %masked_sort3A_960, %rev3A_1080 : vector<16xi1>, vector<16xi32>
          %select_n3A_1088 = arith.select %le3A_1086, %masked_sort3A_959, %rev3A_1085 : vector<16xi1>, vector<16xi32>
          %select_n3A_1089 = arith.select %le3A_1086, %rev3A_1080, %masked_sort3A_960 : vector<16xi1>, vector<16xi32>
          %select_n3A_1090 = arith.select %le3A_1086, %rev3A_1085, %masked_sort3A_959 : vector<16xi1>, vector<16xi32>
          %masked_sort3A_1091 = arith.constant dense<true> : vector<16xi1>
          %masked_sort3A_1092 = arith.constant -2147483648 : i32
          %masked_sort3A_1093 = vector.broadcast %masked_sort3A_1092 : i32 to vector<16xi32>
          %masked_sort3A_1094 = arith.xori %select_n3A_1087, %masked_sort3A_1093 : vector<16xi32>
          %masked_sort3A_1095, %masked_sort3A_1096, %masked_sort3A_1097 = tpu.sort %masked_sort3A_1094, %select_n3A_1088 masked %masked_sort3A_1091 : (vector<16xi32>, vector<16xi32>, vector<16xi1>) -> (vector<16xi1>, vector<16xi32>, vector<16xi32>)
          %masked_sort3A_1098 = arith.xori %masked_sort3A_1096, %masked_sort3A_1093 : vector<16xi32>
          %masked_sort3A_1099 = arith.constant dense<true> : vector<16xi1>
          %masked_sort3A_1100 = arith.constant -2147483648 : i32
          %masked_sort3A_1101 = vector.broadcast %masked_sort3A_1100 : i32 to vector<16xi32>
          %masked_sort3A_1102 = arith.xori %select_n3A_1089, %masked_sort3A_1101 : vector<16xi32>
          %masked_sort3A_1103, %masked_sort3A_1104, %masked_sort3A_1105 = tpu.sort %masked_sort3A_1102, %select_n3A_1090 masked %masked_sort3A_1099 : (vector<16xi32>, vector<16xi32>, vector<16xi1>) -> (vector<16xi1>, vector<16xi32>, vector<16xi32>)
          %masked_sort3A_1106 = arith.xori %masked_sort3A_1104, %masked_sort3A_1101 : vector<16xi32>
          %rev3A_1107 = arith.constant 15 : i32
          %rev3A_1108 = vector.broadcast %rev3A_1107 : i32 to vector<16xi32>
          %rev3A_1109 = tpu.iota {dimensions = array<i32: 0>} : vector<16xi32>
          %rev3A_1110 = arith.subi %rev3A_1108, %rev3A_1109 : vector<16xi32>
          %rev3A_1111 = tpu.dynamic_gather %masked_sort3A_1106[%rev3A_1110] in [0] : vector<16xi32>, vector<16xi32> -> vector<16xi32>
          %rev3A_1112 = arith.constant 15 : i32
          %rev3A_1113 = vector.broadcast %rev3A_1112 : i32 to vector<16xi32>
          %rev3A_1114 = tpu.iota {dimensions = array<i32: 0>} : vector<16xi32>
          %rev3A_1115 = arith.subi %rev3A_1113, %rev3A_1114 : vector<16xi32>
          %rev3A_1116 = tpu.dynamic_gather %masked_sort3A_1105[%rev3A_1115] in [0] : vector<16xi32>, vector<16xi32> -> vector<16xi32>
          %le3A_1117 = arith.cmpi sle, %masked_sort3A_991, %rev3A_1111 : vector<16xi32>
          %select_n3A_1118 = arith.select %le3A_1117, %masked_sort3A_991, %rev3A_1111 : vector<16xi1>, vector<16xi32>
          %select_n3A_1119 = arith.select %le3A_1117, %masked_sort3A_990, %rev3A_1116 : vector<16xi1>, vector<16xi32>
          %select_n3A_1120 = arith.select %le3A_1117, %rev3A_1111, %masked_sort3A_991 : vector<16xi1>, vector<16xi32>
          %select_n3A_1121 = arith.select %le3A_1117, %rev3A_1116, %masked_sort3A_990 : vector<16xi1>, vector<16xi32>
          %masked_sort3A_1122 = arith.constant dense<true> : vector<16xi1>
          %masked_sort3A_1123 = arith.constant -2147483648 : i32
          %masked_sort3A_1124 = vector.broadcast %masked_sort3A_1123 : i32 to vector<16xi32>
          %masked_sort3A_1125 = arith.xori %select_n3A_1118, %masked_sort3A_1124 : vector<16xi32>
          %masked_sort3A_1126, %masked_sort3A_1127, %masked_sort3A_1128 = tpu.sort %masked_sort3A_1125, %select_n3A_1119 masked %masked_sort3A_1122 : (vector<16xi32>, vector<16xi32>, vector<16xi1>) -> (vector<16xi1>, vector<16xi32>, vector<16xi32>)
          %masked_sort3A_1129 = arith.xori %masked_sort3A_1127, %masked_sort3A_1124 : vector<16xi32>
          %masked_sort3A_1130 = arith.constant dense<true> : vector<16xi1>
          %masked_sort3A_1131 = arith.constant -2147483648 : i32
          %masked_sort3A_1132 = vector.broadcast %masked_sort3A_1131 : i32 to vector<16xi32>
          %masked_sort3A_1133 = arith.xori %select_n3A_1120, %masked_sort3A_1132 : vector<16xi32>
          %masked_sort3A_1134, %masked_sort3A_1135, %masked_sort3A_1136 = tpu.sort %masked_sort3A_1133, %select_n3A_1121 masked %masked_sort3A_1130 : (vector<16xi32>, vector<16xi32>, vector<16xi1>) -> (vector<16xi1>, vector<16xi32>, vector<16xi32>)
          %masked_sort3A_1137 = arith.xori %masked_sort3A_1135, %masked_sort3A_1132 : vector<16xi32>
          %rev3A_1138 = arith.constant 15 : i32
          %rev3A_1139 = vector.broadcast %rev3A_1138 : i32 to vector<16xi32>
          %rev3A_1140 = tpu.iota {dimensions = array<i32: 0>} : vector<16xi32>
          %rev3A_1141 = arith.subi %rev3A_1139, %rev3A_1140 : vector<16xi32>
          %rev3A_1142 = tpu.dynamic_gather %masked_sort3A_1137[%rev3A_1141] in [0] : vector<16xi32>, vector<16xi32> -> vector<16xi32>
          %rev3A_1143 = arith.constant 15 : i32
          %rev3A_1144 = vector.broadcast %rev3A_1143 : i32 to vector<16xi32>
          %rev3A_1145 = tpu.iota {dimensions = array<i32: 0>} : vector<16xi32>
          %rev3A_1146 = arith.subi %rev3A_1144, %rev3A_1145 : vector<16xi32>
          %rev3A_1147 = tpu.dynamic_gather %masked_sort3A_1136[%rev3A_1146] in [0] : vector<16xi32>, vector<16xi32> -> vector<16xi32>
          %le3A_1148 = arith.cmpi sle, %masked_sort3A_1022, %rev3A_1142 : vector<16xi32>
          %select_n3A_1149 = arith.select %le3A_1148, %masked_sort3A_1022, %rev3A_1142 : vector<16xi1>, vector<16xi32>
          %select_n3A_1150 = arith.select %le3A_1148, %masked_sort3A_1021, %rev3A_1147 : vector<16xi1>, vector<16xi32>
          %select_n3A_1151 = arith.select %le3A_1148, %rev3A_1142, %masked_sort3A_1022 : vector<16xi1>, vector<16xi32>
          %select_n3A_1152 = arith.select %le3A_1148, %rev3A_1147, %masked_sort3A_1021 : vector<16xi1>, vector<16xi32>
          %masked_sort3A_1153 = arith.constant dense<true> : vector<16xi1>
          %masked_sort3A_1154 = arith.constant -2147483648 : i32
          %masked_sort3A_1155 = vector.broadcast %masked_sort3A_1154 : i32 to vector<16xi32>
          %masked_sort3A_1156 = arith.xori %select_n3A_1149, %masked_sort3A_1155 : vector<16xi32>
          %masked_sort3A_1157, %masked_sort3A_1158, %masked_sort3A_1159 = tpu.sort %masked_sort3A_1156, %select_n3A_1150 masked %masked_sort3A_1153 : (vector<16xi32>, vector<16xi32>, vector<16xi1>) -> (vector<16xi1>, vector<16xi32>, vector<16xi32>)
          %masked_sort3A_1160 = arith.xori %masked_sort3A_1158, %masked_sort3A_1155 : vector<16xi32>
          %masked_sort3A_1161 = arith.constant dense<true> : vector<16xi1>
          %masked_sort3A_1162 = arith.constant -2147483648 : i32
          %masked_sort3A_1163 = vector.broadcast %masked_sort3A_1162 : i32 to vector<16xi32>
          %masked_sort3A_1164 = arith.xori %select_n3A_1151, %masked_sort3A_1163 : vector<16xi32>
          %masked_sort3A_1165, %masked_sort3A_1166, %masked_sort3A_1167 = tpu.sort %masked_sort3A_1164, %select_n3A_1152 masked %masked_sort3A_1161 : (vector<16xi32>, vector<16xi32>, vector<16xi1>) -> (vector<16xi1>, vector<16xi32>, vector<16xi32>)
          %masked_sort3A_1168 = arith.xori %masked_sort3A_1166, %masked_sort3A_1163 : vector<16xi32>
          %broadcast_in_dim3A_1169 = arith.constant 1 : i32
          %broadcast_in_dim3A_1170 = vector.broadcast %broadcast_in_dim3A_1169 : i32 to vector<16xi32>
          %mul3A_1171 = arith.constant 48 : i32
          %mul3A_1172 = vector.broadcast %mul3A_1171 : i32 to vector<16xi32>
          %mul3A_1173 = arith.muli %broadcast_in_dim3A_1170, %mul3A_1172 : vector<16xi32>
          %add3A_1174 = arith.addi %iota3A, %mul3A_1173 : vector<16xi32>
          %masked_sort3A_1175 = arith.constant dense<true> : vector<16xi1>
          %masked_sort3A_1176 = arith.constant -2147483648 : i32
          %masked_sort3A_1177 = vector.broadcast %masked_sort3A_1176 : i32 to vector<16xi32>
          %masked_sort3A_1178 = arith.xori %add3A_402, %masked_sort3A_1177 : vector<16xi32>
          %masked_sort3A_1179, %masked_sort3A_1180, %masked_sort3A_1181 = tpu.sort %masked_sort3A_1178, %add3A_1174 masked %masked_sort3A_1175 : (vector<16xi32>, vector<16xi32>, vector<16xi1>) -> (vector<16xi1>, vector<16xi32>, vector<16xi32>)
          %masked_sort3A_1182 = arith.xori %masked_sort3A_1180, %masked_sort3A_1177 : vector<16xi32>
          %rev3A_1183 = arith.constant 15 : i32
          %rev3A_1184 = vector.broadcast %rev3A_1183 : i32 to vector<16xi32>
          %rev3A_1185 = tpu.iota {dimensions = array<i32: 0>} : vector<16xi32>
          %rev3A_1186 = arith.subi %rev3A_1184, %rev3A_1185 : vector<16xi32>
          %rev3A_1187 = tpu.dynamic_gather %masked_sort3A_1182[%rev3A_1186] in [0] : vector<16xi32>, vector<16xi32> -> vector<16xi32>
          %rev3A_1188 = arith.constant 15 : i32
          %rev3A_1189 = vector.broadcast %rev3A_1188 : i32 to vector<16xi32>
          %rev3A_1190 = tpu.iota {dimensions = array<i32: 0>} : vector<16xi32>
          %rev3A_1191 = arith.subi %rev3A_1189, %rev3A_1190 : vector<16xi32>
          %rev3A_1192 = tpu.dynamic_gather %masked_sort3A_1181[%rev3A_1191] in [0] : vector<16xi32>, vector<16xi32> -> vector<16xi32>
          %le3A_1193 = arith.cmpi sle, %masked_sort3A_1067, %rev3A_1187 : vector<16xi32>
          %select_n3A_1194 = arith.select %le3A_1193, %masked_sort3A_1067, %rev3A_1187 : vector<16xi1>, vector<16xi32>
          %select_n3A_1195 = arith.select %le3A_1193, %masked_sort3A_1066, %rev3A_1192 : vector<16xi1>, vector<16xi32>
          %select_n3A_1196 = arith.select %le3A_1193, %rev3A_1187, %masked_sort3A_1067 : vector<16xi1>, vector<16xi32>
          %select_n3A_1197 = arith.select %le3A_1193, %rev3A_1192, %masked_sort3A_1066 : vector<16xi1>, vector<16xi32>
          %masked_sort3A_1198 = arith.constant dense<true> : vector<16xi1>
          %masked_sort3A_1199 = arith.constant -2147483648 : i32
          %masked_sort3A_1200 = vector.broadcast %masked_sort3A_1199 : i32 to vector<16xi32>
          %masked_sort3A_1201 = arith.xori %select_n3A_1194, %masked_sort3A_1200 : vector<16xi32>
          %masked_sort3A_1202, %masked_sort3A_1203, %masked_sort3A_1204 = tpu.sort %masked_sort3A_1201, %select_n3A_1195 masked %masked_sort3A_1198 : (vector<16xi32>, vector<16xi32>, vector<16xi1>) -> (vector<16xi1>, vector<16xi32>, vector<16xi32>)
          %masked_sort3A_1205 = arith.xori %masked_sort3A_1203, %masked_sort3A_1200 : vector<16xi32>
          %masked_sort3A_1206 = arith.constant dense<true> : vector<16xi1>
          %masked_sort3A_1207 = arith.constant -2147483648 : i32
          %masked_sort3A_1208 = vector.broadcast %masked_sort3A_1207 : i32 to vector<16xi32>
          %masked_sort3A_1209 = arith.xori %select_n3A_1196, %masked_sort3A_1208 : vector<16xi32>
          %masked_sort3A_1210, %masked_sort3A_1211, %masked_sort3A_1212 = tpu.sort %masked_sort3A_1209, %select_n3A_1197 masked %masked_sort3A_1206 : (vector<16xi32>, vector<16xi32>, vector<16xi1>) -> (vector<16xi1>, vector<16xi32>, vector<16xi32>)
          %masked_sort3A_1213 = arith.xori %masked_sort3A_1211, %masked_sort3A_1208 : vector<16xi32>
          %rev3A_1214 = arith.constant 15 : i32
          %rev3A_1215 = vector.broadcast %rev3A_1214 : i32 to vector<16xi32>
          %rev3A_1216 = tpu.iota {dimensions = array<i32: 0>} : vector<16xi32>
          %rev3A_1217 = arith.subi %rev3A_1215, %rev3A_1216 : vector<16xi32>
          %rev3A_1218 = tpu.dynamic_gather %masked_sort3A_1213[%rev3A_1217] in [0] : vector<16xi32>, vector<16xi32> -> vector<16xi32>
          %rev3A_1219 = arith.constant 15 : i32
          %rev3A_1220 = vector.broadcast %rev3A_1219 : i32 to vector<16xi32>
          %rev3A_1221 = tpu.iota {dimensions = array<i32: 0>} : vector<16xi32>
          %rev3A_1222 = arith.subi %rev3A_1220, %rev3A_1221 : vector<16xi32>
          %rev3A_1223 = tpu.dynamic_gather %masked_sort3A_1212[%rev3A_1222] in [0] : vector<16xi32>, vector<16xi32> -> vector<16xi32>
          %le3A_1224 = arith.cmpi sle, %masked_sort3A_1098, %rev3A_1218 : vector<16xi32>
          %select_n3A_1225 = arith.select %le3A_1224, %masked_sort3A_1098, %rev3A_1218 : vector<16xi1>, vector<16xi32>
          %select_n3A_1226 = arith.select %le3A_1224, %masked_sort3A_1097, %rev3A_1223 : vector<16xi1>, vector<16xi32>
          %select_n3A_1227 = arith.select %le3A_1224, %rev3A_1218, %masked_sort3A_1098 : vector<16xi1>, vector<16xi32>
          %select_n3A_1228 = arith.select %le3A_1224, %rev3A_1223, %masked_sort3A_1097 : vector<16xi1>, vector<16xi32>
          %masked_sort3A_1229 = arith.constant dense<true> : vector<16xi1>
          %masked_sort3A_1230 = arith.constant -2147483648 : i32
          %masked_sort3A_1231 = vector.broadcast %masked_sort3A_1230 : i32 to vector<16xi32>
          %masked_sort3A_1232 = arith.xori %select_n3A_1225, %masked_sort3A_1231 : vector<16xi32>
          %masked_sort3A_1233, %masked_sort3A_1234, %masked_sort3A_1235 = tpu.sort %masked_sort3A_1232, %select_n3A_1226 masked %masked_sort3A_1229 : (vector<16xi32>, vector<16xi32>, vector<16xi1>) -> (vector<16xi1>, vector<16xi32>, vector<16xi32>)
          %masked_sort3A_1236 = arith.xori %masked_sort3A_1234, %masked_sort3A_1231 : vector<16xi32>
          %masked_sort3A_1237 = arith.constant dense<true> : vector<16xi1>
          %masked_sort3A_1238 = arith.constant -2147483648 : i32
          %masked_sort3A_1239 = vector.broadcast %masked_sort3A_1238 : i32 to vector<16xi32>
          %masked_sort3A_1240 = arith.xori %select_n3A_1227, %masked_sort3A_1239 : vector<16xi32>
          %masked_sort3A_1241, %masked_sort3A_1242, %masked_sort3A_1243 = tpu.sort %masked_sort3A_1240, %select_n3A_1228 masked %masked_sort3A_1237 : (vector<16xi32>, vector<16xi32>, vector<16xi1>) -> (vector<16xi1>, vector<16xi32>, vector<16xi32>)
          %masked_sort3A_1244 = arith.xori %masked_sort3A_1242, %masked_sort3A_1239 : vector<16xi32>
          %rev3A_1245 = arith.constant 15 : i32
          %rev3A_1246 = vector.broadcast %rev3A_1245 : i32 to vector<16xi32>
          %rev3A_1247 = tpu.iota {dimensions = array<i32: 0>} : vector<16xi32>
          %rev3A_1248 = arith.subi %rev3A_1246, %rev3A_1247 : vector<16xi32>
          %rev3A_1249 = tpu.dynamic_gather %masked_sort3A_1244[%rev3A_1248] in [0] : vector<16xi32>, vector<16xi32> -> vector<16xi32>
          %rev3A_1250 = arith.constant 15 : i32
          %rev3A_1251 = vector.broadcast %rev3A_1250 : i32 to vector<16xi32>
          %rev3A_1252 = tpu.iota {dimensions = array<i32: 0>} : vector<16xi32>
          %rev3A_1253 = arith.subi %rev3A_1251, %rev3A_1252 : vector<16xi32>
          %rev3A_1254 = tpu.dynamic_gather %masked_sort3A_1243[%rev3A_1253] in [0] : vector<16xi32>, vector<16xi32> -> vector<16xi32>
          %le3A_1255 = arith.cmpi sle, %masked_sort3A_1129, %rev3A_1249 : vector<16xi32>
          %select_n3A_1256 = arith.select %le3A_1255, %masked_sort3A_1129, %rev3A_1249 : vector<16xi1>, vector<16xi32>
          %select_n3A_1257 = arith.select %le3A_1255, %masked_sort3A_1128, %rev3A_1254 : vector<16xi1>, vector<16xi32>
          %select_n3A_1258 = arith.select %le3A_1255, %rev3A_1249, %masked_sort3A_1129 : vector<16xi1>, vector<16xi32>
          %select_n3A_1259 = arith.select %le3A_1255, %rev3A_1254, %masked_sort3A_1128 : vector<16xi1>, vector<16xi32>
          %masked_sort3A_1260 = arith.constant dense<true> : vector<16xi1>
          %masked_sort3A_1261 = arith.constant -2147483648 : i32
          %masked_sort3A_1262 = vector.broadcast %masked_sort3A_1261 : i32 to vector<16xi32>
          %masked_sort3A_1263 = arith.xori %select_n3A_1256, %masked_sort3A_1262 : vector<16xi32>
          %masked_sort3A_1264, %masked_sort3A_1265, %masked_sort3A_1266 = tpu.sort %masked_sort3A_1263, %select_n3A_1257 masked %masked_sort3A_1260 : (vector<16xi32>, vector<16xi32>, vector<16xi1>) -> (vector<16xi1>, vector<16xi32>, vector<16xi32>)
          %masked_sort3A_1267 = arith.xori %masked_sort3A_1265, %masked_sort3A_1262 : vector<16xi32>
          %masked_sort3A_1268 = arith.constant dense<true> : vector<16xi1>
          %masked_sort3A_1269 = arith.constant -2147483648 : i32
          %masked_sort3A_1270 = vector.broadcast %masked_sort3A_1269 : i32 to vector<16xi32>
          %masked_sort3A_1271 = arith.xori %select_n3A_1258, %masked_sort3A_1270 : vector<16xi32>
          %masked_sort3A_1272, %masked_sort3A_1273, %masked_sort3A_1274 = tpu.sort %masked_sort3A_1271, %select_n3A_1259 masked %masked_sort3A_1268 : (vector<16xi32>, vector<16xi32>, vector<16xi1>) -> (vector<16xi1>, vector<16xi32>, vector<16xi32>)
          %masked_sort3A_1275 = arith.xori %masked_sort3A_1273, %masked_sort3A_1270 : vector<16xi32>
          %rev3A_1276 = arith.constant 15 : i32
          %rev3A_1277 = vector.broadcast %rev3A_1276 : i32 to vector<16xi32>
          %rev3A_1278 = tpu.iota {dimensions = array<i32: 0>} : vector<16xi32>
          %rev3A_1279 = arith.subi %rev3A_1277, %rev3A_1278 : vector<16xi32>
          %rev3A_1280 = tpu.dynamic_gather %masked_sort3A_1275[%rev3A_1279] in [0] : vector<16xi32>, vector<16xi32> -> vector<16xi32>
          %rev3A_1281 = arith.constant 15 : i32
          %rev3A_1282 = vector.broadcast %rev3A_1281 : i32 to vector<16xi32>
          %rev3A_1283 = tpu.iota {dimensions = array<i32: 0>} : vector<16xi32>
          %rev3A_1284 = arith.subi %rev3A_1282, %rev3A_1283 : vector<16xi32>
          %rev3A_1285 = tpu.dynamic_gather %masked_sort3A_1274[%rev3A_1284] in [0] : vector<16xi32>, vector<16xi32> -> vector<16xi32>
          %le3A_1286 = arith.cmpi sle, %masked_sort3A_1160, %rev3A_1280 : vector<16xi32>
          %select_n3A_1287 = arith.select %le3A_1286, %masked_sort3A_1160, %rev3A_1280 : vector<16xi1>, vector<16xi32>
          %select_n3A_1288 = arith.select %le3A_1286, %masked_sort3A_1159, %rev3A_1285 : vector<16xi1>, vector<16xi32>
          %select_n3A_1289 = arith.select %le3A_1286, %rev3A_1280, %masked_sort3A_1160 : vector<16xi1>, vector<16xi32>
          %select_n3A_1290 = arith.select %le3A_1286, %rev3A_1285, %masked_sort3A_1159 : vector<16xi1>, vector<16xi32>
          %masked_sort3A_1291 = arith.constant dense<true> : vector<16xi1>
          %masked_sort3A_1292 = arith.constant -2147483648 : i32
          %masked_sort3A_1293 = vector.broadcast %masked_sort3A_1292 : i32 to vector<16xi32>
          %masked_sort3A_1294 = arith.xori %select_n3A_1287, %masked_sort3A_1293 : vector<16xi32>
          %masked_sort3A_1295, %masked_sort3A_1296, %masked_sort3A_1297 = tpu.sort %masked_sort3A_1294, %select_n3A_1288 masked %masked_sort3A_1291 : (vector<16xi32>, vector<16xi32>, vector<16xi1>) -> (vector<16xi1>, vector<16xi32>, vector<16xi32>)
          %masked_sort3A_1298 = arith.xori %masked_sort3A_1296, %masked_sort3A_1293 : vector<16xi32>
          %masked_sort3A_1299 = arith.constant dense<true> : vector<16xi1>
          %masked_sort3A_1300 = arith.constant -2147483648 : i32
          %masked_sort3A_1301 = vector.broadcast %masked_sort3A_1300 : i32 to vector<16xi32>
          %masked_sort3A_1302 = arith.xori %select_n3A_1289, %masked_sort3A_1301 : vector<16xi32>
          %masked_sort3A_1303, %masked_sort3A_1304, %masked_sort3A_1305 = tpu.sort %masked_sort3A_1302, %select_n3A_1290 masked %masked_sort3A_1299 : (vector<16xi32>, vector<16xi32>, vector<16xi1>) -> (vector<16xi1>, vector<16xi32>, vector<16xi32>)
          %masked_sort3A_1306 = arith.xori %masked_sort3A_1304, %masked_sort3A_1301 : vector<16xi32>
          %gather3A_1307 = tpu.vector_load_idx %arg22[%masked_sort3A_1204] : memref<64xf32, #tpu.memory_space<vmem>>[vector<16xi32>], vector<16xf32>,
          %gather3A_1308 = tpu.vector_load_idx %arg23[%masked_sort3A_1204] : memref<64xi32, #tpu.memory_space<vmem>>[vector<16xi32>], vector<16xi32>,
          %gather3A_1309 = tpu.vector_load_idx %arg22[%masked_sort3A_1235] : memref<64xf32, #tpu.memory_space<vmem>>[vector<16xi32>], vector<16xf32>,
          %gather3A_1310 = tpu.vector_load_idx %arg23[%masked_sort3A_1235] : memref<64xi32, #tpu.memory_space<vmem>>[vector<16xi32>], vector<16xi32>,
          %gather3A_1311 = tpu.vector_load_idx %arg22[%masked_sort3A_1266] : memref<64xf32, #tpu.memory_space<vmem>>[vector<16xi32>], vector<16xf32>,
          %gather3A_1312 = tpu.vector_load_idx %arg23[%masked_sort3A_1266] : memref<64xi32, #tpu.memory_space<vmem>>[vector<16xi32>], vector<16xi32>,
          %gather3A_1313 = tpu.vector_load_idx %arg22[%masked_sort3A_1297] : memref<64xf32, #tpu.memory_space<vmem>>[vector<16xi32>], vector<16xf32>,
          %gather3A_1314 = tpu.vector_load_idx %arg23[%masked_sort3A_1297] : memref<64xi32, #tpu.memory_space<vmem>>[vector<16xi32>], vector<16xi32>,
          scf.yield %gather3A_1307, %gather3A_1308, %gather3A_1309, %gather3A_1310, %gather3A_1311, %gather3A_1312, %gather3A_1313, %gather3A_1314 : vector<16xf32>, vector<16xi32>, vector<16xf32>, vector<16xi32>, vector<16xf32>, vector<16xi32>, vector<16xf32>, vector<16xi32>
        } else {
          scf.yield %while3A_225#0, %while3A_225#1, %while3A_225#2, %while3A_225#3, %while3A_225#4, %while3A_225#5, %while3A_225#6, %while3A_225#7 : vector<16xf32>, vector<16xi32>, vector<16xf32>, vector<16xi32>, vector<16xf32>, vector<16xi32>, vector<16xf32>, vector<16xi32>
        }
        %broadcast_in_dim3A_406 = arith.constant 1 : i32
        %broadcast_in_dim3A_407 = vector.broadcast %broadcast_in_dim3A_406 : i32 to vector<16xi32>
        %mul3A_408 = vector.broadcast %sub3A_104 : i32 to vector<16xi32>
        %mul3A_409 = arith.muli %broadcast_in_dim3A_407, %mul3A_408 : vector<16xi32>
        %gather3A_410 = tpu.vector_load_idx %arg12[%mul3A_409] : memref<1024xf32, #tpu.memory_space<vmem>>[vector<16xi32>], vector<16xf32>,
        %gather3A_411 = tpu.vector_load_idx %arg13[%mul3A_409] : memref<1024xf32, #tpu.memory_space<vmem>>[vector<16xi32>], vector<16xf32>,
        %gather3A_412 = tpu.vector_load_idx %arg14[%mul3A_409] : memref<1024xf32, #tpu.memory_space<vmem>>[vector<16xi32>], vector<16xf32>,
        %mul3A_413 = arith.constant 64 : i32
        %mul3A_414 = arith.muli %sub3A_105, %mul3A_413 : i32
        %mul3A_415 = arith.constant 64 : i32
        %mul3A_416 = arith.muli %sub3A_105, %mul3A_415 : i32
        %mul3A_417 = arith.constant 3 : i32
        %mul3A_418 = arith.muli %mul3A_416, %mul3A_417 : i32
        %broadcast_in_dim3A_419 = arith.constant 1 : i32
        %broadcast_in_dim3A_420 = vector.broadcast %broadcast_in_dim3A_419 : i32 to vector<16xi32>
        %mul3A_421 = vector.broadcast %mul3A_20 : i32 to vector<16xi32>
        %mul3A_422 = arith.muli %broadcast_in_dim3A_420, %mul3A_421 : vector<16xi32>
        %add3A_423 = arith.addi %cond3A_405#1, %mul3A_422 : vector<16xi32>
        %add3A_424 = arith.constant 0 : i32
        %add3A_425 = arith.addi %mul3A_414, %add3A_424 : i32
        %swap3A_426 = arith.index_cast %add3A_425 : i32 to index
        %swap3A_427 = tpu.vector_load %arg18[%swap3A_426] {strides = array<i32>} : memref<16384xi32, #tpu.memory_space<vmem>>, vector<16xi32>,
        tpu.vector_store %arg18[%swap3A_426], %add3A_423 {strides = array<i32>} : memref<16384xi32, #tpu.memory_space<vmem>>, vector<16xi32>,
        %lt3A_428 = arith.constant 4.900000e+01 : f32
        %lt3A_429 = vector.broadcast %lt3A_428 : f32 to vector<16xf32>
        %lt3A_430 = arith.cmpf olt, %cond3A_405#0, %lt3A_429 : vector<16xf32>
        %convert_element_type3A_431 = arith.extui %lt3A_430 : vector<16xi1> to vector<16xi32>
        %add3A_432 = arith.constant 0 : i32
        %add3A_433 = arith.addi %mul3A_414, %add3A_432 : i32
        %swap3A_434 = arith.index_cast %add3A_433 : i32 to index
        %swap3A_435 = tpu.vector_load %arg21[%swap3A_434] {strides = array<i32>} : memref<16384xi32, #tpu.memory_space<vmem>>, vector<16xi32>,
        tpu.vector_store %arg21[%swap3A_434], %convert_element_type3A_431 {strides = array<i32>} : memref<16384xi32, #tpu.memory_space<vmem>>, vector<16xi32>,
        %max3A_436 = arith.constant 1.000000e-30 : f32
        %max3A_437 = vector.broadcast %max3A_436 : f32 to vector<16xf32>
        %max3A_438 = arith.maximumf %cond3A_405#0, %max3A_437 : vector<16xf32>
        %bitcast3A = vector.bitcast %max3A_438 : vector<16xf32> to vector<16xi32>
        %broadcast_in_dim3A_439 = arith.constant 1 : i32
        %broadcast_in_dim3A_440 = vector.broadcast %broadcast_in_dim3A_439 : i32 to vector<16xi32>
        %mul3A_441 = arith.constant 1597463007 : i32
        %mul3A_442 = vector.broadcast %mul3A_441 : i32 to vector<16xi32>
        %mul3A_443 = arith.muli %broadcast_in_dim3A_440, %mul3A_442 : vector<16xi32>
        %shift_right_logical3A = arith.constant 1 : i32
        %shift_right_logical3A_444 = vector.broadcast %shift_right_logical3A : i32 to vector<16xi32>
        %shift_right_logical3A_445 = arith.shrui %bitcast3A, %shift_right_logical3A_444 : vector<16xi32>
        %sub3A_446 = arith.subi %mul3A_443, %shift_right_logical3A_445 : vector<16xi32>
        %bitcast3A_447 = vector.bitcast %sub3A_446 : vector<16xi32> to vector<16xf32>
        %mul3A_448 = arith.constant -5.000000e-01 : f32
        %mul3A_449 = vector.broadcast %mul3A_448 : f32 to vector<16xf32>
        %mul3A_450 = arith.mulf %max3A_438, %mul3A_449 : vector<16xf32>
        %mul3A_451 = arith.mulf %mul3A_450, %bitcast3A_447 : vector<16xf32>
        %mul3A_452 = arith.mulf %mul3A_451, %bitcast3A_447 : vector<16xf32>
        %add3A_453 = arith.constant 1.500000e+00 : f32
        %add3A_454 = vector.broadcast %add3A_453 : f32 to vector<16xf32>
        %add3A_455 = arith.addf %mul3A_452, %add3A_454 : vector<16xf32>
        %mul3A_456 = arith.mulf %bitcast3A_447, %add3A_455 : vector<16xf32>
        %mul3A_457 = arith.mulf %mul3A_450, %mul3A_456 : vector<16xf32>
        %mul3A_458 = arith.mulf %mul3A_457, %mul3A_456 : vector<16xf32>
        %add3A_459 = arith.constant 1.500000e+00 : f32
        %add3A_460 = vector.broadcast %add3A_459 : f32 to vector<16xf32>
        %add3A_461 = arith.addf %mul3A_458, %add3A_460 : vector<16xf32>
        %mul3A_462 = arith.mulf %mul3A_456, %add3A_461 : vector<16xf32>
        %mul3A_463 = arith.mulf %mul3A_450, %mul3A_462 : vector<16xf32>
        %mul3A_464 = arith.mulf %mul3A_463, %mul3A_462 : vector<16xf32>
        %add3A_465 = arith.constant 1.500000e+00 : f32
        %add3A_466 = vector.broadcast %add3A_465 : f32 to vector<16xf32>
        %add3A_467 = arith.addf %mul3A_464, %add3A_466 : vector<16xf32>
        %mul3A_468 = arith.mulf %mul3A_462, %add3A_467 : vector<16xf32>
        %mul3A_469 = arith.mulf %cond3A_405#0, %mul3A_468 : vector<16xf32>
        %jit3A_470 = arith.constant 0.000000e+00 : f32
        %broadcast_in_dim3A_471 = vector.broadcast %jit3A_470 : f32 to vector<16xf32>
        %select_n3A_472 = arith.select %lt3A_430, %mul3A_469, %broadcast_in_dim3A_471 : vector<16xi1>, vector<16xf32>
        %add3A_473 = arith.constant 0 : i32
        %add3A_474 = arith.addi %mul3A_414, %add3A_473 : i32
        %swap3A_475 = arith.index_cast %add3A_474 : i32 to index
        %swap3A_476 = tpu.vector_load %arg19[%swap3A_475] {strides = array<i32>} : memref<16384xf32, #tpu.memory_space<vmem>>, vector<16xf32>,
        tpu.vector_store %arg19[%swap3A_475], %select_n3A_472 {strides = array<i32>} : memref<16384xf32, #tpu.memory_space<vmem>>, vector<16xf32>,
        %jit3A_477 = arith.constant 1.000000e+00 : f32
        %jit3A_478 = arith.constant 0.000000e+00 : f32
        %broadcast_in_dim3A_479 = vector.broadcast %jit3A_477 : f32 to vector<16xf32>
        %broadcast_in_dim3A_480 = vector.broadcast %jit3A_478 : f32 to vector<16xf32>
        %select_n3A_481 = arith.select %lt3A_430, %broadcast_in_dim3A_479, %broadcast_in_dim3A_480 : vector<16xi1>, vector<16xf32>
        %add3A_482 = arith.constant 0 : i32
        %add3A_483 = arith.addi %mul3A_418, %add3A_482 : i32
        %broadcast_in_dim3A_484 = arith.constant 1 : i32
        %broadcast_in_dim3A_485 = vector.broadcast %broadcast_in_dim3A_484 : i32 to vector<16xi32>
        %mul3A_486 = vector.broadcast %add3A_483 : i32 to vector<16xi32>
        %mul3A_487 = arith.muli %broadcast_in_dim3A_485, %mul3A_486 : vector<16xi32>
        %add3A_488 = arith.addi %mul3A_487, %mul3A_23 : vector<16xi32>
        %gather3A_489 = tpu.vector_load_idx %arg12[%cond3A_405#1] : memref<1024xf32, #tpu.memory_space<vmem>>[vector<16xi32>], vector<16xf32>,
        %sub3A_490 = arith.subf %gather3A_489, %gather3A_410 : vector<16xf32>
        %mul3A_491 = arith.mulf %sub3A_490, %select_n3A_481 : vector<16xf32>
        tpu.vector_store_idx %arg20[%add3A_488], %mul3A_491 : memref<49152xf32, #tpu.memory_space<vmem>>[vector<16xi32>], vector<16xf32>,
        %gather3A_492 = tpu.vector_load_idx %arg13[%cond3A_405#1] : memref<1024xf32, #tpu.memory_space<vmem>>[vector<16xi32>], vector<16xf32>,
        %add3A_493 = arith.addi %add3A_488, %broadcast_in_dim3A_24 : vector<16xi32>
        %sub3A_494 = arith.subf %gather3A_492, %gather3A_411 : vector<16xf32>
        %mul3A_495 = arith.mulf %sub3A_494, %select_n3A_481 : vector<16xf32>
        tpu.vector_store_idx %arg20[%add3A_493], %mul3A_495 : memref<49152xf32, #tpu.memory_space<vmem>>[vector<16xi32>], vector<16xf32>,
        %gather3A_496 = tpu.vector_load_idx %arg14[%cond3A_405#1] : memref<1024xf32, #tpu.memory_space<vmem>>[vector<16xi32>], vector<16xf32>,
        %add3A_497 = arith.addi %add3A_488, %broadcast_in_dim3A_24 : vector<16xi32>
        %add3A_498 = arith.addi %add3A_497, %broadcast_in_dim3A_24 : vector<16xi32>
        %sub3A_499 = arith.subf %gather3A_496, %gather3A_412 : vector<16xf32>
        %mul3A_500 = arith.mulf %sub3A_499, %select_n3A_481 : vector<16xf32>
        tpu.vector_store_idx %arg20[%add3A_498], %mul3A_500 : memref<49152xf32, #tpu.memory_space<vmem>>[vector<16xi32>], vector<16xf32>,
        %broadcast_in_dim3A_501 = arith.constant 1 : i32
        %broadcast_in_dim3A_502 = vector.broadcast %broadcast_in_dim3A_501 : i32 to vector<16xi32>
        %mul3A_503 = vector.broadcast %mul3A_20 : i32 to vector<16xi32>
        %mul3A_504 = arith.muli %broadcast_in_dim3A_502, %mul3A_503 : vector<16xi32>
        %add3A_505 = arith.addi %cond3A_405#3, %mul3A_504 : vector<16xi32>
        %add3A_506 = arith.constant 16 : i32
        %add3A_507 = arith.addi %mul3A_414, %add3A_506 : i32
        %swap3A_508 = arith.index_cast %add3A_507 : i32 to index
        %swap3A_509 = tpu.vector_load %arg18[%swap3A_508] {strides = array<i32>} : memref<16384xi32, #tpu.memory_space<vmem>>, vector<16xi32>,
        tpu.vector_store %arg18[%swap3A_508], %add3A_505 {strides = array<i32>} : memref<16384xi32, #tpu.memory_space<vmem>>, vector<16xi32>,
        %lt3A_510 = arith.constant 4.900000e+01 : f32
        %lt3A_511 = vector.broadcast %lt3A_510 : f32 to vector<16xf32>
        %lt3A_512 = arith.cmpf olt, %cond3A_405#2, %lt3A_511 : vector<16xf32>
        %convert_element_type3A_513 = arith.extui %lt3A_512 : vector<16xi1> to vector<16xi32>
        %add3A_514 = arith.constant 16 : i32
        %add3A_515 = arith.addi %mul3A_414, %add3A_514 : i32
        %swap3A_516 = arith.index_cast %add3A_515 : i32 to index
        %swap3A_517 = tpu.vector_load %arg21[%swap3A_516] {strides = array<i32>} : memref<16384xi32, #tpu.memory_space<vmem>>, vector<16xi32>,
        tpu.vector_store %arg21[%swap3A_516], %convert_element_type3A_513 {strides = array<i32>} : memref<16384xi32, #tpu.memory_space<vmem>>, vector<16xi32>,
        %max3A_518 = arith.constant 1.000000e-30 : f32
        %max3A_519 = vector.broadcast %max3A_518 : f32 to vector<16xf32>
        %max3A_520 = arith.maximumf %cond3A_405#2, %max3A_519 : vector<16xf32>
        %bitcast3A_521 = vector.bitcast %max3A_520 : vector<16xf32> to vector<16xi32>
        %broadcast_in_dim3A_522 = arith.constant 1 : i32
        %broadcast_in_dim3A_523 = vector.broadcast %broadcast_in_dim3A_522 : i32 to vector<16xi32>
        %mul3A_524 = arith.constant 1597463007 : i32
        %mul3A_525 = vector.broadcast %mul3A_524 : i32 to vector<16xi32>
        %mul3A_526 = arith.muli %broadcast_in_dim3A_523, %mul3A_525 : vector<16xi32>
        %shift_right_logical3A_527 = arith.constant 1 : i32
        %shift_right_logical3A_528 = vector.broadcast %shift_right_logical3A_527 : i32 to vector<16xi32>
        %shift_right_logical3A_529 = arith.shrui %bitcast3A_521, %shift_right_logical3A_528 : vector<16xi32>
        %sub3A_530 = arith.subi %mul3A_526, %shift_right_logical3A_529 : vector<16xi32>
        %bitcast3A_531 = vector.bitcast %sub3A_530 : vector<16xi32> to vector<16xf32>
        %mul3A_532 = arith.constant -5.000000e-01 : f32
        %mul3A_533 = vector.broadcast %mul3A_532 : f32 to vector<16xf32>
        %mul3A_534 = arith.mulf %max3A_520, %mul3A_533 : vector<16xf32>
        %mul3A_535 = arith.mulf %mul3A_534, %bitcast3A_531 : vector<16xf32>
        %mul3A_536 = arith.mulf %mul3A_535, %bitcast3A_531 : vector<16xf32>
        %add3A_537 = arith.constant 1.500000e+00 : f32
        %add3A_538 = vector.broadcast %add3A_537 : f32 to vector<16xf32>
        %add3A_539 = arith.addf %mul3A_536, %add3A_538 : vector<16xf32>
        %mul3A_540 = arith.mulf %bitcast3A_531, %add3A_539 : vector<16xf32>
        %mul3A_541 = arith.mulf %mul3A_534, %mul3A_540 : vector<16xf32>
        %mul3A_542 = arith.mulf %mul3A_541, %mul3A_540 : vector<16xf32>
        %add3A_543 = arith.constant 1.500000e+00 : f32
        %add3A_544 = vector.broadcast %add3A_543 : f32 to vector<16xf32>
        %add3A_545 = arith.addf %mul3A_542, %add3A_544 : vector<16xf32>
        %mul3A_546 = arith.mulf %mul3A_540, %add3A_545 : vector<16xf32>
        %mul3A_547 = arith.mulf %mul3A_534, %mul3A_546 : vector<16xf32>
        %mul3A_548 = arith.mulf %mul3A_547, %mul3A_546 : vector<16xf32>
        %add3A_549 = arith.constant 1.500000e+00 : f32
        %add3A_550 = vector.broadcast %add3A_549 : f32 to vector<16xf32>
        %add3A_551 = arith.addf %mul3A_548, %add3A_550 : vector<16xf32>
        %mul3A_552 = arith.mulf %mul3A_546, %add3A_551 : vector<16xf32>
        %mul3A_553 = arith.mulf %cond3A_405#2, %mul3A_552 : vector<16xf32>
        %jit3A_554 = arith.constant 0.000000e+00 : f32
        %broadcast_in_dim3A_555 = vector.broadcast %jit3A_554 : f32 to vector<16xf32>
        %select_n3A_556 = arith.select %lt3A_512, %mul3A_553, %broadcast_in_dim3A_555 : vector<16xi1>, vector<16xf32>
        %add3A_557 = arith.constant 16 : i32
        %add3A_558 = arith.addi %mul3A_414, %add3A_557 : i32
        %swap3A_559 = arith.index_cast %add3A_558 : i32 to index
        %swap3A_560 = tpu.vector_load %arg19[%swap3A_559] {strides = array<i32>} : memref<16384xf32, #tpu.memory_space<vmem>>, vector<16xf32>,
        tpu.vector_store %arg19[%swap3A_559], %select_n3A_556 {strides = array<i32>} : memref<16384xf32, #tpu.memory_space<vmem>>, vector<16xf32>,
        %jit3A_561 = arith.constant 1.000000e+00 : f32
        %jit3A_562 = arith.constant 0.000000e+00 : f32
        %broadcast_in_dim3A_563 = vector.broadcast %jit3A_561 : f32 to vector<16xf32>
        %broadcast_in_dim3A_564 = vector.broadcast %jit3A_562 : f32 to vector<16xf32>
        %select_n3A_565 = arith.select %lt3A_512, %broadcast_in_dim3A_563, %broadcast_in_dim3A_564 : vector<16xi1>, vector<16xf32>
        %add3A_566 = arith.constant 48 : i32
        %add3A_567 = arith.addi %mul3A_418, %add3A_566 : i32
        %broadcast_in_dim3A_568 = arith.constant 1 : i32
        %broadcast_in_dim3A_569 = vector.broadcast %broadcast_in_dim3A_568 : i32 to vector<16xi32>
        %mul3A_570 = vector.broadcast %add3A_567 : i32 to vector<16xi32>
        %mul3A_571 = arith.muli %broadcast_in_dim3A_569, %mul3A_570 : vector<16xi32>
        %add3A_572 = arith.addi %mul3A_571, %mul3A_23 : vector<16xi32>
        %gather3A_573 = tpu.vector_load_idx %arg12[%cond3A_405#3] : memref<1024xf32, #tpu.memory_space<vmem>>[vector<16xi32>], vector<16xf32>,
        %sub3A_574 = arith.subf %gather3A_573, %gather3A_410 : vector<16xf32>
        %mul3A_575 = arith.mulf %sub3A_574, %select_n3A_565 : vector<16xf32>
        tpu.vector_store_idx %arg20[%add3A_572], %mul3A_575 : memref<49152xf32, #tpu.memory_space<vmem>>[vector<16xi32>], vector<16xf32>,
        %gather3A_576 = tpu.vector_load_idx %arg13[%cond3A_405#3] : memref<1024xf32, #tpu.memory_space<vmem>>[vector<16xi32>], vector<16xf32>,
        %add3A_577 = arith.addi %add3A_572, %broadcast_in_dim3A_24 : vector<16xi32>
        %sub3A_578 = arith.subf %gather3A_576, %gather3A_411 : vector<16xf32>
        %mul3A_579 = arith.mulf %sub3A_578, %select_n3A_565 : vector<16xf32>
        tpu.vector_store_idx %arg20[%add3A_577], %mul3A_579 : memref<49152xf32, #tpu.memory_space<vmem>>[vector<16xi32>], vector<16xf32>,
        %gather3A_580 = tpu.vector_load_idx %arg14[%cond3A_405#3] : memref<1024xf32, #tpu.memory_space<vmem>>[vector<16xi32>], vector<16xf32>,
        %add3A_581 = arith.addi %add3A_572, %broadcast_in_dim3A_24 : vector<16xi32>
        %add3A_582 = arith.addi %add3A_581, %broadcast_in_dim3A_24 : vector<16xi32>
        %sub3A_583 = arith.subf %gather3A_580, %gather3A_412 : vector<16xf32>
        %mul3A_584 = arith.mulf %sub3A_583, %select_n3A_565 : vector<16xf32>
        tpu.vector_store_idx %arg20[%add3A_582], %mul3A_584 : memref<49152xf32, #tpu.memory_space<vmem>>[vector<16xi32>], vector<16xf32>,
        %broadcast_in_dim3A_585 = arith.constant 1 : i32
        %broadcast_in_dim3A_586 = vector.broadcast %broadcast_in_dim3A_585 : i32 to vector<16xi32>
        %mul3A_587 = vector.broadcast %mul3A_20 : i32 to vector<16xi32>
        %mul3A_588 = arith.muli %broadcast_in_dim3A_586, %mul3A_587 : vector<16xi32>
        %add3A_589 = arith.addi %cond3A_405#5, %mul3A_588 : vector<16xi32>
        %add3A_590 = arith.constant 32 : i32
        %add3A_591 = arith.addi %mul3A_414, %add3A_590 : i32
        %swap3A_592 = arith.index_cast %add3A_591 : i32 to index
        %swap3A_593 = tpu.vector_load %arg18[%swap3A_592] {strides = array<i32>} : memref<16384xi32, #tpu.memory_space<vmem>>, vector<16xi32>,
        tpu.vector_store %arg18[%swap3A_592], %add3A_589 {strides = array<i32>} : memref<16384xi32, #tpu.memory_space<vmem>>, vector<16xi32>,
        %lt3A_594 = arith.constant 4.900000e+01 : f32
        %lt3A_595 = vector.broadcast %lt3A_594 : f32 to vector<16xf32>
        %lt3A_596 = arith.cmpf olt, %cond3A_405#4, %lt3A_595 : vector<16xf32>
        %convert_element_type3A_597 = arith.extui %lt3A_596 : vector<16xi1> to vector<16xi32>
        %add3A_598 = arith.constant 32 : i32
        %add3A_599 = arith.addi %mul3A_414, %add3A_598 : i32
        %swap3A_600 = arith.index_cast %add3A_599 : i32 to index
        %swap3A_601 = tpu.vector_load %arg21[%swap3A_600] {strides = array<i32>} : memref<16384xi32, #tpu.memory_space<vmem>>, vector<16xi32>,
        tpu.vector_store %arg21[%swap3A_600], %convert_element_type3A_597 {strides = array<i32>} : memref<16384xi32, #tpu.memory_space<vmem>>, vector<16xi32>,
        %max3A_602 = arith.constant 1.000000e-30 : f32
        %max3A_603 = vector.broadcast %max3A_602 : f32 to vector<16xf32>
        %max3A_604 = arith.maximumf %cond3A_405#4, %max3A_603 : vector<16xf32>
        %bitcast3A_605 = vector.bitcast %max3A_604 : vector<16xf32> to vector<16xi32>
        %broadcast_in_dim3A_606 = arith.constant 1 : i32
        %broadcast_in_dim3A_607 = vector.broadcast %broadcast_in_dim3A_606 : i32 to vector<16xi32>
        %mul3A_608 = arith.constant 1597463007 : i32
        %mul3A_609 = vector.broadcast %mul3A_608 : i32 to vector<16xi32>
        %mul3A_610 = arith.muli %broadcast_in_dim3A_607, %mul3A_609 : vector<16xi32>
        %shift_right_logical3A_611 = arith.constant 1 : i32
        %shift_right_logical3A_612 = vector.broadcast %shift_right_logical3A_611 : i32 to vector<16xi32>
        %shift_right_logical3A_613 = arith.shrui %bitcast3A_605, %shift_right_logical3A_612 : vector<16xi32>
        %sub3A_614 = arith.subi %mul3A_610, %shift_right_logical3A_613 : vector<16xi32>
        %bitcast3A_615 = vector.bitcast %sub3A_614 : vector<16xi32> to vector<16xf32>
        %mul3A_616 = arith.constant -5.000000e-01 : f32
        %mul3A_617 = vector.broadcast %mul3A_616 : f32 to vector<16xf32>
        %mul3A_618 = arith.mulf %max3A_604, %mul3A_617 : vector<16xf32>
        %mul3A_619 = arith.mulf %mul3A_618, %bitcast3A_615 : vector<16xf32>
        %mul3A_620 = arith.mulf %mul3A_619, %bitcast3A_615 : vector<16xf32>
        %add3A_621 = arith.constant 1.500000e+00 : f32
        %add3A_622 = vector.broadcast %add3A_621 : f32 to vector<16xf32>
        %add3A_623 = arith.addf %mul3A_620, %add3A_622 : vector<16xf32>
        %mul3A_624 = arith.mulf %bitcast3A_615, %add3A_623 : vector<16xf32>
        %mul3A_625 = arith.mulf %mul3A_618, %mul3A_624 : vector<16xf32>
        %mul3A_626 = arith.mulf %mul3A_625, %mul3A_624 : vector<16xf32>
        %add3A_627 = arith.constant 1.500000e+00 : f32
        %add3A_628 = vector.broadcast %add3A_627 : f32 to vector<16xf32>
        %add3A_629 = arith.addf %mul3A_626, %add3A_628 : vector<16xf32>
        %mul3A_630 = arith.mulf %mul3A_624, %add3A_629 : vector<16xf32>
        %mul3A_631 = arith.mulf %mul3A_618, %mul3A_630 : vector<16xf32>
        %mul3A_632 = arith.mulf %mul3A_631, %mul3A_630 : vector<16xf32>
        %add3A_633 = arith.constant 1.500000e+00 : f32
        %add3A_634 = vector.broadcast %add3A_633 : f32 to vector<16xf32>
        %add3A_635 = arith.addf %mul3A_632, %add3A_634 : vector<16xf32>
        %mul3A_636 = arith.mulf %mul3A_630, %add3A_635 : vector<16xf32>
        %mul3A_637 = arith.mulf %cond3A_405#4, %mul3A_636 : vector<16xf32>
        %jit3A_638 = arith.constant 0.000000e+00 : f32
        %broadcast_in_dim3A_639 = vector.broadcast %jit3A_638 : f32 to vector<16xf32>
        %select_n3A_640 = arith.select %lt3A_596, %mul3A_637, %broadcast_in_dim3A_639 : vector<16xi1>, vector<16xf32>
        %add3A_641 = arith.constant 32 : i32
        %add3A_642 = arith.addi %mul3A_414, %add3A_641 : i32
        %swap3A_643 = arith.index_cast %add3A_642 : i32 to index
        %swap3A_644 = tpu.vector_load %arg19[%swap3A_643] {strides = array<i32>} : memref<16384xf32, #tpu.memory_space<vmem>>, vector<16xf32>,
        tpu.vector_store %arg19[%swap3A_643], %select_n3A_640 {strides = array<i32>} : memref<16384xf32, #tpu.memory_space<vmem>>, vector<16xf32>,
        %jit3A_645 = arith.constant 1.000000e+00 : f32
        %jit3A_646 = arith.constant 0.000000e+00 : f32
        %broadcast_in_dim3A_647 = vector.broadcast %jit3A_645 : f32 to vector<16xf32>
        %broadcast_in_dim3A_648 = vector.broadcast %jit3A_646 : f32 to vector<16xf32>
        %select_n3A_649 = arith.select %lt3A_596, %broadcast_in_dim3A_647, %broadcast_in_dim3A_648 : vector<16xi1>, vector<16xf32>
        %add3A_650 = arith.constant 96 : i32
        %add3A_651 = arith.addi %mul3A_418, %add3A_650 : i32
        %broadcast_in_dim3A_652 = arith.constant 1 : i32
        %broadcast_in_dim3A_653 = vector.broadcast %broadcast_in_dim3A_652 : i32 to vector<16xi32>
        %mul3A_654 = vector.broadcast %add3A_651 : i32 to vector<16xi32>
        %mul3A_655 = arith.muli %broadcast_in_dim3A_653, %mul3A_654 : vector<16xi32>
        %add3A_656 = arith.addi %mul3A_655, %mul3A_23 : vector<16xi32>
        %gather3A_657 = tpu.vector_load_idx %arg12[%cond3A_405#5] : memref<1024xf32, #tpu.memory_space<vmem>>[vector<16xi32>], vector<16xf32>,
        %sub3A_658 = arith.subf %gather3A_657, %gather3A_410 : vector<16xf32>
        %mul3A_659 = arith.mulf %sub3A_658, %select_n3A_649 : vector<16xf32>
        tpu.vector_store_idx %arg20[%add3A_656], %mul3A_659 : memref<49152xf32, #tpu.memory_space<vmem>>[vector<16xi32>], vector<16xf32>,
        %gather3A_660 = tpu.vector_load_idx %arg13[%cond3A_405#5] : memref<1024xf32, #tpu.memory_space<vmem>>[vector<16xi32>], vector<16xf32>,
        %add3A_661 = arith.addi %add3A_656, %broadcast_in_dim3A_24 : vector<16xi32>
        %sub3A_662 = arith.subf %gather3A_660, %gather3A_411 : vector<16xf32>
        %mul3A_663 = arith.mulf %sub3A_662, %select_n3A_649 : vector<16xf32>
        tpu.vector_store_idx %arg20[%add3A_661], %mul3A_663 : memref<49152xf32, #tpu.memory_space<vmem>>[vector<16xi32>], vector<16xf32>,
        %gather3A_664 = tpu.vector_load_idx %arg14[%cond3A_405#5] : memref<1024xf32, #tpu.memory_space<vmem>>[vector<16xi32>], vector<16xf32>,
        %add3A_665 = arith.addi %add3A_656, %broadcast_in_dim3A_24 : vector<16xi32>
        %add3A_666 = arith.addi %add3A_665, %broadcast_in_dim3A_24 : vector<16xi32>
        %sub3A_667 = arith.subf %gather3A_664, %gather3A_412 : vector<16xf32>
        %mul3A_668 = arith.mulf %sub3A_667, %select_n3A_649 : vector<16xf32>
        tpu.vector_store_idx %arg20[%add3A_666], %mul3A_668 : memref<49152xf32, #tpu.memory_space<vmem>>[vector<16xi32>], vector<16xf32>,
        %broadcast_in_dim3A_669 = arith.constant 1 : i32
        %broadcast_in_dim3A_670 = vector.broadcast %broadcast_in_dim3A_669 : i32 to vector<16xi32>
        %mul3A_671 = vector.broadcast %mul3A_20 : i32 to vector<16xi32>
        %mul3A_672 = arith.muli %broadcast_in_dim3A_670, %mul3A_671 : vector<16xi32>
        %add3A_673 = arith.addi %cond3A_405#7, %mul3A_672 : vector<16xi32>
        %add3A_674 = arith.constant 48 : i32
        %add3A_675 = arith.addi %mul3A_414, %add3A_674 : i32
        %swap3A_676 = arith.index_cast %add3A_675 : i32 to index
        %swap3A_677 = tpu.vector_load %arg18[%swap3A_676] {strides = array<i32>} : memref<16384xi32, #tpu.memory_space<vmem>>, vector<16xi32>,
        tpu.vector_store %arg18[%swap3A_676], %add3A_673 {strides = array<i32>} : memref<16384xi32, #tpu.memory_space<vmem>>, vector<16xi32>,
        %lt3A_678 = arith.constant 4.900000e+01 : f32
        %lt3A_679 = vector.broadcast %lt3A_678 : f32 to vector<16xf32>
        %lt3A_680 = arith.cmpf olt, %cond3A_405#6, %lt3A_679 : vector<16xf32>
        %convert_element_type3A_681 = arith.extui %lt3A_680 : vector<16xi1> to vector<16xi32>
        %add3A_682 = arith.constant 48 : i32
        %add3A_683 = arith.addi %mul3A_414, %add3A_682 : i32
        %swap3A_684 = arith.index_cast %add3A_683 : i32 to index
        %swap3A_685 = tpu.vector_load %arg21[%swap3A_684] {strides = array<i32>} : memref<16384xi32, #tpu.memory_space<vmem>>, vector<16xi32>,
        tpu.vector_store %arg21[%swap3A_684], %convert_element_type3A_681 {strides = array<i32>} : memref<16384xi32, #tpu.memory_space<vmem>>, vector<16xi32>,
        %max3A_686 = arith.constant 1.000000e-30 : f32
        %max3A_687 = vector.broadcast %max3A_686 : f32 to vector<16xf32>
        %max3A_688 = arith.maximumf %cond3A_405#6, %max3A_687 : vector<16xf32>
        %bitcast3A_689 = vector.bitcast %max3A_688 : vector<16xf32> to vector<16xi32>
        %broadcast_in_dim3A_690 = arith.constant 1 : i32
        %broadcast_in_dim3A_691 = vector.broadcast %broadcast_in_dim3A_690 : i32 to vector<16xi32>
        %mul3A_692 = arith.constant 1597463007 : i32
        %mul3A_693 = vector.broadcast %mul3A_692 : i32 to vector<16xi32>
        %mul3A_694 = arith.muli %broadcast_in_dim3A_691, %mul3A_693 : vector<16xi32>
        %shift_right_logical3A_695 = arith.constant 1 : i32
        %shift_right_logical3A_696 = vector.broadcast %shift_right_logical3A_695 : i32 to vector<16xi32>
        %shift_right_logical3A_697 = arith.shrui %bitcast3A_689, %shift_right_logical3A_696 : vector<16xi32>
        %sub3A_698 = arith.subi %mul3A_694, %shift_right_logical3A_697 : vector<16xi32>
        %bitcast3A_699 = vector.bitcast %sub3A_698 : vector<16xi32> to vector<16xf32>
        %mul3A_700 = arith.constant -5.000000e-01 : f32
        %mul3A_701 = vector.broadcast %mul3A_700 : f32 to vector<16xf32>
        %mul3A_702 = arith.mulf %max3A_688, %mul3A_701 : vector<16xf32>
        %mul3A_703 = arith.mulf %mul3A_702, %bitcast3A_699 : vector<16xf32>
        %mul3A_704 = arith.mulf %mul3A_703, %bitcast3A_699 : vector<16xf32>
        %add3A_705 = arith.constant 1.500000e+00 : f32
        %add3A_706 = vector.broadcast %add3A_705 : f32 to vector<16xf32>
        %add3A_707 = arith.addf %mul3A_704, %add3A_706 : vector<16xf32>
        %mul3A_708 = arith.mulf %bitcast3A_699, %add3A_707 : vector<16xf32>
        %mul3A_709 = arith.mulf %mul3A_702, %mul3A_708 : vector<16xf32>
        %mul3A_710 = arith.mulf %mul3A_709, %mul3A_708 : vector<16xf32>
        %add3A_711 = arith.constant 1.500000e+00 : f32
        %add3A_712 = vector.broadcast %add3A_711 : f32 to vector<16xf32>
        %add3A_713 = arith.addf %mul3A_710, %add3A_712 : vector<16xf32>
        %mul3A_714 = arith.mulf %mul3A_708, %add3A_713 : vector<16xf32>
        %mul3A_715 = arith.mulf %mul3A_702, %mul3A_714 : vector<16xf32>
        %mul3A_716 = arith.mulf %mul3A_715, %mul3A_714 : vector<16xf32>
        %add3A_717 = arith.constant 1.500000e+00 : f32
        %add3A_718 = vector.broadcast %add3A_717 : f32 to vector<16xf32>
        %add3A_719 = arith.addf %mul3A_716, %add3A_718 : vector<16xf32>
        %mul3A_720 = arith.mulf %mul3A_714, %add3A_719 : vector<16xf32>
        %mul3A_721 = arith.mulf %cond3A_405#6, %mul3A_720 : vector<16xf32>
        %jit3A_722 = arith.constant 0.000000e+00 : f32
        %broadcast_in_dim3A_723 = vector.broadcast %jit3A_722 : f32 to vector<16xf32>
        %select_n3A_724 = arith.select %lt3A_680, %mul3A_721, %broadcast_in_dim3A_723 : vector<16xi1>, vector<16xf32>
        %add3A_725 = arith.constant 48 : i32
        %add3A_726 = arith.addi %mul3A_414, %add3A_725 : i32
        %swap3A_727 = arith.index_cast %add3A_726 : i32 to index
        %swap3A_728 = tpu.vector_load %arg19[%swap3A_727] {strides = array<i32>} : memref<16384xf32, #tpu.memory_space<vmem>>, vector<16xf32>,
        tpu.vector_store %arg19[%swap3A_727], %select_n3A_724 {strides = array<i32>} : memref<16384xf32, #tpu.memory_space<vmem>>, vector<16xf32>,
        %jit3A_729 = arith.constant 1.000000e+00 : f32
        %jit3A_730 = arith.constant 0.000000e+00 : f32
        %broadcast_in_dim3A_731 = vector.broadcast %jit3A_729 : f32 to vector<16xf32>
        %broadcast_in_dim3A_732 = vector.broadcast %jit3A_730 : f32 to vector<16xf32>
        %select_n3A_733 = arith.select %lt3A_680, %broadcast_in_dim3A_731, %broadcast_in_dim3A_732 : vector<16xi1>, vector<16xf32>
        %add3A_734 = arith.constant 144 : i32
        %add3A_735 = arith.addi %mul3A_418, %add3A_734 : i32
        %broadcast_in_dim3A_736 = arith.constant 1 : i32
        %broadcast_in_dim3A_737 = vector.broadcast %broadcast_in_dim3A_736 : i32 to vector<16xi32>
        %mul3A_738 = vector.broadcast %add3A_735 : i32 to vector<16xi32>
        %mul3A_739 = arith.muli %broadcast_in_dim3A_737, %mul3A_738 : vector<16xi32>
        %add3A_740 = arith.addi %mul3A_739, %mul3A_23 : vector<16xi32>
        %gather3A_741 = tpu.vector_load_idx %arg12[%cond3A_405#7] : memref<1024xf32, #tpu.memory_space<vmem>>[vector<16xi32>], vector<16xf32>,
        %sub3A_742 = arith.subf %gather3A_741, %gather3A_410 : vector<16xf32>
        %mul3A_743 = arith.mulf %sub3A_742, %select_n3A_733 : vector<16xf32>
        tpu.vector_store_idx %arg20[%add3A_740], %mul3A_743 : memref<49152xf32, #tpu.memory_space<vmem>>[vector<16xi32>], vector<16xf32>,
        %gather3A_744 = tpu.vector_load_idx %arg13[%cond3A_405#7] : memref<1024xf32, #tpu.memory_space<vmem>>[vector<16xi32>], vector<16xf32>,
        %add3A_745 = arith.addi %add3A_740, %broadcast_in_dim3A_24 : vector<16xi32>
        %sub3A_746 = arith.subf %gather3A_744, %gather3A_411 : vector<16xf32>
        %mul3A_747 = arith.mulf %sub3A_746, %select_n3A_733 : vector<16xf32>
        tpu.vector_store_idx %arg20[%add3A_745], %mul3A_747 : memref<49152xf32, #tpu.memory_space<vmem>>[vector<16xi32>], vector<16xf32>,
        %gather3A_748 = tpu.vector_load_idx %arg14[%cond3A_405#7] : memref<1024xf32, #tpu.memory_space<vmem>>[vector<16xi32>], vector<16xf32>,
        %add3A_749 = arith.addi %add3A_740, %broadcast_in_dim3A_24 : vector<16xi32>
        %add3A_750 = arith.addi %add3A_749, %broadcast_in_dim3A_24 : vector<16xi32>
        %sub3A_751 = arith.subf %gather3A_748, %gather3A_412 : vector<16xf32>
        %mul3A_752 = arith.mulf %sub3A_751, %select_n3A_733 : vector<16xf32>
        tpu.vector_store_idx %arg20[%add3A_750], %mul3A_752 : memref<49152xf32, #tpu.memory_space<vmem>>[vector<16xi32>], vector<16xf32>,
      }
      %scan3A_100 = arith.constant 8 : i32
      %scan3A_101 = arith.constant 0 : i32
      scf.yield %scan3A_101 : i32
    }
    %scan3A_37 = arith.constant 16 : i32
    %dma_wait3A = arith.constant 8184 : i32
    %dma_wait3A_38 = arith.constant 0 : i32
    %dma_wait3A_39 = tpu.memref_slice %arg2[%dma_wait3A, %dma_wait3A_38] : memref<8192x1024xf32, #tpu.memory_space<hbm>> -> memref<8x1024xf32, #tpu.memory_space<hbm>>
    %dma_wait3A_40 = arith.constant 8184 : i32
    %dma_wait3A_41 = arith.constant 0 : i32
    %dma_wait3A_42 = tpu.memref_slice %arg2[%dma_wait3A_40, %dma_wait3A_41] : memref<8192x1024xf32, #tpu.memory_space<hbm>> -> memref<8x1024xf32, #tpu.memory_space<hbm>>
    tpu.wait_dma2 semaphore(%arg24 : memref<!tpu.dma_semaphore, #tpu.memory_space<semaphore_mem>>) src(%dma_wait3A_42 : memref<8x1024xf32, #tpu.memory_space<hbm>>) dst(%arg10 : memref<8x1024xf32, #tpu.memory_space<vmem>>)
    %mul3A_43 = arith.constant 64 : i32
    %mul3A_44 = arith.muli %mul3A_18, %mul3A_43 : i32
    "tpu.region"() ({
      %run_scoped3A = tpu.sem_alloc : memref<!tpu.dma_semaphore, #tpu.memory_space<semaphore_mem>>
      %dma_start3A_53 = tpu.memref_slice %arg6[%mul3A_44] : memref<524288xi32, #tpu.memory_space<hbm>> -> memref<16384xi32, #tpu.memory_space<hbm>>
      %dma_start3A_54 = tpu.memref_slice %arg6[%mul3A_44] : memref<524288xi32, #tpu.memory_space<hbm>> -> memref<16384xi32, #tpu.memory_space<hbm>>
      tpu.enqueue_dma source(%arg18 : memref<16384xi32, #tpu.memory_space<vmem>>) target(%dma_start3A_54 : memref<16384xi32, #tpu.memory_space<hbm>>) target_semaphore(%run_scoped3A : memref<!tpu.dma_semaphore, #tpu.memory_space<semaphore_mem>>)
      %dma_wait3A_55 = tpu.memref_slice %arg6[%mul3A_44] : memref<524288xi32, #tpu.memory_space<hbm>> -> memref<16384xi32, #tpu.memory_space<hbm>>
      %dma_wait3A_56 = tpu.memref_slice %arg6[%mul3A_44] : memref<524288xi32, #tpu.memory_space<hbm>> -> memref<16384xi32, #tpu.memory_space<hbm>>
      tpu.wait_dma2 semaphore(%run_scoped3A : memref<!tpu.dma_semaphore, #tpu.memory_space<semaphore_mem>>) src(%arg18 : memref<16384xi32, #tpu.memory_space<vmem>>) dst(%dma_wait3A_56 : memref<16384xi32, #tpu.memory_space<hbm>>)
      tpu.yield
    }) : () -> ()
    %mul3A_45 = arith.constant 64 : i32
    %mul3A_46 = arith.muli %mul3A_18, %mul3A_45 : i32
    "tpu.region"() ({
      %run_scoped3A = tpu.sem_alloc : memref<!tpu.dma_semaphore, #tpu.memory_space<semaphore_mem>>
      %dma_start3A_53 = tpu.memref_slice %arg7[%mul3A_46] : memref<524288xf32, #tpu.memory_space<hbm>> -> memref<16384xf32, #tpu.memory_space<hbm>>
      %dma_start3A_54 = tpu.memref_slice %arg7[%mul3A_46] : memref<524288xf32, #tpu.memory_space<hbm>> -> memref<16384xf32, #tpu.memory_space<hbm>>
      tpu.enqueue_dma source(%arg19 : memref<16384xf32, #tpu.memory_space<vmem>>) target(%dma_start3A_54 : memref<16384xf32, #tpu.memory_space<hbm>>) target_semaphore(%run_scoped3A : memref<!tpu.dma_semaphore, #tpu.memory_space<semaphore_mem>>)
      %dma_wait3A_55 = tpu.memref_slice %arg7[%mul3A_46] : memref<524288xf32, #tpu.memory_space<hbm>> -> memref<16384xf32, #tpu.memory_space<hbm>>
      %dma_wait3A_56 = tpu.memref_slice %arg7[%mul3A_46] : memref<524288xf32, #tpu.memory_space<hbm>> -> memref<16384xf32, #tpu.memory_space<hbm>>
      tpu.wait_dma2 semaphore(%run_scoped3A : memref<!tpu.dma_semaphore, #tpu.memory_space<semaphore_mem>>) src(%arg19 : memref<16384xf32, #tpu.memory_space<vmem>>) dst(%dma_wait3A_56 : memref<16384xf32, #tpu.memory_space<hbm>>)
      tpu.yield
    }) : () -> ()
    %mul3A_47 = arith.constant 64 : i32
    %mul3A_48 = arith.muli %mul3A_18, %mul3A_47 : i32
    %mul3A_49 = arith.constant 3 : i32
    %mul3A_50 = arith.muli %mul3A_48, %mul3A_49 : i32
    "tpu.region"() ({
      %run_scoped3A = tpu.sem_alloc : memref<!tpu.dma_semaphore, #tpu.memory_space<semaphore_mem>>
      %dma_start3A_53 = tpu.memref_slice %arg8[%mul3A_50] : memref<1572864xf32, #tpu.memory_space<hbm>> -> memref<49152xf32, #tpu.memory_space<hbm>>
      %dma_start3A_54 = tpu.memref_slice %arg8[%mul3A_50] : memref<1572864xf32, #tpu.memory_space<hbm>> -> memref<49152xf32, #tpu.memory_space<hbm>>
      tpu.enqueue_dma source(%arg20 : memref<49152xf32, #tpu.memory_space<vmem>>) target(%dma_start3A_54 : memref<49152xf32, #tpu.memory_space<hbm>>) target_semaphore(%run_scoped3A : memref<!tpu.dma_semaphore, #tpu.memory_space<semaphore_mem>>)
      %dma_wait3A_55 = tpu.memref_slice %arg8[%mul3A_50] : memref<1572864xf32, #tpu.memory_space<hbm>> -> memref<49152xf32, #tpu.memory_space<hbm>>
      %dma_wait3A_56 = tpu.memref_slice %arg8[%mul3A_50] : memref<1572864xf32, #tpu.memory_space<hbm>> -> memref<49152xf32, #tpu.memory_space<hbm>>
      tpu.wait_dma2 semaphore(%run_scoped3A : memref<!tpu.dma_semaphore, #tpu.memory_space<semaphore_mem>>) src(%arg20 : memref<49152xf32, #tpu.memory_space<vmem>>) dst(%dma_wait3A_56 : memref<49152xf32, #tpu.memory_space<hbm>>)
      tpu.yield
    }) : () -> ()
    %mul3A_51 = arith.constant 64 : i32
    %mul3A_52 = arith.muli %mul3A_18, %mul3A_51 : i32
    "tpu.region"() ({
      %run_scoped3A = tpu.sem_alloc : memref<!tpu.dma_semaphore, #tpu.memory_space<semaphore_mem>>
      %dma_start3A_53 = tpu.memref_slice %arg9[%mul3A_52] : memref<524288xi32, #tpu.memory_space<hbm>> -> memref<16384xi32, #tpu.memory_space<hbm>>
      %dma_start3A_54 = tpu.memref_slice %arg9[%mul3A_52] : memref<524288xi32, #tpu.memory_space<hbm>> -> memref<16384xi32, #tpu.memory_space<hbm>>
      tpu.enqueue_dma source(%arg21 : memref<16384xi32, #tpu.memory_space<vmem>>) target(%dma_start3A_54 : memref<16384xi32, #tpu.memory_space<hbm>>) target_semaphore(%run_scoped3A : memref<!tpu.dma_semaphore, #tpu.memory_space<semaphore_mem>>)
      %dma_wait3A_55 = tpu.memref_slice %arg9[%mul3A_52] : memref<524288xi32, #tpu.memory_space<hbm>> -> memref<16384xi32, #tpu.memory_space<hbm>>
      %dma_wait3A_56 = tpu.memref_slice %arg9[%mul3A_52] : memref<524288xi32, #tpu.memory_space<hbm>> -> memref<16384xi32, #tpu.memory_space<hbm>>
      tpu.wait_dma2 semaphore(%run_scoped3A : memref<!tpu.dma_semaphore, #tpu.memory_space<semaphore_mem>>) src(%arg21 : memref<16384xi32, #tpu.memory_space<vmem>>) dst(%dma_wait3A_56 : memref<16384xi32, #tpu.memory_space<hbm>>)
      tpu.yield
    }) : () -> ()
    return
  }
}

module attributes {stable_mosaic.version = 14 : i64} {
  func.func @body(%arg0: i32, %arg1: memref<1x1024x3xf32, #tpu.memory_space<vmem>>, %arg2: memref<1x3x1024xf32, #tpu.memory_space<vmem>>, %arg3: memref<1x1024x1xf32, #tpu.memory_space<vmem>>, %arg4: memref<1x1x1024xf32, #tpu.memory_space<vmem>>, %arg5: memref<1024x1024xf32, #tpu.memory_space<vmem>>) attributes {dimension_semantics = [#tpu.dimension_semantics<arbitrary>], iteration_bounds = array<i64: 8>, scalar_prefetch = 0 : i64, scratch_operands = 0 : i64, tpu.core_type = #tpu.core_type<tc>, window_params = [{transform_indices = @transform_0, window_bounds = array<i64: 1, 1024, 3>}, {transform_indices = @transform_1, window_bounds = array<i64: 1, 3, 1024>}, {transform_indices = @transform_2, window_bounds = array<i64: 1, 1024, 1>}, {transform_indices = @transform_3, window_bounds = array<i64: 1, 1, 1024>}, {transform_indices = @transform_4, window_bounds = array<i64: 1024, 1024>}]} {
    %get3A = arith.constant 0 : index
    %get3A_0 = arith.constant 0 : index
    %get3A_1 = arith.constant 0 : index
    %get3A_2 = vector.load %arg1[%get3A, %get3A_0, %get3A_1] : memref<1x1024x3xf32, #tpu.memory_space<vmem>>, vector<1x1024x3xf32>
    %get3A_3 = vector.shape_cast %get3A_2 : vector<1x1024x3xf32> to vector<1024x3xf32>
    %get3A_4 = arith.constant 0 : index
    %get3A_5 = arith.constant 0 : index
    %get3A_6 = arith.constant 0 : index
    %get3A_7 = vector.load %arg2[%get3A_4, %get3A_5, %get3A_6] : memref<1x3x1024xf32, #tpu.memory_space<vmem>>, vector<1x3x1024xf32>
    %get3A_8 = vector.shape_cast %get3A_7 : vector<1x3x1024xf32> to vector<3x1024xf32>
    %dot_general3A = arith.constant dense<0.000000e+00> : vector<1024x1024xf32>
    %dot_general3A_9 = tpu.matmul %get3A_3, %get3A_8, %dot_general3A {dimension_numbers = #tpu.dot_dimension_numbers<[1], [0], [0], [1], [0, 0, 1, 1], [], []>, transpose_lhs_hint = false} : vector<1024x3xf32>, vector<3x1024xf32>, vector<1024x1024xf32> -> vector<1024x1024xf32>
    %get3A_10 = arith.constant 0 : index
    %get3A_11 = arith.constant 0 : index
    %get3A_12 = arith.constant 0 : index
    %get3A_13 = vector.load %arg3[%get3A_10, %get3A_11, %get3A_12] : memref<1x1024x1xf32, #tpu.memory_space<vmem>>, vector<1x1024x1xf32>
    %get3A_14 = vector.shape_cast %get3A_13 : vector<1x1024x1xf32> to vector<1024x1xf32>
    %get3A_15 = arith.constant 0 : index
    %get3A_16 = arith.constant 0 : index
    %get3A_17 = arith.constant 0 : index
    %get3A_18 = vector.load %arg4[%get3A_15, %get3A_16, %get3A_17] : memref<1x1x1024xf32, #tpu.memory_space<vmem>>, vector<1x1x1024xf32>
    %get3A_19 = vector.shape_cast %get3A_18 : vector<1x1x1024xf32> to vector<1x1024xf32>
    %add3A = vector.broadcast %get3A_14 : vector<1024x1xf32> to vector<1024x1024xf32>
    %add3A_20 = vector.broadcast %get3A_19 : vector<1x1024xf32> to vector<1024x1024xf32>
    %add3A_21 = arith.addf %add3A, %add3A_20 : vector<1024x1024xf32>
    %mul3A = arith.constant 2.000000e+00 : f32
    %mul3A_22 = vector.broadcast %mul3A : f32 to vector<1024x1024xf32>
    %mul3A_23 = arith.mulf %mul3A_22, %dot_general3A_9 : vector<1024x1024xf32>
    %sub3A = arith.subf %add3A_21, %mul3A_23 : vector<1024x1024xf32>
    %max3A = arith.constant 0.000000e+00 : f32
    %max3A_24 = vector.broadcast %max3A : f32 to vector<1024x1024xf32>
    %max3A_25 = arith.maximumf %sub3A, %max3A_24 : vector<1024x1024xf32>
    %iota3A = tpu.iota {dimensions = array<i32: 0>} : vector<1024x1024xi32>
    %iota3A_26 = tpu.iota {dimensions = array<i32: 1>} : vector<1024x1024xi32>
    %eq3A = arith.cmpi eq, %iota3A, %iota3A_26 : vector<1024x1024xi32>
    %jit3A = arith.constant 1.000000e+10 : f32
    %jit3A_27 = arith.constant 0.000000e+00 : f32
    %broadcast_in_dim3A = vector.broadcast %jit3A : f32 to vector<1024x1024xf32>
    %broadcast_in_dim3A_28 = vector.broadcast %jit3A_27 : f32 to vector<1024x1024xf32>
    %select_n3A = arith.select %eq3A, %broadcast_in_dim3A, %broadcast_in_dim3A_28 : vector<1024x1024xi1>, vector<1024x1024xf32>
    %add3A_29 = arith.addf %max3A_25, %select_n3A : vector<1024x1024xf32>
    %swap3A = arith.constant 0 : index
    %swap3A_30 = arith.constant 0 : index
    %swap3A_31 = vector.load %arg5[%swap3A, %swap3A_30] : memref<1024x1024xf32, #tpu.memory_space<vmem>>, vector<1024x1024xf32>
    tpu.vector_store %arg5[%swap3A, %swap3A_30], %add3A_29 {strides = array<i32>} : memref<1024x1024xf32, #tpu.memory_space<vmem>>, vector<1024x1024xf32>,
    return
  }
  func.func @transform_0(%arg0: i32) -> (i32, i32, i32) {
    %c0_i32 = arith.constant 0 : i32
    %c0_i32_0 = arith.constant 0 : i32
    %c0_i32_1 = arith.constant 0 : i32
    return %arg0, %c0_i32, %c0_i32_0 : i32, i32, i32
  }
  func.func @transform_1(%arg0: i32) -> (i32, i32, i32) {
    %c0_i32 = arith.constant 0 : i32
    %c0_i32_0 = arith.constant 0 : i32
    %c0_i32_1 = arith.constant 0 : i32
    return %arg0, %c0_i32, %c0_i32_0 : i32, i32, i32
  }
  func.func @transform_2(%arg0: i32) -> (i32, i32, i32) {
    %c0_i32 = arith.constant 0 : i32
    %c0_i32_0 = arith.constant 0 : i32
    %c0_i32_1 = arith.constant 0 : i32
    return %arg0, %c0_i32, %c0_i32_0 : i32, i32, i32
  }
  func.func @transform_3(%arg0: i32) -> (i32, i32, i32) {
    %c0_i32 = arith.constant 0 : i32
    %c0_i32_0 = arith.constant 0 : i32
    %c0_i32_1 = arith.constant 0 : i32
    return %arg0, %c0_i32, %c0_i32_0 : i32, i32, i32
  }
  func.func @transform_4(%arg0: i32) -> (i32, i32) {
    %c0_i32 = arith.constant 0 : i32
    %c0_i32_0 = arith.constant 0 : i32
    return %arg0, %c0_i32 : i32, i32
  }
}

</mosaic_0001>

<sc_bundles>
// kernel: kernel.4.cloned.1.call-start
scs
__scs_entry_jumppad:
0x0: {  	(pc) =	sbr.rel $0x88, $3  }
0x1: {  	(tag) =	ssettag $0x0;
	lr =	simm.s32 $0x1  }
0x2: {  	[smem:$0x3FA0] =	sst lr;
	_ =	strace $0xD0000000  }
0x3: {  	_ = 	snop  }
0x4: {  	_ = 	snop  }
0x5: {  	_ = 	snop  }
0x6: {  	_ = 	snop  }
0x7: {  	_ = 	snop  }
__scs_overlays_trampoline_lowered:
0x8: {  	[smem:$0x3FAF] =	sst s0  }
0x9: {  	[smem:$0x3FB0] =	sst s1  }
0xa: {  	[smem:$0x3FB1] =	sst s2  }
0xb: {  	[smem:$0x3FB2] =	sst s3  }
0xc: {  	[smem:$0x3FB3] =	sst s4  }
0xd: {  	[smem:$0x3FB4] =	sst s5  }
0xe: {  	[smem:$0x3FB5] =	sst s6  }
0xf: {  	[smem:$0x3FB6] =	sst s7  }
0x10: {  	[smem:$0x3FB7] =	sst s8  }
0x11: {  	[smem:$0x3FB8] =	sst s9;
	s0 =	simm.s32 @!p0 $0x0  }
0x12: {  	s1 =	sld [smem:$0x3F9E];
	s0 =	simm.s32 @p0 $0x1  }
0x13: {  	[smem:$0x3FB9] =	sst s0;
	s0 =	simm.s32 @!p1 $0x0  }
0x14: {  	s2 =	sld [smem:$0x3F9D];
	s0 =	simm.s32 @p1 $0x1  }
0x15: {  	[smem:$0x3FBA] =	sst s0;
	s0 =	simm.s32 @!p2 $0x0  }
0x16: {  	s3 =	sld [smem:$0x3FDB];
	s0 =	simm.s32 @p2 $0x1  }
0x17: {  	s4 =	simm.s32 $0x1BF5;
	[smem:$0x3FBC] =	sst s0  }
0x18: {  	s0 =	sld [smem:$0x3F9F];
	_ =	swait.ge [sflag:s4], $0x0  }
0x19: {  	s7 =	sld [smem:$0x3FA0]  }
0x1a: {  	s8 =	sadd.s32 $0xFFFFE003, lr  }
0x1b: {  	s9 =	sadd.s32 $0xFFFFFEF7, lr;
	s5 =	simm.s32 $0xFFFFFFFF;
	p2 =	slt.u32 s8, $0xFFFFF086  }
0x1c: {  	p1 =	slt.u32 s9, $0xF7A;
	s5 =	simm.s32 @!p2 $0x0  }
0x1d: {  	s5 =	simm.s32 @p1 $0x1;
	p0 =	seq.s32 s7, s2  }
0x1e: {  	s7 =	smul.u32 @!p0 $0xF7A, s2;
	p2 =	seq.s32 @!p0 s5, $0x0  }
0x1f: {  	s9 =	smul.u32 $0xF7A, s1;
	s8 =	simm.s32 @!p0 $0x1BF5;
	p2 =	por !p2, p0  }
0x20: {  	[sflag:s8] =	ssyncset.s32 @!p0 $0xFFFFF086;
	s6 =	sadd.s32 @!p0 s3, s7;
	s7 =	simm.s32 @!p0 $0x108  }
0x21: {  	s3 =	sadd.s32 s3, s9;
	s6 =	sadd.s32 @!p0 $0x88, s6;
	s7 =	simm.s32 @p2 $0x1082  }
0x22: {  	[simem:s7], [sflag:s8] =	dma.local @!p0 [hbm:s6], $0xF7A  }
0x23: {  	s9 =	sor.u32 $0xD0000000, s2;
	s6 =	simm.s32 $0x108;
	_ =	swait.ge @!p0 [sflag:s8], $0x0  }
0x24: {  	s3 =	sadd.s32 $0x88, s3;
	s6 =	simm.s32 @!p1 $0x1082;
	[sflag:s4] =	ssyncset.s32 $0xFFFFF086  }
0x25: {  	[simem:s6], [sflag:s4] =	dma.local [hbm:s3], $0xF7A  }
0x26: {  	[smem:$0x3FA0] =	sst s1;
	(tag) =	ssettag s2;
	_ =	strace s9  }
0x27: {  	s1 =	sld [smem:$0x3FB0]  }
0x28: {  	s2 =	sld [smem:$0x3FB1]  }
0x29: {  	s4 =	sld [smem:$0x3FB3]  }
0x2a: {  	p0 =	seq.s32 s5, $0x0;
	s5 =	sld [smem:$0x3FB4]  }
0x2b: {  	s6 =	sld [smem:$0x3FB5]  }
0x2c: {  	s7 =	sld [smem:$0x3FB6]  }
0x2d: {  	s3 =	simm.s32 $0x108;
	s8 =	sld [smem:$0x3FB7]  }
0x2e: {  	s3 =	simm.s32 @!p0 $0x1082;
	s9 =	sld [smem:$0x3FB8]  }
0x2f: {  	lr =	sadd.s32 s0, s3;
	s0 =	sld [smem:$0x3FAF]  }
0x30: {  	s3 =	sld [smem:$0x3FB2]  }
0x31: {  	[smem:$0x3FBB] =	sst s10  }
0x32: {  	s10 =	sld [smem:$0x3FB9];
	_ =	sdelay $0x3  }
0x33: {  	p0 =	seq.s32 s10, $0x1;
	s10 =	sld [smem:$0x3FBB];
	_ =	sdelay $0x3  }
0x34: {  	[smem:$0x3FBB] =	sst s10  }
0x35: {  	s10 =	sld [smem:$0x3FBA];
	_ =	sdelay $0x3  }
0x36: {  	p1 =	seq.s32 s10, $0x1;
	s10 =	sld [smem:$0x3FBB];
	_ =	sdelay $0x3  }
0x37: {  	[smem:$0x3FBB] =	sst s10  }
0x38: {  	s10 =	sld [smem:$0x3FBC]  }
0x39: {  	_ = 	snop;
	(pc) =	sbr.ind lr, $3  }
0x3a: {  	_ = 	snop  }
0x3b: {  	_ = 	snop  }
0x3c: {  	p2 =	seq.s32 s10, $0x1;
	s10 =	sld [smem:$0x3FBB]  }
0x3d: {  	_ =	shalt  }
0x3e: {  	_ =	shalt  }
0x3f: {  	_ =	shalt  }
0x40: {  	_ =	shalt  }
0x41: {  	_ =	shalt  }
0x42: {  	_ =	shalt  }
0x43: {  	_ =	shalt  }
0x44: {  	_ =	shalt  }
0x45: {  	_ =	shalt  }
0x46: {  	_ =	shalt  }
0x47: {  	_ =	shalt  }
0x48: {  	_ =	shalt  }
0x49: {  	_ =	shalt  }
0x4a: {  	_ =	shalt  }
0x4b: {  	_ =	shalt  }
0x4c: {  	_ =	shalt  }
0x4d: {  	_ =	shalt  }
0x4e: {  	_ =	shalt  }
0x4f: {  	_ =	shalt  }
0x50: {  	_ =	shalt  }
0x51: {  	_ =	shalt  }
0x52: {  	_ =	shalt  }
0x53: {  	_ =	shalt  }
0x54: {  	_ =	shalt  }
0x55: {  	_ =	shalt  }
0x56: {  	_ =	shalt  }
0x57: {  	_ =	shalt  }
0x58: {  	_ =	shalt  }
0x59: {  	_ =	shalt  }
0x5a: {  	_ =	shalt  }
0x5b: {  	_ =	shalt  }
0x5c: {  	_ =	shalt  }
0x5d: {  	_ =	shalt  }
0x5e: {  	_ =	shalt  }
0x5f: {  	_ =	shalt  }
0x60: {  	_ =	shalt  }
0x61: {  	_ =	shalt  }
0x62: {  	_ =	shalt  }
0x63: {  	_ =	shalt  }
0x64: {  	_ =	shalt  }
0x65: {  	_ =	shalt  }
0x66: {  	_ =	shalt  }
0x67: {  	_ =	shalt  }
0x68: {  	_ =	shalt  }
0x69: {  	_ =	shalt  }
0x6a: {  	_ =	shalt  }
0x6b: {  	_ =	shalt  }
0x6c: {  	_ =	shalt  }
0x6d: {  	_ =	shalt  }
0x6e: {  	_ =	shalt  }
0x6f: {  	_ =	shalt  }
0x70: {  	_ =	shalt  }
0x71: {  	_ =	shalt  }
0x72: {  	_ =	shalt  }
0x73: {  	_ =	shalt  }
0x74: {  	_ =	shalt  }
0x75: {  	_ =	shalt  }
0x76: {  	_ =	shalt  }
0x77: {  	_ =	shalt  }
0x78: {  	_ =	shalt  }
0x79: {  	_ =	shalt  }
0x7a: {  	_ =	shalt  }
0x7b: {  	_ =	shalt  }
0x7c: {  	_ =	shalt  }
0x7d: {  	_ =	shalt  }
0x7e: {  	_ =	shalt  }
0x7f: {  	_ =	shalt  }
0x80: {  	_ =	shalt  }
0x81: {  	_ =	shalt  }
0x82: {  	_ =	shalt  }
0x83: {  	_ =	shalt  }
0x84: {  	_ =	shalt  }
0x85: {  	_ =	shalt  }
0x86: {  	_ =	shalt  }
0x87: {  	_ =	shalt  }
.Lfunc_end0:
.L_simem_size_0:
called_computation_lowered:
.L_overlay_start_0:
0x88: {  	s2 =	sld [smem:$0x3FD9]  }
0x89: {  	s3 =	sld [smem:$0x3FFE];
	_ =	sdelay $0x1  }
0x8a: {  	s1 =	srdreg.scid  }
0x8b: {  	s0 =	sand.u32 $0x1, s1  }
0x8c: {  	s14 =	sshll.u32 s0, $0xA;
	s2 =	sadd.s32 s3, s2  }
0x8d: {  	s2 =	sadd.s32 s2, s14  }
0x8e: {  	[smem:$0x3FC7] =	sst s2  }
0x8f: {  	_ = 	snop  }
0x90: {  	s2 =	sld [smem:$0x3FD0];
	_ =	sdelay $0x2  }
0x91: {  	s15 =	simm.s32 $0xA;
	s4 =	simm.s32 $0x10  }
0x92: {  	[smem:s4], [sflag:s15] =	dma.local [hbm:s2], $0x1  }
0x93: {  	_ =	swait.eq [sflag:s15], $0x1  }
0x94: {  	s16 =	sld [smem:$0x11]  }
0x95: {  	s17 =	sld [smem:$0x12];
	[sflag:s15] =	ssyncset.done $0x0  }
0x96: {  	s5 =	sld [smem:$0x13];
	[sflag:s15] =	ssyncadd.s32 $0xFFFFFFFF  }
0x97: {  	s18 =	sld [smem:$0x14];
	(tm) =	ssettm $0x1  }
0x98: {  	s6 =	sld [smem:$0x3FFB];
	_ =	sdelay $0x3  }
0x99: {  	_ =	strace s6  }
0x9a: {  	s6 =	sld [smem:$0x3FFC];
	_ =	sdelay $0x3  }
0x9b: {  	_ =	strace s6  }
0x9c: {  	s6 =	sld [smem:$0x3FFD];
	_ =	sdelay $0x3  }
0x9d: {  	_ =	strace s6  }
0x9e: {  	_ =	strace $0x8FFFFFFF  }
0x9f: {  	s19 =	sld [smem:$0x3FDB];
	_ =	sdelay $0x1  }
0xa0: {  	s7 =	simm.s32 $_scs_section_size  }
0xa1: {  	s8 =	simm.s32 $_size__tile_overlayer_lowered;
	s9 =	simm.s32 $_tile_overlayer_lowered  }
0xa2: {  	s22 =	simm.s32 $0x1BFF;
	s21 =	sshll.u32 s9, $0x1;
	s6 =	sadd.s32 s7, s19  }
0xa3: {  	s10 =	simm.s32 $0x0;
	s20 =	sshll.u32 s8, $0x1;
	s8 =	sadd.s32 s21, s6  }
0xa4: {  	[timem:s10], [sflag:s22] =	dma.local [hbm:s8], s20  }
0xa5: {  	_ =	swait.ge [sflag:s22], s20  }
0xa6: {  	s7 =	ssub.s32 $0x0, s20;
	[sflag:s22] =	ssyncset.done $0x0  }
0xa7: {  	[sflag:s22] =	ssyncadd.s32 s7;
	_ =	sdelay $0x1  }
0xa8: {  	s23 =	simm.s32 $0x1B8B  }
0xa9: {  	_ =	swait.ge [sflag:s23], $0x1  }
0xaa: {  	[sflag:s23] =	ssyncset.done $0x0  }
0xab: {  	s25 =	simm.s32 $0x1B8E;
	s24 =	sld [smem:$0x3FFE];
	[sflag:s23] =	ssyncadd.s32 $0xFFFFFFFF  }
0xac: {  	s26 =	simm.s32 $execute0_lowered;
	[smem:$0x3FD2] =	sst s25  }
0xad: {  	s8 =	sshll.u32 s26, $0x1;
	_ =	strace $0x80000046;
	[dreg:$0x1] =	wrdreg $0xFFFFFFFF  }
0xae: {  	s28 =	simm.s32 $_size_execute0_lowered;
	s6 =	sadd.s32 s6, s8;
	[dreg:$0x0] =	wrdreg $0x0  }
0xaf: {  	s8 =	sshll.u32 s28, $0x1;
	[dreg:$0x2] =	wrdreg s6  }
0xb0: {  	[dreg:$0x3] =	wrdreg s8  }
0xb1: {  	[dreg:$0x4] =	wrdreg $0xC0  }
0xb2: {  	_ =	task [dreg:s10], $0x5FFFF  }
0xb3: {  	[dreg:$0x1] =	wrdreg $0xFFFFFFFF  }
0xb4: {  	[dreg:$0x0] =	wrdreg $0x60  }
0xb5: {  	[dreg:$0x2] =	wrdreg s24  }
0xb6: {  	[dreg:$0x3] =	wrdreg s18  }
0xb7: {  	[dreg:$0x4] =	wrdreg s16  }
0xb8: {  	[dreg:$0x5] =	wrdreg s5  }
0xb9: {  	[dreg:$0x6] =	wrdreg s17  }
0xba: {  	[dreg:$0x7] =	wrdreg $0x9  }
0xbb: {  	_ =	task.clear_ibuf [dreg:s10], $0x8FFFF;
	_ =	strace $0x90000046  }
0xbc: {  	s29 =	simm.s32 $0x9;
	_ =	strace $0x80000048  }
0xbd: {  	_ =	swait.ge [sflag:s29], $0x1  }
0xbe: {  	[sflag:s29] =	ssyncadd.s32 $0xFFFFFFFF  }
0xbf: {  	_ =	strace $0x90000048  }
0xc0: {  	_ =	sfence  }
0xc1: {  	s30 =	sld [smem:$0x0];
	_ =	sdelay $0x2  }
0xc2: {  	s31 =	sshll.u32 s1, $0xD;
	s1 =	sshrl.u32 s1, $0x2  }
0xc3: {  	s3 =	sand.u32 $0x4000, s31;
	s1 =	sadd.s32 s1, s30  }
0xc4: {  	s0 =	sor.u32 s3, s0;
	s1 =	sshll.u32 s1, $0x11  }
0xc5: {  	s0 =	sor.u32 s1, s0  }
0xc6: {  	s0 =	sadd.s32 $0x8F2B, s0  }
0xc7: {  	[sflag:s0] =	ssyncadd.remote.s32 $0x1  }
0xc8: {  	_ =	sfence.sel $0xFFFF  }
0xc9: {  	[dreg:$0x0] =	wrdreg $0xFFFFFFFF;
	(pc) =	sbr.abs _section_cstart, $3  }
0xca: {  	[dreg:$0x1] =	wrdreg $0xFFFFFFFF  }
0xcb: {  	_ =	task.clear_ibuf [dreg:s10], $0x2FFFF;
	_ =	strace $0x9FFFFFFF  }
0xcc: {  	(tm) =	ssettm $0x7FFFFFFF  }
0xcd: {  	_ =	shalt  }
tec
execute0_lowered:
.L_overlay_start_1:
0x0: {  	(tag) =	ssettag $0x1  }
0x1: {  	s0 =	rddreg [dreg:$0x0]  }
0x2: {  	s1 =	rddreg [dreg:$0x1]  }
0x3: {  	s6 =	rddreg [dreg:$0x2]  }
0x4: {  	s7 =	rddreg [dreg:$0x3]  }
0x5: {  	s8 =	rddreg [dreg:$0x4];
	s2 =	simm.s32 $0x0;
	s9 =	stileid.u32  }
0x6: {  	s5 =	srdreg.scid;
	s15 =	simm.s32 $0x4400;
	s16 =	simm.s32 $0x4800  }
0x7: {  	s17 =	simm.s32 $0x2000;
	s18 =	simm.s32 $0x5500;
	s21 =	simm.s32 $0x3  }
0x8: {  	s22 =	simm.s32 $0x1;
	s31 =	simm.s32 $0x0;
	s30 =	simm.s32 $0x0  }
0x9: {  	[smem:$0x7FF] =	sst s2;
	s3 =	sadd.s32 $0x1400, s0;
	s4 =	sshll.u32 s9, $0x9  }
0xa: {  	s5 =	sand.u32 $0x1, s5;
	s9 =	sshll.u32 s9, $0x1;
	_ =	strace $0x80000047  }
0xb: {  	s4 =	sand.u32 $0x1C00, s4;
	s9 =	sor.u32 s5, s9;
	s5 =	ssub.s32 $0x2, s5  }
0xc: {  	v0 =	vimm.s32 $0xEDCBA987;
	s10 =	sshrl.u32 s4, $0x3;
	s12 =	sshll.u32 s9, $0xB;
	s13 =	sshrl.u32 s5, $0x1  }
0xd: {  	v1 =	vimm.s32 $0x65432100;
	vm0 =	vcmask $0x3F04;
	s23 =	sshll.u32 s9, $0xF;
	s28 =	smul.u32 $0x1800, s9;
	s11 =	sadd.s32 s10, s0  }
0xe: {  	v13 =	vimm.s32 $0x7FFFFFFF;
	vm1 =	vcmask $0x300;
	v18 =	vimm.f32 $0.0e+00;
	s0 =	sadd.s32 s12, s0;
	s13 =	ssub.s32 s5, s13;
	s1 =	sadd.s32 s1, s10  }
0xf: {  	v2 =	vunpack.c.l.s4.s8 v0;
	v3 =	vunpack.c.l.s4.s8 v1;
	v0 =	vlaneseq.u32;
	s5 =	sshll.u32 s9, $0x8;
	s24 =	sadd.s32 s3, s23;
	[dreg:$0x8] =	wrdreg s1  }
0x10: {  	v13 =	vsel vm1, $0x80000000, v13;
	v8 =	vadd.s32 $0x1F, v0;
	v9 =	vor.u32 $0x80000030, v0;
	s25 =	sadd.s32 s6, s12;
	s26 =	sadd.s32 s7, s12;
	[dreg:$0x9] =	wrdreg s24  }
0x11: {  	v5 =	vmul.u32 $0xFFFFFFFF, v0;
	v10 =	vor.u32 $0x80000020, v0;
	v11 =	vor.u32 $0x80000010, v0;
	s23 =	simm.s32 $0x1D700;
	s14 =	sadd.s32 $0xC00, s11;
	[dreg:$0xa] =	wrdreg s25  }
.Ltmp0:
0x12: {  	v12 =	vadd.s32 $0x2F, v0;
	v14 =	vor.u32 $0x80000000, v0;
	v15 =	vor.u32 $0x10, v0;
	s11 =	sadd.s32 $0x1000, s11;
	[dreg:$0xb] =	wrdreg s26;
	(pc) =	sbr.rel .LBB2_1-.Ltmp0, $4  }
0x13: {  	v16 =	vor.u32 $0x20, v0;
	v17 =	vor.u32 $0x30, v0;
	v4 =	vunpack.c.0.s8.s32 v2;
	s10 =	sor.u32 $0x10, s5;
	s0 =	sadd.s32 $0x101400, s0;
	[dreg:$0x6] =	wrdreg s14  }
0x14: {  	v1 =	vmov s4;
	v6 =	vunpack.c.0.s8.s32 v3;
	v2 =	vimm.s32 $0x0;
	s29 =	sadd.s32 s8, s28;
	s20 =	smax.u32 s13, $0x1;
	[dreg:$0x7] =	wrdreg s11  }
0x15: {  	v3 =	vmul.u32 $0x20, v0;
	v5 =	vadd.s32 $0xF, v5;
	v7 =	vand.u32 $0xF, v4;
	s24 =	simm.s32 $0x1D780;
	s25 =	simm.s32 $0xD700;
	[dreg:$0xc] =	wrdreg s0  }
0x16: {  	v4 =	vadd.s32 $0x1, v0;
	s26 =	simm.s32 $0x2;
	s14 =	simm.s32 $0x4000;
	v6 =	vcombine.low v6, v7;
	v7 =	vadd.s32 $0xF, v0;
	[dreg:$0xd] =	wrdreg s29  }
.LBB2_63:
0x17: {  	_ =	swait.ge [sflag:s22], $0x2000  }
0x18: {  	[sflag:s22] =	ssyncset.done $0x0  }
0x19: {  	s1 =	simm.s32 $0x5700;
	s0 =	rddreg [dreg:$0xa];
	[sflag:s22] =	ssyncadd.s32 $0xFFFFE000  }
0x1a: {  	[hbm4b:s0+s2] =	stream.linear.scatter [tilespmem:s1], [sflag:$0x3], $0x4000, $0x38;
	[tilespmem:$0x1D800] =	vst v63  }
0x1b: {  	_ =	swait.ge [sflag:s21], $0x4000  }
0x1c: {  	[sflag:s21] =	ssyncset.done $0x0  }
0x1d: {  	s13 =	simm.s32 $0x9700;
	s12 =	rddreg [dreg:$0xb];
	[sflag:s21] =	ssyncadd.s32 $0xFFFFC000  }
0x1e: {  	[hbm4b:s12+s2] =	stream.linear.scatter [tilespmem:s13], [sflag:$0x3], $0x4000, $0x38;
	[tilespmem:$0x1D800] =	vst v63  }
0x1f: {  	_ =	swait.ge [sflag:s21], $0x4000  }
0x20: {  	[sflag:s21] =	ssyncset.done $0x0  }
0x21: {  	s19 =	rddreg [dreg:$0xd];
	[sflag:s21] =	ssyncadd.s32 $0xFFFFC000  }
0x22: {  	[hbm4b:s19+s2] =	stream.linear.scatter [tilespmem:s25], [sflag:$0x3], $0xC000, $0x38;
	[tilespmem:$0x1D800] =	vst v63  }
0x23: {  	s31 =	sadd.s32 $0x1, s31;
	_ =	swait.ge [sflag:s21], $0xC000  }
0x24: {  	s29 =	simm.s32 $0x19700;
	p0 =	sne.s32 s31, s20;
	[sflag:s21] =	ssyncset.done $0x0  }
.Ltmp1:
0x25: {  	s28 =	rddreg [dreg:$0xc];
	[sflag:s21] =	ssyncadd.s32 $0xFFFF4000;
	(pc) =	sbr.rel @!p0 .LBB2_64-.Ltmp1, $4  }
0x26: {  	[hbm4b:s28+s2] =	stream.linear.scatter [tilespmem:s29], [sflag:$0x3], $0x4000, $0x38;
	[tilespmem:$0x1D800] =	vst v63  }
0x27: {  	_ =	swait.ge [sflag:s21], $0x4000  }
0x28: {  	[sflag:s21] =	ssyncset.done $0x0  }
0x29: {  	[sflag:s21] =	ssyncadd.s32 $0xFFFFC000  }
.LBB2_1:
0x2a: {  	s0 =	rddreg [dreg:$0x6]  }
0x2b: {  	[tilespmem:s14], [sflag:$0x3] =	stream.linear.gather [hbm4b:s0+s2], $0x400, $0x38;
	[tilespmem:$0x1D800] =	vst v63  }
0x2c: {  	_ =	swait.ge [sflag:s21], $0x400  }
0x2d: {  	[sflag:s21] =	ssyncset.done $0x0  }
0x2e: {  	s19 =	rddreg [dreg:$0x7];
	[sflag:s21] =	ssyncadd.s32 $0xFFFFFC00  }
0x2f: {  	[tilespmem:s15], [sflag:$0x3] =	stream.linear.gather [hbm4b:s19+s2], $0x400, $0x38;
	[tilespmem:$0x1D800] =	vst v63  }
0x30: {  	_ =	swait.ge [sflag:s21], $0x400  }
0x31: {  	[sflag:s21] =	ssyncset.done $0x0  }
0x32: {  	s28 =	rddreg [dreg:$0x8];
	[sflag:s21] =	ssyncadd.s32 $0xFFFFFC00  }
0x33: {  	[tilespmem:s16], [sflag:$0x3] =	stream.linear.gather [hbm4b:s28+s2], $0x400, $0x38;
	[tilespmem:$0x1D800] =	vst v63  }
.Ltmp2:
0x34: {  	_ = 	snop;
	(pc) =	sbr.rel .LBB2_2-.Ltmp2, $4  }
0x35: {  	_ =	swait.ge [sflag:s21], $0x400  }
0x36: {  	[sflag:s21] =	ssyncset.done $0x0  }
0x37: {  	s0 =	simm.s32 $0x0;
	s29 =	rddreg [dreg:$0x9];
	[sflag:s21] =	ssyncadd.s32 $0xFFFFFC00  }
0x38: {  	[tilespmem:s2], [sflag:$0x1] =	stream.linear.gather [hbm4b:s29+s2], $0x2000, $0x38;
	[tilespmem:$0x1D800] =	vst v63  }
.LBB2_62:
0x39: {  	s0 =	sadd.s32 $0x1, s0  }
0x3a: {  	p0 =	sne.s32 s0, $0x10  }
.Ltmp3:
0x3b: {  	_ = 	snop;
	(pc) =	sbr.rel @!p0 .LBB2_63-.Ltmp3, $1  }
0x3c: {  	_ =	sdelay $0x3  }
.LBB2_2:
0x3d: {  	s28 =	sshll.u32 s0, $0x4  }
0x3e: {  	s29 =	sor.u32 s5, s28  }
.Ltmp4:
0x3f: {  	_ =	swait.ge [sflag:s22], $0x2000;
	s1 =	sor.u32 $0x8, s29;
	(pc) =	sbr.rel .LBB2_3-.Ltmp4, $4  }
0x40: {  	[sflag:s22] =	ssyncset.done $0x0;
	s6 =	sshll.u32 s1, $0x7  }
0x41: {  	[sflag:s22] =	ssyncadd.s32 $0xFFFFE000;
	s6 =	sadd.s32 s3, s6  }
0x42: {  	[tilespmem:s17], [sflag:$0x2] =	stream.linear.gather [hbm4b:s6+s30], $0x2000, $0x38;
	[tilespmem:$0x1D800] =	vst v63  }
0x43: {  	s6 =	simm.s32 $0x0  }
.LBB2_31:
0x44: {  	v20 =	vmax.f32 v19, $1.000000000e-30  }
0x45: {  	v26 =	vshrl.u32 v20, $0x1;
	v20 =	vmul.f32 $-5.000000000e-01, v20  }
0x46: {  	v26 =	vsub.s32 $0x5F3759DF, v26  }
0x47: {  	v27 =	vmul.f32 v26, v20;
	_ =	sdelay $0x1  }
0x48: {  	v27 =	vmul.f32 v26, v27;
	_ =	sdelay $0x1  }
0x49: {  	v27 =	vadd.f32 $1.500000000e+00, v27;
	_ =	sdelay $0x1  }
0x4a: {  	v26 =	vmul.f32 v26, v27;
	_ =	sdelay $0x1  }
0x4b: {  	v27 =	vmul.f32 v26, v20;
	_ =	sdelay $0x1  }
0x4c: {  	v27 =	vmul.f32 v27, v26;
	_ =	sdelay $0x1  }
0x4d: {  	v27 =	vadd.f32 $1.500000000e+00, v27;
	_ =	sdelay $0x1  }
0x4e: {  	v26 =	vmul.f32 v27, v26;
	_ =	sdelay $0x1  }
0x4f: {  	s7 =	sor.u32 s6, s29;
	v20 =	vmul.f32 v26, v20  }
0x50: {  	s8 =	ssub.s32 s7, s4  }
0x51: {  	v29 =	vmov s8;
	v20 =	vmul.f32 v20, v26;
	_ =	sdelay $0x1  }
0x52: {  	v20 =	vadd.f32 $1.500000000e+00, v20;
	_ =	sdelay $0x1  }
0x53: {  	v20 =	vmul.f32 v20, v26  }
0x54: {  	s12 =	ssub.s32 s7, s5;
	v28 =	vld.idx.msk [tilespmem:v29+s14+$0x0], $0xffff  }
0x55: {  	v61 =	vadd.s32 v1, v21;
	vm1 =	vlt.f32 v19, $4.900000000e+01;
	s7 =	sshll.u32 s12, $0x6;
	v27 =	vld.idx.msk [tilespmem:v29+s15+$0x0], $0xffff;
	v19 =	vmul.f32 v20, v19  }
0x56: {  	v26 =	vld.idx.msk [tilespmem:v29+s16+$0x0], $0xffff;
	[tilespmem:s7+$0x5700] =	vst v61;
	v20 =	vsel vm1, $0x1, v2  }
0x57: {  	[tilespmem:s7+$0x19700] =	vst v20;
	v19 =	vnsel vm1, $0x0, v19  }
0x58: {  	[tilespmem:s7+$0x9700] =	vst v19  }
0x59: {  	v20 =	vld.idx.msk [tilespmem:v21+s14+$0x0], $0xffff;
	_ =	sdelay $0x1  }
0x5a: {  	v62 =	vmax.f32 v32, $1.000000000e-30;
	s8 =	smul.u32 $0xC0, s12;
	v19 =	vmul.u32 $0x3, v0  }
0x5b: {  	v30 =	vshrl.u32 v62, $0x1;
	v29 =	vmul.f32 $-5.000000000e-01, v62  }
0x5c: {  	v30 =	vsub.s32 $0x5F3759DF, v30;
	v33 =	vor.u32 s8, v19  }
0x5d: {  	v34 =	vmul.f32 v30, v29;
	v20 =	vsub.f32 v20, v28  }
0x5e: {  	v35 =	vsel vm1, $0x3F800000, v18  }
0x5f: {  	v34 =	vmul.f32 v30, v34;
	v20 =	vmul.f32 v20, v35;
	_ =	sdelay $0x1  }
0x60: {  	[tilespmem:v33+s25+$0x0] =	vst.idx.msk $0xffff, v20;
	v20 =	vadd.f32 $1.500000000e+00, v34  }
0x61: {  	v33 =	vld.idx.msk [tilespmem:v21+s15+$0x0], $0xffff  }
0x62: {  	v30 =	vmul.f32 v30, v20;
	_ =	sdelay $0x1  }
0x63: {  	v20 =	vadd.s32 $0x1, v19;
	v63 =	vmul.f32 v30, v29  }
0x64: {  	v36 =	vor.u32 s8, v20  }
0x65: {  	v33 =	vsub.f32 v33, v27;
	v34 =	vmul.f32 v63, v30;
	_ =	sdelay $0x1  }
0x66: {  	v33 =	vmul.f32 v33, v35;
	v34 =	vadd.f32 $1.500000000e+00, v34;
	_ =	sdelay $0x1  }
0x67: {  	[tilespmem:v36+s25+$0x0] =	vst.idx.msk $0xffff, v33;
	v30 =	vmul.f32 v34, v30  }
0x68: {  	v33 =	vld.idx.msk [tilespmem:v21+s16+$0x0], $0xffff  }
0x69: {  	v29 =	vmul.f32 v30, v29;
	_ =	sdelay $0x1  }
0x6a: {  	v21 =	vadd.s32 $0x2, v19;
	v29 =	vmul.f32 v29, v30  }
0x6b: {  	v37 =	vor.u32 s8, v21  }
0x6c: {  	v33 =	vsub.f32 v33, v26;
	v29 =	vadd.f32 $1.500000000e+00, v29;
	_ =	sdelay $0x1  }
0x6d: {  	v33 =	vmul.f32 v33, v35;
	v29 =	vmul.f32 v29, v30;
	_ =	sdelay $0x1  }
0x6e: {  	v38 =	vadd.s32 v1, v31;
	vm1 =	vlt.f32 v32, $4.900000000e+01;
	[tilespmem:v37+s25+$0x0] =	vst.idx.msk $0xffff, v33;
	v29 =	vmul.f32 v29, v32  }
0x6f: {  	v39 =	vsel vm1, $0x1, v2;
	[tilespmem:s7+$0x5710] =	vst v38  }
0x70: {  	[tilespmem:s7+$0x19710] =	vst v39;
	v29 =	vnsel vm1, $0x0, v29  }
0x71: {  	[tilespmem:s7+$0x9710] =	vst v29  }
0x72: {  	v29 =	vld.idx.msk [tilespmem:v31+s14+$0x0], $0xffff;
	_ =	sdelay $0x1  }
0x73: {  	v40 =	vmax.f32 v25, $1.000000000e-30  }
0x74: {  	v41 =	vshrl.u32 v40, $0x1;
	s9 =	sor.u32 $0x30, s8;
	v30 =	vmul.f32 $-5.000000000e-01, v40  }
0x75: {  	v42 =	vadd.s32 s9, v19;
	v32 =	vsub.s32 $0x5F3759DF, v41  }
0x76: {  	v43 =	vmul.f32 v32, v30;
	v29 =	vsub.f32 v29, v28  }
0x77: {  	v44 =	vsel vm1, $0x3F800000, v18  }
0x78: {  	v34 =	vmul.f32 v32, v43;
	v29 =	vmul.f32 v29, v44;
	_ =	sdelay $0x1  }
0x79: {  	v45 =	vadd.f32 $1.500000000e+00, v34;
	[tilespmem:v42+s25+$0x0] =	vst.idx.msk $0xffff, v29  }
0x7a: {  	v33 =	vld.idx.msk [tilespmem:v31+s15+$0x0], $0xffff  }
0x7b: {  	v29 =	vmul.f32 v32, v45;
	_ =	sdelay $0x1  }
0x7c: {  	v32 =	vmul.f32 v29, v30  }
0x7d: {  	v46 =	vadd.s32 s9, v20  }
0x7e: {  	v32 =	vmul.f32 v32, v29;
	v33 =	vsub.f32 v33, v27;
	_ =	sdelay $0x1  }
0x7f: {  	v32 =	vadd.f32 $1.500000000e+00, v32;
	v33 =	vmul.f32 v33, v44;
	_ =	sdelay $0x1  }
0x80: {  	v29 =	vmul.f32 v32, v29;
	[tilespmem:v46+s25+$0x0] =	vst.idx.msk $0xffff, v33  }
0x81: {  	v47 =	vld.idx.msk [tilespmem:v31+s16+$0x0], $0xffff  }
0x82: {  	v30 =	vmul.f32 v29, v30;
	_ =	sdelay $0x1  }
0x83: {  	v30 =	vmul.f32 v30, v29  }
0x84: {  	v48 =	vadd.s32 s9, v21  }
0x85: {  	v30 =	vadd.f32 $1.500000000e+00, v30;
	v31 =	vsub.f32 v47, v26;
	_ =	sdelay $0x1  }
0x86: {  	v29 =	vmul.f32 v30, v29;
	v31 =	vmul.f32 v31, v44;
	_ =	sdelay $0x1  }
0x87: {  	v49 =	vadd.s32 v1, v23;
	vm1 =	vlt.f32 v25, $4.900000000e+01;
	v50 =	vmul.f32 v29, v25;
	[tilespmem:v48+s25+$0x0] =	vst.idx.msk $0xffff, v31  }
0x88: {  	v51 =	vsel vm1, $0x1, v2;
	[tilespmem:s7+$0x5720] =	vst v49  }
0x89: {  	v25 =	vnsel vm1, $0x0, v50;
	[tilespmem:s7+$0x19720] =	vst v51  }
0x8a: {  	[tilespmem:s7+$0x9720] =	vst v25  }
0x8b: {  	v25 =	vld.idx.msk [tilespmem:v23+s14+$0x0], $0xffff;
	_ =	sdelay $0x1  }
0x8c: {  	v52 =	vmax.f32 v24, $1.000000000e-30  }
0x8d: {  	v53 =	vshrl.u32 v52, $0x1;
	s13 =	sadd.s32 $0x60, s8;
	v29 =	vmul.f32 $-5.000000000e-01, v52  }
0x8e: {  	v54 =	vadd.s32 s13, v19;
	v30 =	vsub.s32 $0x5F3759DF, v53  }
0x8f: {  	v55 =	vmul.f32 v30, v29;
	v25 =	vsub.f32 v25, v28  }
0x90: {  	v56 =	vsel vm1, $0x3F800000, v18  }
0x91: {  	v32 =	vmul.f32 v30, v55;
	v25 =	vmul.f32 v25, v56;
	_ =	sdelay $0x1  }
0x92: {  	v57 =	vadd.f32 $1.500000000e+00, v32;
	[tilespmem:v54+s25+$0x0] =	vst.idx.msk $0xffff, v25  }
0x93: {  	v31 =	vld.idx.msk [tilespmem:v23+s15+$0x0], $0xffff  }
0x94: {  	v25 =	vmul.f32 v30, v57;
	_ =	sdelay $0x1  }
0x95: {  	v30 =	vmul.f32 v25, v29  }
0x96: {  	v58 =	vadd.s32 s13, v20  }
0x97: {  	v30 =	vmul.f32 v30, v25;
	v31 =	vsub.f32 v31, v27;
	_ =	sdelay $0x1  }
0x98: {  	v30 =	vadd.f32 $1.500000000e+00, v30;
	v31 =	vmul.f32 v31, v56;
	_ =	sdelay $0x1  }
0x99: {  	v25 =	vmul.f32 v30, v25;
	[tilespmem:v58+s25+$0x0] =	vst.idx.msk $0xffff, v31  }
0x9a: {  	v23 =	vld.idx.msk [tilespmem:v23+s16+$0x0], $0xffff  }
0x9b: {  	v29 =	vmul.f32 v25, v29;
	_ =	sdelay $0x1  }
0x9c: {  	v29 =	vmul.f32 v29, v25  }
0x9d: {  	v59 =	vadd.s32 s13, v21  }
0x9e: {  	v29 =	vadd.f32 $1.500000000e+00, v29;
	v23 =	vsub.f32 v23, v26;
	_ =	sdelay $0x1  }
0x9f: {  	v25 =	vmul.f32 v29, v25;
	v23 =	vmul.f32 v23, v56;
	_ =	sdelay $0x1  }
0xa0: {  	vm1 =	vlt.f32 v24, $4.900000000e+01;
	v60 =	vmul.f32 v25, v24;
	[tilespmem:v59+s25+$0x0] =	vst.idx.msk $0xffff, v23;
	v23 =	vadd.s32 v1, v22  }
0xa1: {  	[tilespmem:s7+$0x5730] =	vst v23;
	v23 =	vsel vm1, $0x1, v2  }
0xa2: {  	[tilespmem:s7+$0x19730] =	vst v23;
	v23 =	vnsel vm1, $0x0, v60  }
0xa3: {  	[tilespmem:s7+$0x9730] =	vst v23  }
0xa4: {  	v23 =	vld.idx.msk [tilespmem:v22+s14+$0x0], $0xffff;
	_ =	sdelay $0x2  }
0xa5: {  	s19 =	sadd.s32 $0x90, s8  }
0xa6: {  	v61 =	vadd.s32 s19, v19  }
0xa7: {  	v23 =	vsub.f32 v23, v28  }
0xa8: {  	v62 =	vsel vm1, $0x3F800000, v18  }
0xa9: {  	v23 =	vmul.f32 v23, v62;
	_ =	sdelay $0x1  }
0xaa: {  	[tilespmem:v61+s25+$0x0] =	vst.idx.msk $0xffff, v23  }
0xab: {  	v23 =	vld.idx.msk [tilespmem:v22+s15+$0x0], $0xffff;
	_ =	sdelay $0x3  }
0xac: {  	v63 =	vadd.s32 s19, v20  }
0xad: {  	v23 =	vsub.f32 v23, v27;
	_ =	sdelay $0x1  }
0xae: {  	v23 =	vmul.f32 v23, v62;
	_ =	sdelay $0x1  }
0xaf: {  	[tilespmem:v63+s25+$0x0] =	vst.idx.msk $0xffff, v23  }
0xb0: {  	v22 =	vld.idx.msk [tilespmem:v22+s16+$0x0], $0xffff;
	_ =	sdelay $0x2  }
0xb1: {  	s6 =	sadd.s32 $0x1, s6  }
0xb2: {  	p0 =	sne.s32 s6, $0x8;
	v23 =	vadd.s32 s19, v21  }
.Ltmp5:
0xb3: {  	v22 =	vsub.f32 v22, v26;
	(pc) =	sbr.rel @!p0 .LBB2_32-.Ltmp5, $3  }
0xb4: {  	_ = 	snop  }
0xb5: {  	v22 =	vmul.f32 v22, v62;
	_ =	sdelay $0x1  }
0xb6: {  	[tilespmem:v23+s25+$0x0] =	vst.idx.msk $0xffff, v22  }
.LBB2_3:
0xb7: {  	[tilespmem:$0x5500] =	vst v2  }
0xb8: {  	[tilespmem:$0x5510] =	vst v2  }
0xb9: {  	[tilespmem:$0x5520] =	vst v2  }
0xba: {  	[tilespmem:$0x5530] =	vst v2  }
0xbb: {  	[tilespmem:$0x5540] =	vst v2  }
0xbc: {  	[tilespmem:$0x5550] =	vst v2  }
0xbd: {  	[tilespmem:$0x5560] =	vst v2  }
0xbe: {  	[tilespmem:$0x5570] =	vst v2  }
0xbf: {  	[tilespmem:$0x5580] =	vst v2  }
0xc0: {  	[tilespmem:$0x5590] =	vst v2  }
0xc1: {  	[tilespmem:$0x55A0] =	vst v2  }
0xc2: {  	[tilespmem:$0x55B0] =	vst v2  }
0xc3: {  	[tilespmem:$0x55C0] =	vst v2  }
0xc4: {  	[tilespmem:$0x55D0] =	vst v2  }
0xc5: {  	[tilespmem:$0x55E0] =	vst v2  }
0xc6: {  	[tilespmem:$0x55F0] =	vst v2  }
0xc7: {  	[tilespmem:$0x5600] =	vst v2  }
0xc8: {  	[tilespmem:$0x5610] =	vst v2  }
0xc9: {  	[tilespmem:$0x5620] =	vst v2  }
0xca: {  	[tilespmem:$0x5630] =	vst v2  }
0xcb: {  	[tilespmem:$0x5640] =	vst v2  }
0xcc: {  	[tilespmem:$0x5650] =	vst v2  }
0xcd: {  	[tilespmem:$0x5660] =	vst v2  }
0xce: {  	[tilespmem:$0x5670] =	vst v2  }
0xcf: {  	[tilespmem:$0x5680] =	vst v2  }
0xd0: {  	[tilespmem:$0x5690] =	vst v2  }
0xd1: {  	[tilespmem:$0x56A0] =	vst v2  }
0xd2: {  	[tilespmem:$0x56B0] =	vst v2  }
0xd3: {  	[tilespmem:$0x56C0] =	vst v2;
	s7 =	sshll.u32 s6, $0x7  }
0xd4: {  	[tilespmem:$0x56D0] =	vst v2;
	s8 =	sand.u32 $0x1C00, s30;
	s7 =	sand.u32 $0x3FFFFF80, s7  }
0xd5: {  	[tilespmem:$0x56E0] =	vst v2;
	s9 =	sand.u32 $0x70, s30;
	s8 =	sadd.s32 s8, s7  }
0xd6: {  	[tilespmem:$0x56F0] =	vst v2;
	s8 =	sadd.s32 s9, s8  }
0xd7: {  	v19 =	vld [tilespmem:s8+$0x0];
	_ =	sdelay $0x4  }
0xd8: {  	v19 =	vmul.f32 $2.000000030e-01, v19;
	_ =	sdelay $0x1  }
0xd9: {  	v19 =	vmin.f32 v19, $3.100000000e+01  }
0xda: {  	v19 =	vtrunc.f32 v19  }
0xdb: {  	v19 =	vcvt.f32.s32 v19;
	_ =	sdelay $0x1  }
0xdc: {  	v19 =	vadd.s32 v3, v19;
	_ =	sdelay $0x4  }
0xdd: {  	v20 =	vld.idx.msk [tilespmem:v19+s18+$0x0], $0xffff;
	_ =	sdelay $0x2  }
0xde: {  	s8 =	simm.s32 $0x80  }
0xdf: {  	s11 =	simm.s32 $0x10;
	s9 =	simm.s32 $0x20;
	s12 =	sand.u32 $0x1C00, s8  }
.LBB2_4:
0xe0: {  	p0 =	sne.s32 s9, $0x3F0;
	s11 =	sand.u32 $0x70, s11;
	s12 =	sadd.s32 s12, s7;
	v20 =	vadd.s32 $0x1, v20  }
0xe1: {  	s12 =	sadd.s32 s11, s12;
	[tilespmem:v19+s18+$0x0] =	vst.idx.msk $0xffff, v20;
	s11 =	smov.u32 s9  }
0xe2: {  	v19 =	vld [tilespmem:s12+$0x0];
	_ =	sdelay $0x4  }
0xe3: {  	v19 =	vmul.f32 $2.000000030e-01, v19;
	_ =	sdelay $0x1  }
0xe4: {  	v19 =	vmin.f32 v19, $3.100000000e+01  }
0xe5: {  	v19 =	vtrunc.f32 v19  }
0xe6: {  	v19 =	vcvt.f32.s32 v19;
	_ =	sdelay $0x1  }
0xe7: {  	v19 =	vadd.s32 v3, v19;
	_ =	sdelay $0x4  }
0xe8: {  	v20 =	vld.idx.msk [tilespmem:v19+s18+$0x0], $0xffff  }
.Ltmp6:
0xe9: {  	(pc) =	sbr.rel @p0 .LBB2_4-.Ltmp6, $3  }
0xea: {  	_ =	sdelay $0x1  }
0xeb: {  	s8 =	sadd.s32 $0x80, s8  }
0xec: {  	s9 =	sadd.s32 $0x10, s9;
	s12 =	sand.u32 $0x1C00, s8  }
0xed: {  	_ =	sdelay $0x2  }
0xee: {  	s8 =	sand.u32 $0x70, s11;
	s9 =	sadd.s32 s12, s7;
	v20 =	vadd.s32 $0x1, v20  }
0xef: {  	s8 =	sadd.s32 s8, s9;
	[tilespmem:v19+s18+$0x0] =	vst.idx.msk $0xffff, v20  }
0xf0: {  	v19 =	vld [tilespmem:s8+$0x0];
	_ =	sdelay $0x4  }
0xf1: {  	v19 =	vmul.f32 $2.000000030e-01, v19;
	_ =	sdelay $0x1  }
0xf2: {  	v19 =	vmin.f32 v19, $3.100000000e+01  }
0xf3: {  	v19 =	vtrunc.f32 v19  }
0xf4: {  	v19 =	vcvt.f32.s32 v19;
	_ =	sdelay $0x1  }
0xf5: {  	v19 =	vadd.s32 v3, v19;
	_ =	sdelay $0x4  }
0xf6: {  	v20 =	vld.idx.msk [tilespmem:v19+s18+$0x0], $0xffff;
	_ =	sdelay $0x4  }
0xf7: {  	v20 =	vadd.s32 $0x1, v20  }
0xf8: {  	[tilespmem:v19+s18+$0x0] =	vst.idx.msk $0xffff, v20  }
0xf9: {  	v19 =	vld [tilespmem:$0x5500]  }
0xfa: {  	v20 =	vld [tilespmem:$0x5520]  }
0xfb: {  	v21 =	vld [tilespmem:$0x5540]  }
0xfc: {  	v22 =	vld [tilespmem:$0x5560]  }
0xfd: {  	v23 =	vld [tilespmem:$0x5580]  }
0xfe: {  	v24 =	vld [tilespmem:$0x55A0]  }
0xff: {  	v25 =	vld [tilespmem:$0x55C0]  }
0x100: {  	v26 =	vld [tilespmem:$0x55E0]  }
0x101: {  	v27 =	vld [tilespmem:$0x5600]  }
0x102: {  	v28 =	vld [tilespmem:$0x5620]  }
0x103: {  	v29 =	vld [tilespmem:$0x5640]  }
0x104: {  	v30 =	vld [tilespmem:$0x5660]  }
0x105: {  	v31 =	vld [tilespmem:$0x5680]  }
0x106: {  	v32 =	vld [tilespmem:$0x56A0]  }
0x107: {  	v33 =	vld [tilespmem:$0x56C0]  }
0x108: {  	v34 =	vld [tilespmem:$0x56E0]  }
0x109: {  	v35 =	vld [tilespmem:$0x5510]  }
0x10a: {  	v36 =	vld [tilespmem:$0x5530]  }
0x10b: {  	v37 =	vld [tilespmem:$0x5550]  }
0x10c: {  	v38 =	vld [tilespmem:$0x5570]  }
0x10d: {  	v19 =	vadd.s32 v19, v20;
	v20 =	vld [tilespmem:$0x5590]  }
0x10e: {  	v19 =	vadd.s32 v19, v21;
	v21 =	vld [tilespmem:$0x55B0]  }
0x10f: {  	v60 =	vld [tilespmem:$0x55D0];
	v19 =	vadd.s32 v19, v22;
	v22 =	vadd.s32 v35, v36  }
0x110: {  	v19 =	vadd.s32 v19, v23;
	v22 =	vadd.s32 v22, v37;
	v23 =	vld [tilespmem:$0x55F0]  }
0x111: {  	v61 =	vld [tilespmem:$0x5610];
	v19 =	vadd.s32 v19, v24;
	v22 =	vadd.s32 v22, v38  }
0x112: {  	v19 =	vadd.s32 v19, v25;
	v20 =	vadd.s32 v22, v20;
	v22 =	vld [tilespmem:$0x5630]  }
0x113: {  	v19 =	vadd.s32 v19, v26;
	v20 =	vadd.s32 v20, v21;
	v21 =	vld [tilespmem:$0x5650]  }
0x114: {  	v62 =	vld [tilespmem:$0x5670];
	v19 =	vadd.s32 v19, v27;
	v20 =	vadd.s32 v20, v60  }
0x115: {  	v19 =	vadd.s32 v19, v28;
	v20 =	vadd.s32 v20, v23;
	v23 =	vld [tilespmem:$0x5690]  }
0x116: {  	v63 =	vld [tilespmem:$0x56B0];
	v19 =	vadd.s32 v19, v29;
	v20 =	vadd.s32 v20, v61  }
0x117: {  	v19 =	vadd.s32 v19, v30;
	v20 =	vadd.s32 v20, v22;
	v22 =	vld [tilespmem:$0x56D0]  }
0x118: {  	v19 =	vadd.s32 v19, v31;
	v20 =	vadd.s32 v20, v21;
	v21 =	vld [tilespmem:$0x56F0]  }
0x119: {  	v19 =	vadd.s32 v19, v32;
	v20 =	vadd.s32 v20, v62  }
0x11a: {  	v19 =	vadd.s32 v19, v33;
	v20 =	vadd.s32 v20, v23  }
0x11b: {  	v19 =	vadd.s32 v19, v34;
	v20 =	vadd.s32 v20, v63  }
0x11c: {  	(xrf0) =	vadd.scan.msk.s32 $0xffff, v19;
	v19 =	vadd.s32 v20, v22  }
0x11d: {  	v19 =	vadd.s32 v19, v21  }
0x11e: {  	(xrf0) =	vadd.scan.msk.s32 $0xffff, v19;
	_ =	sdelay $0x3  }
0x11f: {  	v19, _, _ =	vpop (xrf0)  }
0x120: {  	v20 =	vbroadcast v19, $0xF  }
0x121: {  	vm1 =	vgt.s32 v19, $0x3F;
	v21, _, _ =	vpop (xrf0)  }
0x122: {  	v20 =	vadd.s32 v20, v21;
	v21 =	vmctz.xlane vm1  }
0x123: {  	(v2sf) =	vpush v19, $0xF;
	vm1 =	vgt.s32 v20, $0x3F  }
0x124: {  	(v2sf) =	vpush v21, $0x0;
	v19 =	vmctz.xlane vm1  }
0x125: {  	(v2sf) =	vpush v20, $0xF  }
0x126: {  	(v2sf) =	vpush v19, $0x0;
	_ =	sdelay $0x4  }
0x127: {  	s8 =	simm.s32 $0x0  }
0x128: {  	s13 =	sand.u32 $0x1C00, s8  }
0x129: {  	s19 =	sand.u32 $0x70, s8;
	s9 =	sadd.s32 s13, s7  }
0x12a: {  	s9 =	sadd.s32 s19, s9  }
0x12b: {  	v20 =	vld [tilespmem:s9+$0x0];
	_ =	sdelay $0x2  }
0x12c: {  	s12 =	spop (v2sf)  }
0x12d: {  	s11 =	spop (v2sf)  }
0x12e: {  	v19 =	vmul.f32 $2.000000030e-01, v20;
	p0 =	sgt.s32 s12, $0x3F;
	s13 =	spop (v2sf)  }
0x12f: {  	s11 =	simm.s32 @!p0 $0x20;
	s19 =	spop (v2sf)  }
0x130: {  	v19 =	vmin.f32 v19, $3.100000000e+01;
	p0 =	sgt.s32 s13, $0x3F;
	s12 =	smov.u32 s11;
	s9 =	sadd.s32 $0x10, s19  }
0x131: {  	v19 =	vtrunc.f32 v19;
	p1 =	sgt.s32 s11, $0x1F;
	s12 =	smov.u32 @p0 s9  }
0x132: {  	v21 =	vcvt.f32.s32 v19;
	s11 =	smov.u32 @p1 s12  }
0x133: {  	v19 =	vmov s11  }
0x134: {  	vm1 =	vge.s32 v19, v21  }
0x135: {  	v21 =	vmpcnt.ones.xlane vm1  }
0x136: {  	s11 =	simm.s32 $0x80  }
0x137: {  	s9 =	simm.s32 $0x10;
	s12 =	simm.s32 $0x20;
	s13 =	sand.u32 $0x1C00, s11;
	[tilespmem:s8+$0x4C00] =	vst.msk vm1, v20;
	v20 =	vor.u32 s8, v0;
	(v2sf) =	vpush v21, $0x0  }
.LBB2_6:
0x138: {  	p0 =	sne.s32 s12, $0x3F0;
	s19 =	sand.u32 $0x70, s9;
	s13 =	sadd.s32 s13, s7;
	[tilespmem:s8+$0x5080] =	vst.msk vm1, v20  }
0x139: {  	s13 =	sadd.s32 s19, s13  }
0x13a: {  	v20 =	vld [tilespmem:s13+$0x0];
	_ =	sdelay $0x4  }
0x13b: {  	v21 =	vmul.f32 $2.000000030e-01, v20;
	_ =	sdelay $0x1  }
0x13c: {  	v21 =	vmin.f32 v21, $3.100000000e+01  }
0x13d: {  	v21 =	vtrunc.f32 v21  }
0x13e: {  	v21 =	vcvt.f32.s32 v21  }
.Ltmp7:
0x13f: {  	(pc) =	sbr.rel @p0 .LBB2_6-.Ltmp7, $4  }
0x140: {  	vm1 =	vge.s32 v19, v21  }
0x141: {  	v21 =	vmpcnt.ones.xlane vm1;
	s13 =	spop (v2sf)  }
0x142: {  	s11 =	sadd.s32 $0x80, s11;
	s8 =	sadd.s32 s8, s13  }
0x143: {  	s13 =	sand.u32 $0x1C00, s11;
	[tilespmem:s8+$0x4C00] =	vst.msk vm1, v20;
	v20 =	vor.u32 s9, v0;
	(v2sf) =	vpush v21, $0x0;
	s9 =	smov.u32 s12;
	s12 =	sadd.s32 $0x10, s12  }
0x144: {  	s11 =	sand.u32 $0x70, s9;
	s7 =	sadd.s32 s13, s7  }
0x145: {  	[tilespmem:s8+$0x5080] =	vst.msk vm1, v20;
	s7 =	sadd.s32 s11, s7  }
0x146: {  	v20 =	vld [tilespmem:s7+$0x0];
	_ =	sdelay $0x4  }
0x147: {  	v21 =	vmul.f32 $2.000000030e-01, v20;
	_ =	sdelay $0x1  }
0x148: {  	v21 =	vmin.f32 v21, $3.100000000e+01  }
0x149: {  	v21 =	vtrunc.f32 v21  }
0x14a: {  	v21 =	vcvt.f32.s32 v21;
	_ =	sdelay $0x1  }
0x14b: {  	vm1 =	vge.s32 v19, v21  }
0x14c: {  	v19 =	vmpcnt.ones.xlane vm1;
	_ =	sdelay $0x1  }
0x14d: {  	(v2sf) =	vpush v19, $0x0;
	_ =	sdelay $0xd  }
0x14e: {  	s11 =	spop (v2sf)  }
0x14f: {  	s7 =	sadd.s32 s8, s11;
	s12 =	spop (v2sf)  }
0x150: {  	s8 =	sadd.s32 s7, s12  }
0x151: {  	s13 =	sand.u32 $0xF, s8  }
0x152: {  	s12 =	sshra.s32 s8, $0x1F;
	p0 =	slt.s32 s8, $0x1;
	p1 =	sne.s32 s13, $0x0  }
0x153: {  	s19 =	sshrl.u32 s12, $0x1C;
	p0 =	por !p0, !p1  }
0x154: {  	[tilespmem:s7+$0x4C00] =	vst.msk vm1, v20;
	v19 =	vor.u32 s9, v0;
	s12 =	simm.s32 $0x1;
	s11 =	sadd.s32 s19, s8;
	p0 =	por !p0, !p0  }
0x155: {  	[tilespmem:s7+$0x5080] =	vst.msk vm1, v19;
	s7 =	sadd.s32 $0xF, s8;
	s11 =	sshrl.u32 s11, $0x4;
	s12 =	simm.s32 @!p0 $0x0  }
0x156: {  	s13 =	sshra.s32 s7, $0x1F;
	s11 =	ssub.s32 s11, s12;
	s12 =	sand.u32 $0xF, s7  }
0x157: {  	p5 =	slt.s32 s7, $0x1;
	s9 =	sshll.u32 s11, $0x4;
	p6 =	sne.s32 s12, $0x0  }
0x158: {  	s19 =	sshrl.u32 s13, $0x1C;
	s8 =	ssub.s32 s8, s9;
	p0 =	por !p5, !p6  }
0x159: {  	s7 =	sadd.s32 s19, s7;
	v21 =	vmov s8;
	p0 =	por !p0, !p0;
	s8 =	simm.s32 $0x1  }
0x15a: {  	s7 =	sshra.s32 s7, $0x4;
	v19 =	vld [tilespmem:s9+$0x4C00];
	s8 =	simm.s32 @!p0 $0x0  }
0x15b: {  	v20 =	vld [tilespmem:s9+$0x5080];
	s7 =	ssub.s32 s7, s8  }
0x15c: {  	p0 =	slt.s32 s7, $0x1  }
.Ltmp8:
0x15d: {  	_ = 	snop;
	(pc) =	sbr.rel @p0 .LBB2_8-.Ltmp8, $4  }
0x15e: {  	vm1 =	vlt.s32 v21, v4  }
0x15f: {  	v19 =	vsel vm1, $0x7F61B1E6, v19  }
0x160: {  	v20 =	vsel vm1, $0x0, v20;
	[tilespmem:s9+$0x4C00] =	vst v19  }
0x161: {  	v21 =	vimm.s32 $0x0;
	v19 =	vimm.f32 $3.000000010e+38;
	[tilespmem:s9+$0x5080] =	vst v20  }
0x162: {  	s8 =	simm.s32 $0x4C00  }
0x163: {  	s9 =	simm.s32 $0x5080;
	v20 =	vld [tilespmem:s8+$0x0]  }
0x164: {  	p6 =	sne.s32 s7, $0x1;
	p5 =	por $0x0, $0x0;
	v22 =	vld [tilespmem:s9+$0x0]  }
.Ltmp9:
0x165: {  	s8 =	simm.s32 @!p5 $0x0;
	(pc) =	sbr.rel @!p6 .LBB2_10-.Ltmp9, $4  }
0x166: {  	s7 =	sadd.s32 $0xFFFFFFFF, s7;
	s8 =	simm.s32 @p5 $0x1;
	p5 =	por $0x0, $0x0  }
0x167: {  	p0 =	por $0x0, $0x0;
	[smem:$0x7FC] =	sst s8;
	s8 =	simm.s32 @!p5 $0x0  }
0x168: {  	p1 =	por $0x0, $0x0;
	p2 =	por $0x0, $0x0;
	s8 =	simm.s32 @p5 $0x1  }
0x169: {  	p3 =	por $0x0, $0x0;
	p5 =	por $0x0, $0x0;
	[smem:$0x7FD] =	sst s8;
	(xrf1) =	vsort.ascd.msk.f32 $0xffff, v20, v22  }
0x16a: {  	_ =	sdelay $0xb  }
0x16b: {  	s8 =	simm.s32 $0x4C10  }
0x16c: {  	s19 =	simm.s32 $0x5090;
	v20 =	vld [tilespmem:s8+$0x0];
	v22, v23, _ =	vpop (xrf1)  }
0x16d: {  	v24 =	vld [tilespmem:s19+$0x0];
	v23 =	vperm.xlane v23, v5;
	v22 =	vperm.xlane v22, v5;
	_ =	sdelay $0x1  }
0x16e: {  	p6 =	sne.s32 s7, $0x1;
	vm1 =	veq.f32 v19, v22;
	vm2 =	vle.s32 v21, v23  }
.Ltmp10:
0x16f: {  	vm1 =	vmand vm1, vm2;
	vm2 =	vlt.f32 v19, v22;
	(pc) =	sbr.rel @!p6 .LBB2_12-.Ltmp10, $4  }
0x170: {  	vm1 =	vmor vm2, vm1  }
0x171: {  	(xrf1) =	vsort.ascd.msk.f32 $0xffff, v20, v24;
	v20 =	vsel vm1, v19, v22;
	v63 =	vsel vm1, v21, v23  }
0x172: {  	v22 =	vsel vm1, v22, v19;
	v23 =	vsel vm1, v23, v21;
	(xrf1) =	vsort.ascd.msk.f32 $0xffff, v20, v63  }
0x173: {  	s7 =	sadd.s32 $0xFFFFFFFF, s7;
	p0 =	por $0x1, $0x1;
	(xrf1) =	vsort.ascd.msk.f32 $0xffff, v22, v23  }
0x174: {  	_ =	sdelay $0x8  }
0x175: {  	s8 =	simm.s32 $0x4C20  }
0x176: {  	s19 =	simm.s32 $0x50A0;
	v20 =	vld [tilespmem:s8+$0x0]  }
0x177: {  	v22 =	vld [tilespmem:s19+$0x0];
	v23, v24, _ =	vpop (xrf1)  }
0x178: {  	v24 =	vperm.xlane v24, v5;
	v23 =	vperm.xlane v23, v5  }
0x179: {  	v25, v26, _ =	vpop (xrf1)  }
0x17a: {  	p6 =	sne.s32 s7, $0x1;
	vm1 =	veq.f32 v25, v23;
	vm2 =	vle.s32 v26, v24  }
.Ltmp11:
0x17b: {  	v27, v28, _ =	vpop (xrf1);
	vm1 =	vmand vm1, vm2;
	vm2 =	vlt.f32 v25, v23;
	(pc) =	sbr.rel @!p6 .LBB2_14-.Ltmp11, $4  }
0x17c: {  	(xrf1) =	vsort.ascd.msk.f32 $0xffff, v20, v22;
	v31 =	vperm.xlane v28, v5;
	vm1 =	vmor vm2, vm1  }
0x17d: {  	v32 =	vperm.xlane v27, v5;
	v20 =	vsel vm1, v25, v23;
	v22 =	vsel vm1, v26, v24  }
0x17e: {  	v23 =	vsel vm1, v23, v25;
	v24 =	vsel vm1, v24, v26;
	(xrf1) =	vsort.ascd.msk.f32 $0xffff, v20, v22  }
0x17f: {  	s7 =	sadd.s32 $0xFFFFFFFF, s7;
	p1 =	por $0x1, $0x1;
	vm3 =	veq.f32 v19, v32;
	vm4 =	vle.s32 v21, v31;
	(xrf1) =	vsort.ascd.msk.f32 $0xffff, v23, v24  }
0x180: {  	_ =	sdelay $0x1  }
0x181: {  	vm1 =	vlt.f32 v19, v32;
	vm2 =	vmand vm3, vm4  }
0x182: {  	vm1 =	vmor vm1, vm2  }
0x183: {  	v20 =	vsel vm1, v19, v32;
	v22 =	vsel vm1, v21, v31  }
0x184: {  	v23 =	vsel vm1, v32, v19;
	v24 =	vsel vm1, v31, v21;
	(xrf1) =	vsort.ascd.msk.f32 $0xffff, v20, v22  }
0x185: {  	(xrf1) =	vsort.ascd.msk.f32 $0xffff, v23, v24;
	_ =	sdelay $0x2  }
0x186: {  	s8 =	simm.s32 $0x4C30  }
0x187: {  	s19 =	simm.s32 $0x50B0;
	v20 =	vld [tilespmem:s8+$0x0];
	v23, v24, _ =	vpop (xrf1)  }
0x188: {  	v22 =	vld [tilespmem:s19+$0x0];
	v24 =	vperm.xlane v24, v5;
	v23 =	vperm.xlane v23, v5  }
0x189: {  	v25, v26, _ =	vpop (xrf1)  }
0x18a: {  	vm1 =	veq.f32 v25, v23;
	vm2 =	vle.s32 v26, v24  }
0x18b: {  	vm1 =	vmand vm1, vm2;
	vm2 =	vlt.f32 v25, v23  }
0x18c: {  	p6 =	sne.s32 s7, $0x1;
	vm1 =	vmor vm2, vm1  }
.Ltmp12:
0x18d: {  	(xrf1) =	vsort.ascd.msk.f32 $0xffff, v20, v22;
	v22 =	vsel vm1, v26, v24;
	v24 =	vsel vm1, v24, v26;
	(pc) =	sbr.rel @!p6 .LBB2_16-.Ltmp12, $4  }
0x18e: {  	v27, v28, _ =	vpop (xrf1);
	v20 =	vsel vm1, v25, v23;
	v23 =	vsel vm1, v23, v25  }
0x18f: {  	v31 =	vperm.xlane v28, v5;
	v32 =	vperm.xlane v27, v5  }
0x190: {  	(xrf1) =	vsort.ascd.msk.f32 $0xffff, v20, v22;
	v35, v38, _ =	vpop (xrf1)  }
0x191: {  	s7 =	sadd.s32 $0xFFFFFFFF, s7;
	p2 =	por $0x1, $0x1;
	(xrf1) =	vsort.ascd.msk.f32 $0xffff, v23, v24;
	vm3 =	veq.f32 v35, v32;
	vm4 =	vle.s32 v38, v31;
	v23, v24, _ =	vpop (xrf1)  }
0x192: {  	_ =	sdelay $0x1  }
0x193: {  	vm1 =	vlt.f32 v35, v32;
	vm2 =	vmand vm3, vm4  }
0x194: {  	vm1 =	vmor vm1, vm2  }
0x195: {  	v20 =	vsel vm1, v35, v32;
	v22 =	vsel vm1, v38, v31  }
0x196: {  	v25 =	vsel vm1, v32, v35;
	v26 =	vsel vm1, v31, v38;
	(xrf1) =	vsort.ascd.msk.f32 $0xffff, v20, v22  }
0x197: {  	(xrf1) =	vsort.ascd.msk.f32 $0xffff, v25, v26;
	_ =	sdelay $0x2  }
0x198: {  	s8 =	simm.s32 $0x4C40  }
0x199: {  	s19 =	simm.s32 $0x50C0;
	v20 =	vld [tilespmem:s8+$0x0];
	v25, v26, _ =	vpop (xrf1)  }
0x19a: {  	v22 =	vld [tilespmem:s19+$0x0];
	v26 =	vperm.xlane v26, v5;
	v25 =	vperm.xlane v25, v5  }
0x19b: {  	v27, v28, _ =	vpop (xrf1)  }
0x19c: {  	vm1 =	veq.f32 v27, v25;
	vm2 =	vle.s32 v28, v26  }
0x19d: {  	vm1 =	vmand vm1, vm2;
	vm2 =	vlt.f32 v27, v25  }
0x19e: {  	p6 =	sne.s32 s7, $0x1;
	vm1 =	vmor vm2, vm1  }
.Ltmp13:
0x19f: {  	(xrf1) =	vsort.ascd.msk.f32 $0xffff, v20, v22;
	v22 =	vsel vm1, v28, v26;
	(pc) =	sbr.rel @!p6 .LBB2_18-.Ltmp13, $4  }
0x1a0: {  	v29, v30, _ =	vpop (xrf1);
	v20 =	vsel vm1, v27, v25  }
0x1a1: {  	v31 =	vperm.xlane v30, v5;
	v32 =	vperm.xlane v29, v5  }
0x1a2: {  	v25 =	vsel vm1, v25, v27;
	v26 =	vsel vm1, v26, v28;
	(xrf1) =	vsort.ascd.msk.f32 $0xffff, v20, v22;
	v35, v38, _ =	vpop (xrf1)  }
0x1a3: {  	s7 =	sadd.s32 $0xFFFFFFFF, s7;
	p3 =	por $0x1, $0x1;
	(xrf1) =	vsort.ascd.msk.f32 $0xffff, v25, v26;
	vm3 =	veq.f32 v35, v32;
	vm4 =	vle.s32 v38, v31;
	v20, v22, _ =	vpop (xrf1)  }
0x1a4: {  	_ =	sdelay $0x1  }
0x1a5: {  	vm1 =	vlt.f32 v35, v32;
	vm2 =	vmand vm3, vm4  }
0x1a6: {  	vm1 =	vmor vm1, vm2  }
0x1a7: {  	v25 =	vsel vm1, v35, v32;
	v26 =	vsel vm1, v38, v31  }
0x1a8: {  	v27 =	vsel vm1, v32, v35;
	v28 =	vsel vm1, v31, v38;
	(xrf1) =	vsort.ascd.msk.f32 $0xffff, v25, v26  }
0x1a9: {  	(xrf1) =	vsort.ascd.msk.f32 $0xffff, v27, v28;
	_ =	sdelay $0x2  }
0x1aa: {  	s8 =	simm.s32 $0x4C50  }
0x1ab: {  	s19 =	simm.s32 $0x50D0;
	v25 =	vld [tilespmem:s8+$0x0];
	v27, v28, _ =	vpop (xrf1)  }
0x1ac: {  	v26 =	vld [tilespmem:s19+$0x0];
	v28 =	vperm.xlane v28, v5;
	v27 =	vperm.xlane v27, v5  }
0x1ad: {  	v29, v30, _ =	vpop (xrf1)  }
0x1ae: {  	vm1 =	veq.f32 v29, v27;
	vm2 =	vle.s32 v30, v28  }
0x1af: {  	vm1 =	vmand vm1, vm2;
	vm2 =	vlt.f32 v29, v27  }
0x1b0: {  	p6 =	sne.s32 s7, $0x1;
	vm1 =	vmor vm2, vm1  }
.Ltmp14:
0x1b1: {  	(xrf1) =	vsort.ascd.msk.f32 $0xffff, v25, v26;
	v25 =	vsel vm1, v29, v27;
	v27 =	vsel vm1, v27, v29;
	(pc) =	sbr.rel @!p6 .LBB2_20-.Ltmp14, $4  }
0x1b2: {  	v63, v31, _ =	vpop (xrf1)  }
0x1b3: {  	v31 =	vperm.xlane v31, v5;
	v32 =	vperm.xlane v63, v5;
	v26 =	vsel vm1, v30, v28  }
0x1b4: {  	v28 =	vsel vm1, v28, v30;
	(xrf1) =	vsort.ascd.msk.f32 $0xffff, v25, v26;
	v35, v38, _ =	vpop (xrf1)  }
0x1b5: {  	s7 =	sadd.s32 $0xFFFFFFFF, s7;
	(xrf1) =	vsort.ascd.msk.f32 $0xffff, v27, v28;
	vm3 =	veq.f32 v35, v32;
	vm4 =	vle.s32 v38, v31;
	v25, v27, _ =	vpop (xrf1)  }
0x1b6: {  	_ =	sdelay $0x1  }
0x1b7: {  	vm1 =	vlt.f32 v35, v32;
	vm2 =	vmand vm3, vm4  }
0x1b8: {  	vm1 =	vmor vm1, vm2  }
0x1b9: {  	v26 =	vsel vm1, v35, v32;
	v28 =	vsel vm1, v38, v31  }
0x1ba: {  	v29 =	vsel vm1, v32, v35;
	v30 =	vsel vm1, v31, v38;
	(xrf1) =	vsort.ascd.msk.f32 $0xffff, v26, v28  }
0x1bb: {  	(xrf1) =	vsort.ascd.msk.f32 $0xffff, v29, v30;
	_ =	sdelay $0x2  }
0x1bc: {  	s8 =	simm.s32 $0x4C60  }
0x1bd: {  	s19 =	simm.s32 $0x50E0;
	v26 =	vld [tilespmem:s8+$0x0];
	v29, v30, _ =	vpop (xrf1)  }
0x1be: {  	v28 =	vld [tilespmem:s19+$0x0];
	v30 =	vperm.xlane v30, v5;
	v29 =	vperm.xlane v29, v5  }
0x1bf: {  	v33, v34, _ =	vpop (xrf1)  }
0x1c0: {  	vm1 =	veq.f32 v33, v29;
	vm2 =	vle.s32 v34, v30  }
0x1c1: {  	vm1 =	vmand vm1, vm2;
	vm2 =	vlt.f32 v33, v29  }
0x1c2: {  	p6 =	sne.s32 s7, $0x1;
	vm1 =	vmor vm2, vm1  }
.Ltmp15:
0x1c3: {  	(xrf1) =	vsort.ascd.msk.f32 $0xffff, v26, v28;
	v28 =	vsel vm1, v34, v30;
	(pc) =	sbr.rel @!p6 .LBB2_22-.Ltmp15, $4  }
0x1c4: {  	p5 =	por $0x1, $0x1;
	v63, v31, _ =	vpop (xrf1);
	v26 =	vsel vm1, v33, v29  }
0x1c5: {  	s8 =	simm.s32 @!p5 $0x0;
	v31 =	vperm.xlane v31, v5;
	v32 =	vperm.xlane v63, v5  }
0x1c6: {  	s8 =	simm.s32 @p5 $0x1;
	v29 =	vsel vm1, v29, v33;
	v30 =	vsel vm1, v30, v34;
	(xrf1) =	vsort.ascd.msk.f32 $0xffff, v26, v28;
	v35, v38, _ =	vpop (xrf1)  }
0x1c7: {  	s7 =	sadd.s32 $0xFFFFFFFF, s7;
	[smem:$0x7FC] =	sst s8;
	(xrf1) =	vsort.ascd.msk.f32 $0xffff, v29, v30;
	vm3 =	veq.f32 v35, v32;
	vm4 =	vle.s32 v38, v31;
	v26, v28, _ =	vpop (xrf1)  }
0x1c8: {  	_ = 	snop  }
0x1c9: {  	vm1 =	vlt.f32 v35, v32;
	vm2 =	vmand vm3, vm4  }
0x1ca: {  	vm1 =	vmor vm1, vm2  }
0x1cb: {  	v29 =	vsel vm1, v35, v32;
	v30 =	vsel vm1, v38, v31  }
0x1cc: {  	v59 =	vsel vm1, v32, v35;
	v31 =	vsel vm1, v31, v38;
	(xrf1) =	vsort.ascd.msk.f32 $0xffff, v29, v30  }
0x1cd: {  	(xrf1) =	vsort.ascd.msk.f32 $0xffff, v59, v31;
	_ =	sdelay $0x1  }
0x1ce: {  	v29 =	vperm.xlane v23, v5;
	v30 =	vperm.xlane v24, v5  }
0x1cf: {  	s19 =	simm.s32 $0x50F0  }
0x1d0: {  	s8 =	simm.s32 $0x4C70;
	v60 =	vld [tilespmem:s19+$0x0];
	vm1 =	veq.f32 v19, v29;
	vm2 =	vle.s32 v21, v30  }
0x1d1: {  	v31 =	vld [tilespmem:s8+$0x0];
	vm3 =	vlt.f32 v19, v29;
	vm1 =	vmand vm1, vm2;
	v33, v34, _ =	vpop (xrf1)  }
0x1d2: {  	vm1 =	vmor vm3, vm1;
	v34 =	vperm.xlane v34, v5;
	v33 =	vperm.xlane v33, v5  }
0x1d3: {  	v37 =	vsel vm1, v19, v29;
	v61, v36, _ =	vpop (xrf1)  }
0x1d4: {  	v62 =	vsel vm1, v21, v30;
	vm2 =	veq.f32 v61, v33;
	vm3 =	vle.s32 v36, v34  }
0x1d5: {  	p6 =	sne.s32 s7, $0x1;
	v29 =	vsel vm1, v29, v19;
	(xrf1) =	vsort.ascd.msk.f32 $0xffff, v37, v62;
	v40, v39, _ =	vpop (xrf1);
	vm15 =	vlt.f32 v61, v33;
	vm2 =	vmand vm2, vm3  }
.Ltmp16:
0x1d6: {  	v30 =	vsel vm1, v30, v21;
	(xrf1) =	vsort.ascd.msk.f32 $0xffff, v31, v60;
	v39 =	vperm.xlane v39, v5;
	vm2 =	vmor vm15, vm2;
	(pc) =	sbr.rel @!p6 .LBB2_24-.Ltmp16, $4  }
0x1d7: {  	p5 =	por $0x1, $0x1;
	v37 =	vperm.xlane v40, v5;
	v31 =	vsel vm2, v61, v33;
	v63 =	vsel vm2, v36, v34  }
0x1d8: {  	s9 =	sadd.s32 $0xFFFFFFFF, s7;
	s7 =	simm.s32 @!p5 $0x0;
	v33 =	vsel vm2, v33, v61;
	v34 =	vsel vm2, v34, v36;
	(xrf1) =	vsort.ascd.msk.f32 $0xffff, v31, v63  }
0x1d9: {  	s7 =	simm.s32 @p5 $0x1;
	v35, v38, _ =	vpop (xrf1);
	(xrf1) =	vsort.ascd.msk.f32 $0xffff, v33, v34  }
0x1da: {  	p4 =	por $0x1, $0x1;
	[smem:$0x7FD] =	sst s7;
	vm1 =	veq.f32 v35, v37;
	vm2 =	vle.s32 v38, v39;
	(xrf1) =	vsort.ascd.msk.f32 $0xffff, v29, v30;
	v29, v30, _ =	vpop (xrf1)  }
0x1db: {  	_ =	sdelay $0x2  }
0x1dc: {  	vm3 =	vlt.f32 v35, v37;
	vm4 =	vmand vm1, vm2  }
0x1dd: {  	vm3 =	vmor vm3, vm4  }
0x1de: {  	v31 =	vsel vm3, v35, v37;
	v32 =	vsel vm3, v38, v39  }
0x1df: {  	v55 =	vsel vm3, v39, v38;
	(xrf1) =	vsort.ascd.msk.f32 $0xffff, v31, v32;
	v31 =	vsel vm3, v37, v35  }
0x1e0: {  	s7 =	simm.s32 @!p4 $0x0;
	v33 =	vperm.xlane v22, v5;
	(xrf1) =	vsort.ascd.msk.f32 $0xffff, v31, v55;
	v31 =	vperm.xlane v20, v5  }
0x1e1: {  	s8 =	simm.s32 $0x5100;
	s7 =	simm.s32 @p4 $0x1;
	v56, v34, _ =	vpop (xrf1)  }
0x1e2: {  	v36 =	vld [tilespmem:s8+$0x0];
	[smem:$0x7FB] =	sst s7;
	s7 =	simm.s32 $0x4C80;
	vm3 =	veq.f32 v56, v31;
	vm4 =	vle.s32 v34, v33  }
0x1e3: {  	v57 =	vld [tilespmem:s7+$0x0];
	v58, v40, _ =	vpop (xrf1);
	vm5 =	vlt.f32 v56, v31;
	vm3 =	vmand vm3, vm4  }
0x1e4: {  	v40 =	vperm.xlane v40, v5;
	v38 =	vperm.xlane v58, v5;
	vm3 =	vmor vm5, vm3  }
0x1e5: {  	v48 =	vimm.s32 $0x0;
	v41, v42, _ =	vpop (xrf1);
	v43 =	vsel vm3, v56, v31  }
0x1e6: {  	v44 =	vsel vm3, v34, v33;
	vm4 =	veq.f32 v41, v38;
	vm5 =	vle.s32 v42, v40  }
0x1e7: {  	v47, v45, _ =	vpop (xrf1);
	vm6 =	vlt.f32 v41, v38;
	v59 =	vsel vm3, v31, v56;
	(xrf1) =	vsort.ascd.msk.f32 $0xffff, v43, v44;
	vm4 =	vmand vm4, vm5  }
0x1e8: {  	v33 =	vsel vm3, v33, v34;
	v31 =	vperm.xlane v45, v5;
	(xrf1) =	vsort.ascd.msk.f32 $0xffff, v57, v36;
	vm4 =	vmor vm6, vm4  }
0x1e9: {  	p6 =	sne.s32 s9, $0x1;
	v61, v60, _ =	vpop (xrf1);
	v32 =	vperm.xlane v47, v5;
	v62 =	vsel vm4, v41, v38;
	v38 =	vsel vm4, v38, v41  }
.Ltmp17:
0x1ea: {  	v45 =	vperm.xlane v61, v5;
	v46 =	vperm.xlane v60, v5;
	v63 =	vsel vm4, v42, v40;
	(pc) =	sbr.rel @!p6 .LBB2_26-.Ltmp17, $4  }
0x1eb: {  	v36 =	vmovc v29;
	v40 =	vsel vm4, v40, v42;
	v43 =	vmov v25;
	v44 =	vmov v27;
	(xrf1) =	vsort.ascd.msk.f32 $0xffff, v62, v63  }
0x1ec: {  	v47 =	vimm.f32 $3.000000010e+38;
	v41 =	vmovc v26;
	vm6 =	veq.f32 v19, v45;
	vm7 =	vle.s32 v21, v46;
	(xrf1) =	vsort.ascd.msk.f32 $0xffff, v38, v40  }
0x1ed: {  	v42 =	vmov v28;
	vm5 =	vlt.f32 v19, v45;
	vm6 =	vmand vm6, vm7;
	(xrf1) =	vsort.ascd.msk.f32 $0xffff, v59, v33;
	v35, v38, _ =	vpop (xrf1)  }
0x1ee: {  	s9 =	sadd.s32 $0xFFFFFFFF, s9;
	p5 =	por $0x1, $0x1;
	v40 =	vmov v30;
	vm3 =	veq.f32 v35, v32;
	vm4 =	vle.s32 v38, v31;
	v33, v34, _ =	vpop (xrf1)  }
.LBB2_27:
0x1ef: {  	vm7 =	vlt.f32 v35, v32;
	vm3 =	vmand vm3, vm4  }
0x1f0: {  	p6 =	sne.s32 s9, $0x1;
	s9 =	sadd.s32 $0xFFFFFFFF, s9;
	vm4 =	vmor vm5, vm6;
	vm3 =	vmor vm7, vm3  }
0x1f1: {  	v45 =	vsel vm4, v47, v45;
	v46 =	vsel vm4, v48, v46;
	v47 =	vsel vm3, v35, v32  }
0x1f2: {  	v48 =	vsel vm3, v38, v31;
	(xrf1) =	vsort.ascd.msk.f32 $0xffff, v45, v46  }
0x1f3: {  	v32 =	vsel vm3, v32, v35;
	v31 =	vsel vm3, v31, v38;
	(xrf1) =	vsort.ascd.msk.f32 $0xffff, v47, v48  }
0x1f4: {  	s7 =	sadd.s32 $0x10, s7;
	(xrf1) =	vsort.ascd.msk.f32 $0xffff, v32, v31;
	v31 =	vperm.xlane v43, v5;
	v32 =	vperm.xlane v44, v5;
	v43 =	vmov v41  }
0x1f5: {  	s8 =	sadd.s32 $0x10, s8;
	v41 =	vmov v36;
	v36 =	vmov v33;
	v44 =	vmov v42;
	v35 =	vld [tilespmem:s7+$0x0];
	v38, v47, _ =	vpop (xrf1)  }
0x1f6: {  	v42 =	vmov v40;
	v33 =	vld [tilespmem:s8+$0x0];
	v45, v46, _ =	vpop (xrf1);
	vm3 =	veq.f32 v38, v31;
	vm4 =	vle.s32 v47, v32  }
0x1f7: {  	v40 =	vmovc v34;
	vm5 =	vlt.f32 v38, v31;
	v48 =	vperm.xlane v46, v5;
	vm3 =	vmand vm3, vm4  }
0x1f8: {  	v34 =	vperm.xlane v45, v5;
	vm3 =	vmor vm5, vm3  }
0x1f9: {  	v45, v49, _ =	vpop (xrf1);
	v46 =	vsel vm3, v38, v31;
	v50 =	vsel vm3, v47, v32  }
0x1fa: {  	vm4 =	veq.f32 v45, v34;
	vm5 =	vle.s32 v49, v48;
	v51, v52, _ =	vpop (xrf1);
	(xrf1) =	vsort.ascd.msk.f32 $0xffff, v46, v50  }
0x1fb: {  	vm6 =	vlt.f32 v45, v34;
	(xrf1) =	vsort.ascd.msk.f32 $0xffff, v35, v33;
	vm4 =	vmand vm4, vm5;
	v33 =	vsel vm3, v31, v38;
	v35, v38, _ =	vpop (xrf1)  }
0x1fc: {  	v31 =	vperm.xlane v52, v5;
	vm4 =	vmor vm6, vm4;
	v46 =	vperm.xlane v38, v5  }
0x1fd: {  	v38 =	vsel vm4, v45, v34;
	v50 =	vsel vm4, v49, v48;
	v34 =	vsel vm4, v34, v45  }
.Ltmp18:
0x1fe: {  	v49 =	vsel vm4, v48, v49;
	v45 =	vperm.xlane v35, v5;
	(xrf1) =	vsort.ascd.msk.f32 $0xffff, v38, v50;
	(pc) =	sbr.rel @p6 .LBB2_27-.Ltmp18, $4  }
0x1ff: {  	(xrf1) =	vsort.ascd.msk.f32 $0xffff, v34, v49;
	v49 =	vsel vm3, v32, v47  }
0x200: {  	v32 =	vperm.xlane v51, v5;
	(xrf1) =	vsort.ascd.msk.f32 $0xffff, v33, v49;
	v47, v48, _ =	vpop (xrf1)  }
0x201: {  	v35, v38, _ =	vpop (xrf1);
	vm5 =	vlt.f32 v47, v45;
	vm6 =	veq.f32 v47, v45;
	vm7 =	vle.s32 v48, v46  }
0x202: {  	vm3 =	veq.f32 v35, v32;
	vm4 =	vle.s32 v38, v31;
	v33, v34, _ =	vpop (xrf1);
	vm6 =	vmand vm6, vm7  }
.LBB2_28:
0x203: {  	vm5 =	vmor @p5 vm5, vm6  }
0x204: {  	v45 =	vsel @p5 vm5, v47, v45;
	v46 =	vsel @p5 vm5, v48, v46  }
0x205: {  	s7 =	sld [smem:$0x7FC];
	(xrf1) =	vsort.ascd.msk.f32 @p5 $0xffff, v45, v46  }
0x206: {  	s13 =	sld [smem:$0x7FD]  }
0x207: {  	vm3 =	vmand @p1 vm3, vm4;
	vm5 =	vlt.f32 @p1 v35, v32  }
0x208: {  	vm3 =	vmor @p1 vm5, vm3  }
0x209: {  	p4 =	por p5, p5;
	v45 =	vsel @p1 vm3, v35, v32;
	p5 =	seq.s32 s7, $0x1;
	p6 =	seq.s32 s13, $0x1  }
0x20a: {  	v46 =	vsel @p1 vm3, v38, v31;
	v32 =	vsel @p1 vm3, v32, v35;
	v43 =	vperm.xlane @p5 v43, v5;
	v47, v48, _ =	vpop @p6 (xrf1)  }
0x20b: {  	v31 =	vsel @p1 vm3, v31, v38;
	v44 =	vperm.xlane @p5 v44, v5;
	v47 =	vpsel p6, v47, v19  }
0x20c: {  	v60, v49, _ =	vpop (xrf1);
	v48 =	vpsel p6, v48, v21;
	(xrf1) =	vsort.ascd.msk.f32 @p1 $0xffff, v45, v46;
	vm3 =	veq.f32 @p5 v47, v43  }
0x20d: {  	vm4 =	vle.s32 @p5 v48, v44;
	v49 =	vperm.xlane v49, v5;
	v35 =	vperm.xlane v60, v5;
	v38, v50, _ =	vpop @p0 (xrf1)  }
0x20e: {  	vm5 =	vlt.f32 @p5 v47, v43;
	v38 =	vpsel p0, v38, v19;
	v50 =	vpsel p0, v50, v21  }
0x20f: {  	vm3 =	vmand @p5 vm3, vm4;
	vm13 =	veq.f32 v38, v35;
	vm14 =	vle.s32 v50, v49  }
0x210: {  	vm3 =	vmor @p5 vm5, vm3;
	v51, v52, _ =	vpop @p0 (xrf1);
	vm15 =	vlt.f32 v38, v35;
	vm4 =	vmand vm13, vm14  }
0x211: {  	(xrf1) =	vsort.ascd.msk.f32 @p1 $0xffff, v32, v31;
	v31 =	vsel @p5 vm3, v47, v43;
	v53, v54, _ =	vpop @p6 (xrf1);
	vm4 =	vmor vm15, vm4  }
0x212: {  	v32 =	vperm.xlane @p6 v54, v5;
	v53 =	vperm.xlane @p6 v53, v5;
	v61 =	vsel vm4, v38, v35  }
0x213: {  	v35 =	vsel vm4, v35, v38;
	v62 =	vsel vm4, v50, v49;
	v49 =	vsel vm4, v49, v50;
	v55, v56, _ =	vpop @p4 (xrf1)  }
0x214: {  	v50 =	vsel @p5 vm3, v48, v44;
	v45 =	vpsel p4, v55, v19;
	v46 =	vpsel p4, v56, v21  }
0x215: {  	(xrf1) =	vsort.ascd.msk.f32 @p5 $0xffff, v31, v50;
	vm4 =	veq.f32 @p6 v45, v53;
	vm5 =	vle.s32 @p6 v46, v32  }
0x216: {  	v38 =	vsel @p5 vm3, v44, v48;
	vm4 =	vmand @p6 vm4, vm5;
	vm5 =	vlt.f32 @p6 v45, v53  }
0x217: {  	v31 =	vsel @p5 vm3, v43, v47;
	(xrf1) =	vsort.ascd.msk.f32 $0xffff, v61, v62;
	vm3 =	vmmov @p6 vm5;
	vm4 =	vmmov @p6 vm4  }
0x218: {  	(xrf1) =	vsort.ascd.msk.f32 $0xffff, v35, v49;
	v35 =	vpsel p6, v53, v0;
	v32 =	vpsel p6, v32, v0;
	vm3 =	vmor @p6 vm3, vm4  }
0x219: {  	(xrf1) =	vsort.ascd.msk.f32 @p5 $0xffff, v31, v38;
	v31 =	vsel @p6 vm3, v45, v35;
	v32 =	vsel @p6 vm3, v46, v32  }
0x21a: {  	s19 =	sld [smem:$0x7FB];
	(xrf1) =	vsort.ascd.msk.f32 @p6 $0xffff, v31, v32;
	_ =	sdelay $0x1  }
0x21b: {  	v35, v38, _ =	vpop @p1 (xrf1);
	v32 =	vperm.xlane @p0 v51, v5  }
0x21c: {  	p4 =	seq.s32 s19, $0x1;
	v31 =	vperm.xlane @p0 v52, v5;
	v43 =	vpsel p1, v35, v19  }
0x21d: {  	v44 =	vpsel p1, v38, v21;
	vm3 =	veq.f32 @p0 v43, v32;
	v32 =	vpsel p0, v32, v37;
	v37 =	vmovc @p4 v42  }
0x21e: {  	v35 =	vmov @p4 v41;
	vm4 =	vle.s32 @p0 v44, v31;
	v37 =	vpsel p4, v37, v22  }
0x21f: {  	v35 =	vpsel p4, v35, v20;
	vm1 =	vmmov @p0 vm3;
	vm2 =	vmmov @p0 vm4  }
0x220: {  	vm3 =	vlt.f32 @p0 v43, v32;
	vm1 =	vmand @p0 vm1, vm2  }
0x221: {  	v31 =	vpsel p0, v31, v39;
	v39, v38, _ =	vpop @p1 (xrf1);
	vm1 =	vmor @p0 vm3, vm1  }
0x222: {  	v41 =	vperm.xlane @p4 v35, v5;
	v42 =	vperm.xlane @p4 v37, v5;
	v47 =	vsel @p0 vm1, v43, v32;
	v35, v37, _ =	vpop @p5 (xrf1)  }
0x223: {  	v50 =	vsel @p0 vm1, v44, v31;
	v45 =	vpsel p5, v35, v19;
	v46 =	vpsel p5, v37, v21  }
0x224: {  	v32 =	vsel @p0 vm1, v32, v43;
	v37, v35, _ =	vpop (xrf1);
	vm2 =	veq.f32 @p4 v45, v41;
	vm3 =	vle.s32 @p4 v46, v42  }
0x225: {  	v31 =	vsel @p0 vm1, v31, v44;
	(xrf1) =	vsort.ascd.msk.f32 @p0 $0xffff, v47, v50;
	vm4 =	vlt.f32 @p4 v45, v41;
	v63, v49, _ =	vpop (xrf1);
	vm2 =	vmand @p4 vm2, vm3  }
0x226: {  	(xrf1) =	vsort.ascd.msk.f32 @p0 $0xffff, v32, v31;
	v51, v52, _ =	vpop @p5 (xrf1);
	vm1 =	vmor @p4 vm4, vm2  }
0x227: {  	v47 =	vperm.xlane @p5 v52, v5;
	v50 =	vperm.xlane @p5 v51, v5;
	v31 =	vsel @p4 vm1, v45, v41;
	v43, v44, _ =	vpop @p6 (xrf1)  }
0x228: {  	v32 =	vsel @p4 vm1, v46, v42;
	v43 =	vpsel p6, v43, v19;
	v44 =	vpsel p6, v44, v21  }
0x229: {  	(xrf1) =	vsort.ascd.msk.f32 @p4 $0xffff, v31, v32;
	vm2 =	veq.f32 @p5 v43, v50;
	vm3 =	vle.s32 @p5 v44, v47  }
0x22a: {  	v31 =	vsel @p4 vm1, v41, v45;
	vm4 =	vlt.f32 @p5 v43, v50;
	vm2 =	vmand @p5 vm2, vm3  }
0x22b: {  	v32 =	vsel @p4 vm1, v42, v46;
	vm1 =	vmmov @p5 vm4;
	vm2 =	vmmov @p5 vm2  }
0x22c: {  	v41 =	vpsel p5, v50, v0;
	v42 =	vpsel p5, v47, v0;
	vm1 =	vmor @p5 vm1, vm2  }
0x22d: {  	(xrf1) =	vsort.ascd.msk.f32 @p4 $0xffff, v31, v32;
	v31 =	vsel @p5 vm1, v43, v41;
	v32 =	vsel @p5 vm1, v44, v42  }
0x22e: {  	(xrf1) =	vsort.ascd.msk.f32 @p5 $0xffff, v31, v32;
	_ =	sdelay $0x4  }
0x22f: {  	v57 =	vperm.xlane v63, v5;
	v31 =	vmov @p3 v36;
	v32 =	vmov @p3 v40;
	v36, v40, _ =	vpop @p0 (xrf1)  }
0x230: {  	v56 =	vperm.xlane v49, v5;
	v31 =	vpsel p3, v31, v25;
	v58 =	vpsel p0, v36, v19  }
0x231: {  	v32 =	vpsel p3, v32, v27;
	v59 =	vpsel p0, v40, v21;
	vm1 =	veq.f32 v58, v57  }
0x232: {  	vm2 =	vle.s32 v59, v56;
	v40, v36, _ =	vpop @p0 (xrf1);
	v31 =	vpsel p3, v31, v23;
	v32 =	vpsel p3, v32, v24  }
0x233: {  	vm3 =	vlt.f32 v58, v57;
	vm1 =	vmand vm1, vm2;
	v31 =	vperm.xlane @p3 v31, v5;
	v45, v46, _ =	vpop @p4 (xrf1)  }
0x234: {  	v32 =	vperm.xlane @p3 v32, v5;
	vm1 =	vmor vm3, vm1;
	v45 =	vpsel p4, v45, v19  }
0x235: {  	v46 =	vpsel p4, v46, v21;
	v60 =	vsel vm1, v58, v57;
	v61 =	vsel vm1, v59, v56  }
0x236: {  	v42 =	vsel vm1, v57, v58;
	vm2 =	veq.f32 @p3 v45, v31;
	vm3 =	vle.s32 @p3 v46, v32  }
0x237: {  	v49, v50, _ =	vpop @p4 (xrf1);
	v41 =	vsel vm1, v56, v59;
	vm4 =	vlt.f32 @p3 v45, v31;
	(xrf1) =	vsort.ascd.msk.f32 $0xffff, v60, v61;
	vm2 =	vmand @p3 vm2, vm3  }
0x238: {  	v47 =	vperm.xlane @p4 v50, v5;
	v48 =	vperm.xlane @p4 v49, v5;
	(xrf1) =	vsort.ascd.msk.f32 $0xffff, v42, v41;
	vm1 =	vmor @p3 vm4, vm2;
	v43, v44, _ =	vpop @p5 (xrf1)  }
0x239: {  	v41 =	vsel @p3 vm1, v45, v31;
	v43 =	vpsel p5, v43, v19;
	v44 =	vpsel p5, v44, v21  }
0x23a: {  	v42 =	vsel @p3 vm1, v46, v32;
	vm2 =	veq.f32 @p4 v43, v48;
	vm3 =	vle.s32 @p4 v44, v47  }
0x23b: {  	v31 =	vsel @p3 vm1, v31, v45;
	(xrf1) =	vsort.ascd.msk.f32 @p3 $0xffff, v41, v42;
	vm4 =	vlt.f32 @p4 v43, v48;
	vm2 =	vmand @p4 vm2, vm3  }
0x23c: {  	v32 =	vsel @p3 vm1, v32, v46;
	vm1 =	vmmov @p4 vm4;
	vm2 =	vmmov @p4 vm2  }
0x23d: {  	v41 =	vpsel p4, v48, v0;
	v42 =	vpsel p4, v47, v0;
	vm1 =	vmor @p4 vm1, vm2  }
0x23e: {  	(xrf1) =	vsort.ascd.msk.f32 @p3 $0xffff, v31, v32;
	v31 =	vsel @p4 vm1, v43, v41;
	v32 =	vsel @p4 vm1, v44, v42  }
0x23f: {  	(xrf1) =	vsort.ascd.msk.f32 @p4 $0xffff, v31, v32;
	_ =	sdelay $0x1  }
0x240: {  	v31 =	vmov @p2 v33  }
0x241: {  	v32 =	vmov @p2 v34;
	v31 =	vpsel p2, v31, v26  }
0x242: {  	v32 =	vpsel p2, v32, v28;
	v31 =	vpsel p2, v31, v20  }
0x243: {  	v32 =	vpsel p2, v32, v22;
	_ =	sdelay $0x2  }
0x244: {  	v41 =	vmov @p2 v31;
	v42 =	vmov @p2 v32;
	v32, v31, _ =	vpop (xrf1)  }
0x245: {  	v41 =	vpsel p2, v41, v0;
	v42 =	vpsel p2, v42, v0;
	v63, v62, _ =	vpop (xrf1)  }
0x246: {  	v41 =	vperm.xlane @p2 v41, v5;
	v42 =	vperm.xlane @p2 v42, v5;
	v43, v44, _ =	vpop @p3 (xrf1)  }
0x247: {  	v43 =	vpsel p3, v43, v19;
	v44 =	vpsel p3, v44, v21  }
0x248: {  	vm1 =	veq.f32 @p2 v43, v41;
	vm2 =	vle.s32 @p2 v44, v42  }
0x249: {  	v45, v46, _ =	vpop @p3 (xrf1);
	vm3 =	vlt.f32 @p2 v43, v41;
	vm1 =	vmand @p2 vm1, vm2  }
0x24a: {  	v46 =	vperm.xlane @p3 v46, v5;
	v45 =	vperm.xlane @p3 v45, v5;
	vm1 =	vmor @p2 vm3, vm1;
	v47, v48, _ =	vpop @p4 (xrf1)  }
0x24b: {  	v47 =	vpsel p4, v47, v19;
	v48 =	vpsel p4, v48, v21;
	v49 =	vsel @p2 vm1, v43, v41  }
0x24c: {  	v50 =	vsel @p2 vm1, v44, v42;
	vm2 =	veq.f32 @p3 v47, v45;
	vm3 =	vle.s32 @p3 v48, v46  }
0x24d: {  	v41 =	vsel @p2 vm1, v41, v43;
	(xrf1) =	vsort.ascd.msk.f32 @p2 $0xffff, v49, v50;
	vm4 =	vlt.f32 @p3 v47, v45;
	vm2 =	vmand @p3 vm2, vm3  }
0x24e: {  	v42 =	vsel @p2 vm1, v42, v44;
	vm1 =	vmmov @p3 vm4;
	vm2 =	vmmov @p3 vm2  }
0x24f: {  	v43 =	vpsel p3, v45, v0;
	v44 =	vpsel p3, v46, v0;
	vm1 =	vmor @p3 vm1, vm2  }
0x250: {  	(xrf1) =	vsort.ascd.msk.f32 @p2 $0xffff, v41, v42;
	v41 =	vsel @p3 vm1, v47, v43;
	v42 =	vsel @p3 vm1, v48, v44  }
0x251: {  	(xrf1) =	vsort.ascd.msk.f32 @p3 $0xffff, v41, v42;
	_ =	sdelay $0x4  }
0x252: {  	v30 =	vpsel p1, v38, v30  }
0x253: {  	v29 =	vpsel p1, v39, v29;
	v27 =	vpsel p1, v30, v27  }
0x254: {  	v25 =	vpsel p1, v29, v25  }
0x255: {  	v23 =	vpsel p1, v25, v23;
	v24 =	vpsel p1, v27, v24  }
0x256: {  	v23 =	vpsel p1, v23, v0;
	v24 =	vpsel p1, v24, v0  }
0x257: {  	v23 =	vperm.xlane @p1 v23, v5;
	v24 =	vperm.xlane @p1 v24, v5;
	v25, v27, _ =	vpop @p2 (xrf1)  }
0x258: {  	v25 =	vpsel p2, v25, v19;
	v27 =	vpsel p2, v27, v21  }
0x259: {  	vm1 =	veq.f32 @p1 v25, v23;
	vm2 =	vle.s32 @p1 v27, v24  }
0x25a: {  	v29, v30, _ =	vpop @p2 (xrf1);
	vm3 =	vlt.f32 @p1 v25, v23;
	vm1 =	vmand @p1 vm1, vm2  }
0x25b: {  	v30 =	vperm.xlane @p2 v30, v5;
	v29 =	vperm.xlane @p2 v29, v5;
	vm1 =	vmor @p1 vm3, vm1;
	v38, v39, _ =	vpop @p3 (xrf1)  }
0x25c: {  	v41 =	vsel @p1 vm1, v25, v23;
	v38 =	vpsel p3, v38, v19;
	v39 =	vpsel p3, v39, v21  }
0x25d: {  	v42 =	vsel @p1 vm1, v27, v24;
	vm2 =	veq.f32 @p2 v38, v29;
	vm3 =	vle.s32 @p2 v39, v30  }
0x25e: {  	v23 =	vsel @p1 vm1, v23, v25;
	(xrf1) =	vsort.ascd.msk.f32 @p1 $0xffff, v41, v42;
	vm4 =	vlt.f32 @p2 v38, v29;
	vm2 =	vmand @p2 vm2, vm3  }
0x25f: {  	v24 =	vsel @p1 vm1, v24, v27;
	vm1 =	vmmov @p2 vm4;
	vm2 =	vmmov @p2 vm2  }
0x260: {  	v25 =	vpsel p2, v29, v0;
	v27 =	vpsel p2, v30, v0;
	vm1 =	vmor @p2 vm1, vm2  }
0x261: {  	(xrf1) =	vsort.ascd.msk.f32 @p1 $0xffff, v23, v24;
	v23 =	vsel @p2 vm1, v38, v25;
	v24 =	vsel @p2 vm1, v39, v27  }
0x262: {  	(xrf1) =	vsort.ascd.msk.f32 @p2 $0xffff, v23, v24;
	_ =	sdelay $0x5  }
0x263: {  	v23 =	vpsel p0, v40, v26;
	v24 =	vpsel p0, v36, v28  }
0x264: {  	v20 =	vpsel p0, v23, v20;
	v22 =	vpsel p0, v24, v22  }
0x265: {  	v20 =	vpsel p0, v20, v0;
	v22 =	vpsel p0, v22, v0  }
0x266: {  	v20 =	vpsel p0, v20, v0;
	v22 =	vpsel p0, v22, v0  }
0x267: {  	v20 =	vperm.xlane @p0 v20, v5;
	v22 =	vperm.xlane @p0 v22, v5;
	v23, v24, _ =	vpop @p1 (xrf1)  }
0x268: {  	v23 =	vpsel p1, v23, v19;
	v24 =	vpsel p1, v24, v21  }
0x269: {  	vm1 =	veq.f32 @p0 v23, v20;
	vm2 =	vle.s32 @p0 v24, v22  }
0x26a: {  	v25, v26, _ =	vpop @p1 (xrf1);
	vm3 =	vlt.f32 @p0 v23, v20;
	vm1 =	vmand @p0 vm1, vm2  }
0x26b: {  	v26 =	vperm.xlane @p1 v26, v5;
	v25 =	vperm.xlane @p1 v25, v5;
	vm1 =	vmor @p0 vm3, vm1;
	v27, v28, _ =	vpop @p2 (xrf1)  }
0x26c: {  	v29 =	vsel @p0 vm1, v23, v20;
	v27 =	vpsel p2, v27, v19;
	v28 =	vpsel p2, v28, v21  }
0x26d: {  	v30 =	vsel @p0 vm1, v24, v22;
	vm2 =	veq.f32 @p1 v27, v25;
	vm3 =	vle.s32 @p1 v28, v26  }
0x26e: {  	v20 =	vsel @p0 vm1, v20, v23;
	(xrf1) =	vsort.ascd.msk.f32 @p0 $0xffff, v29, v30;
	vm4 =	vlt.f32 @p1 v27, v25;
	vm2 =	vmand @p1 vm2, vm3  }
0x26f: {  	v22 =	vsel @p0 vm1, v22, v24;
	vm1 =	vmmov @p1 vm4;
	vm2 =	vmmov @p1 vm2  }
0x270: {  	v23 =	vpsel p1, v25, v0;
	v24 =	vpsel p1, v26, v0;
	vm1 =	vmor @p1 vm1, vm2  }
0x271: {  	(xrf1) =	vsort.ascd.msk.f32 @p0 $0xffff, v20, v22;
	v20 =	vsel @p1 vm1, v27, v23;
	v22 =	vsel @p1 vm1, v28, v24  }
0x272: {  	(xrf1) =	vsort.ascd.msk.f32 @p1 $0xffff, v20, v22;
	_ =	sdelay $0x9  }
0x273: {  	v20 =	vperm.xlane v63, v5;
	v22 =	vperm.xlane v62, v5;
	v23, v24, _ =	vpop @p0 (xrf1)  }
0x274: {  	v23 =	vpsel p0, v23, v19;
	v24 =	vpsel p0, v24, v21  }
0x275: {  	vm1 =	veq.f32 v23, v20;
	vm2 =	vle.s32 v24, v22  }
0x276: {  	v25, v26, _ =	vpop @p0 (xrf1);
	vm3 =	vlt.f32 v23, v20;
	vm1 =	vmand vm1, vm2  }
0x277: {  	v26 =	vperm.xlane @p0 v26, v5;
	v25 =	vperm.xlane @p0 v25, v5;
	vm1 =	vmor vm3, vm1;
	v27, v28, _ =	vpop @p1 (xrf1)  }
0x278: {  	v29 =	vsel vm1, v23, v20;
	v27 =	vpsel p1, v27, v19;
	v28 =	vpsel p1, v28, v21  }
0x279: {  	v30 =	vsel vm1, v24, v22;
	vm2 =	veq.f32 @p0 v27, v25;
	vm3 =	vle.s32 @p0 v28, v26  }
0x27a: {  	v20 =	vsel vm1, v20, v23;
	vm4 =	vlt.f32 @p0 v27, v25;
	vm2 =	vmand @p0 vm2, vm3  }
0x27b: {  	v22 =	vsel vm1, v22, v24;
	vm1 =	vmmov @p0 vm4;
	vm2 =	vmmov @p0 vm2  }
0x27c: {  	v23 =	vpsel p0, v25, v0;
	v24 =	vpsel p0, v26, v0;
	(xrf1) =	vsort.ascd.msk.f32 $0xffff, v29, v30;
	vm1 =	vmor @p0 vm1, vm2  }
0x27d: {  	(xrf1) =	vsort.ascd.msk.f32 $0xffff, v20, v22;
	v20 =	vsel @p0 vm1, v27, v23;
	v22 =	vsel @p0 vm1, v28, v24  }
0x27e: {  	(xrf1) =	vsort.ascd.msk.f32 @p0 $0xffff, v20, v22;
	_ =	sdelay $0xb  }
0x27f: {  	v25, v23, _ =	vpop (xrf1)  }
0x280: {  	v20, v22, _ =	vpop (xrf1)  }
0x281: {  	v22 =	vperm.xlane v22, v5;
	v20 =	vperm.xlane v20, v5;
	v24, v26, _ =	vpop @p0 (xrf1)  }
0x282: {  	v19 =	vpsel p0, v24, v19;
	v21 =	vpsel p0, v26, v21  }
0x283: {  	vm1 =	veq.f32 v19, v20;
	vm2 =	vle.s32 v21, v22  }
0x284: {  	vm3 =	vlt.f32 v19, v20;
	vm1 =	vmand vm1, vm2  }
0x285: {  	vm1 =	vmor vm3, vm1  }
0x286: {  	v19 =	vsel vm1, v19, v20;
	v20 =	vsel vm1, v21, v22  }
0x287: {  	(xrf1) =	vsort.ascd.msk.f32 $0xffff, v19, v20;
	_ =	sdelay $0x9  }
.Ltmp19:
0x288: {  	_ = 	snop;
	(pc) =	sbr.rel .LBB2_29-.Ltmp19, $2  }
0x289: {  	_ =	sdelay $0x2  }
0x28a: {  	v21 =	vmov v35;
	v19 =	vmov v37;
	v24, v22, _ =	vpop (xrf1)  }
.LBB2_8:
0x28b: {  	v32 =	vimm.f32 $3.000000010e+38;
	v31 =	vimm.s32 $0x0;
	v25 =	vimm.f32 $3.000000010e+38  }
0x28c: {  	v23 =	vimm.s32 $0x0;
	v24 =	vimm.f32 $3.000000010e+38;
	v22 =	vimm.s32 $0x0  }
.LBB2_29:
0x28d: {  	[tilespmem:$0x1D700] =	vst v19  }
0x28e: {  	[tilespmem:$0x1D780] =	vst v21  }
0x28f: {  	[tilespmem:$0x1D710] =	vst v32  }
0x290: {  	[tilespmem:$0x1D790] =	vst v31  }
0x291: {  	[tilespmem:$0x1D720] =	vst v25  }
0x292: {  	[tilespmem:$0x1D7A0] =	vst v23  }
0x293: {  	[tilespmem:$0x1D730] =	vst v24  }
0x294: {  	[tilespmem:$0x1D7B0] =	vst v22  }
0x295: {  	v20 =	vld.idx.msk [tilespmem:v6+s23+$0x0], $0xffff  }
0x296: {  	v26 =	vld.idx.msk [tilespmem:v7+s23+$0x0], $0xffff  }
0x297: {  	v27 =	vld.idx.msk [tilespmem:v8+s23+$0x0], $0xffff;
	_ =	sdelay $0x2  }
0x298: {  	vm1 =	vlt.f32 v19, v20;
	vm2 =	vgt.f32 v19, v20;
	v20 =	vld.idx.msk [tilespmem:v12+s23+$0x0], $0xffff  }
0x299: {  	vm3 =	vgt.f32 v32, v26  }
0x29a: {  	vm5 =	vgt.f32 v25, v27;
	vm1 =	vmor vm2, vm1;
	vm2 =	vlt.f32 v32, v26  }
0x29b: {  	vm4 =	vmneg vm1;
	vm2 =	vmor vm3, vm2;
	vm3 =	vlt.f32 v25, v27  }
0x29c: {  	vm4 =	vmand vm4, vm0;
	vm2 =	vmneg vm2;
	vm3 =	vmor vm5, vm3  }
0x29d: {  	v26 =	vmpcnt.ones.xlane vm4;
	vm4 =	vlt.f32 v24, v20;
	vm5 =	vgt.f32 v24, v20  }
0x29e: {  	vm3 =	vmneg vm3;
	v20 =	vmpcnt.ones.xlane vm2;
	vm4 =	vmor vm5, vm4  }
0x29f: {  	(v2sf) =	vpush v26, $0x0;
	v26 =	vmpcnt.ones.xlane vm3;
	vm4 =	vmneg vm4  }
0x2a0: {  	(v2sf) =	vpush v20, $0x0;
	v20 =	vmpcnt.ones.xlane vm4  }
0x2a1: {  	(v2sf) =	vpush v26, $0x0  }
0x2a2: {  	(v2sf) =	vpush v20, $0x0;
	_ =	sdelay $0xb  }
0x2a3: {  	s7 =	spop (v2sf)  }
0x2a4: {  	s8 =	spop (v2sf)  }
0x2a5: {  	s7 =	sadd.s32 s7, s8;
	s13 =	spop (v2sf)  }
0x2a6: {  	s7 =	sadd.s32 s13, s7;
	s19 =	spop (v2sf)  }
0x2a7: {  	s7 =	sadd.s32 s19, s7  }
0x2a8: {  	p0 =	slt.s32 s7, $0x1  }
.Ltmp20:
0x2a9: {  	_ = 	snop;
	(pc) =	sbr.rel @p0 .LBB2_31-.Ltmp20, $1  }
0x2aa: {  	_ =	sdelay $0x3  }
0x2ab: {  	v19 =	vsel vm4, $0x7FFFFFFF, v9  }
0x2ac: {  	(xrf0) =	vmax.scan.msk.u32 $0xffff, v19;
	v19 =	vsel vm3, $0x7FFFFFFF, v10  }
0x2ad: {  	(xrf0) =	vmax.scan.msk.u32 $0xffff, v19;
	v19 =	vsel vm2, $0x7FFFFFFF, v11  }
0x2ae: {  	(xrf0) =	vmax.scan.msk.u32 $0xffff, v19;
	v19 =	vsel vm1, v14, v13  }
0x2af: {  	(xrf0) =	vmax.scan.msk.u32 $0xffff, v19;
	_ =	sdelay $0x2  }
0x2b0: {  	v19, _, _ =	vpop (xrf0)  }
0x2b1: {  	v20, _, _ =	vpop (xrf0)  }
0x2b2: {  	v24, _, _ =	vpop (xrf0)  }
0x2b3: {  	v25, _, _ =	vpop (xrf0)  }
0x2b4: {  	v25 =	vxor.u32 $0x80000000, v25  }
0x2b5: {  	v26 =	vshra.s32 v25, $0x1F  }
0x2b6: {  	v25 =	vor.u32 v26, v25  }
0x2b7: {  	v26 =	vshll.u32 v25, $0xB  }
0x2b8: {  	v21 =	vadd.s32 v21, v26  }
0x2b9: {  	v21 =	vxor.u32 $0x80000000, v21  }
0x2ba: {  	(xrf1) =	vsort.ascd.msk.u32 $0xffff, v21, v0;
	_ =	sdelay $0xd  }
0x2bb: {  	v21, v26, _ =	vpop (xrf1)  }
0x2bc: {  	v21 =	vxor.u32 $0x80000000, v21  }
0x2bd: {  	v21 =	vperm.xlane v21, v5;
	_ =	sdelay $0x1  }
0x2be: {  	v26 =	vperm.xlane v26, v5;
	vm1 =	vlt.s32 v21, $0x40000000  }
0x2bf: {  	vm2 =	vgt.s32 v21, $0x3FFFFFFF;
	v27 =	vnsel vm1, $0x40000000, v21  }
0x2c0: {  	v28 =	vsel vm2, $0x0, v26;
	v21 =	vsel vm1, $0x40000000, v21;
	v27 =	vxor.u32 $0x80000000, v27  }
0x2c1: {  	v26 =	vnsel vm2, $0x0, v26;
	v21 =	vor.u32 $0x80000000, v21;
	(xrf1) =	vsort.ascd.msk.u32 $0xffff, v27, v28  }
0x2c2: {  	(xrf1) =	vsort.ascd.msk.u32 $0xffff, v21, v26;
	_ =	sdelay $0xc  }
0x2c3: {  	v21, v26, _ =	vpop (xrf1)  }
0x2c4: {  	v27, v28, _ =	vpop (xrf1)  }
0x2c5: {  	v27 =	vxor.u32 $0x80000000, v27  }
0x2c6: {  	v27 =	vperm.xlane v27, v5;
	_ =	sdelay $0x1  }
0x2c7: {  	v28 =	vperm.xlane v28, v5;
	vm1 =	vlt.s32 v27, $0x40000000  }
0x2c8: {  	vm2 =	vgt.s32 v27, $0x3FFFFFFF;
	v29 =	vnsel vm1, $0x40000000, v27  }
0x2c9: {  	v30 =	vsel vm2, $0x0, v28;
	v27 =	vsel vm1, $0x40000000, v27;
	v29 =	vxor.u32 $0x80000000, v29  }
0x2ca: {  	v28 =	vnsel vm2, $0x0, v28;
	v27 =	vor.u32 $0x80000000, v27;
	(xrf1) =	vsort.ascd.msk.u32 $0xffff, v29, v30  }
0x2cb: {  	(xrf1) =	vsort.ascd.msk.u32 $0xffff, v27, v28;
	_ =	sdelay $0xc  }
0x2cc: {  	v27, v28, _ =	vpop (xrf1)  }
0x2cd: {  	v29, v30, _ =	vpop (xrf1)  }
0x2ce: {  	v29 =	vxor.u32 $0x80000000, v29  }
0x2cf: {  	v29 =	vperm.xlane v29, v5;
	_ =	sdelay $0x1  }
0x2d0: {  	v30 =	vperm.xlane v30, v5;
	vm1 =	vlt.s32 v29, $0x40000000  }
0x2d1: {  	vm2 =	vgt.s32 v29, $0x3FFFFFFF;
	v32 =	vnsel vm1, $0x40000000, v29  }
0x2d2: {  	v33 =	vsel vm2, $0x0, v30;
	v29 =	vsel vm1, $0x40000000, v29;
	v32 =	vxor.u32 $0x80000000, v32  }
0x2d3: {  	v30 =	vnsel vm2, $0x0, v30;
	v29 =	vor.u32 $0x80000000, v29;
	(xrf1) =	vsort.ascd.msk.u32 $0xffff, v32, v33  }
0x2d4: {  	(xrf1) =	vsort.ascd.msk.u32 $0xffff, v29, v30;
	_ =	sdelay $0xc  }
0x2d5: {  	v29, v30, _ =	vpop (xrf1)  }
0x2d6: {  	v32, v33, _ =	vpop (xrf1)  }
0x2d7: {  	v25 =	vbroadcast v25, $0xF;
	v32 =	vxor.u32 $0x80000000, v32  }
0x2d8: {  	v24 =	vxor.u32 $0x80000000, v24;
	v32 =	vperm.xlane v32, v5  }
0x2d9: {  	vm1 =	vgt.s32 v24, v25  }
0x2da: {  	v24 =	vsel vm1, v24, v25;
	v25 =	vperm.xlane v33, v5;
	vm1 =	vlt.s32 v32, $0x40000000  }
0x2db: {  	v46 =	vshll.u32 v24, $0xB;
	vm2 =	vgt.s32 v32, $0x3FFFFFFF;
	v32 =	vnsel vm1, $0x40000000, v32  }
0x2dc: {  	v31 =	vadd.s32 v31, v46;
	v25 =	vsel vm2, $0x0, v25;
	v32 =	vxor.u32 $0x80000000, v32  }
0x2dd: {  	(xrf1) =	vsort.ascd.msk.u32 $0xffff, v32, v25;
	v25 =	vxor.u32 $0x80000000, v31  }
0x2de: {  	(xrf1) =	vsort.ascd.msk.u32 $0xffff, v25, v15;
	_ =	sdelay $0xc  }
0x2df: {  	v25, v31, _ =	vpop (xrf1)  }
0x2e0: {  	v48, v47, _ =	vpop (xrf1)  }
0x2e1: {  	v32 =	vxor.u32 $0x80000000, v48  }
0x2e2: {  	v32 =	vperm.xlane v32, v5  }
0x2e3: {  	v21 =	vxor.u32 $0x80000000, v21  }
0x2e4: {  	v33 =	vperm.xlane v47, v5;
	vm1 =	vgt.s32 v21, v32  }
0x2e5: {  	v34 =	vsel vm1, v32, v21  }
0x2e6: {  	v21 =	vsel vm1, v21, v32;
	v49 =	vsel vm1, v33, v26;
	v34 =	vxor.u32 $0x80000000, v34  }
0x2e7: {  	v26 =	vsel vm1, v26, v33;
	v21 =	vxor.u32 $0x80000000, v21;
	(xrf1) =	vsort.ascd.msk.u32 $0xffff, v34, v49  }
0x2e8: {  	(xrf1) =	vsort.ascd.msk.u32 $0xffff, v21, v26;
	_ =	sdelay $0xc  }
0x2e9: {  	v21, v26, _ =	vpop (xrf1)  }
0x2ea: {  	v51, v50, _ =	vpop (xrf1)  }
0x2eb: {  	v32 =	vxor.u32 $0x80000000, v51  }
0x2ec: {  	v32 =	vperm.xlane v32, v5  }
0x2ed: {  	v27 =	vxor.u32 $0x80000000, v27  }
0x2ee: {  	v33 =	vperm.xlane v50, v5;
	vm1 =	vgt.s32 v27, v32  }
0x2ef: {  	v52 =	vsel vm1, v32, v27  }
0x2f0: {  	v27 =	vsel vm1, v27, v32;
	v53 =	vsel vm1, v33, v28;
	v34 =	vxor.u32 $0x80000000, v52  }
0x2f1: {  	v28 =	vsel vm1, v28, v33;
	v27 =	vxor.u32 $0x80000000, v27;
	(xrf1) =	vsort.ascd.msk.u32 $0xffff, v34, v53  }
0x2f2: {  	(xrf1) =	vsort.ascd.msk.u32 $0xffff, v27, v28;
	_ =	sdelay $0xc  }
0x2f3: {  	v27, v28, _ =	vpop (xrf1)  }
0x2f4: {  	v55, v54, _ =	vpop (xrf1)  }
0x2f5: {  	v32 =	vxor.u32 $0x80000000, v55  }
0x2f6: {  	v32 =	vperm.xlane v32, v5  }
0x2f7: {  	v29 =	vxor.u32 $0x80000000, v29  }
0x2f8: {  	v33 =	vperm.xlane v54, v5;
	vm1 =	vgt.s32 v29, v32  }
0x2f9: {  	v56 =	vsel vm1, v32, v29  }
0x2fa: {  	v29 =	vsel vm1, v29, v32;
	v57 =	vsel vm1, v33, v30;
	v34 =	vxor.u32 $0x80000000, v56  }
0x2fb: {  	v30 =	vsel vm1, v30, v33;
	v29 =	vxor.u32 $0x80000000, v29;
	(xrf1) =	vsort.ascd.msk.u32 $0xffff, v34, v57  }
0x2fc: {  	(xrf1) =	vsort.ascd.msk.u32 $0xffff, v29, v30;
	_ =	sdelay $0xc  }
0x2fd: {  	v29, v30, _ =	vpop (xrf1)  }
0x2fe: {  	v59, v58, _ =	vpop (xrf1)  }
0x2ff: {  	v24 =	vbroadcast v24, $0xF;
	v32 =	vxor.u32 $0x80000000, v59  }
0x300: {  	v20 =	vxor.u32 $0x80000000, v20;
	v32 =	vperm.xlane v32, v5  }
0x301: {  	v25 =	vxor.u32 $0x80000000, v25;
	vm1 =	vgt.s32 v20, v24  }
0x302: {  	v20 =	vsel vm1, v20, v24;
	v24 =	vperm.xlane v58, v5;
	vm1 =	vgt.s32 v25, v32  }
0x303: {  	v60 =	vshll.u32 v20, $0xB;
	v25 =	vsel vm1, v32, v25  }
0x304: {  	v23 =	vadd.s32 v23, v60;
	v24 =	vsel vm1, v24, v31;
	v25 =	vxor.u32 $0x80000000, v25  }
0x305: {  	v23 =	vxor.u32 $0x80000000, v23;
	(xrf1) =	vsort.ascd.msk.u32 $0xffff, v25, v24  }
0x306: {  	(xrf1) =	vsort.ascd.msk.u32 $0xffff, v23, v16;
	_ =	sdelay $0xc  }
0x307: {  	v23, v24, _ =	vpop (xrf1)  }
0x308: {  	v25, v31, _ =	vpop (xrf1)  }
0x309: {  	v25 =	vxor.u32 $0x80000000, v25  }
0x30a: {  	v25 =	vperm.xlane v25, v5  }
0x30b: {  	v21 =	vxor.u32 $0x80000000, v21  }
0x30c: {  	v31 =	vperm.xlane v31, v5;
	vm1 =	vgt.s32 v21, v25  }
0x30d: {  	v61 =	vsel vm1, v25, v21  }
0x30e: {  	v21 =	vsel vm1, v21, v25;
	v25 =	vsel vm1, v31, v26;
	v32 =	vxor.u32 $0x80000000, v61  }
0x30f: {  	v26 =	vsel vm1, v26, v31;
	v21 =	vxor.u32 $0x80000000, v21;
	(xrf1) =	vsort.ascd.msk.u32 $0xffff, v32, v25  }
0x310: {  	(xrf1) =	vsort.ascd.msk.u32 $0xffff, v21, v26;
	_ =	sdelay $0xc  }
0x311: {  	v21, v25, _ =	vpop (xrf1)  }
0x312: {  	v26, v31, _ =	vpop (xrf1)  }
0x313: {  	v26 =	vxor.u32 $0x80000000, v26  }
0x314: {  	v26 =	vperm.xlane v26, v5  }
0x315: {  	v27 =	vxor.u32 $0x80000000, v27  }
0x316: {  	v31 =	vperm.xlane v31, v5;
	vm1 =	vgt.s32 v27, v26  }
0x317: {  	v62 =	vsel vm1, v26, v27  }
0x318: {  	v26 =	vsel vm1, v27, v26;
	v27 =	vsel vm1, v31, v28;
	v32 =	vxor.u32 $0x80000000, v62  }
0x319: {  	v28 =	vsel vm1, v28, v31;
	v26 =	vxor.u32 $0x80000000, v26;
	(xrf1) =	vsort.ascd.msk.u32 $0xffff, v32, v27  }
0x31a: {  	(xrf1) =	vsort.ascd.msk.u32 $0xffff, v26, v28;
	_ =	sdelay $0xc  }
0x31b: {  	v26, v27, _ =	vpop (xrf1)  }
0x31c: {  	v28, v31, _ =	vpop (xrf1)  }
0x31d: {  	v28 =	vxor.u32 $0x80000000, v28  }
0x31e: {  	v28 =	vperm.xlane v28, v5  }
0x31f: {  	v29 =	vxor.u32 $0x80000000, v29  }
0x320: {  	v31 =	vperm.xlane v31, v5;
	vm1 =	vgt.s32 v29, v28  }
0x321: {  	v63 =	vsel vm1, v28, v29  }
0x322: {  	v28 =	vsel vm1, v29, v28;
	v29 =	vsel vm1, v31, v30;
	v32 =	vxor.u32 $0x80000000, v63  }
0x323: {  	v30 =	vsel vm1, v30, v31;
	v28 =	vxor.u32 $0x80000000, v28;
	(xrf1) =	vsort.ascd.msk.u32 $0xffff, v32, v29  }
0x324: {  	(xrf1) =	vsort.ascd.msk.u32 $0xffff, v28, v30;
	_ =	sdelay $0xc  }
0x325: {  	v28, v29, _ =	vpop (xrf1)  }
0x326: {  	v30, v31, _ =	vpop (xrf1)  }
0x327: {  	v20 =	vbroadcast v20, $0xF;
	v30 =	vxor.u32 $0x80000000, v30  }
0x328: {  	v19 =	vxor.u32 $0x80000000, v19;
	v30 =	vperm.xlane v30, v5  }
0x329: {  	v23 =	vxor.u32 $0x80000000, v23;
	vm1 =	vgt.s32 v19, v20  }
0x32a: {  	v19 =	vsel vm1, v19, v20;
	v20 =	vperm.xlane v31, v5;
	vm1 =	vgt.s32 v23, v30  }
0x32b: {  	v19 =	vshll.u32 v19, $0xB;
	v23 =	vsel vm1, v30, v23  }
0x32c: {  	v19 =	vadd.s32 v22, v19;
	v20 =	vsel vm1, v20, v24;
	v22 =	vxor.u32 $0x80000000, v23  }
0x32d: {  	v19 =	vxor.u32 $0x80000000, v19;
	(xrf1) =	vsort.ascd.msk.u32 $0xffff, v22, v20  }
0x32e: {  	(xrf1) =	vsort.ascd.msk.u32 $0xffff, v19, v17;
	_ =	sdelay $0xc  }
0x32f: {  	v19, v20, _ =	vpop (xrf1)  }
0x330: {  	v22, v23, _ =	vpop (xrf1)  }
0x331: {  	v22 =	vxor.u32 $0x80000000, v22  }
0x332: {  	v22 =	vperm.xlane v22, v5  }
0x333: {  	v21 =	vxor.u32 $0x80000000, v21  }
0x334: {  	v23 =	vperm.xlane v23, v5;
	vm1 =	vgt.s32 v21, v22  }
0x335: {  	v24 =	vsel vm1, v22, v21  }
0x336: {  	v30 =	vsel vm1, v23, v25;
	v21 =	vsel vm1, v21, v22;
	v22 =	vxor.u32 $0x80000000, v24  }
0x337: {  	v23 =	vsel vm1, v25, v23;
	v21 =	vxor.u32 $0x80000000, v21;
	(xrf1) =	vsort.ascd.msk.u32 $0xffff, v22, v30  }
0x338: {  	(xrf1) =	vsort.ascd.msk.u32 $0xffff, v21, v23;
	_ =	sdelay $0xc  }
0x339: {  	_, v21, _ =	vpop (xrf1)  }
0x33a: {  	v22, v23, _ =	vpop (xrf1)  }
0x33b: {  	v22 =	vxor.u32 $0x80000000, v22  }
0x33c: {  	v22 =	vperm.xlane v22, v5  }
0x33d: {  	v24 =	vxor.u32 $0x80000000, v26  }
0x33e: {  	v23 =	vperm.xlane v23, v5;
	vm1 =	vgt.s32 v24, v22  }
0x33f: {  	v25 =	vsel vm1, v22, v24  }
0x340: {  	v26 =	vsel vm1, v23, v27;
	v22 =	vsel vm1, v24, v22;
	v24 =	vxor.u32 $0x80000000, v25  }
0x341: {  	v23 =	vsel vm1, v27, v23;
	v22 =	vxor.u32 $0x80000000, v22;
	(xrf1) =	vsort.ascd.msk.u32 $0xffff, v24, v26  }
0x342: {  	(xrf1) =	vsort.ascd.msk.u32 $0xffff, v22, v23;
	_ =	sdelay $0xc  }
0x343: {  	_, v22, _ =	vpop (xrf1)  }
0x344: {  	v23, v24, _ =	vpop (xrf1)  }
0x345: {  	v23 =	vxor.u32 $0x80000000, v23  }
0x346: {  	v23 =	vperm.xlane v23, v5  }
0x347: {  	v25 =	vxor.u32 $0x80000000, v28  }
0x348: {  	v24 =	vperm.xlane v24, v5;
	vm1 =	vgt.s32 v25, v23  }
0x349: {  	v26 =	vsel vm1, v23, v25  }
0x34a: {  	v27 =	vsel vm1, v24, v29;
	v23 =	vsel vm1, v25, v23;
	v25 =	vxor.u32 $0x80000000, v26  }
0x34b: {  	v24 =	vsel vm1, v29, v24;
	v23 =	vxor.u32 $0x80000000, v23;
	(xrf1) =	vsort.ascd.msk.u32 $0xffff, v25, v27  }
0x34c: {  	(xrf1) =	vsort.ascd.msk.u32 $0xffff, v23, v24;
	_ =	sdelay $0xc  }
0x34d: {  	_, v23, _ =	vpop (xrf1)  }
0x34e: {  	v24, v25, _ =	vpop (xrf1)  }
0x34f: {  	v24 =	vxor.u32 $0x80000000, v24  }
0x350: {  	v24 =	vperm.xlane v24, v5  }
0x351: {  	v19 =	vxor.u32 $0x80000000, v19  }
0x352: {  	v25 =	vperm.xlane v25, v5;
	vm1 =	vgt.s32 v19, v24  }
0x353: {  	v19 =	vsel vm1, v24, v19  }
0x354: {  	v20 =	vsel vm1, v25, v20;
	v19 =	vxor.u32 $0x80000000, v19  }
0x355: {  	(xrf1) =	vsort.ascd.msk.u32 $0xffff, v19, v20;
	_ =	sdelay $0xb  }
0x356: {  	v32 =	vld.idx.msk [tilespmem:v22+s23+$0x0], $0xffff  }
0x357: {  	v31 =	vld.idx.msk [tilespmem:v22+s24+$0x0], $0xffff  }
0x358: {  	v25 =	vld.idx.msk [tilespmem:v23+s23+$0x0], $0xffff;
	_, v20, _ =	vpop (xrf1)  }
.Ltmp21:
0x359: {  	v19 =	vld.idx.msk [tilespmem:v21+s23+$0x0], $0xffff;
	(pc) =	sbr.rel .LBB2_31-.Ltmp21, $4  }
0x35a: {  	v23 =	vld.idx.msk [tilespmem:v23+s24+$0x0], $0xffff  }
0x35b: {  	v21 =	vld.idx.msk [tilespmem:v21+s24+$0x0], $0xffff  }
0x35c: {  	v24 =	vld.idx.msk [tilespmem:v20+s23+$0x0], $0xffff  }
0x35d: {  	v22 =	vld.idx.msk [tilespmem:v20+s24+$0x0], $0xffff  }
.LBB2_10:
.Ltmp22:
0x35e: {  	(pc) =	sbr.rel .LBB2_28-.Ltmp22, $4  }
0x35f: {  	p4 =	por $0x0, $0x0  }
0x360: {  	s7 =	simm.s32 @!p4 $0x0  }
0x361: {  	v35 =	vimm.f32 $3.000000010e+38;
	s7 =	simm.s32 @p4 $0x1  }
0x362: {  	v47 =	vimm.f32 $3.000000010e+38;
	v48 =	vimm.s32 $0x0;
	v38 =	vimm.s32 $0x0;
	[smem:$0x7FB] =	sst s7  }
.LBB2_12:
.Ltmp23:
0x363: {  	(pc) =	sbr.rel .LBB2_28-.Ltmp23, $4  }
0x364: {  	p4 =	por $0x0, $0x0  }
0x365: {  	s7 =	simm.s32 @!p4 $0x0  }
0x366: {  	v35 =	vimm.f32 $3.000000010e+38;
	s7 =	simm.s32 @p4 $0x1  }
0x367: {  	v47 =	vimm.f32 $3.000000010e+38;
	v48 =	vimm.s32 $0x0;
	v38 =	vimm.s32 $0x0;
	[smem:$0x7FB] =	sst s7  }
.LBB2_14:
.Ltmp24:
0x368: {  	(pc) =	sbr.rel .LBB2_28-.Ltmp24, $4  }
0x369: {  	p4 =	por $0x0, $0x0  }
0x36a: {  	s7 =	simm.s32 @!p4 $0x0  }
0x36b: {  	v35 =	vimm.f32 $3.000000010e+38;
	s7 =	simm.s32 @p4 $0x1  }
0x36c: {  	v47 =	vimm.f32 $3.000000010e+38;
	v48 =	vimm.s32 $0x0;
	v38 =	vimm.s32 $0x0;
	[smem:$0x7FB] =	sst s7  }
.LBB2_16:
.Ltmp25:
0x36d: {  	(pc) =	sbr.rel .LBB2_28-.Ltmp25, $4  }
0x36e: {  	p4 =	por $0x0, $0x0  }
0x36f: {  	s7 =	simm.s32 @!p4 $0x0  }
0x370: {  	s7 =	simm.s32 @p4 $0x1  }
0x371: {  	v33 =	vmovc v23;
	v34 =	vmov v24;
	v47 =	vimm.f32 $3.000000010e+38;
	v48 =	vimm.s32 $0x0;
	[smem:$0x7FB] =	sst s7  }
.LBB2_18:
.Ltmp26:
0x372: {  	(pc) =	sbr.rel .LBB2_28-.Ltmp26, $4  }
0x373: {  	p4 =	por $0x0, $0x0  }
0x374: {  	s7 =	simm.s32 @!p4 $0x0  }
0x375: {  	v36 =	vmov v23;
	s7 =	simm.s32 @p4 $0x1  }
0x376: {  	v33 =	vmovc v20;
	v40 =	vmovc v24;
	v34 =	vmov v22;
	v47 =	vimm.f32 $3.000000010e+38;
	v48 =	vimm.s32 $0x0;
	[smem:$0x7FB] =	sst s7  }
.LBB2_20:
.Ltmp27:
0x377: {  	(pc) =	sbr.rel .LBB2_28-.Ltmp27, $4  }
0x378: {  	p4 =	por $0x1, $0x1  }
0x379: {  	s7 =	simm.s32 @!p4 $0x0  }
0x37a: {  	v33 =	vmov v25;
	v34 =	vmov v27;
	v47 =	vimm.f32 $3.000000010e+38;
	s7 =	simm.s32 @p4 $0x1  }
0x37b: {  	v48 =	vimm.s32 $0x0;
	v41 =	vmovc v23;
	v36 =	vmovc v20;
	v42 =	vmov v24;
	v40 =	vmov v22;
	[smem:$0x7FB] =	sst s7  }
.LBB2_22:
.Ltmp28:
0x37c: {  	(pc) =	sbr.rel .LBB2_28-.Ltmp28, $4  }
0x37d: {  	p4 =	por $0x1, $0x1  }
0x37e: {  	s7 =	simm.s32 @!p4 $0x0  }
0x37f: {  	v47 =	vimm.f32 $3.000000010e+38;
	v48 =	vimm.s32 $0x0;
	v43 =	vmovc v23;
	v44 =	vmovc v24;
	v41 =	vmov v20;
	s7 =	simm.s32 @p4 $0x1  }
0x380: {  	v36 =	vmovc v25;
	v33 =	vmovc v26;
	v42 =	vmov v22;
	v40 =	vmov v27;
	v34 =	vmov v28;
	p5 =	por $0x0, $0x0;
	[smem:$0x7FB] =	sst s7  }
.LBB2_24:
.Ltmp29:
0x381: {  	(pc) =	sbr.rel .LBB2_28-.Ltmp29, $4  }
0x382: {  	_ = 	snop  }
0x383: {  	s7 =	simm.s32 @!p4 $0x0;
	v32 =	vmovc v37;
	vm3 =	vmmov vm1;
	vm4 =	vmmov vm2;
	v47 =	vimm.f32 $3.000000010e+38  }
0x384: {  	v48 =	vimm.s32 $0x0;
	v31 =	vmovc v39;
	v43 =	vmovc v20;
	v44 =	vmov v22;
	v41 =	vmov v25;
	s7 =	simm.s32 @p4 $0x1  }
0x385: {  	v36 =	vmovc v26;
	v33 =	vmovc v29;
	v42 =	vmov v27;
	v40 =	vmov v28;
	v34 =	vmov v30;
	p5 =	por $0x0, $0x0;
	[smem:$0x7FB] =	sst s7  }
.LBB2_26:
.Ltmp30:
0x386: {  	(pc) =	sbr.rel .LBB2_28-.Ltmp30, $3  }
0x387: {  	_ =	sdelay $0x1  }
0x388: {  	v47 =	vimm.f32 $3.000000010e+38;
	v48 =	vimm.s32 $0x0;
	v43 =	vmov v25  }
0x389: {  	v44 =	vmovc v27;
	v41 =	vmovc v26;
	v36 =	vmov v29;
	v42 =	vmov v28;
	v40 =	vmov v30  }
.LBB2_32:
0x38a: {  	s6 =	sadd.s32 s28, s10  }
.Ltmp31:
0x38b: {  	_ =	swait.ge [sflag:s26], $0x2000;
	s6 =	smin.u32 s6, $0x1FF8;
	(pc) =	sbr.rel .LBB2_33-.Ltmp31, $4  }
0x38c: {  	[sflag:s26] =	ssyncset.done $0x0;
	s6 =	sshll.u32 s6, $0x7  }
0x38d: {  	s28 =	simm.s32 $0x0;
	[sflag:s26] =	ssyncadd.s32 $0xFFFFE000;
	s6 =	sadd.s32 s3, s6  }
0x38e: {  	[tilespmem:s28], [sflag:$0x1] =	stream.linear.gather [hbm4b:s6+s28], $0x2000, $0x38;
	[tilespmem:$0x1D800] =	vst v63  }
0x38f: {  	s6 =	simm.s32 $0x0  }
.LBB2_61:
0x390: {  	v28 =	vmax.f32 v23, $1.000000000e-30  }
0x391: {  	v29 =	vshrl.u32 v28, $0x1;
	v28 =	vmul.f32 $-5.000000000e-01, v28  }
0x392: {  	v29 =	vsub.s32 $0x5F3759DF, v29  }
0x393: {  	v30 =	vmul.f32 v29, v28;
	_ =	sdelay $0x1  }
0x394: {  	v30 =	vmul.f32 v29, v30;
	_ =	sdelay $0x1  }
0x395: {  	v30 =	vadd.f32 $1.500000000e+00, v30;
	_ =	sdelay $0x1  }
0x396: {  	v29 =	vmul.f32 v29, v30;
	_ =	sdelay $0x1  }
0x397: {  	v30 =	vmul.f32 v29, v28;
	_ =	sdelay $0x1  }
0x398: {  	v30 =	vmul.f32 v30, v29;
	_ =	sdelay $0x1  }
0x399: {  	v30 =	vadd.f32 $1.500000000e+00, v30;
	_ =	sdelay $0x1  }
0x39a: {  	v29 =	vmul.f32 v30, v29;
	_ =	sdelay $0x1  }
0x39b: {  	s7 =	sor.u32 s1, s6;
	v28 =	vmul.f32 v29, v28  }
0x39c: {  	s8 =	ssub.s32 s7, s4  }
0x39d: {  	v31 =	vmov s8;
	v28 =	vmul.f32 v28, v29;
	_ =	sdelay $0x1  }
0x39e: {  	v28 =	vadd.f32 $1.500000000e+00, v28;
	_ =	sdelay $0x1  }
0x39f: {  	v32 =	vmul.f32 v28, v29  }
0x3a0: {  	s13 =	ssub.s32 s7, s5;
	v40 =	vld.idx.msk [tilespmem:v31+s14+$0x0], $0xffff  }
0x3a1: {  	v43 =	vadd.s32 v1, v22;
	vm1 =	vlt.f32 v23, $4.900000000e+01;
	s7 =	sshll.u32 s13, $0x6;
	v41 =	vld.idx.msk [tilespmem:v31+s15+$0x0], $0xffff;
	v23 =	vmul.f32 v32, v23  }
0x3a2: {  	v44 =	vsel vm1, $0x1, v2;
	v42 =	vld.idx.msk [tilespmem:v31+s16+$0x0], $0xffff;
	[tilespmem:s7+$0x5700] =	vst v43  }
0x3a3: {  	[tilespmem:s7+$0x19700] =	vst v44;
	v23 =	vnsel vm1, $0x0, v23  }
0x3a4: {  	[tilespmem:s7+$0x9700] =	vst v23  }
0x3a5: {  	v23 =	vld.idx.msk [tilespmem:v22+s14+$0x0], $0xffff;
	_ =	sdelay $0x1  }
0x3a6: {  	v45 =	vmax.f32 v35, $1.000000000e-30;
	s8 =	smul.u32 $0xC0, s13  }
0x3a7: {  	v46 =	vshrl.u32 v45, $0x1;
	v31 =	vmul.f32 $-5.000000000e-01, v45  }
0x3a8: {  	v33 =	vor.u32 s8, v19;
	v32 =	vsub.s32 $0x5F3759DF, v46  }
0x3a9: {  	v36 =	vmul.f32 v32, v31;
	v23 =	vsub.f32 v23, v40  }
0x3aa: {  	v37 =	vsel vm1, $0x3F800000, v18  }
0x3ab: {  	v36 =	vmul.f32 v32, v36;
	v23 =	vmul.f32 v23, v37;
	_ =	sdelay $0x1  }
0x3ac: {  	[tilespmem:v33+s25+$0x0] =	vst.idx.msk $0xffff, v23;
	v23 =	vadd.f32 $1.500000000e+00, v36  }
0x3ad: {  	v33 =	vld.idx.msk [tilespmem:v22+s15+$0x0], $0xffff  }
0x3ae: {  	v23 =	vmul.f32 v32, v23;
	_ =	sdelay $0x1  }
0x3af: {  	v32 =	vmul.f32 v23, v31  }
0x3b0: {  	v47 =	vor.u32 s8, v20  }
0x3b1: {  	v33 =	vsub.f32 v33, v41;
	v32 =	vmul.f32 v32, v23;
	_ =	sdelay $0x1  }
0x3b2: {  	v33 =	vmul.f32 v33, v37;
	v32 =	vadd.f32 $1.500000000e+00, v32;
	_ =	sdelay $0x1  }
0x3b3: {  	[tilespmem:v47+s25+$0x0] =	vst.idx.msk $0xffff, v33;
	v23 =	vmul.f32 v32, v23  }
0x3b4: {  	v22 =	vld.idx.msk [tilespmem:v22+s16+$0x0], $0xffff  }
0x3b5: {  	v31 =	vmul.f32 v23, v31;
	_ =	sdelay $0x1  }
0x3b6: {  	v31 =	vmul.f32 v31, v23  }
0x3b7: {  	v48 =	vor.u32 s8, v21  }
0x3b8: {  	v22 =	vsub.f32 v22, v42;
	v31 =	vadd.f32 $1.500000000e+00, v31;
	_ =	sdelay $0x1  }
0x3b9: {  	v22 =	vmul.f32 v22, v37;
	v23 =	vmul.f32 v31, v23;
	_ =	sdelay $0x1  }
0x3ba: {  	vm1 =	vlt.f32 v35, $4.900000000e+01;
	[tilespmem:v48+s25+$0x0] =	vst.idx.msk $0xffff, v22;
	v22 =	vadd.s32 v1, v34;
	v23 =	vmul.f32 v23, v35  }
0x3bb: {  	[tilespmem:s7+$0x5710] =	vst v22;
	v22 =	vsel vm1, $0x1, v2  }
0x3bc: {  	[tilespmem:s7+$0x19710] =	vst v22;
	v22 =	vnsel vm1, $0x0, v23  }
0x3bd: {  	[tilespmem:s7+$0x9710] =	vst v22  }
0x3be: {  	v22 =	vld.idx.msk [tilespmem:v34+s14+$0x0], $0xffff;
	_ =	sdelay $0x1  }
0x3bf: {  	v23 =	vmax.f32 v27, $1.000000000e-30  }
0x3c0: {  	s9 =	sor.u32 $0x30, s8;
	v49 =	vshrl.u32 v23, $0x1;
	v23 =	vmul.f32 $-5.000000000e-01, v23  }
0x3c1: {  	v50 =	vadd.s32 s9, v19;
	v31 =	vsub.s32 $0x5F3759DF, v49  }
0x3c2: {  	v51 =	vmul.f32 v31, v23;
	v22 =	vsub.f32 v22, v40  }
0x3c3: {  	v52 =	vsel vm1, $0x3F800000, v18  }
0x3c4: {  	v33 =	vmul.f32 v31, v51;
	v22 =	vmul.f32 v22, v52;
	_ =	sdelay $0x1  }
0x3c5: {  	[tilespmem:v50+s25+$0x0] =	vst.idx.msk $0xffff, v22;
	v22 =	vadd.f32 $1.500000000e+00, v33  }
0x3c6: {  	v32 =	vld.idx.msk [tilespmem:v34+s15+$0x0], $0xffff  }
0x3c7: {  	v22 =	vmul.f32 v31, v22;
	_ =	sdelay $0x1  }
0x3c8: {  	v31 =	vmul.f32 v22, v23  }
0x3c9: {  	v53 =	vadd.s32 s9, v20  }
0x3ca: {  	v32 =	vsub.f32 v32, v41;
	v31 =	vmul.f32 v31, v22;
	_ =	sdelay $0x1  }
0x3cb: {  	v32 =	vmul.f32 v32, v52;
	v31 =	vadd.f32 $1.500000000e+00, v31;
	_ =	sdelay $0x1  }
0x3cc: {  	[tilespmem:v53+s25+$0x0] =	vst.idx.msk $0xffff, v32;
	v22 =	vmul.f32 v31, v22  }
0x3cd: {  	v54 =	vld.idx.msk [tilespmem:v34+s16+$0x0], $0xffff  }
0x3ce: {  	v23 =	vmul.f32 v22, v23;
	_ =	sdelay $0x1  }
0x3cf: {  	v23 =	vmul.f32 v23, v22  }
0x3d0: {  	v55 =	vadd.s32 s9, v21  }
0x3d1: {  	v31 =	vsub.f32 v54, v42;
	v23 =	vadd.f32 $1.500000000e+00, v23;
	_ =	sdelay $0x1  }
0x3d2: {  	v31 =	vmul.f32 v31, v52;
	v22 =	vmul.f32 v23, v22;
	_ =	sdelay $0x1  }
0x3d3: {  	vm1 =	vlt.f32 v27, $4.900000000e+01;
	v23 =	vadd.s32 v1, v25;
	[tilespmem:v55+s25+$0x0] =	vst.idx.msk $0xffff, v31;
	v22 =	vmul.f32 v22, v27  }
0x3d4: {  	[tilespmem:s7+$0x5720] =	vst v23;
	v23 =	vsel vm1, $0x1, v2  }
0x3d5: {  	[tilespmem:s7+$0x19720] =	vst v23;
	v22 =	vnsel vm1, $0x0, v22  }
0x3d6: {  	[tilespmem:s7+$0x9720] =	vst v22  }
0x3d7: {  	v22 =	vld.idx.msk [tilespmem:v25+s14+$0x0], $0xffff;
	_ =	sdelay $0x1  }
0x3d8: {  	v23 =	vmax.f32 v26, $1.000000000e-30  }
0x3d9: {  	s19 =	sadd.s32 $0x60, s8;
	v56 =	vshrl.u32 v23, $0x1;
	v23 =	vmul.f32 $-5.000000000e-01, v23  }
0x3da: {  	v57 =	vadd.s32 s19, v19;
	v27 =	vsub.s32 $0x5F3759DF, v56  }
0x3db: {  	v58 =	vmul.f32 v27, v23;
	v22 =	vsub.f32 v22, v40  }
0x3dc: {  	v59 =	vsel vm1, $0x3F800000, v18  }
0x3dd: {  	v32 =	vmul.f32 v27, v58;
	v22 =	vmul.f32 v22, v59;
	_ =	sdelay $0x1  }
0x3de: {  	[tilespmem:v57+s25+$0x0] =	vst.idx.msk $0xffff, v22;
	v22 =	vadd.f32 $1.500000000e+00, v32  }
0x3df: {  	v31 =	vld.idx.msk [tilespmem:v25+s15+$0x0], $0xffff  }
0x3e0: {  	v22 =	vmul.f32 v27, v22;
	_ =	sdelay $0x1  }
0x3e1: {  	v27 =	vmul.f32 v22, v23  }
0x3e2: {  	v60 =	vadd.s32 s19, v20  }
0x3e3: {  	v31 =	vsub.f32 v31, v41;
	v27 =	vmul.f32 v27, v22;
	_ =	sdelay $0x1  }
0x3e4: {  	v31 =	vmul.f32 v31, v59;
	v27 =	vadd.f32 $1.500000000e+00, v27;
	_ =	sdelay $0x1  }
0x3e5: {  	[tilespmem:v60+s25+$0x0] =	vst.idx.msk $0xffff, v31;
	v22 =	vmul.f32 v27, v22  }
0x3e6: {  	v61 =	vld.idx.msk [tilespmem:v25+s16+$0x0], $0xffff  }
0x3e7: {  	v23 =	vmul.f32 v22, v23;
	_ =	sdelay $0x1  }
0x3e8: {  	v23 =	vmul.f32 v23, v22  }
0x3e9: {  	v62 =	vadd.s32 s19, v21  }
0x3ea: {  	v25 =	vsub.f32 v61, v42;
	v23 =	vadd.f32 $1.500000000e+00, v23;
	_ =	sdelay $0x1  }
0x3eb: {  	v25 =	vmul.f32 v25, v59;
	v22 =	vmul.f32 v23, v22;
	_ =	sdelay $0x1  }
0x3ec: {  	vm1 =	vlt.f32 v26, $4.900000000e+01;
	v23 =	vadd.s32 v1, v24;
	[tilespmem:v62+s25+$0x0] =	vst.idx.msk $0xffff, v25;
	v22 =	vmul.f32 v22, v26  }
0x3ed: {  	[tilespmem:s7+$0x5730] =	vst v23;
	v23 =	vsel vm1, $0x1, v2  }
0x3ee: {  	[tilespmem:s7+$0x19730] =	vst v23;
	v22 =	vnsel vm1, $0x0, v22  }
0x3ef: {  	[tilespmem:s7+$0x9730] =	vst v22  }
0x3f0: {  	v22 =	vld.idx.msk [tilespmem:v24+s14+$0x0], $0xffff;
	_ =	sdelay $0x2  }
0x3f1: {  	s29 =	sadd.s32 $0x90, s8  }
0x3f2: {  	v23 =	vadd.s32 s29, v19  }
0x3f3: {  	v22 =	vsub.f32 v22, v40  }
0x3f4: {  	v63 =	vsel vm1, $0x3F800000, v18  }
0x3f5: {  	v22 =	vmul.f32 v22, v63;
	_ =	sdelay $0x1  }
0x3f6: {  	[tilespmem:v23+s25+$0x0] =	vst.idx.msk $0xffff, v22  }
0x3f7: {  	v22 =	vld.idx.msk [tilespmem:v24+s15+$0x0], $0xffff;
	_ =	sdelay $0x3  }
0x3f8: {  	v23 =	vadd.s32 s29, v20  }
0x3f9: {  	v22 =	vsub.f32 v22, v41;
	_ =	sdelay $0x1  }
0x3fa: {  	v22 =	vmul.f32 v22, v63;
	_ =	sdelay $0x1  }
0x3fb: {  	[tilespmem:v23+s25+$0x0] =	vst.idx.msk $0xffff, v22  }
0x3fc: {  	v22 =	vld.idx.msk [tilespmem:v24+s16+$0x0], $0xffff;
	_ =	sdelay $0x2  }
0x3fd: {  	s6 =	sadd.s32 $0x1, s6  }
0x3fe: {  	p0 =	sne.s32 s6, $0x8;
	v23 =	vadd.s32 s29, v21  }
.Ltmp32:
0x3ff: {  	v22 =	vsub.f32 v22, v42;
	(pc) =	sbr.rel @!p0 .LBB2_62-.Ltmp32, $3  }
0x400: {  	_ = 	snop  }
0x401: {  	v22 =	vmul.f32 v22, v63;
	_ =	sdelay $0x1  }
0x402: {  	[tilespmem:v23+s25+$0x0] =	vst.idx.msk $0xffff, v22  }
.LBB2_33:
0x403: {  	[tilespmem:$0x5500] =	vst v2  }
0x404: {  	[tilespmem:$0x5510] =	vst v2  }
0x405: {  	[tilespmem:$0x5520] =	vst v2  }
0x406: {  	[tilespmem:$0x5530] =	vst v2  }
0x407: {  	[tilespmem:$0x5540] =	vst v2  }
0x408: {  	[tilespmem:$0x5550] =	vst v2  }
0x409: {  	[tilespmem:$0x5560] =	vst v2  }
0x40a: {  	[tilespmem:$0x5570] =	vst v2  }
0x40b: {  	[tilespmem:$0x5580] =	vst v2  }
0x40c: {  	[tilespmem:$0x5590] =	vst v2  }
0x40d: {  	[tilespmem:$0x55A0] =	vst v2  }
0x40e: {  	[tilespmem:$0x55B0] =	vst v2  }
0x40f: {  	[tilespmem:$0x55C0] =	vst v2  }
0x410: {  	[tilespmem:$0x55D0] =	vst v2  }
0x411: {  	[tilespmem:$0x55E0] =	vst v2  }
0x412: {  	[tilespmem:$0x55F0] =	vst v2  }
0x413: {  	[tilespmem:$0x5600] =	vst v2  }
0x414: {  	[tilespmem:$0x5610] =	vst v2  }
0x415: {  	[tilespmem:$0x5620] =	vst v2  }
0x416: {  	[tilespmem:$0x5630] =	vst v2  }
0x417: {  	[tilespmem:$0x5640] =	vst v2  }
0x418: {  	[tilespmem:$0x5650] =	vst v2  }
0x419: {  	[tilespmem:$0x5660] =	vst v2  }
0x41a: {  	[tilespmem:$0x5670] =	vst v2  }
0x41b: {  	[tilespmem:$0x5680] =	vst v2  }
0x41c: {  	[tilespmem:$0x5690] =	vst v2  }
0x41d: {  	[tilespmem:$0x56A0] =	vst v2  }
0x41e: {  	[tilespmem:$0x56B0] =	vst v2;
	s7 =	sshll.u32 s6, $0x7  }
0x41f: {  	[tilespmem:$0x56C0] =	vst v2;
	s7 =	sand.u32 $0x3FFFFF80, s7  }
0x420: {  	[tilespmem:$0x56D0] =	vst v2;
	s8 =	sand.u32 $0x1C00, s28;
	s7 =	sadd.s32 $0x2000, s7  }
0x421: {  	[tilespmem:$0x56E0] =	vst v2;
	s9 =	sand.u32 $0x70, s28;
	s8 =	sadd.s32 s8, s7  }
0x422: {  	[tilespmem:$0x56F0] =	vst v2;
	s8 =	sadd.s32 s9, s8  }
0x423: {  	v22 =	vld [tilespmem:s8+$0x0];
	_ =	sdelay $0x4  }
0x424: {  	v22 =	vmul.f32 $2.000000030e-01, v22;
	_ =	sdelay $0x1  }
0x425: {  	v22 =	vmin.f32 v22, $3.100000000e+01  }
0x426: {  	v22 =	vtrunc.f32 v22  }
0x427: {  	v22 =	vcvt.f32.s32 v22;
	_ =	sdelay $0x1  }
0x428: {  	v22 =	vadd.s32 v3, v22;
	_ =	sdelay $0x4  }
0x429: {  	v23 =	vld.idx.msk [tilespmem:v22+s18+$0x0], $0xffff;
	_ =	sdelay $0x2  }
0x42a: {  	s8 =	simm.s32 $0x80  }
0x42b: {  	s11 =	simm.s32 $0x10;
	s9 =	simm.s32 $0x20;
	s12 =	sand.u32 $0x1C00, s8  }
.LBB2_34:
0x42c: {  	p0 =	sne.s32 s9, $0x3F0;
	s11 =	sand.u32 $0x70, s11;
	s12 =	sadd.s32 s12, s7;
	v23 =	vadd.s32 $0x1, v23  }
0x42d: {  	s12 =	sadd.s32 s11, s12;
	[tilespmem:v22+s18+$0x0] =	vst.idx.msk $0xffff, v23;
	s11 =	smov.u32 s9  }
0x42e: {  	v22 =	vld [tilespmem:s12+$0x0];
	_ =	sdelay $0x4  }
0x42f: {  	v22 =	vmul.f32 $2.000000030e-01, v22;
	_ =	sdelay $0x1  }
0x430: {  	v22 =	vmin.f32 v22, $3.100000000e+01  }
0x431: {  	v22 =	vtrunc.f32 v22  }
0x432: {  	v22 =	vcvt.f32.s32 v22;
	_ =	sdelay $0x1  }
0x433: {  	v22 =	vadd.s32 v3, v22;
	_ =	sdelay $0x4  }
0x434: {  	v23 =	vld.idx.msk [tilespmem:v22+s18+$0x0], $0xffff  }
.Ltmp33:
0x435: {  	(pc) =	sbr.rel @p0 .LBB2_34-.Ltmp33, $3  }
0x436: {  	_ =	sdelay $0x1  }
0x437: {  	s8 =	sadd.s32 $0x80, s8  }
0x438: {  	s9 =	sadd.s32 $0x10, s9;
	s12 =	sand.u32 $0x1C00, s8  }
0x439: {  	_ =	sdelay $0x2  }
0x43a: {  	s8 =	sand.u32 $0x70, s11;
	s9 =	sadd.s32 s12, s7;
	v23 =	vadd.s32 $0x1, v23  }
0x43b: {  	s8 =	sadd.s32 s8, s9;
	[tilespmem:v22+s18+$0x0] =	vst.idx.msk $0xffff, v23  }
0x43c: {  	v22 =	vld [tilespmem:s8+$0x0];
	_ =	sdelay $0x4  }
0x43d: {  	v22 =	vmul.f32 $2.000000030e-01, v22;
	_ =	sdelay $0x1  }
0x43e: {  	v22 =	vmin.f32 v22, $3.100000000e+01  }
0x43f: {  	v22 =	vtrunc.f32 v22  }
0x440: {  	v22 =	vcvt.f32.s32 v22;
	_ =	sdelay $0x1  }
0x441: {  	v22 =	vadd.s32 v3, v22;
	_ =	sdelay $0x4  }
0x442: {  	v23 =	vld.idx.msk [tilespmem:v22+s18+$0x0], $0xffff;
	_ =	sdelay $0x4  }
0x443: {  	v23 =	vadd.s32 $0x1, v23  }
0x444: {  	[tilespmem:v22+s18+$0x0] =	vst.idx.msk $0xffff, v23  }
0x445: {  	v22 =	vld [tilespmem:$0x5500]  }
0x446: {  	v23 =	vld [tilespmem:$0x5520]  }
0x447: {  	v24 =	vld [tilespmem:$0x5540]  }
0x448: {  	v25 =	vld [tilespmem:$0x5560]  }
0x449: {  	v26 =	vld [tilespmem:$0x5580]  }
0x44a: {  	v27 =	vld [tilespmem:$0x55A0]  }
0x44b: {  	v28 =	vld [tilespmem:$0x55C0]  }
0x44c: {  	v29 =	vld [tilespmem:$0x55E0]  }
0x44d: {  	v30 =	vld [tilespmem:$0x5600]  }
0x44e: {  	v31 =	vld [tilespmem:$0x5620]  }
0x44f: {  	v32 =	vld [tilespmem:$0x5640]  }
0x450: {  	v33 =	vld [tilespmem:$0x5660]  }
0x451: {  	v34 =	vld [tilespmem:$0x5680]  }
0x452: {  	v35 =	vld [tilespmem:$0x56A0]  }
0x453: {  	v36 =	vld [tilespmem:$0x56C0]  }
0x454: {  	v37 =	vld [tilespmem:$0x56E0]  }
0x455: {  	v38 =	vld [tilespmem:$0x5510]  }
0x456: {  	v39 =	vld [tilespmem:$0x5530]  }
0x457: {  	v40 =	vld [tilespmem:$0x5550]  }
0x458: {  	v41 =	vld [tilespmem:$0x5570]  }
0x459: {  	v22 =	vadd.s32 v22, v23;
	v23 =	vld [tilespmem:$0x5590]  }
0x45a: {  	v49 =	vld [tilespmem:$0x55B0];
	v22 =	vadd.s32 v22, v24  }
0x45b: {  	v51 =	vld [tilespmem:$0x55D0];
	v50 =	vadd.s32 v38, v39;
	v22 =	vadd.s32 v22, v25  }
0x45c: {  	v52 =	vld [tilespmem:$0x55F0];
	v25 =	vadd.s32 v50, v40;
	v22 =	vadd.s32 v22, v26  }
0x45d: {  	v53 =	vld [tilespmem:$0x5610];
	v25 =	vadd.s32 v25, v41;
	v22 =	vadd.s32 v22, v27  }
0x45e: {  	v54 =	vld [tilespmem:$0x5630];
	v22 =	vadd.s32 v22, v28;
	v23 =	vadd.s32 v25, v23  }
0x45f: {  	v55 =	vld [tilespmem:$0x5650];
	v22 =	vadd.s32 v22, v29;
	v23 =	vadd.s32 v23, v49  }
0x460: {  	v56 =	vld [tilespmem:$0x5670];
	v22 =	vadd.s32 v22, v30;
	v23 =	vadd.s32 v23, v51  }
0x461: {  	v57 =	vld [tilespmem:$0x5690];
	v22 =	vadd.s32 v22, v31;
	v23 =	vadd.s32 v23, v52  }
0x462: {  	v58 =	vld [tilespmem:$0x56B0];
	v22 =	vadd.s32 v22, v32;
	v23 =	vadd.s32 v23, v53  }
0x463: {  	v59 =	vld [tilespmem:$0x56D0];
	v22 =	vadd.s32 v22, v33;
	v23 =	vadd.s32 v23, v54  }
0x464: {  	v60 =	vld [tilespmem:$0x56F0];
	v22 =	vadd.s32 v22, v34;
	v23 =	vadd.s32 v23, v55  }
0x465: {  	v22 =	vadd.s32 v22, v35;
	v23 =	vadd.s32 v23, v56  }
0x466: {  	v22 =	vadd.s32 v22, v36;
	v23 =	vadd.s32 v23, v57  }
0x467: {  	v22 =	vadd.s32 v22, v37;
	v23 =	vadd.s32 v23, v58  }
0x468: {  	(xrf0) =	vadd.scan.msk.s32 $0xffff, v22;
	v22 =	vadd.s32 v23, v59  }
0x469: {  	v22 =	vadd.s32 v22, v60  }
0x46a: {  	(xrf0) =	vadd.scan.msk.s32 $0xffff, v22;
	_ =	sdelay $0x3  }
0x46b: {  	v22, _, _ =	vpop (xrf0)  }
0x46c: {  	v23 =	vbroadcast v22, $0xF  }
0x46d: {  	vm1 =	vgt.s32 v22, $0x3F;
	v61, _, _ =	vpop (xrf0)  }
0x46e: {  	v62 =	vmctz.xlane vm1;
	v23 =	vadd.s32 v23, v61  }
0x46f: {  	(v2sf) =	vpush v22, $0xF;
	vm1 =	vgt.s32 v23, $0x3F  }
0x470: {  	(v2sf) =	vpush v62, $0x0;
	v22 =	vmctz.xlane vm1  }
0x471: {  	(v2sf) =	vpush v23, $0xF  }
0x472: {  	(v2sf) =	vpush v22, $0x0;
	_ =	sdelay $0x4  }
0x473: {  	s8 =	simm.s32 $0x0  }
0x474: {  	s11 =	sand.u32 $0x1C00, s8  }
0x475: {  	s12 =	sand.u32 $0x70, s8;
	s9 =	sadd.s32 s11, s7  }
0x476: {  	s9 =	sadd.s32 s12, s9  }
0x477: {  	v23 =	vld [tilespmem:s9+$0x0];
	_ =	sdelay $0x2  }
0x478: {  	s13 =	spop (v2sf)  }
0x479: {  	s11 =	spop (v2sf)  }
0x47a: {  	v22 =	vmul.f32 $2.000000030e-01, v23;
	p0 =	sgt.s32 s13, $0x3F;
	s19 =	spop (v2sf)  }
0x47b: {  	s11 =	simm.s32 @!p0 $0x20;
	s29 =	spop (v2sf)  }
0x47c: {  	v22 =	vmin.f32 v22, $3.100000000e+01;
	p0 =	sgt.s32 s19, $0x3F;
	s12 =	smov.u32 s11;
	s9 =	sadd.s32 $0x10, s29  }
0x47d: {  	v22 =	vtrunc.f32 v22;
	p1 =	sgt.s32 s11, $0x1F;
	s12 =	smov.u32 @p0 s9  }
0x47e: {  	v63 =	vcvt.f32.s32 v22;
	s11 =	smov.u32 @p1 s12  }
0x47f: {  	v22 =	vmov s11  }
0x480: {  	vm1 =	vge.s32 v22, v63  }
0x481: {  	v24 =	vmpcnt.ones.xlane vm1  }
0x482: {  	s11 =	simm.s32 $0x80  }
0x483: {  	s9 =	simm.s32 $0x10;
	s12 =	simm.s32 $0x20;
	s13 =	sand.u32 $0x1C00, s11;
	[tilespmem:s8+$0x4C00] =	vst.msk vm1, v23;
	v23 =	vor.u32 s8, v0;
	(v2sf) =	vpush v24, $0x0  }
.LBB2_36:
0x484: {  	p0 =	sne.s32 s12, $0x3F0;
	s19 =	sand.u32 $0x70, s9;
	s13 =	sadd.s32 s13, s7;
	[tilespmem:s8+$0x5080] =	vst.msk vm1, v23  }
0x485: {  	s13 =	sadd.s32 s19, s13  }
0x486: {  	v23 =	vld [tilespmem:s13+$0x0];
	_ =	sdelay $0x4  }
0x487: {  	v24 =	vmul.f32 $2.000000030e-01, v23;
	_ =	sdelay $0x1  }
0x488: {  	v24 =	vmin.f32 v24, $3.100000000e+01  }
0x489: {  	v24 =	vtrunc.f32 v24  }
0x48a: {  	v24 =	vcvt.f32.s32 v24  }
.Ltmp34:
0x48b: {  	(pc) =	sbr.rel @p0 .LBB2_36-.Ltmp34, $4  }
0x48c: {  	vm1 =	vge.s32 v22, v24  }
0x48d: {  	v24 =	vmpcnt.ones.xlane vm1;
	s13 =	spop (v2sf)  }
0x48e: {  	s11 =	sadd.s32 $0x80, s11;
	s8 =	sadd.s32 s8, s13  }
0x48f: {  	s13 =	sand.u32 $0x1C00, s11;
	[tilespmem:s8+$0x4C00] =	vst.msk vm1, v23;
	v23 =	vor.u32 s9, v0;
	(v2sf) =	vpush v24, $0x0;
	s9 =	smov.u32 s12;
	s12 =	sadd.s32 $0x10, s12  }
0x490: {  	s11 =	sand.u32 $0x70, s9;
	s7 =	sadd.s32 s13, s7  }
0x491: {  	[tilespmem:s8+$0x5080] =	vst.msk vm1, v23;
	s7 =	sadd.s32 s11, s7  }
0x492: {  	v23 =	vld [tilespmem:s7+$0x0];
	_ =	sdelay $0x4  }
0x493: {  	v24 =	vmul.f32 $2.000000030e-01, v23;
	_ =	sdelay $0x1  }
0x494: {  	v24 =	vmin.f32 v24, $3.100000000e+01  }
0x495: {  	v24 =	vtrunc.f32 v24  }
0x496: {  	v24 =	vcvt.f32.s32 v24;
	_ =	sdelay $0x1  }
0x497: {  	vm1 =	vge.s32 v22, v24  }
0x498: {  	v22 =	vmpcnt.ones.xlane vm1;
	_ =	sdelay $0x1  }
0x499: {  	(v2sf) =	vpush v22, $0x0;
	_ =	sdelay $0xd  }
0x49a: {  	s12 =	spop (v2sf)  }
0x49b: {  	s7 =	sadd.s32 s8, s12;
	s13 =	spop (v2sf)  }
0x49c: {  	s8 =	sadd.s32 s7, s13  }
0x49d: {  	s19 =	sand.u32 $0xF, s8  }
0x49e: {  	s12 =	sshra.s32 s8, $0x1F;
	p0 =	slt.s32 s8, $0x1;
	p1 =	sne.s32 s19, $0x0  }
0x49f: {  	s29 =	sshrl.u32 s12, $0x1C;
	p0 =	por !p0, !p1  }
0x4a0: {  	[tilespmem:s7+$0x4C00] =	vst.msk vm1, v23;
	v22 =	vor.u32 s9, v0;
	s12 =	simm.s32 $0x1;
	s11 =	sadd.s32 s29, s8;
	p0 =	por !p0, !p0  }
0x4a1: {  	[tilespmem:s7+$0x5080] =	vst.msk vm1, v22;
	s7 =	sadd.s32 $0xF, s8;
	s11 =	sshrl.u32 s11, $0x4;
	s12 =	simm.s32 @!p0 $0x0  }
0x4a2: {  	s13 =	sand.u32 $0xF, s7;
	s19 =	sshra.s32 s7, $0x1F;
	s12 =	ssub.s32 s11, s12  }
0x4a3: {  	p5 =	slt.s32 s7, $0x1;
	p6 =	sne.s32 s13, $0x0;
	s9 =	sshll.u32 s12, $0x4  }
0x4a4: {  	s29 =	sshrl.u32 s19, $0x1C;
	p0 =	por !p5, !p6;
	s8 =	ssub.s32 s8, s9  }
0x4a5: {  	s7 =	sadd.s32 s29, s7;
	p0 =	por !p0, !p0;
	v63 =	vmov s8;
	s8 =	simm.s32 $0x1  }
0x4a6: {  	s7 =	sshra.s32 s7, $0x4;
	v22 =	vld [tilespmem:s9+$0x4C00];
	s8 =	simm.s32 @!p0 $0x0  }
0x4a7: {  	v23 =	vld [tilespmem:s9+$0x5080];
	s7 =	ssub.s32 s7, s8  }
0x4a8: {  	p0 =	slt.s32 s7, $0x1  }
.Ltmp35:
0x4a9: {  	_ = 	snop;
	(pc) =	sbr.rel @p0 .LBB2_38-.Ltmp35, $4  }
0x4aa: {  	vm1 =	vlt.s32 v63, v4  }
0x4ab: {  	v22 =	vsel vm1, $0x7F61B1E6, v22  }
0x4ac: {  	v24 =	vsel vm1, $0x0, v23;
	[tilespmem:s9+$0x4C00] =	vst v22  }
0x4ad: {  	v23 =	vimm.f32 $3.000000010e+38;
	v22 =	vimm.s32 $0x0;
	[tilespmem:s9+$0x5080] =	vst v24  }
0x4ae: {  	s8 =	simm.s32 $0x4C00  }
0x4af: {  	s9 =	simm.s32 $0x5080;
	v24 =	vld [tilespmem:s8+$0x0]  }
0x4b0: {  	p6 =	sne.s32 s7, $0x1;
	p5 =	por $0x0, $0x0;
	v25 =	vld [tilespmem:s9+$0x0]  }
.Ltmp36:
0x4b1: {  	s8 =	simm.s32 @!p5 $0x0;
	(pc) =	sbr.rel @!p6 .LBB2_40-.Ltmp36, $4  }
0x4b2: {  	s7 =	sadd.s32 $0xFFFFFFFF, s7;
	s8 =	simm.s32 @p5 $0x1;
	p5 =	por $0x0, $0x0  }
0x4b3: {  	p0 =	por $0x0, $0x0;
	[smem:$0x7F9] =	sst s8;
	s8 =	simm.s32 @!p5 $0x0  }
0x4b4: {  	p1 =	por $0x0, $0x0;
	p2 =	por $0x0, $0x0;
	s8 =	simm.s32 @p5 $0x1  }
0x4b5: {  	p3 =	por $0x0, $0x0;
	p5 =	por $0x0, $0x0;
	[smem:$0x7FA] =	sst s8;
	(xrf1) =	vsort.ascd.msk.f32 $0xffff, v24, v25  }
0x4b6: {  	_ =	sdelay $0xb  }
0x4b7: {  	s8 =	simm.s32 $0x4C10  }
0x4b8: {  	s29 =	simm.s32 $0x5090;
	v24 =	vld [tilespmem:s8+$0x0];
	v25, v26, _ =	vpop (xrf1)  }
0x4b9: {  	v27 =	vld [tilespmem:s29+$0x0];
	v26 =	vperm.xlane v26, v5;
	v25 =	vperm.xlane v25, v5;
	_ =	sdelay $0x1  }
0x4ba: {  	p6 =	sne.s32 s7, $0x1;
	vm1 =	veq.f32 v23, v25;
	vm2 =	vle.s32 v22, v26  }
.Ltmp37:
0x4bb: {  	vm1 =	vmand vm1, vm2;
	vm2 =	vlt.f32 v23, v25;
	(pc) =	sbr.rel @!p6 .LBB2_42-.Ltmp37, $4  }
0x4bc: {  	vm1 =	vmor vm2, vm1  }
0x4bd: {  	(xrf1) =	vsort.ascd.msk.f32 $0xffff, v24, v27;
	v62 =	vsel vm1, v23, v25;
	v63 =	vsel vm1, v22, v26  }
0x4be: {  	v25 =	vsel vm1, v25, v23;
	v26 =	vsel vm1, v26, v22;
	(xrf1) =	vsort.ascd.msk.f32 $0xffff, v62, v63  }
0x4bf: {  	s7 =	sadd.s32 $0xFFFFFFFF, s7;
	p0 =	por $0x1, $0x1;
	(xrf1) =	vsort.ascd.msk.f32 $0xffff, v25, v26  }
0x4c0: {  	_ =	sdelay $0x8  }
0x4c1: {  	s8 =	simm.s32 $0x4C20  }
0x4c2: {  	s29 =	simm.s32 $0x50A0;
	v24 =	vld [tilespmem:s8+$0x0]  }
0x4c3: {  	v25 =	vld [tilespmem:s29+$0x0];
	v26, v27, _ =	vpop (xrf1)  }
0x4c4: {  	v27 =	vperm.xlane v27, v5;
	v26 =	vperm.xlane v26, v5  }
0x4c5: {  	v28, v29, _ =	vpop (xrf1)  }
0x4c6: {  	p6 =	sne.s32 s7, $0x1;
	vm1 =	veq.f32 v28, v26;
	vm2 =	vle.s32 v29, v27  }
.Ltmp38:
0x4c7: {  	v30, v31, _ =	vpop (xrf1);
	vm1 =	vmand vm1, vm2;
	vm2 =	vlt.f32 v28, v26;
	(pc) =	sbr.rel @!p6 .LBB2_44-.Ltmp38, $4  }
0x4c8: {  	(xrf1) =	vsort.ascd.msk.f32 $0xffff, v24, v25;
	v34 =	vperm.xlane v31, v5;
	vm1 =	vmor vm2, vm1  }
0x4c9: {  	v35 =	vperm.xlane v30, v5;
	v62 =	vsel vm1, v28, v26;
	v63 =	vsel vm1, v29, v27  }
0x4ca: {  	v26 =	vsel vm1, v26, v28;
	v27 =	vsel vm1, v27, v29;
	(xrf1) =	vsort.ascd.msk.f32 $0xffff, v62, v63  }
0x4cb: {  	s7 =	sadd.s32 $0xFFFFFFFF, s7;
	p1 =	por $0x1, $0x1;
	vm3 =	veq.f32 v23, v35;
	vm4 =	vle.s32 v22, v34;
	(xrf1) =	vsort.ascd.msk.f32 $0xffff, v26, v27  }
0x4cc: {  	_ =	sdelay $0x1  }
0x4cd: {  	vm1 =	vlt.f32 v23, v35;
	vm2 =	vmand vm3, vm4  }
0x4ce: {  	vm1 =	vmor vm1, vm2  }
0x4cf: {  	v24 =	vsel vm1, v23, v35;
	v25 =	vsel vm1, v22, v34  }
0x4d0: {  	v26 =	vsel vm1, v35, v23;
	v27 =	vsel vm1, v34, v22;
	(xrf1) =	vsort.ascd.msk.f32 $0xffff, v24, v25  }
0x4d1: {  	(xrf1) =	vsort.ascd.msk.f32 $0xffff, v26, v27;
	_ =	sdelay $0x2  }
0x4d2: {  	s8 =	simm.s32 $0x4C30  }
0x4d3: {  	s29 =	simm.s32 $0x50B0;
	v24 =	vld [tilespmem:s8+$0x0];
	v26, v27, _ =	vpop (xrf1)  }
0x4d4: {  	v25 =	vld [tilespmem:s29+$0x0];
	v27 =	vperm.xlane v27, v5;
	v26 =	vperm.xlane v26, v5  }
0x4d5: {  	v28, v29, _ =	vpop (xrf1)  }
0x4d6: {  	vm1 =	veq.f32 v28, v26;
	vm2 =	vle.s32 v29, v27  }
0x4d7: {  	vm1 =	vmand vm1, vm2;
	vm2 =	vlt.f32 v28, v26  }
0x4d8: {  	p6 =	sne.s32 s7, $0x1;
	vm1 =	vmor vm2, vm1  }
.Ltmp39:
0x4d9: {  	(xrf1) =	vsort.ascd.msk.f32 $0xffff, v24, v25;
	v25 =	vsel vm1, v29, v27;
	v27 =	vsel vm1, v27, v29;
	(pc) =	sbr.rel @!p6 .LBB2_46-.Ltmp39, $4  }
0x4da: {  	v30, v31, _ =	vpop (xrf1);
	v24 =	vsel vm1, v28, v26;
	v26 =	vsel vm1, v26, v28  }
0x4db: {  	v34 =	vperm.xlane v31, v5;
	v35 =	vperm.xlane v30, v5  }
0x4dc: {  	(xrf1) =	vsort.ascd.msk.f32 $0xffff, v24, v25;
	v38, v41, _ =	vpop (xrf1)  }
0x4dd: {  	s7 =	sadd.s32 $0xFFFFFFFF, s7;
	p2 =	por $0x1, $0x1;
	(xrf1) =	vsort.ascd.msk.f32 $0xffff, v26, v27;
	vm3 =	veq.f32 v38, v35;
	vm4 =	vle.s32 v41, v34;
	v26, v27, _ =	vpop (xrf1)  }
0x4de: {  	_ =	sdelay $0x1  }
0x4df: {  	vm1 =	vlt.f32 v38, v35;
	vm2 =	vmand vm3, vm4  }
0x4e0: {  	vm1 =	vmor vm1, vm2  }
0x4e1: {  	v24 =	vsel vm1, v38, v35;
	v25 =	vsel vm1, v41, v34  }
0x4e2: {  	v28 =	vsel vm1, v35, v38;
	v29 =	vsel vm1, v34, v41;
	(xrf1) =	vsort.ascd.msk.f32 $0xffff, v24, v25  }
0x4e3: {  	(xrf1) =	vsort.ascd.msk.f32 $0xffff, v28, v29;
	_ =	sdelay $0x2  }
0x4e4: {  	s8 =	simm.s32 $0x4C40  }
0x4e5: {  	s29 =	simm.s32 $0x50C0;
	v24 =	vld [tilespmem:s8+$0x0];
	v28, v29, _ =	vpop (xrf1)  }
0x4e6: {  	v25 =	vld [tilespmem:s29+$0x0];
	v29 =	vperm.xlane v29, v5;
	v28 =	vperm.xlane v28, v5  }
0x4e7: {  	v30, v31, _ =	vpop (xrf1)  }
0x4e8: {  	vm1 =	veq.f32 v30, v28;
	vm2 =	vle.s32 v31, v29  }
0x4e9: {  	vm1 =	vmand vm1, vm2;
	vm2 =	vlt.f32 v30, v28  }
0x4ea: {  	p6 =	sne.s32 s7, $0x1;
	vm1 =	vmor vm2, vm1  }
.Ltmp40:
0x4eb: {  	(xrf1) =	vsort.ascd.msk.f32 $0xffff, v24, v25;
	v25 =	vsel vm1, v31, v29;
	(pc) =	sbr.rel @!p6 .LBB2_48-.Ltmp40, $4  }
0x4ec: {  	v32, v33, _ =	vpop (xrf1);
	v24 =	vsel vm1, v30, v28  }
0x4ed: {  	v34 =	vperm.xlane v33, v5;
	v35 =	vperm.xlane v32, v5  }
0x4ee: {  	v28 =	vsel vm1, v28, v30;
	v29 =	vsel vm1, v29, v31;
	(xrf1) =	vsort.ascd.msk.f32 $0xffff, v24, v25;
	v38, v41, _ =	vpop (xrf1)  }
0x4ef: {  	s7 =	sadd.s32 $0xFFFFFFFF, s7;
	p3 =	por $0x1, $0x1;
	(xrf1) =	vsort.ascd.msk.f32 $0xffff, v28, v29;
	vm3 =	veq.f32 v38, v35;
	vm4 =	vle.s32 v41, v34;
	v24, v25, _ =	vpop (xrf1)  }
0x4f0: {  	_ =	sdelay $0x1  }
0x4f1: {  	vm1 =	vlt.f32 v38, v35;
	vm2 =	vmand vm3, vm4  }
0x4f2: {  	vm1 =	vmor vm1, vm2  }
0x4f3: {  	v28 =	vsel vm1, v38, v35;
	v29 =	vsel vm1, v41, v34  }
0x4f4: {  	v30 =	vsel vm1, v35, v38;
	v31 =	vsel vm1, v34, v41;
	(xrf1) =	vsort.ascd.msk.f32 $0xffff, v28, v29  }
0x4f5: {  	(xrf1) =	vsort.ascd.msk.f32 $0xffff, v30, v31;
	_ =	sdelay $0x2  }
0x4f6: {  	s8 =	simm.s32 $0x4C50  }
0x4f7: {  	s29 =	simm.s32 $0x50D0;
	v28 =	vld [tilespmem:s8+$0x0];
	v30, v31, _ =	vpop (xrf1)  }
0x4f8: {  	v29 =	vld [tilespmem:s29+$0x0];
	v31 =	vperm.xlane v31, v5;
	v30 =	vperm.xlane v30, v5  }
0x4f9: {  	v32, v33, _ =	vpop (xrf1)  }
0x4fa: {  	vm1 =	veq.f32 v32, v30;
	vm2 =	vle.s32 v33, v31  }
0x4fb: {  	vm1 =	vmand vm1, vm2;
	vm2 =	vlt.f32 v32, v30  }
0x4fc: {  	p6 =	sne.s32 s7, $0x1;
	vm1 =	vmor vm2, vm1  }
.Ltmp41:
0x4fd: {  	(xrf1) =	vsort.ascd.msk.f32 $0xffff, v28, v29;
	v28 =	vsel vm1, v32, v30;
	v30 =	vsel vm1, v30, v32;
	(pc) =	sbr.rel @!p6 .LBB2_50-.Ltmp41, $4  }
0x4fe: {  	v62, v63, _ =	vpop (xrf1)  }
0x4ff: {  	v34 =	vperm.xlane v63, v5;
	v35 =	vperm.xlane v62, v5;
	v29 =	vsel vm1, v33, v31  }
0x500: {  	v31 =	vsel vm1, v31, v33;
	(xrf1) =	vsort.ascd.msk.f32 $0xffff, v28, v29;
	v38, v41, _ =	vpop (xrf1)  }
0x501: {  	s7 =	sadd.s32 $0xFFFFFFFF, s7;
	(xrf1) =	vsort.ascd.msk.f32 $0xffff, v30, v31;
	vm3 =	veq.f32 v38, v35;
	vm4 =	vle.s32 v41, v34;
	v28, v30, _ =	vpop (xrf1)  }
0x502: {  	_ =	sdelay $0x1  }
0x503: {  	vm1 =	vlt.f32 v38, v35;
	vm2 =	vmand vm3, vm4  }
0x504: {  	vm1 =	vmor vm1, vm2  }
0x505: {  	v29 =	vsel vm1, v38, v35;
	v31 =	vsel vm1, v41, v34  }
0x506: {  	v32 =	vsel vm1, v35, v38;
	v33 =	vsel vm1, v34, v41;
	(xrf1) =	vsort.ascd.msk.f32 $0xffff, v29, v31  }
0x507: {  	(xrf1) =	vsort.ascd.msk.f32 $0xffff, v32, v33;
	_ =	sdelay $0x2  }
0x508: {  	s8 =	simm.s32 $0x4C60  }
0x509: {  	s29 =	simm.s32 $0x50E0;
	v29 =	vld [tilespmem:s8+$0x0];
	v32, v33, _ =	vpop (xrf1)  }
0x50a: {  	v31 =	vld [tilespmem:s29+$0x0];
	v33 =	vperm.xlane v33, v5;
	v32 =	vperm.xlane v32, v5  }
0x50b: {  	v36, v37, _ =	vpop (xrf1)  }
0x50c: {  	vm1 =	veq.f32 v36, v32;
	vm2 =	vle.s32 v37, v33  }
0x50d: {  	vm1 =	vmand vm1, vm2;
	vm2 =	vlt.f32 v36, v32  }
0x50e: {  	p6 =	sne.s32 s7, $0x1;
	vm1 =	vmor vm2, vm1  }
.Ltmp42:
0x50f: {  	(xrf1) =	vsort.ascd.msk.f32 $0xffff, v29, v31;
	v31 =	vsel vm1, v37, v33;
	(pc) =	sbr.rel @!p6 .LBB2_52-.Ltmp42, $4  }
0x510: {  	p5 =	por $0x1, $0x1;
	v62, v63, _ =	vpop (xrf1);
	v29 =	vsel vm1, v36, v32  }
0x511: {  	s8 =	simm.s32 @!p5 $0x0;
	v34 =	vperm.xlane v63, v5;
	v35 =	vperm.xlane v62, v5  }
0x512: {  	s8 =	simm.s32 @p5 $0x1;
	v32 =	vsel vm1, v32, v36;
	v33 =	vsel vm1, v33, v37;
	(xrf1) =	vsort.ascd.msk.f32 $0xffff, v29, v31;
	v38, v41, _ =	vpop (xrf1)  }
0x513: {  	s7 =	sadd.s32 $0xFFFFFFFF, s7;
	[smem:$0x7F9] =	sst s8;
	(xrf1) =	vsort.ascd.msk.f32 $0xffff, v32, v33;
	vm3 =	veq.f32 v38, v35;
	vm4 =	vle.s32 v41, v34;
	v29, v31, _ =	vpop (xrf1)  }
0x514: {  	_ = 	snop  }
0x515: {  	vm1 =	vlt.f32 v38, v35;
	vm2 =	vmand vm3, vm4  }
0x516: {  	vm1 =	vmor vm1, vm2  }
0x517: {  	v32 =	vsel vm1, v38, v35;
	v33 =	vsel vm1, v41, v34  }
0x518: {  	v54 =	vsel vm1, v35, v38;
	v55 =	vsel vm1, v34, v41;
	(xrf1) =	vsort.ascd.msk.f32 $0xffff, v32, v33  }
0x519: {  	(xrf1) =	vsort.ascd.msk.f32 $0xffff, v54, v55;
	_ =	sdelay $0x1  }
0x51a: {  	v56 =	vperm.xlane v26, v5;
	v57 =	vperm.xlane v27, v5  }
0x51b: {  	s8 =	simm.s32 $0x4C70  }
0x51c: {  	s29 =	simm.s32 $0x50F0;
	v58 =	vld [tilespmem:s8+$0x0];
	vm1 =	veq.f32 v23, v56;
	vm2 =	vle.s32 v22, v57  }
0x51d: {  	v59 =	vld [tilespmem:s29+$0x0];
	vm3 =	vlt.f32 v23, v56;
	vm1 =	vmand vm1, vm2;
	v36, v37, _ =	vpop (xrf1)  }
0x51e: {  	vm1 =	vmor vm3, vm1;
	v37 =	vperm.xlane v37, v5;
	v36 =	vperm.xlane v36, v5  }
0x51f: {  	v40 =	vsel vm1, v23, v56;
	v60, v39, _ =	vpop (xrf1)  }
0x520: {  	v61 =	vsel vm1, v22, v57;
	vm2 =	veq.f32 v60, v36;
	vm3 =	vle.s32 v39, v37  }
0x521: {  	p6 =	sne.s32 s7, $0x1;
	v32 =	vsel vm1, v56, v23;
	(xrf1) =	vsort.ascd.msk.f32 $0xffff, v40, v61;
	v43, v42, _ =	vpop (xrf1);
	vm15 =	vlt.f32 v60, v36;
	vm2 =	vmand vm2, vm3  }
.Ltmp43:
0x522: {  	v33 =	vsel vm1, v57, v22;
	(xrf1) =	vsort.ascd.msk.f32 $0xffff, v58, v59;
	v42 =	vperm.xlane v42, v5;
	vm2 =	vmor vm15, vm2;
	(pc) =	sbr.rel @!p6 .LBB2_54-.Ltmp43, $4  }
0x523: {  	p5 =	por $0x1, $0x1;
	v40 =	vperm.xlane v43, v5;
	v62 =	vsel vm2, v60, v36;
	v63 =	vsel vm2, v39, v37  }
0x524: {  	s9 =	sadd.s32 $0xFFFFFFFF, s7;
	s7 =	simm.s32 @!p5 $0x0;
	v36 =	vsel vm2, v36, v60;
	v37 =	vsel vm2, v37, v39;
	(xrf1) =	vsort.ascd.msk.f32 $0xffff, v62, v63  }
0x525: {  	s7 =	simm.s32 @p5 $0x1;
	v38, v41, _ =	vpop (xrf1);
	(xrf1) =	vsort.ascd.msk.f32 $0xffff, v36, v37  }
0x526: {  	p4 =	por $0x1, $0x1;
	[smem:$0x7FA] =	sst s7;
	vm1 =	veq.f32 v38, v40;
	vm2 =	vle.s32 v41, v42;
	(xrf1) =	vsort.ascd.msk.f32 $0xffff, v32, v33;
	v32, v33, _ =	vpop (xrf1)  }
0x527: {  	_ =	sdelay $0x2  }
0x528: {  	vm3 =	vlt.f32 v38, v40;
	vm4 =	vmand vm1, vm2  }
0x529: {  	vm3 =	vmor vm3, vm4  }
0x52a: {  	v34 =	vsel vm3, v38, v40;
	v35 =	vsel vm3, v41, v42  }
0x52b: {  	v53 =	vsel vm3, v40, v38;
	v54 =	vsel vm3, v42, v41;
	(xrf1) =	vsort.ascd.msk.f32 $0xffff, v34, v35  }
0x52c: {  	s7 =	simm.s32 @!p4 $0x0;
	v55 =	vperm.xlane v24, v5;
	v36 =	vperm.xlane v25, v5;
	(xrf1) =	vsort.ascd.msk.f32 $0xffff, v53, v54  }
0x52d: {  	s8 =	simm.s32 $0x5100;
	s7 =	simm.s32 @p4 $0x1;
	v56, v37, _ =	vpop (xrf1)  }
0x52e: {  	v39 =	vld [tilespmem:s8+$0x0];
	[smem:$0x7F8] =	sst s7;
	s7 =	simm.s32 $0x4C80;
	vm3 =	veq.f32 v56, v55;
	vm4 =	vle.s32 v37, v36  }
0x52f: {  	v57 =	vld [tilespmem:s7+$0x0];
	v58, v43, _ =	vpop (xrf1);
	vm5 =	vlt.f32 v56, v55;
	vm3 =	vmand vm3, vm4  }
0x530: {  	v43 =	vperm.xlane v43, v5;
	v41 =	vperm.xlane v58, v5;
	vm3 =	vmor vm5, vm3  }
0x531: {  	v51 =	vimm.s32 $0x0;
	v44, v45, _ =	vpop (xrf1);
	v46 =	vsel vm3, v56, v55  }
0x532: {  	v47 =	vsel vm3, v37, v36;
	vm4 =	veq.f32 v44, v41;
	vm5 =	vle.s32 v45, v43  }
0x533: {  	v50, v48, _ =	vpop (xrf1);
	vm6 =	vlt.f32 v44, v41;
	v59 =	vsel vm3, v55, v56;
	(xrf1) =	vsort.ascd.msk.f32 $0xffff, v46, v47;
	vm4 =	vmand vm4, vm5  }
0x534: {  	v36 =	vsel vm3, v36, v37;
	v34 =	vperm.xlane v48, v5;
	(xrf1) =	vsort.ascd.msk.f32 $0xffff, v57, v39;
	vm4 =	vmor vm6, vm4  }
0x535: {  	p6 =	sne.s32 s9, $0x1;
	v61, v60, _ =	vpop (xrf1);
	v35 =	vperm.xlane v50, v5;
	v62 =	vsel vm4, v44, v41;
	v41 =	vsel vm4, v41, v44  }
.Ltmp44:
0x536: {  	v48 =	vperm.xlane v61, v5;
	v49 =	vperm.xlane v60, v5;
	v63 =	vsel vm4, v45, v43;
	(pc) =	sbr.rel @!p6 .LBB2_56-.Ltmp44, $4  }
0x537: {  	v39 =	vmovc v32;
	v43 =	vsel vm4, v43, v45;
	v46 =	vmov v28;
	v47 =	vmov v30;
	(xrf1) =	vsort.ascd.msk.f32 $0xffff, v62, v63  }
0x538: {  	v50 =	vimm.f32 $3.000000010e+38;
	v44 =	vmovc v29;
	vm6 =	veq.f32 v23, v48;
	vm7 =	vle.s32 v22, v49;
	(xrf1) =	vsort.ascd.msk.f32 $0xffff, v41, v43  }
0x539: {  	v45 =	vmov v31;
	vm5 =	vlt.f32 v23, v48;
	vm6 =	vmand vm6, vm7;
	(xrf1) =	vsort.ascd.msk.f32 $0xffff, v59, v36;
	v38, v41, _ =	vpop (xrf1)  }
0x53a: {  	s9 =	sadd.s32 $0xFFFFFFFF, s9;
	p5 =	por $0x1, $0x1;
	v43 =	vmov v33;
	vm3 =	veq.f32 v38, v35;
	vm4 =	vle.s32 v41, v34;
	v36, v37, _ =	vpop (xrf1)  }
.LBB2_57:
0x53b: {  	vm7 =	vlt.f32 v38, v35;
	vm3 =	vmand vm3, vm4  }
0x53c: {  	p6 =	sne.s32 s9, $0x1;
	s9 =	sadd.s32 $0xFFFFFFFF, s9;
	vm4 =	vmor vm5, vm6;
	vm3 =	vmor vm7, vm3  }
0x53d: {  	v48 =	vsel vm4, v50, v48;
	v49 =	vsel vm4, v51, v49;
	v50 =	vsel vm3, v38, v35  }
0x53e: {  	v51 =	vsel vm3, v41, v34;
	(xrf1) =	vsort.ascd.msk.f32 $0xffff, v48, v49  }
0x53f: {  	v35 =	vsel vm3, v35, v38;
	v34 =	vsel vm3, v34, v41;
	(xrf1) =	vsort.ascd.msk.f32 $0xffff, v50, v51  }
0x540: {  	s7 =	sadd.s32 $0x10, s7;
	(xrf1) =	vsort.ascd.msk.f32 $0xffff, v35, v34;
	v34 =	vperm.xlane v46, v5;
	v35 =	vperm.xlane v47, v5;
	v46 =	vmov v44  }
0x541: {  	s8 =	sadd.s32 $0x10, s8;
	v44 =	vmov v39;
	v39 =	vmov v36;
	v47 =	vmov v45;
	v38 =	vld [tilespmem:s7+$0x0];
	v41, v50, _ =	vpop (xrf1)  }
0x542: {  	v45 =	vmov v43;
	v36 =	vld [tilespmem:s8+$0x0];
	v48, v49, _ =	vpop (xrf1);
	vm3 =	veq.f32 v41, v34;
	vm4 =	vle.s32 v50, v35  }
0x543: {  	v43 =	vmovc v37;
	vm5 =	vlt.f32 v41, v34;
	v51 =	vperm.xlane v49, v5;
	vm3 =	vmand vm3, vm4  }
0x544: {  	v37 =	vperm.xlane v48, v5;
	vm3 =	vmor vm5, vm3  }
0x545: {  	v48, v52, _ =	vpop (xrf1);
	v49 =	vsel vm3, v41, v34;
	v53 =	vsel vm3, v50, v35  }
0x546: {  	vm4 =	veq.f32 v48, v37;
	vm5 =	vle.s32 v52, v51;
	v54, v55, _ =	vpop (xrf1);
	(xrf1) =	vsort.ascd.msk.f32 $0xffff, v49, v53  }
0x547: {  	vm6 =	vlt.f32 v48, v37;
	(xrf1) =	vsort.ascd.msk.f32 $0xffff, v38, v36;
	vm4 =	vmand vm4, vm5;
	v36 =	vsel vm3, v34, v41;
	v38, v41, _ =	vpop (xrf1)  }
0x548: {  	v34 =	vperm.xlane v55, v5;
	vm4 =	vmor vm6, vm4;
	v49 =	vperm.xlane v41, v5  }
0x549: {  	v41 =	vsel vm4, v48, v37;
	v53 =	vsel vm4, v52, v51;
	v37 =	vsel vm4, v37, v48  }
.Ltmp45:
0x54a: {  	v52 =	vsel vm4, v51, v52;
	v48 =	vperm.xlane v38, v5;
	(xrf1) =	vsort.ascd.msk.f32 $0xffff, v41, v53;
	(pc) =	sbr.rel @p6 .LBB2_57-.Ltmp45, $4  }
0x54b: {  	(xrf1) =	vsort.ascd.msk.f32 $0xffff, v37, v52;
	v52 =	vsel vm3, v35, v50  }
0x54c: {  	v35 =	vperm.xlane v54, v5;
	(xrf1) =	vsort.ascd.msk.f32 $0xffff, v36, v52;
	v50, v51, _ =	vpop (xrf1)  }
0x54d: {  	v38, v41, _ =	vpop (xrf1);
	vm5 =	vlt.f32 v50, v48;
	vm6 =	veq.f32 v50, v48;
	vm7 =	vle.s32 v51, v49  }
0x54e: {  	vm3 =	veq.f32 v38, v35;
	vm4 =	vle.s32 v41, v34;
	v36, v37, _ =	vpop (xrf1);
	vm6 =	vmand vm6, vm7  }
.LBB2_58:
0x54f: {  	vm5 =	vmor @p5 vm5, vm6  }
0x550: {  	v48 =	vsel @p5 vm5, v50, v48;
	v49 =	vsel @p5 vm5, v51, v49  }
0x551: {  	(xrf1) =	vsort.ascd.msk.f32 @p5 $0xffff, v48, v49  }
0x552: {  	s7 =	sld [smem:$0x7F9]  }
0x553: {  	s19 =	sld [smem:$0x7FA]  }
0x554: {  	vm3 =	vmand @p1 vm3, vm4;
	vm5 =	vlt.f32 @p1 v38, v35  }
0x555: {  	vm3 =	vmor @p1 vm5, vm3  }
0x556: {  	p4 =	por p5, p5;
	v48 =	vsel @p1 vm3, v38, v35;
	p5 =	seq.s32 s7, $0x1;
	p6 =	seq.s32 s19, $0x1  }
0x557: {  	v49 =	vsel @p1 vm3, v41, v34;
	v35 =	vsel @p1 vm3, v35, v38;
	v46 =	vperm.xlane @p5 v46, v5;
	v50, v51, _ =	vpop @p6 (xrf1)  }
0x558: {  	v34 =	vsel @p1 vm3, v34, v41;
	v47 =	vperm.xlane @p5 v47, v5;
	v50 =	vpsel p6, v50, v23  }
0x559: {  	v62, v52, _ =	vpop (xrf1);
	v51 =	vpsel p6, v51, v22;
	(xrf1) =	vsort.ascd.msk.f32 @p1 $0xffff, v48, v49;
	vm3 =	veq.f32 @p5 v50, v46  }
0x55a: {  	vm4 =	vle.s32 @p5 v51, v47;
	v52 =	vperm.xlane v52, v5;
	v38 =	vperm.xlane v62, v5;
	v41, v53, _ =	vpop @p0 (xrf1)  }
0x55b: {  	vm5 =	vlt.f32 @p5 v50, v46;
	v41 =	vpsel p0, v41, v23;
	v53 =	vpsel p0, v53, v22  }
0x55c: {  	vm3 =	vmand @p5 vm3, vm4;
	vm13 =	veq.f32 v41, v38;
	vm14 =	vle.s32 v53, v52  }
0x55d: {  	vm3 =	vmor @p5 vm5, vm3;
	v54, v55, _ =	vpop @p0 (xrf1);
	vm15 =	vlt.f32 v41, v38;
	vm4 =	vmand vm13, vm14  }
0x55e: {  	(xrf1) =	vsort.ascd.msk.f32 @p1 $0xffff, v35, v34;
	v34 =	vsel @p5 vm3, v50, v46;
	v56, v57, _ =	vpop @p6 (xrf1);
	vm4 =	vmor vm15, vm4  }
0x55f: {  	v35 =	vperm.xlane @p6 v57, v5;
	v56 =	vperm.xlane @p6 v56, v5;
	v63 =	vsel vm4, v41, v38;
	v58, v59, _ =	vpop @p4 (xrf1)  }
0x560: {  	v38 =	vsel vm4, v38, v41;
	v48 =	vpsel p4, v58, v23;
	v49 =	vpsel p4, v59, v22  }
0x561: {  	v59 =	vsel vm4, v53, v52;
	v52 =	vsel vm4, v52, v53;
	v53 =	vsel @p5 vm3, v51, v47  }
0x562: {  	vm4 =	veq.f32 @p6 v48, v56;
	vm5 =	vle.s32 @p6 v49, v35;
	(xrf1) =	vsort.ascd.msk.f32 @p5 $0xffff, v34, v53  }
0x563: {  	v41 =	vsel @p5 vm3, v47, v51;
	vm4 =	vmand @p6 vm4, vm5;
	vm5 =	vlt.f32 @p6 v48, v56  }
0x564: {  	v34 =	vsel @p5 vm3, v46, v50;
	(xrf1) =	vsort.ascd.msk.f32 $0xffff, v63, v59;
	vm3 =	vmmov @p6 vm5;
	vm4 =	vmmov @p6 vm4  }
0x565: {  	v35 =	vpsel p6, v35, v0;
	(xrf1) =	vsort.ascd.msk.f32 $0xffff, v38, v52;
	v38 =	vpsel p6, v56, v0;
	vm3 =	vmor @p6 vm3, vm4  }
0x566: {  	(xrf1) =	vsort.ascd.msk.f32 @p5 $0xffff, v34, v41;
	v34 =	vsel @p6 vm3, v48, v38;
	v35 =	vsel @p6 vm3, v49, v35  }
0x567: {  	s29 =	sld [smem:$0x7F8];
	(xrf1) =	vsort.ascd.msk.f32 @p6 $0xffff, v34, v35;
	_ =	sdelay $0x1  }
0x568: {  	v35 =	vperm.xlane @p0 v54, v5;
	v38, v41, _ =	vpop @p1 (xrf1)  }
0x569: {  	p4 =	seq.s32 s29, $0x1;
	v46 =	vpsel p1, v38, v23  }
0x56a: {  	v34 =	vperm.xlane @p0 v55, v5;
	vm3 =	veq.f32 @p0 v46, v35;
	v35 =	vpsel p0, v35, v40;
	v40 =	vmovc @p4 v45  }
0x56b: {  	v47 =	vpsel p1, v41, v22;
	v38 =	vmov @p4 v44;
	v40 =	vpsel p4, v40, v25  }
0x56c: {  	vm4 =	vle.s32 @p0 v47, v34;
	v38 =	vpsel p4, v38, v24  }
0x56d: {  	vm1 =	vmmov @p0 vm3;
	vm2 =	vmmov @p0 vm4  }
0x56e: {  	v34 =	vpsel p0, v34, v42;
	v42, v41, _ =	vpop @p1 (xrf1);
	vm3 =	vlt.f32 @p0 v46, v35;
	vm1 =	vmand @p0 vm1, vm2  }
0x56f: {  	v44 =	vperm.xlane @p4 v38, v5;
	v45 =	vperm.xlane @p4 v40, v5;
	vm1 =	vmor @p0 vm3, vm1;
	v38, v40, _ =	vpop @p5 (xrf1)  }
0x570: {  	v50 =	vsel @p0 vm1, v46, v35;
	v53 =	vsel @p0 vm1, v47, v34  }
0x571: {  	v35 =	vsel @p0 vm1, v35, v46;
	v48 =	vpsel p5, v38, v23;
	v49 =	vpsel p5, v40, v22;
	v40, v38, _ =	vpop (xrf1)  }
0x572: {  	(xrf1) =	vsort.ascd.msk.f32 @p0 $0xffff, v50, v53;
	vm2 =	veq.f32 @p4 v48, v44;
	vm3 =	vle.s32 @p4 v49, v45;
	v60, v52, _ =	vpop (xrf1)  }
0x573: {  	v34 =	vsel @p0 vm1, v34, v47;
	vm4 =	vlt.f32 @p4 v48, v44;
	vm2 =	vmand @p4 vm2, vm3;
	v54, v55, _ =	vpop @p5 (xrf1)  }
0x574: {  	(xrf1) =	vsort.ascd.msk.f32 @p0 $0xffff, v35, v34;
	vm1 =	vmor @p4 vm4, vm2;
	v46, v47, _ =	vpop @p6 (xrf1);
	v50 =	vperm.xlane @p5 v55, v5;
	v53 =	vperm.xlane @p5 v54, v5  }
0x575: {  	v34 =	vsel @p4 vm1, v48, v44;
	v46 =	vpsel p6, v46, v23;
	v47 =	vpsel p6, v47, v22  }
0x576: {  	v35 =	vsel @p4 vm1, v49, v45;
	vm2 =	veq.f32 @p5 v46, v53;
	vm3 =	vle.s32 @p5 v47, v50  }
0x577: {  	(xrf1) =	vsort.ascd.msk.f32 @p4 $0xffff, v34, v35;
	v34 =	vsel @p4 vm1, v44, v48;
	vm4 =	vlt.f32 @p5 v46, v53;
	vm2 =	vmand @p5 vm2, vm3  }
0x578: {  	v35 =	vsel @p4 vm1, v45, v49;
	vm1 =	vmmov @p5 vm4;
	vm2 =	vmmov @p5 vm2  }
0x579: {  	v44 =	vpsel p5, v53, v0;
	v45 =	vpsel p5, v50, v0;
	vm1 =	vmor @p5 vm1, vm2  }
0x57a: {  	(xrf1) =	vsort.ascd.msk.f32 @p4 $0xffff, v34, v35;
	v34 =	vsel @p5 vm1, v46, v44;
	v35 =	vsel @p5 vm1, v47, v45  }
0x57b: {  	(xrf1) =	vsort.ascd.msk.f32 @p5 $0xffff, v34, v35;
	_ =	sdelay $0x3  }
0x57c: {  	v61 =	vperm.xlane v52, v5  }
0x57d: {  	v62 =	vperm.xlane v60, v5;
	v34 =	vmov @p3 v39;
	v35 =	vmov @p3 v43;
	v39, v43, _ =	vpop @p0 (xrf1)  }
0x57e: {  	v63 =	vpsel p0, v39, v23;
	v56 =	vpsel p0, v43, v22  }
0x57f: {  	v34 =	vpsel p3, v34, v28;
	vm1 =	veq.f32 v63, v62;
	vm2 =	vle.s32 v56, v61  }
0x580: {  	v35 =	vpsel p3, v35, v30;
	vm3 =	vlt.f32 v63, v62;
	vm1 =	vmand vm1, vm2  }
0x581: {  	v43, v39, _ =	vpop @p0 (xrf1);
	v34 =	vpsel p3, v34, v26;
	v35 =	vpsel p3, v35, v27;
	vm1 =	vmor vm3, vm1  }
0x582: {  	v34 =	vperm.xlane @p3 v34, v5;
	v35 =	vperm.xlane @p3 v35, v5;
	v57 =	vsel vm1, v63, v62;
	v48, v49, _ =	vpop @p4 (xrf1)  }
0x583: {  	v58 =	vsel vm1, v56, v61;
	v48 =	vpsel p4, v48, v23;
	v49 =	vpsel p4, v49, v22  }
0x584: {  	v45 =	vsel vm1, v62, v63;
	vm2 =	veq.f32 @p3 v48, v34;
	vm3 =	vle.s32 @p3 v49, v35  }
0x585: {  	v44 =	vsel vm1, v61, v56;
	(xrf1) =	vsort.ascd.msk.f32 $0xffff, v57, v58;
	v52, v53, _ =	vpop @p4 (xrf1);
	vm4 =	vlt.f32 @p3 v48, v34;
	vm2 =	vmand @p3 vm2, vm3  }
0x586: {  	(xrf1) =	vsort.ascd.msk.f32 $0xffff, v45, v44;
	v50 =	vperm.xlane @p4 v53, v5;
	v51 =	vperm.xlane @p4 v52, v5;
	vm1 =	vmor @p3 vm4, vm2;
	v46, v47, _ =	vpop @p5 (xrf1)  }
0x587: {  	v44 =	vsel @p3 vm1, v48, v34;
	v46 =	vpsel p5, v46, v23;
	v47 =	vpsel p5, v47, v22  }
0x588: {  	v45 =	vsel @p3 vm1, v49, v35;
	vm2 =	veq.f32 @p4 v46, v51;
	vm3 =	vle.s32 @p4 v47, v50  }
0x589: {  	v34 =	vsel @p3 vm1, v34, v48;
	(xrf1) =	vsort.ascd.msk.f32 @p3 $0xffff, v44, v45;
	vm4 =	vlt.f32 @p4 v46, v51;
	vm2 =	vmand @p4 vm2, vm3  }
0x58a: {  	v35 =	vsel @p3 vm1, v35, v49;
	vm1 =	vmmov @p4 vm4;
	vm2 =	vmmov @p4 vm2  }
0x58b: {  	v44 =	vpsel p4, v51, v0;
	v45 =	vpsel p4, v50, v0;
	vm1 =	vmor @p4 vm1, vm2  }
0x58c: {  	(xrf1) =	vsort.ascd.msk.f32 @p3 $0xffff, v34, v35;
	v34 =	vsel @p4 vm1, v46, v44;
	v35 =	vsel @p4 vm1, v47, v45  }
0x58d: {  	(xrf1) =	vsort.ascd.msk.f32 @p4 $0xffff, v34, v35;
	_ =	sdelay $0x1  }
0x58e: {  	v34 =	vmov @p2 v36  }
0x58f: {  	v35 =	vmov @p2 v37;
	v34 =	vpsel p2, v34, v29  }
0x590: {  	v35 =	vpsel p2, v35, v31;
	v34 =	vpsel p2, v34, v24  }
0x591: {  	v35 =	vpsel p2, v35, v25;
	_ =	sdelay $0x2  }
0x592: {  	v44 =	vmov @p2 v34;
	v45 =	vmov @p2 v35;
	v35, v34, _ =	vpop (xrf1)  }
0x593: {  	v44 =	vpsel p2, v44, v0;
	v45 =	vpsel p2, v45, v0;
	v60, v59, _ =	vpop (xrf1)  }
0x594: {  	v44 =	vperm.xlane @p2 v44, v5;
	v45 =	vperm.xlane @p2 v45, v5;
	v46, v47, _ =	vpop @p3 (xrf1)  }
0x595: {  	v46 =	vpsel p3, v46, v23;
	v47 =	vpsel p3, v47, v22  }
0x596: {  	vm1 =	veq.f32 @p2 v46, v44;
	vm2 =	vle.s32 @p2 v47, v45  }
0x597: {  	v48, v49, _ =	vpop @p3 (xrf1);
	vm3 =	vlt.f32 @p2 v46, v44;
	vm1 =	vmand @p2 vm1, vm2  }
0x598: {  	v49 =	vperm.xlane @p3 v49, v5;
	v48 =	vperm.xlane @p3 v48, v5;
	vm1 =	vmor @p2 vm3, vm1;
	v50, v51, _ =	vpop @p4 (xrf1)  }
0x599: {  	v50 =	vpsel p4, v50, v23;
	v51 =	vpsel p4, v51, v22;
	v52 =	vsel @p2 vm1, v46, v44  }
0x59a: {  	v53 =	vsel @p2 vm1, v47, v45;
	vm2 =	veq.f32 @p3 v50, v48;
	vm3 =	vle.s32 @p3 v51, v49  }
0x59b: {  	v44 =	vsel @p2 vm1, v44, v46;
	(xrf1) =	vsort.ascd.msk.f32 @p2 $0xffff, v52, v53;
	vm4 =	vlt.f32 @p3 v50, v48;
	vm2 =	vmand @p3 vm2, vm3  }
0x59c: {  	v45 =	vsel @p2 vm1, v45, v47;
	vm1 =	vmmov @p3 vm4;
	vm2 =	vmmov @p3 vm2  }
0x59d: {  	v46 =	vpsel p3, v48, v0;
	v47 =	vpsel p3, v49, v0;
	vm1 =	vmor @p3 vm1, vm2  }
0x59e: {  	(xrf1) =	vsort.ascd.msk.f32 @p2 $0xffff, v44, v45;
	v44 =	vsel @p3 vm1, v50, v46;
	v45 =	vsel @p3 vm1, v51, v47  }
0x59f: {  	(xrf1) =	vsort.ascd.msk.f32 @p3 $0xffff, v44, v45;
	_ =	sdelay $0x5  }
0x5a0: {  	v32 =	vpsel p1, v42, v32;
	v33 =	vpsel p1, v41, v33  }
0x5a1: {  	v28 =	vpsel p1, v32, v28;
	v61 =	vpsel p1, v33, v30  }
0x5a2: {  	v26 =	vpsel p1, v28, v26;
	v27 =	vpsel p1, v61, v27  }
0x5a3: {  	v26 =	vpsel p1, v26, v0;
	v27 =	vpsel p1, v27, v0  }
0x5a4: {  	v26 =	vperm.xlane @p1 v26, v5;
	v27 =	vperm.xlane @p1 v27, v5;
	v28, v30, _ =	vpop @p2 (xrf1)  }
0x5a5: {  	v28 =	vpsel p2, v28, v23;
	v30 =	vpsel p2, v30, v22  }
0x5a6: {  	vm1 =	veq.f32 @p1 v28, v26;
	vm2 =	vle.s32 @p1 v30, v27  }
0x5a7: {  	v32, v33, _ =	vpop @p2 (xrf1);
	vm3 =	vlt.f32 @p1 v28, v26;
	vm1 =	vmand @p1 vm1, vm2  }
0x5a8: {  	v33 =	vperm.xlane @p2 v33, v5;
	v32 =	vperm.xlane @p2 v32, v5;
	vm1 =	vmor @p1 vm3, vm1;
	v41, v42, _ =	vpop @p3 (xrf1)  }
0x5a9: {  	v44 =	vsel @p1 vm1, v28, v26;
	v41 =	vpsel p3, v41, v23;
	v42 =	vpsel p3, v42, v22  }
0x5aa: {  	v45 =	vsel @p1 vm1, v30, v27;
	vm2 =	veq.f32 @p2 v41, v32;
	vm3 =	vle.s32 @p2 v42, v33  }
0x5ab: {  	v26 =	vsel @p1 vm1, v26, v28;
	(xrf1) =	vsort.ascd.msk.f32 @p1 $0xffff, v44, v45;
	vm4 =	vlt.f32 @p2 v41, v32;
	vm2 =	vmand @p2 vm2, vm3  }
0x5ac: {  	v27 =	vsel @p1 vm1, v27, v30;
	vm1 =	vmmov @p2 vm4;
	vm2 =	vmmov @p2 vm2  }
0x5ad: {  	v28 =	vpsel p2, v32, v0;
	v30 =	vpsel p2, v33, v0;
	vm1 =	vmor @p2 vm1, vm2  }
0x5ae: {  	(xrf1) =	vsort.ascd.msk.f32 @p1 $0xffff, v26, v27;
	v26 =	vsel @p2 vm1, v41, v28;
	v27 =	vsel @p2 vm1, v42, v30  }
0x5af: {  	(xrf1) =	vsort.ascd.msk.f32 @p2 $0xffff, v26, v27;
	_ =	sdelay $0x5  }
0x5b0: {  	v26 =	vpsel p0, v43, v29;
	v27 =	vpsel p0, v39, v31  }
0x5b1: {  	v24 =	vpsel p0, v26, v24;
	v25 =	vpsel p0, v27, v25  }
0x5b2: {  	v24 =	vpsel p0, v24, v0;
	v25 =	vpsel p0, v25, v0  }
0x5b3: {  	v24 =	vpsel p0, v24, v0;
	v25 =	vpsel p0, v25, v0  }
0x5b4: {  	v24 =	vperm.xlane @p0 v24, v5;
	v25 =	vperm.xlane @p0 v25, v5;
	v26, v27, _ =	vpop @p1 (xrf1)  }
0x5b5: {  	v26 =	vpsel p1, v26, v23;
	v27 =	vpsel p1, v27, v22  }
0x5b6: {  	vm1 =	veq.f32 @p0 v26, v24;
	vm2 =	vle.s32 @p0 v27, v25  }
0x5b7: {  	v28, v29, _ =	vpop @p1 (xrf1);
	vm3 =	vlt.f32 @p0 v26, v24;
	vm1 =	vmand @p0 vm1, vm2  }
0x5b8: {  	v29 =	vperm.xlane @p1 v29, v5;
	v28 =	vperm.xlane @p1 v28, v5;
	vm1 =	vmor @p0 vm3, vm1;
	v30, v31, _ =	vpop @p2 (xrf1)  }
0x5b9: {  	v32 =	vsel @p0 vm1, v26, v24;
	v30 =	vpsel p2, v30, v23;
	v31 =	vpsel p2, v31, v22  }
0x5ba: {  	v33 =	vsel @p0 vm1, v27, v25;
	vm2 =	veq.f32 @p1 v30, v28;
	vm3 =	vle.s32 @p1 v31, v29  }
0x5bb: {  	v24 =	vsel @p0 vm1, v24, v26;
	(xrf1) =	vsort.ascd.msk.f32 @p0 $0xffff, v32, v33;
	vm4 =	vlt.f32 @p1 v30, v28;
	vm2 =	vmand @p1 vm2, vm3  }
0x5bc: {  	v25 =	vsel @p0 vm1, v25, v27;
	vm1 =	vmmov @p1 vm4;
	vm2 =	vmmov @p1 vm2  }
0x5bd: {  	v26 =	vpsel p1, v28, v0;
	v27 =	vpsel p1, v29, v0;
	vm1 =	vmor @p1 vm1, vm2  }
0x5be: {  	(xrf1) =	vsort.ascd.msk.f32 @p0 $0xffff, v24, v25;
	v24 =	vsel @p1 vm1, v30, v26;
	v25 =	vsel @p1 vm1, v31, v27  }
0x5bf: {  	(xrf1) =	vsort.ascd.msk.f32 @p1 $0xffff, v24, v25;
	_ =	sdelay $0x9  }
0x5c0: {  	v24 =	vperm.xlane v60, v5;
	v25 =	vperm.xlane v59, v5;
	v26, v27, _ =	vpop @p0 (xrf1)  }
0x5c1: {  	v26 =	vpsel p0, v26, v23;
	v27 =	vpsel p0, v27, v22  }
0x5c2: {  	vm1 =	veq.f32 v26, v24;
	vm2 =	vle.s32 v27, v25  }
0x5c3: {  	v28, v29, _ =	vpop @p0 (xrf1);
	vm3 =	vlt.f32 v26, v24;
	vm1 =	vmand vm1, vm2  }
0x5c4: {  	v29 =	vperm.xlane @p0 v29, v5;
	v28 =	vperm.xlane @p0 v28, v5;
	vm1 =	vmor vm3, vm1;
	v30, v31, _ =	vpop @p1 (xrf1)  }
0x5c5: {  	v62 =	vsel vm1, v26, v24;
	v30 =	vpsel p1, v30, v23;
	v31 =	vpsel p1, v31, v22  }
0x5c6: {  	v63 =	vsel vm1, v27, v25;
	vm2 =	veq.f32 @p0 v30, v28;
	vm3 =	vle.s32 @p0 v31, v29  }
0x5c7: {  	v24 =	vsel vm1, v24, v26;
	vm4 =	vlt.f32 @p0 v30, v28;
	vm2 =	vmand @p0 vm2, vm3  }
0x5c8: {  	v25 =	vsel vm1, v25, v27;
	vm1 =	vmmov @p0 vm4;
	vm2 =	vmmov @p0 vm2  }
0x5c9: {  	v26 =	vpsel p0, v28, v0;
	v27 =	vpsel p0, v29, v0;
	(xrf1) =	vsort.ascd.msk.f32 $0xffff, v62, v63;
	vm1 =	vmor @p0 vm1, vm2  }
0x5ca: {  	(xrf1) =	vsort.ascd.msk.f32 $0xffff, v24, v25;
	v24 =	vsel @p0 vm1, v30, v26;
	v25 =	vsel @p0 vm1, v31, v27  }
0x5cb: {  	(xrf1) =	vsort.ascd.msk.f32 @p0 $0xffff, v24, v25;
	_ =	sdelay $0xb  }
0x5cc: {  	v27, v25, _ =	vpop (xrf1)  }
0x5cd: {  	v24, v26, _ =	vpop (xrf1)  }
0x5ce: {  	v26 =	vperm.xlane v26, v5;
	v24 =	vperm.xlane v24, v5;
	v28, v29, _ =	vpop @p0 (xrf1)  }
0x5cf: {  	v23 =	vpsel p0, v28, v23;
	v22 =	vpsel p0, v29, v22  }
0x5d0: {  	vm1 =	veq.f32 v23, v24;
	vm2 =	vle.s32 v22, v26  }
0x5d1: {  	vm3 =	vlt.f32 v23, v24;
	vm1 =	vmand vm1, vm2  }
0x5d2: {  	vm1 =	vmor vm3, vm1  }
0x5d3: {  	v23 =	vsel vm1, v23, v24;
	v22 =	vsel vm1, v22, v26  }
0x5d4: {  	(xrf1) =	vsort.ascd.msk.f32 $0xffff, v23, v22;
	_ =	sdelay $0x9  }
.Ltmp46:
0x5d5: {  	_ = 	snop;
	(pc) =	sbr.rel .LBB2_59-.Ltmp46, $2  }
0x5d6: {  	_ =	sdelay $0x2  }
0x5d7: {  	v23 =	vmov v40;
	v22 =	vmov v38;
	v26, v24, _ =	vpop (xrf1)  }
.LBB2_38:
0x5d8: {  	v35 =	vimm.f32 $3.000000010e+38;
	v34 =	vimm.s32 $0x0;
	v27 =	vimm.f32 $3.000000010e+38  }
0x5d9: {  	v25 =	vimm.s32 $0x0;
	v26 =	vimm.f32 $3.000000010e+38;
	v24 =	vimm.s32 $0x0  }
.LBB2_59:
0x5da: {  	[tilespmem:$0x1D700] =	vst v23  }
0x5db: {  	[tilespmem:$0x1D780] =	vst v22  }
0x5dc: {  	[tilespmem:$0x1D710] =	vst v35  }
0x5dd: {  	[tilespmem:$0x1D790] =	vst v34  }
0x5de: {  	[tilespmem:$0x1D720] =	vst v27  }
0x5df: {  	[tilespmem:$0x1D7A0] =	vst v25  }
0x5e0: {  	[tilespmem:$0x1D730] =	vst v26  }
0x5e1: {  	[tilespmem:$0x1D7B0] =	vst v24  }
0x5e2: {  	v28 =	vld.idx.msk [tilespmem:v6+s23+$0x0], $0xffff  }
0x5e3: {  	v29 =	vld.idx.msk [tilespmem:v7+s23+$0x0], $0xffff  }
0x5e4: {  	v30 =	vld.idx.msk [tilespmem:v8+s23+$0x0], $0xffff;
	_ =	sdelay $0x2  }
0x5e5: {  	vm1 =	vlt.f32 v23, v28;
	vm2 =	vgt.f32 v23, v28;
	v28 =	vld.idx.msk [tilespmem:v12+s23+$0x0], $0xffff  }
0x5e6: {  	vm3 =	vgt.f32 v35, v29  }
0x5e7: {  	vm5 =	vgt.f32 v27, v30;
	vm1 =	vmor vm2, vm1;
	vm2 =	vlt.f32 v35, v29  }
0x5e8: {  	vm4 =	vmneg vm1;
	vm2 =	vmor vm3, vm2;
	vm3 =	vlt.f32 v27, v30  }
0x5e9: {  	vm4 =	vmand vm4, vm0;
	vm2 =	vmneg vm2;
	vm3 =	vmor vm5, vm3  }
0x5ea: {  	v29 =	vmpcnt.ones.xlane vm4;
	vm4 =	vlt.f32 v26, v28;
	vm5 =	vgt.f32 v26, v28  }
0x5eb: {  	vm3 =	vmneg vm3;
	v28 =	vmpcnt.ones.xlane vm2;
	vm4 =	vmor vm5, vm4  }
0x5ec: {  	(v2sf) =	vpush v29, $0x0;
	v29 =	vmpcnt.ones.xlane vm3;
	vm4 =	vmneg vm4  }
0x5ed: {  	(v2sf) =	vpush v28, $0x0;
	v28 =	vmpcnt.ones.xlane vm4  }
0x5ee: {  	(v2sf) =	vpush v29, $0x0  }
0x5ef: {  	(v2sf) =	vpush v28, $0x0;
	_ =	sdelay $0xb  }
0x5f0: {  	s7 =	spop (v2sf)  }
0x5f1: {  	s8 =	spop (v2sf)  }
0x5f2: {  	s7 =	sadd.s32 s7, s8;
	s19 =	spop (v2sf)  }
0x5f3: {  	s7 =	sadd.s32 s19, s7;
	s29 =	spop (v2sf)  }
0x5f4: {  	s7 =	sadd.s32 s29, s7  }
0x5f5: {  	p0 =	slt.s32 s7, $0x1  }
.Ltmp47:
0x5f6: {  	_ = 	snop;
	(pc) =	sbr.rel @p0 .LBB2_61-.Ltmp47, $1  }
0x5f7: {  	_ =	sdelay $0x3  }
0x5f8: {  	v23 =	vsel vm4, $0x7FFFFFFF, v9  }
0x5f9: {  	(xrf0) =	vmax.scan.msk.u32 $0xffff, v23;
	v23 =	vsel vm3, $0x7FFFFFFF, v10  }
0x5fa: {  	(xrf0) =	vmax.scan.msk.u32 $0xffff, v23;
	v23 =	vsel vm2, $0x7FFFFFFF, v11  }
0x5fb: {  	(xrf0) =	vmax.scan.msk.u32 $0xffff, v23;
	v23 =	vsel vm1, v14, v13  }
0x5fc: {  	(xrf0) =	vmax.scan.msk.u32 $0xffff, v23;
	_ =	sdelay $0x2  }
0x5fd: {  	v23, _, _ =	vpop (xrf0)  }
0x5fe: {  	v26, _, _ =	vpop (xrf0)  }
0x5ff: {  	v27, _, _ =	vpop (xrf0)  }
0x600: {  	v28, _, _ =	vpop (xrf0)  }
0x601: {  	v28 =	vxor.u32 $0x80000000, v28  }
0x602: {  	v29 =	vshra.s32 v28, $0x1F  }
0x603: {  	v28 =	vor.u32 v29, v28  }
0x604: {  	v29 =	vshll.u32 v28, $0xB  }
0x605: {  	v22 =	vadd.s32 v22, v29  }
0x606: {  	v22 =	vxor.u32 $0x80000000, v22  }
0x607: {  	(xrf1) =	vsort.ascd.msk.u32 $0xffff, v22, v0;
	_ =	sdelay $0xd  }
0x608: {  	v22, v29, _ =	vpop (xrf1)  }
0x609: {  	v22 =	vxor.u32 $0x80000000, v22  }
0x60a: {  	v22 =	vperm.xlane v22, v5;
	_ =	sdelay $0x1  }
0x60b: {  	v29 =	vperm.xlane v29, v5;
	vm1 =	vlt.s32 v22, $0x40000000  }
0x60c: {  	vm2 =	vgt.s32 v22, $0x3FFFFFFF;
	v30 =	vnsel vm1, $0x40000000, v22  }
0x60d: {  	v31 =	vsel vm2, $0x0, v29;
	v22 =	vsel vm1, $0x40000000, v22;
	v30 =	vxor.u32 $0x80000000, v30  }
0x60e: {  	v29 =	vnsel vm2, $0x0, v29;
	v22 =	vor.u32 $0x80000000, v22;
	(xrf1) =	vsort.ascd.msk.u32 $0xffff, v30, v31  }
0x60f: {  	(xrf1) =	vsort.ascd.msk.u32 $0xffff, v22, v29;
	_ =	sdelay $0xc  }
0x610: {  	v22, v29, _ =	vpop (xrf1)  }
0x611: {  	v30, v31, _ =	vpop (xrf1)  }
0x612: {  	v30 =	vxor.u32 $0x80000000, v30  }
0x613: {  	v30 =	vperm.xlane v30, v5;
	_ =	sdelay $0x1  }
0x614: {  	v31 =	vperm.xlane v31, v5;
	vm1 =	vlt.s32 v30, $0x40000000  }
0x615: {  	vm2 =	vgt.s32 v30, $0x3FFFFFFF;
	v32 =	vnsel vm1, $0x40000000, v30  }
0x616: {  	v33 =	vsel vm2, $0x0, v31;
	v30 =	vsel vm1, $0x40000000, v30;
	v32 =	vxor.u32 $0x80000000, v32  }
0x617: {  	v31 =	vnsel vm2, $0x0, v31;
	v30 =	vor.u32 $0x80000000, v30;
	(xrf1) =	vsort.ascd.msk.u32 $0xffff, v32, v33  }
0x618: {  	(xrf1) =	vsort.ascd.msk.u32 $0xffff, v30, v31;
	_ =	sdelay $0xc  }
0x619: {  	v30, v31, _ =	vpop (xrf1)  }
0x61a: {  	v32, v33, _ =	vpop (xrf1)  }
0x61b: {  	v32 =	vxor.u32 $0x80000000, v32  }
0x61c: {  	v32 =	vperm.xlane v32, v5;
	_ =	sdelay $0x1  }
0x61d: {  	v33 =	vperm.xlane v33, v5;
	vm1 =	vlt.s32 v32, $0x40000000  }
0x61e: {  	vm2 =	vgt.s32 v32, $0x3FFFFFFF;
	v35 =	vnsel vm1, $0x40000000, v32  }
0x61f: {  	v36 =	vsel vm2, $0x0, v33;
	v32 =	vsel vm1, $0x40000000, v32;
	v35 =	vxor.u32 $0x80000000, v35  }
0x620: {  	v33 =	vnsel vm2, $0x0, v33;
	v32 =	vor.u32 $0x80000000, v32;
	(xrf1) =	vsort.ascd.msk.u32 $0xffff, v35, v36  }
0x621: {  	(xrf1) =	vsort.ascd.msk.u32 $0xffff, v32, v33;
	_ =	sdelay $0xc  }
0x622: {  	v32, v33, _ =	vpop (xrf1)  }
0x623: {  	v35, v36, _ =	vpop (xrf1)  }
0x624: {  	v28 =	vbroadcast v28, $0xF;
	v35 =	vxor.u32 $0x80000000, v35  }
0x625: {  	v27 =	vxor.u32 $0x80000000, v27;
	v35 =	vperm.xlane v35, v5  }
0x626: {  	vm1 =	vgt.s32 v27, v28  }
0x627: {  	v27 =	vsel vm1, v27, v28;
	v28 =	vperm.xlane v36, v5;
	vm1 =	vlt.s32 v35, $0x40000000  }
0x628: {  	v40 =	vshll.u32 v27, $0xB;
	vm2 =	vgt.s32 v35, $0x3FFFFFFF;
	v35 =	vnsel vm1, $0x40000000, v35  }
0x629: {  	v34 =	vadd.s32 v34, v40;
	v28 =	vsel vm2, $0x0, v28;
	v35 =	vxor.u32 $0x80000000, v35  }
0x62a: {  	(xrf1) =	vsort.ascd.msk.u32 $0xffff, v35, v28;
	v28 =	vxor.u32 $0x80000000, v34  }
0x62b: {  	(xrf1) =	vsort.ascd.msk.u32 $0xffff, v28, v15;
	_ =	sdelay $0xc  }
0x62c: {  	v28, v34, _ =	vpop (xrf1)  }
0x62d: {  	v42, v41, _ =	vpop (xrf1)  }
0x62e: {  	v35 =	vxor.u32 $0x80000000, v42  }
0x62f: {  	v35 =	vperm.xlane v35, v5  }
0x630: {  	v22 =	vxor.u32 $0x80000000, v22  }
0x631: {  	v36 =	vperm.xlane v41, v5;
	vm1 =	vgt.s32 v22, v35  }
0x632: {  	v37 =	vsel vm1, v35, v22  }
0x633: {  	v22 =	vsel vm1, v22, v35;
	v43 =	vsel vm1, v36, v29;
	v37 =	vxor.u32 $0x80000000, v37  }
0x634: {  	v29 =	vsel vm1, v29, v36;
	v22 =	vxor.u32 $0x80000000, v22;
	(xrf1) =	vsort.ascd.msk.u32 $0xffff, v37, v43  }
0x635: {  	(xrf1) =	vsort.ascd.msk.u32 $0xffff, v22, v29;
	_ =	sdelay $0xc  }
0x636: {  	v22, v29, _ =	vpop (xrf1)  }
0x637: {  	v45, v44, _ =	vpop (xrf1)  }
0x638: {  	v35 =	vxor.u32 $0x80000000, v45  }
0x639: {  	v35 =	vperm.xlane v35, v5  }
0x63a: {  	v30 =	vxor.u32 $0x80000000, v30  }
0x63b: {  	v36 =	vperm.xlane v44, v5;
	vm1 =	vgt.s32 v30, v35  }
0x63c: {  	v46 =	vsel vm1, v35, v30  }
0x63d: {  	v30 =	vsel vm1, v30, v35;
	v47 =	vsel vm1, v36, v31;
	v37 =	vxor.u32 $0x80000000, v46  }
0x63e: {  	v31 =	vsel vm1, v31, v36;
	v30 =	vxor.u32 $0x80000000, v30;
	(xrf1) =	vsort.ascd.msk.u32 $0xffff, v37, v47  }
0x63f: {  	(xrf1) =	vsort.ascd.msk.u32 $0xffff, v30, v31;
	_ =	sdelay $0xc  }
0x640: {  	v30, v31, _ =	vpop (xrf1)  }
0x641: {  	v49, v48, _ =	vpop (xrf1)  }
0x642: {  	v35 =	vxor.u32 $0x80000000, v49  }
0x643: {  	v35 =	vperm.xlane v35, v5  }
0x644: {  	v32 =	vxor.u32 $0x80000000, v32  }
0x645: {  	v36 =	vperm.xlane v48, v5;
	vm1 =	vgt.s32 v32, v35  }
0x646: {  	v50 =	vsel vm1, v35, v32  }
0x647: {  	v32 =	vsel vm1, v32, v35;
	v51 =	vsel vm1, v36, v33;
	v37 =	vxor.u32 $0x80000000, v50  }
0x648: {  	v33 =	vsel vm1, v33, v36;
	v32 =	vxor.u32 $0x80000000, v32;
	(xrf1) =	vsort.ascd.msk.u32 $0xffff, v37, v51  }
0x649: {  	(xrf1) =	vsort.ascd.msk.u32 $0xffff, v32, v33;
	_ =	sdelay $0xc  }
0x64a: {  	v32, v33, _ =	vpop (xrf1)  }
0x64b: {  	v53, v52, _ =	vpop (xrf1)  }
0x64c: {  	v27 =	vbroadcast v27, $0xF;
	v35 =	vxor.u32 $0x80000000, v53  }
0x64d: {  	v26 =	vxor.u32 $0x80000000, v26;
	v35 =	vperm.xlane v35, v5  }
0x64e: {  	v28 =	vxor.u32 $0x80000000, v28;
	vm1 =	vgt.s32 v26, v27  }
0x64f: {  	v26 =	vsel vm1, v26, v27;
	v27 =	vperm.xlane v52, v5;
	vm1 =	vgt.s32 v28, v35  }
0x650: {  	v54 =	vshll.u32 v26, $0xB;
	v28 =	vsel vm1, v35, v28  }
0x651: {  	v25 =	vadd.s32 v25, v54;
	v27 =	vsel vm1, v27, v34;
	v28 =	vxor.u32 $0x80000000, v28  }
0x652: {  	v25 =	vxor.u32 $0x80000000, v25;
	(xrf1) =	vsort.ascd.msk.u32 $0xffff, v28, v27  }
0x653: {  	(xrf1) =	vsort.ascd.msk.u32 $0xffff, v25, v16;
	_ =	sdelay $0xc  }
0x654: {  	v25, v27, _ =	vpop (xrf1)  }
0x655: {  	v28, v55, _ =	vpop (xrf1)  }
0x656: {  	v28 =	vxor.u32 $0x80000000, v28  }
0x657: {  	v28 =	vperm.xlane v28, v5  }
0x658: {  	v22 =	vxor.u32 $0x80000000, v22  }
0x659: {  	v34 =	vperm.xlane v55, v5;
	vm1 =	vgt.s32 v22, v28  }
0x65a: {  	v56 =	vsel vm1, v28, v22  }
0x65b: {  	v22 =	vsel vm1, v22, v28;
	v28 =	vsel vm1, v34, v29;
	v35 =	vxor.u32 $0x80000000, v56  }
0x65c: {  	v29 =	vsel vm1, v29, v34;
	v22 =	vxor.u32 $0x80000000, v22;
	(xrf1) =	vsort.ascd.msk.u32 $0xffff, v35, v28  }
0x65d: {  	(xrf1) =	vsort.ascd.msk.u32 $0xffff, v22, v29;
	_ =	sdelay $0xc  }
0x65e: {  	v22, v28, _ =	vpop (xrf1)  }
0x65f: {  	v29, v34, _ =	vpop (xrf1)  }
0x660: {  	v29 =	vxor.u32 $0x80000000, v29  }
0x661: {  	v29 =	vperm.xlane v29, v5  }
0x662: {  	v30 =	vxor.u32 $0x80000000, v30  }
0x663: {  	v34 =	vperm.xlane v34, v5;
	vm1 =	vgt.s32 v30, v29  }
0x664: {  	v57 =	vsel vm1, v29, v30  }
0x665: {  	v29 =	vsel vm1, v30, v29;
	v58 =	vsel vm1, v34, v31;
	v35 =	vxor.u32 $0x80000000, v57  }
0x666: {  	v31 =	vsel vm1, v31, v34;
	v29 =	vxor.u32 $0x80000000, v29;
	(xrf1) =	vsort.ascd.msk.u32 $0xffff, v35, v58  }
0x667: {  	(xrf1) =	vsort.ascd.msk.u32 $0xffff, v29, v31;
	_ =	sdelay $0xc  }
0x668: {  	v29, v30, _ =	vpop (xrf1)  }
0x669: {  	v31, v34, _ =	vpop (xrf1)  }
0x66a: {  	v31 =	vxor.u32 $0x80000000, v31  }
0x66b: {  	v31 =	vperm.xlane v31, v5  }
0x66c: {  	v32 =	vxor.u32 $0x80000000, v32  }
0x66d: {  	v34 =	vperm.xlane v34, v5;
	vm1 =	vgt.s32 v32, v31  }
0x66e: {  	v59 =	vsel vm1, v31, v32  }
0x66f: {  	v31 =	vsel vm1, v32, v31;
	v60 =	vsel vm1, v34, v33;
	v35 =	vxor.u32 $0x80000000, v59  }
0x670: {  	v33 =	vsel vm1, v33, v34;
	v31 =	vxor.u32 $0x80000000, v31;
	(xrf1) =	vsort.ascd.msk.u32 $0xffff, v35, v60  }
0x671: {  	(xrf1) =	vsort.ascd.msk.u32 $0xffff, v31, v33;
	_ =	sdelay $0xc  }
0x672: {  	v61, v32, _ =	vpop (xrf1)  }
0x673: {  	v33, v34, _ =	vpop (xrf1)  }
0x674: {  	v26 =	vbroadcast v26, $0xF;
	v33 =	vxor.u32 $0x80000000, v33  }
0x675: {  	v23 =	vxor.u32 $0x80000000, v23;
	v33 =	vperm.xlane v33, v5  }
0x676: {  	v25 =	vxor.u32 $0x80000000, v25;
	vm1 =	vgt.s32 v23, v26  }
0x677: {  	v23 =	vsel vm1, v23, v26;
	v26 =	vperm.xlane v34, v5;
	vm1 =	vgt.s32 v25, v33  }
0x678: {  	v23 =	vshll.u32 v23, $0xB;
	v25 =	vsel vm1, v33, v25  }
0x679: {  	v23 =	vadd.s32 v24, v23;
	v24 =	vsel vm1, v26, v27;
	v25 =	vxor.u32 $0x80000000, v25  }
0x67a: {  	v23 =	vxor.u32 $0x80000000, v23;
	(xrf1) =	vsort.ascd.msk.u32 $0xffff, v25, v24  }
0x67b: {  	(xrf1) =	vsort.ascd.msk.u32 $0xffff, v23, v17;
	_ =	sdelay $0xc  }
0x67c: {  	v23, v24, _ =	vpop (xrf1)  }
0x67d: {  	v25, v26, _ =	vpop (xrf1)  }
0x67e: {  	v25 =	vxor.u32 $0x80000000, v25  }
0x67f: {  	v25 =	vperm.xlane v25, v5  }
0x680: {  	v22 =	vxor.u32 $0x80000000, v22  }
0x681: {  	v26 =	vperm.xlane v26, v5;
	vm1 =	vgt.s32 v22, v25  }
0x682: {  	v27 =	vsel vm1, v25, v22  }
0x683: {  	v62 =	vsel vm1, v26, v28;
	v22 =	vsel vm1, v22, v25;
	v25 =	vxor.u32 $0x80000000, v27  }
0x684: {  	v26 =	vsel vm1, v28, v26;
	v22 =	vxor.u32 $0x80000000, v22;
	(xrf1) =	vsort.ascd.msk.u32 $0xffff, v25, v62  }
0x685: {  	(xrf1) =	vsort.ascd.msk.u32 $0xffff, v22, v26;
	_ =	sdelay $0xc  }
0x686: {  	_, v22, _ =	vpop (xrf1)  }
0x687: {  	v25, v26, _ =	vpop (xrf1)  }
0x688: {  	v25 =	vxor.u32 $0x80000000, v25  }
0x689: {  	v25 =	vperm.xlane v25, v5  }
0x68a: {  	v27 =	vxor.u32 $0x80000000, v29  }
0x68b: {  	v26 =	vperm.xlane v26, v5;
	vm1 =	vgt.s32 v27, v25  }
0x68c: {  	v28 =	vsel vm1, v25, v27  }
0x68d: {  	v29 =	vsel vm1, v26, v30;
	v25 =	vsel vm1, v27, v25;
	v27 =	vxor.u32 $0x80000000, v28  }
0x68e: {  	v26 =	vsel vm1, v30, v26;
	v25 =	vxor.u32 $0x80000000, v25;
	(xrf1) =	vsort.ascd.msk.u32 $0xffff, v27, v29  }
0x68f: {  	(xrf1) =	vsort.ascd.msk.u32 $0xffff, v25, v26;
	_ =	sdelay $0xc  }
0x690: {  	_, v25, _ =	vpop (xrf1)  }
0x691: {  	v26, v27, _ =	vpop (xrf1)  }
0x692: {  	v26 =	vxor.u32 $0x80000000, v26  }
0x693: {  	v26 =	vperm.xlane v26, v5  }
0x694: {  	v28 =	vxor.u32 $0x80000000, v61  }
0x695: {  	v27 =	vperm.xlane v27, v5;
	vm1 =	vgt.s32 v28, v26  }
0x696: {  	v29 =	vsel vm1, v26, v28  }
0x697: {  	v63 =	vsel vm1, v27, v32;
	v26 =	vsel vm1, v28, v26;
	v28 =	vxor.u32 $0x80000000, v29  }
0x698: {  	v27 =	vsel vm1, v32, v27;
	v26 =	vxor.u32 $0x80000000, v26;
	(xrf1) =	vsort.ascd.msk.u32 $0xffff, v28, v63  }
0x699: {  	(xrf1) =	vsort.ascd.msk.u32 $0xffff, v26, v27;
	_ =	sdelay $0xc  }
0x69a: {  	_, v26, _ =	vpop (xrf1)  }
0x69b: {  	v27, v28, _ =	vpop (xrf1)  }
0x69c: {  	v27 =	vxor.u32 $0x80000000, v27  }
0x69d: {  	v27 =	vperm.xlane v27, v5  }
0x69e: {  	v23 =	vxor.u32 $0x80000000, v23  }
0x69f: {  	v28 =	vperm.xlane v28, v5;
	vm1 =	vgt.s32 v23, v27  }
0x6a0: {  	v23 =	vsel vm1, v27, v23  }
0x6a1: {  	v24 =	vsel vm1, v28, v24;
	v23 =	vxor.u32 $0x80000000, v23  }
0x6a2: {  	(xrf1) =	vsort.ascd.msk.u32 $0xffff, v23, v24;
	_ =	sdelay $0xb  }
0x6a3: {  	v35 =	vld.idx.msk [tilespmem:v25+s23+$0x0], $0xffff  }
0x6a4: {  	v34 =	vld.idx.msk [tilespmem:v25+s24+$0x0], $0xffff  }
0x6a5: {  	v25 =	vld.idx.msk [tilespmem:v26+s24+$0x0], $0xffff;
	_, v24, _ =	vpop (xrf1)  }
.Ltmp48:
0x6a6: {  	v23 =	vld.idx.msk [tilespmem:v22+s23+$0x0], $0xffff;
	(pc) =	sbr.rel .LBB2_61-.Ltmp48, $4  }
0x6a7: {  	v27 =	vld.idx.msk [tilespmem:v26+s23+$0x0], $0xffff  }
0x6a8: {  	v22 =	vld.idx.msk [tilespmem:v22+s24+$0x0], $0xffff  }
0x6a9: {  	v26 =	vld.idx.msk [tilespmem:v24+s23+$0x0], $0xffff  }
0x6aa: {  	v24 =	vld.idx.msk [tilespmem:v24+s24+$0x0], $0xffff  }
.LBB2_40:
.Ltmp49:
0x6ab: {  	(pc) =	sbr.rel .LBB2_58-.Ltmp49, $4  }
0x6ac: {  	p4 =	por $0x0, $0x0  }
0x6ad: {  	s7 =	simm.s32 @!p4 $0x0  }
0x6ae: {  	v38 =	vimm.f32 $3.000000010e+38;
	s7 =	simm.s32 @p4 $0x1  }
0x6af: {  	v50 =	vimm.f32 $3.000000010e+38;
	v51 =	vimm.s32 $0x0;
	v41 =	vimm.s32 $0x0;
	[smem:$0x7F8] =	sst s7  }
.LBB2_42:
.Ltmp50:
0x6b0: {  	(pc) =	sbr.rel .LBB2_58-.Ltmp50, $4  }
0x6b1: {  	p4 =	por $0x0, $0x0  }
0x6b2: {  	s7 =	simm.s32 @!p4 $0x0  }
0x6b3: {  	v38 =	vimm.f32 $3.000000010e+38;
	s7 =	simm.s32 @p4 $0x1  }
0x6b4: {  	v50 =	vimm.f32 $3.000000010e+38;
	v51 =	vimm.s32 $0x0;
	v41 =	vimm.s32 $0x0;
	[smem:$0x7F8] =	sst s7  }
.LBB2_44:
.Ltmp51:
0x6b5: {  	(pc) =	sbr.rel .LBB2_58-.Ltmp51, $4  }
0x6b6: {  	p4 =	por $0x0, $0x0  }
0x6b7: {  	s7 =	simm.s32 @!p4 $0x0  }
0x6b8: {  	v38 =	vimm.f32 $3.000000010e+38;
	s7 =	simm.s32 @p4 $0x1  }
0x6b9: {  	v50 =	vimm.f32 $3.000000010e+38;
	v51 =	vimm.s32 $0x0;
	v41 =	vimm.s32 $0x0;
	[smem:$0x7F8] =	sst s7  }
.LBB2_46:
.Ltmp52:
0x6ba: {  	(pc) =	sbr.rel .LBB2_58-.Ltmp52, $4  }
0x6bb: {  	p4 =	por $0x0, $0x0  }
0x6bc: {  	s7 =	simm.s32 @!p4 $0x0  }
0x6bd: {  	s7 =	simm.s32 @p4 $0x1  }
0x6be: {  	v36 =	vmovc v26;
	v37 =	vmov v27;
	v50 =	vimm.f32 $3.000000010e+38;
	v51 =	vimm.s32 $0x0;
	[smem:$0x7F8] =	sst s7  }
.LBB2_48:
.Ltmp53:
0x6bf: {  	(pc) =	sbr.rel .LBB2_58-.Ltmp53, $4  }
0x6c0: {  	p4 =	por $0x0, $0x0  }
0x6c1: {  	s7 =	simm.s32 @!p4 $0x0  }
0x6c2: {  	v39 =	vmov v26;
	s7 =	simm.s32 @p4 $0x1  }
0x6c3: {  	v36 =	vmovc v24;
	v43 =	vmovc v27;
	v37 =	vmov v25;
	v50 =	vimm.f32 $3.000000010e+38;
	v51 =	vimm.s32 $0x0;
	[smem:$0x7F8] =	sst s7  }
.LBB2_50:
.Ltmp54:
0x6c4: {  	(pc) =	sbr.rel .LBB2_58-.Ltmp54, $4  }
0x6c5: {  	p4 =	por $0x1, $0x1  }
0x6c6: {  	s7 =	simm.s32 @!p4 $0x0  }
0x6c7: {  	v36 =	vmov v28;
	v37 =	vmov v30;
	v50 =	vimm.f32 $3.000000010e+38;
	s7 =	simm.s32 @p4 $0x1  }
0x6c8: {  	v51 =	vimm.s32 $0x0;
	v44 =	vmovc v26;
	v39 =	vmovc v24;
	v45 =	vmov v27;
	v43 =	vmov v25;
	[smem:$0x7F8] =	sst s7  }
.LBB2_52:
.Ltmp55:
0x6c9: {  	(pc) =	sbr.rel .LBB2_58-.Ltmp55, $4  }
0x6ca: {  	p4 =	por $0x1, $0x1  }
0x6cb: {  	s7 =	simm.s32 @!p4 $0x0  }
0x6cc: {  	v50 =	vimm.f32 $3.000000010e+38;
	v51 =	vimm.s32 $0x0;
	v46 =	vmovc v26;
	v47 =	vmovc v27;
	v44 =	vmov v24;
	s7 =	simm.s32 @p4 $0x1  }
0x6cd: {  	v39 =	vmovc v28;
	v36 =	vmovc v29;
	v45 =	vmov v25;
	v43 =	vmov v30;
	v37 =	vmov v31;
	p5 =	por $0x0, $0x0;
	[smem:$0x7F8] =	sst s7  }
.LBB2_54:
.Ltmp56:
0x6ce: {  	(pc) =	sbr.rel .LBB2_58-.Ltmp56, $4  }
0x6cf: {  	_ = 	snop  }
0x6d0: {  	s7 =	simm.s32 @!p4 $0x0;
	v35 =	vmovc v40;
	vm3 =	vmmov vm1;
	vm4 =	vmmov vm2;
	v50 =	vimm.f32 $3.000000010e+38  }
0x6d1: {  	v51 =	vimm.s32 $0x0;
	v34 =	vmovc v42;
	v46 =	vmovc v24;
	v47 =	vmov v25;
	v44 =	vmov v28;
	s7 =	simm.s32 @p4 $0x1  }
0x6d2: {  	v39 =	vmovc v29;
	v36 =	vmovc v32;
	v45 =	vmov v30;
	v43 =	vmov v31;
	v37 =	vmov v33;
	p5 =	por $0x0, $0x0;
	[smem:$0x7F8] =	sst s7  }
.LBB2_56:
.Ltmp57:
0x6d3: {  	(pc) =	sbr.rel .LBB2_58-.Ltmp57, $3  }
0x6d4: {  	_ =	sdelay $0x1  }
0x6d5: {  	v50 =	vimm.f32 $3.000000010e+38;
	v51 =	vimm.s32 $0x0;
	v46 =	vmov v28  }
0x6d6: {  	v47 =	vmovc v30;
	v44 =	vmovc v29;
	v39 =	vmov v32;
	v45 =	vmov v31;
	v43 =	vmov v33  }
.LBB2_64:
0x6d7: {  	_ =	sfence.sel $0x180000  }
0x6d8: {  	[bflag:$0x0] =	sbarrier.arrive $0xFFFF  }
0x6d9: {  	_ =	strace $0x90000047  }
0x6da: {  	s0 =	stileid.u32;
	[bflag:$0x2] =	sbarrier.arrive $0xFFFF  }
0x6db: {  	p0 =	sne.s32 s0, $0x0;
	s0 =	rddreg [dreg:$0x5]  }
0x6dc: {  	s0 =	sadd.s32 @!p0 $0x100000, s0  }
0x6dd: {  	[sflag:s0] =	ssyncadd.tile.s32 @!p0 $0x1;
	_ =	shalt  }
.Lfunc_end2:
_tile_overlayer_lowered:
.L_overlay_start_2:
0x6de: {  	(tag) =	ssettag $0x2  }
0x6df: {  	s0 =	rddreg [dreg:$0x0];
	s2 =	stileid.u32  }
0x6e0: {  	s1 =	rddreg [dreg:$0x1];
	p0 =	sne.s32 s2, $0x0  }
0x6e1: {  	s3 =	rddreg [dreg:$0x2];
	[bflag:$0x3] =	sbarrier.arrive $0xFFFF;
	s2 =	simm.s32 @!p0 $0x1C03  }
0x6e2: {  	[timem:s3], [sflag:s2] =	dma.local @!p0 [hbm:s0], s1  }
0x6e3: {  	s0 =	simm.s32 @!p0 $0x3  }
0x6e4: {  	_ =	swait.ge @!p0 [sflag:s0], s1  }
0x6e5: {  	s1 =	ssub.s32 @!p0 $0x0, s1;
	[sflag:s0] =	ssyncset.done @!p0 $0x0  }
0x6e6: {  	[sflag:s0] =	ssyncadd.s32 @!p0 s1  }
0x6e7: {  	[bflag:$0x3] =	sbarrier.arrive $0xFFFF  }
0x6e8: {  	_ =	shalt  }

</sc_bundles>
